<compile_context>
chip_gen: v7x
topology: tpu7x:2x2x1
jax: 0.10.2.dev20260603
libtpu: 0.0.44.dev20260713+nightly
codegen_flags: <defaults>
</compile_context>

<pallas_src>
import functools

import jax
import jax.numpy as jnp
from jax.experimental import pallas as pl
from jax.experimental.pallas import tpu as pltpu
from jax.experimental.pallas import tpu_sc as plsc

MAXLEN = 1024


def _interval_count_mask(r, starts_ref, ends_ref, nb):
    cnt = jnp.zeros(r.shape, jnp.int32)
    for b in range(nb):
        s = starts_ref[b]
        e = ends_ref[b]
        cnt = cnt + (r >= s).astype(jnp.int32) - (r >= e).astype(jnp.int32)
    return (cnt > 0).astype(jnp.float32)


def _node_mask_body(starts_ref, ends_ref, out_ref):
    g, lanes = out_ref.shape
    i = pl.program_id(0)
    r = (i * g + jax.lax.broadcasted_iota(jnp.int32, (g, lanes), 0)) * lanes \
        + jax.lax.broadcasted_iota(jnp.int32, (g, lanes), 1)
    out_ref[...] = _interval_count_mask(r, starts_ref, ends_ref,
                                        starts_ref.shape[0])


def _atom_mask_body(starts_ref, ends_ref, a2r_ref, out_ref):
    r = a2r_ref[...]
    out_ref[...] = _interval_count_mask(r, starts_ref, ends_ref,
                                        starts_ref.shape[0])


def _build_atom_mask(starts, ends, atom2residue, A):
    LANES = 128
    GA = 256
    a2r2d = atom2residue.reshape(A // LANES, LANES)
    atom_mask = pl.pallas_call(
        _atom_mask_body,
        grid=(A // (GA * LANES),),
        in_specs=[
            pl.BlockSpec(memory_space=pltpu.SMEM),
            pl.BlockSpec(memory_space=pltpu.SMEM),
            pl.BlockSpec((GA, LANES), lambda i: (i, 0)),
        ],
        out_specs=pl.BlockSpec((GA, LANES), lambda i: (i, 0)),
        out_shape=jax.ShapeDtypeStruct((A // LANES, LANES), jnp.float32),
    )(starts, ends, a2r2d)
    return atom_mask.reshape(A, 1)


NBUF = 4


def _skip_mul_body(starts_ref, ends_ref, rmin_ref, rmax_ref,
                   mask_ref, feat_hbm, out_ref, scratch, sems):
    i = pl.program_id(0)
    n = pl.num_programs(0)
    nb = starts_ref.shape[0]
    br = out_ref.shape[0]

    def nonzero(j):
        acc = None
        for b in range(nb):
            hit = (starts_ref[b] <= rmax_ref[j]) & (ends_ref[b] > rmin_ref[j])
            acc = hit if acc is None else (acc | hit)
        return acc

    def start_dma(j, slot):
        pltpu.make_async_copy(
            feat_hbm.at[pl.ds(j * br, br), :], scratch.at[slot],
            sems.at[slot]).start()

    @pl.when(i == 0)
    def _():
        for j in range(NBUF - 1):
            @pl.when(jnp.logical_and(j < n, nonzero(jnp.minimum(j, n - 1))))
            def _():
                start_dma(j, j % NBUF)

    nxt = jnp.minimum(i + NBUF - 1, n - 1)

    @pl.when(jnp.logical_and(i + NBUF - 1 < n, nonzero(nxt)))
    def _():
        start_dma(nxt, jax.lax.rem(i + NBUF - 1, NBUF))

    live = nonzero(i)

    @pl.when(live)
    def _():
        slot = jax.lax.rem(i, NBUF)
        pltpu.make_async_copy(
            feat_hbm.at[pl.ds(i * br, br), :], scratch.at[slot],
            sems.at[slot]).wait()
        out_ref[...] = scratch[slot] * mask_ref[...]

    @pl.when(jnp.logical_not(live))
    def _():
        out_ref[...] = jnp.zeros_like(out_ref)


def _masked_mul_skip(feat, mask_col, starts, ends, rmin, rmax, block_rows):
    n, d = feat.shape
    grid = n // block_rows
    return pl.pallas_call(
        _skip_mul_body,
        grid_spec=pltpu.PrefetchScalarGridSpec(
            num_scalar_prefetch=4,
            grid=(grid,),
            in_specs=[
                pl.BlockSpec((block_rows, 1), lambda i, *_: (i, 0)),
                pl.BlockSpec(memory_space=pltpu.MemorySpace.HBM),
            ],
            out_specs=pl.BlockSpec((block_rows, d), lambda i, *_: (i, 0)),
            scratch_shapes=[
                pltpu.VMEM((NBUF, block_rows, d), feat.dtype),
                pltpu.SemaphoreType.DMA((NBUF,)),
            ],
        ),
        out_shape=jax.ShapeDtypeStruct((n, d), feat.dtype),
        compiler_params=pltpu.CompilerParams(
            dimension_semantics=("arbitrary",)),
    )(starts, ends, rmin, rmax, mask_col, feat)


def _sc_masked_copy(feat_flat, starts_pad, ends_pad, n_rows, d):
    info = plsc.get_sparse_core_info()
    nw = info.num_cores * info.num_subcores
    nb = starts_pad.shape[0] - 16
    rows_per_w = n_rows // nw
    CH = 128
    nchunks = rows_per_w // CH
    mesh = plsc.VectorSubcoreMesh(core_axis_name="c", subcore_axis_name="s")

    @functools.partial(
        pl.kernel, mesh=mesh,
        compiler_params=pltpu.CompilerParams(needs_layout_passes=False),
        out_type=jax.ShapeDtypeStruct((n_rows * d,), jnp.float32),
        scratch_types=[
            pltpu.VMEM((CH * d,), jnp.float32),
            pltpu.VMEM((16 + CH,), jnp.float32),
            pltpu.VMEM((16 + nb,), jnp.int32),
            pltpu.VMEM((16 + nb,), jnp.int32),
        ],
    )
    def k(feat_hbm, starts_hbm, ends_hbm, out_hbm, buf, mbuf, s_v, e_v):
        wid = jax.lax.axis_index("s") * info.num_cores + jax.lax.axis_index("c")
        base_row = wid * rows_per_w
        pltpu.sync_copy(starts_hbm, s_v)
        pltpu.sync_copy(ends_hbm, e_v)

        s_spl = [plsc.load_gather(s_v, [jnp.full((16,), 16 + b, jnp.int32)])
                 for b in range(nb)]
        e_spl = [plsc.load_gather(e_v, [jnp.full((16,), 16 + b, jnp.int32)])
                 for b in range(nb)]
        sh31 = jnp.full((16,), 31, jnp.int32)
        one16 = jnp.full((16,), 1, jnp.int32)

        def chunk_body(c, _):
            row0 = base_row + c * CH
            pltpu.sync_copy(feat_hbm.at[pl.ds(row0 * d, CH * d)], buf)

            def grp_body(v, _):
                r = row0 + v * 16 + jax.lax.iota(jnp.int32, 16)
                cnt = jnp.zeros((16,), jnp.int32)
                for b in range(nb):
                    cnt = cnt \
                        + jax.lax.shift_right_arithmetic(r - s_spl[b], sh31) \
                        - jax.lax.shift_right_arithmetic(r - e_spl[b], sh31)
                mbuf[pl.ds(16 + v * 16, 16)] = \
                    jnp.minimum(cnt, one16).astype(jnp.float32)

                for j in range(16):
                    row = v * 16 + j
                    mrow = plsc.load_gather(
                        mbuf, [jnp.full((16,), 16 + row, jnp.int32)])
                    off = row * d
                    for kk in range(d // 16):
                        sl = pl.ds(off + kk * 16, 16)
                        buf[sl] = buf[sl] * mrow
                return 0

            jax.lax.fori_loop(0, CH // 16, grp_body, 0)
            pltpu.sync_copy(buf, out_hbm.at[pl.ds(row0 * d, CH * d)])
            return 0

        jax.lax.fori_loop(0, nchunks, chunk_body, 0)

    return k(feat_flat, starts_pad, ends_pad)


def kernel(residue_feat, atom_feat, rand_u, num_residues, atom2residue):
    L, D = residue_feat.shape
    A = atom_feat.shape[0]
    num_cum = jnp.cumsum(num_residues)
    starts_local = (rand_u * jnp.clip(num_residues - MAXLEN, 0, None)
                    .astype(jnp.float32)).astype(jnp.int32)
    ends_local = jnp.minimum(starts_local + MAXLEN, num_residues)
    offset = num_cum - num_residues
    starts = starts_local + offset
    ends = ends_local + offset

    atom_mask = _build_atom_mask(starts, ends, atom2residue, A)

    BA = 2048
    atom_rmin = atom2residue[0::BA]
    atom_rmax = atom2residue[BA - 1::BA]

    out_residue = _sc_masked_copy(residue_feat.reshape(L * D),
                                  jnp.pad(starts, (16, 0)),
                                  jnp.pad(ends, (16, 0)),
                                  L, D).reshape(L, D)
    out_atom = _masked_mul_skip(atom_feat, atom_mask, starts, ends,
                                atom_rmin, atom_rmax, BA)
    return out_residue, out_atom

# --- scband reference (transcript-rebuilt; emitter-appended) ---
"""Pipeline reference for scband-subsequence-node-44667659879037 (READ-ONLY COPY).

The authoritative reference and input builder live on the scoring server;
editing this copy changes nothing except your own understanding.
"""

import jax, jax.numpy as jnp
import numpy as np

MAX_LENGTH = 1024
B = 16
L = 32768   # total residue capacity (sum of per-graph num_residues upper bound)
A = 131072  # total atoms
D = 256


def multi_slice_mask(starts, ends, length):
    # torchdrug.layers.functional.multi_slice_mask:
    # scatter +1 at starts, -1 at ends over [length+1], cumsum, nonzero -> bool
    m = jnp.zeros(length + 1, dtype=jnp.int32)
    m = m.at[starts].add(1)
    m = m.at[ends].add(-1)
    return jnp.cumsum(m)[:-1] > 0


def setup_inputs(seed: int = 0) -> dict:
    key = jax.random.key(seed)
    k1, k2, k3, k4, k5 = jax.random.split(key, 5)
    residue_feat = jax.random.normal(k1, (L, D), dtype=jnp.float32)
    atom_feat = jax.random.normal(k2, (A, D), dtype=jnp.float32)
    rand_u = jax.random.uniform(k3, (B,), dtype=jnp.float32)
    num_residues = jax.random.randint(k4, (B,), 0, 2048, dtype=jnp.int32)
    atom2residue = jnp.sort(jax.random.randint(k5, (A,), 0, L, dtype=jnp.int32))
    return {
        'residue_feat': residue_feat,
        'atom_feat': atom_feat,
        'rand_u': rand_u,
        'num_residues': num_residues,
        'atom2residue': atom2residue,
    }


def reference(residue_feat, atom_feat, rand_u, num_residues, atom2residue):
    length = residue_feat.shape[0]
    num_cum_residues = jnp.cumsum(num_residues)
    # starts = (rand * (num_residues - max_length).clamp(min=0)).long()
    starts_local = (rand_u * jnp.clip(num_residues - MAX_LENGTH, 0, None).astype(jnp.float32)).astype(jnp.int32)
    # ends = min(starts + max_length, num_residues)
    ends_local = jnp.minimum(starts_local + MAX_LENGTH, num_residues)
    offset = num_cum_residues - num_residues
    starts = starts_local + offset
    ends = ends_local + offset
    node_mask = multi_slice_mask(starts, ends, length)
    residue_mask = node_mask[atom2residue]
    # graph.subresidue(residue_mask): model as masked residue/atom features
    # (dynamic-shape compaction is not jittable; masking is the faithful dense analog)
    out_residue = residue_feat * node_mask[:, None].astype(residue_feat.dtype)
    out_atom = atom_feat * residue_mask[:, None].astype(atom_feat.dtype)
    return out_residue, out_atom

if __name__ == "__main__":
    import jax
    _d = setup_inputs()
    print(jax.jit(kernel)(*tuple(_d.values())))

</pallas_src>

<mosaic_0001>
#map = affine_map<(d0, d1) -> (0)>
module attributes {stable_mosaic.version = 14 : i64} {
  func.func @k(%arg0: i32, %arg1: i32, %arg2: memref<8388608xf32, #tpu.memory_space<hbm>>, %arg3: memref<32xi32, #tpu.memory_space<hbm>>, %arg4: memref<32xi32, #tpu.memory_space<hbm>>, %arg5: memref<8388608xf32, #tpu.memory_space<hbm>>, %arg6: memref<32768xf32, #tpu.memory_space<vmem>>, %arg7: memref<144xf32, #tpu.memory_space<vmem>>, %arg8: memref<32xi32, #tpu.memory_space<vmem>>, %arg9: memref<32xi32, #tpu.memory_space<vmem>>) attributes {dimension_semantics = [#tpu.dimension_semantics<core_parallel>, #tpu.dimension_semantics<subcore_parallel>], iteration_bounds = array<i64: 2, 16>, scalar_prefetch = 0 : i64, scratch_operands = 4 : i64, tpu.core_type = #tpu.core_type<sc_vector_subcore>, window_params = [{transform_indices = #map}, {transform_indices = #map}, {transform_indices = #map}, {transform_indices = #map}]} {
    %mul3A = arith.constant 2 : i32
    %mul3A_0 = arith.muli %arg1, %mul3A : i32
    %add3A = arith.addi %mul3A_0, %arg0 : i32
    %mul3A_1 = arith.constant 1024 : i32
    %mul3A_2 = arith.muli %add3A, %mul3A_1 : i32
    "tpu.region"() ({
      %run_scoped3A = tpu.sem_alloc : memref<!tpu.dma_semaphore, #tpu.memory_space<semaphore_mem>>
      tpu.enqueue_dma source(%arg3 : memref<32xi32, #tpu.memory_space<hbm>>) target(%arg8 : memref<32xi32, #tpu.memory_space<vmem>>) target_semaphore(%run_scoped3A : memref<!tpu.dma_semaphore, #tpu.memory_space<semaphore_mem>>)
      tpu.wait_dma2 semaphore(%run_scoped3A : memref<!tpu.dma_semaphore, #tpu.memory_space<semaphore_mem>>) src(%arg3 : memref<32xi32, #tpu.memory_space<hbm>>) dst(%arg8 : memref<32xi32, #tpu.memory_space<vmem>>)
      tpu.yield
    }) : () -> ()
    "tpu.region"() ({
      %run_scoped3A = tpu.sem_alloc : memref<!tpu.dma_semaphore, #tpu.memory_space<semaphore_mem>>
      tpu.enqueue_dma source(%arg4 : memref<32xi32, #tpu.memory_space<hbm>>) target(%arg9 : memref<32xi32, #tpu.memory_space<vmem>>) target_semaphore(%run_scoped3A : memref<!tpu.dma_semaphore, #tpu.memory_space<semaphore_mem>>)
      tpu.wait_dma2 semaphore(%run_scoped3A : memref<!tpu.dma_semaphore, #tpu.memory_space<semaphore_mem>>) src(%arg4 : memref<32xi32, #tpu.memory_space<hbm>>) dst(%arg9 : memref<32xi32, #tpu.memory_space<vmem>>)
      tpu.yield
    }) : () -> ()
    %broadcast_in_dim3A = arith.constant 16 : i32
    %broadcast_in_dim3A_3 = vector.broadcast %broadcast_in_dim3A : i32 to vector<16xi32>
    %gather3A = tpu.vector_load_idx %arg8[%broadcast_in_dim3A_3] : memref<32xi32, #tpu.memory_space<vmem>>[vector<16xi32>], vector<16xi32>,
    %broadcast_in_dim3A_4 = arith.constant 17 : i32
    %broadcast_in_dim3A_5 = vector.broadcast %broadcast_in_dim3A_4 : i32 to vector<16xi32>
    %gather3A_6 = tpu.vector_load_idx %arg8[%broadcast_in_dim3A_5] : memref<32xi32, #tpu.memory_space<vmem>>[vector<16xi32>], vector<16xi32>,
    %broadcast_in_dim3A_7 = arith.constant 18 : i32
    %broadcast_in_dim3A_8 = vector.broadcast %broadcast_in_dim3A_7 : i32 to vector<16xi32>
    %gather3A_9 = tpu.vector_load_idx %arg8[%broadcast_in_dim3A_8] : memref<32xi32, #tpu.memory_space<vmem>>[vector<16xi32>], vector<16xi32>,
    %broadcast_in_dim3A_10 = arith.constant 19 : i32
    %broadcast_in_dim3A_11 = vector.broadcast %broadcast_in_dim3A_10 : i32 to vector<16xi32>
    %gather3A_12 = tpu.vector_load_idx %arg8[%broadcast_in_dim3A_11] : memref<32xi32, #tpu.memory_space<vmem>>[vector<16xi32>], vector<16xi32>,
    %broadcast_in_dim3A_13 = arith.constant 20 : i32
    %broadcast_in_dim3A_14 = vector.broadcast %broadcast_in_dim3A_13 : i32 to vector<16xi32>
    %gather3A_15 = tpu.vector_load_idx %arg8[%broadcast_in_dim3A_14] : memref<32xi32, #tpu.memory_space<vmem>>[vector<16xi32>], vector<16xi32>,
    %broadcast_in_dim3A_16 = arith.constant 21 : i32
    %broadcast_in_dim3A_17 = vector.broadcast %broadcast_in_dim3A_16 : i32 to vector<16xi32>
    %gather3A_18 = tpu.vector_load_idx %arg8[%broadcast_in_dim3A_17] : memref<32xi32, #tpu.memory_space<vmem>>[vector<16xi32>], vector<16xi32>,
    %broadcast_in_dim3A_19 = arith.constant 22 : i32
    %broadcast_in_dim3A_20 = vector.broadcast %broadcast_in_dim3A_19 : i32 to vector<16xi32>
    %gather3A_21 = tpu.vector_load_idx %arg8[%broadcast_in_dim3A_20] : memref<32xi32, #tpu.memory_space<vmem>>[vector<16xi32>], vector<16xi32>,
    %broadcast_in_dim3A_22 = arith.constant 23 : i32
    %broadcast_in_dim3A_23 = vector.broadcast %broadcast_in_dim3A_22 : i32 to vector<16xi32>
    %gather3A_24 = tpu.vector_load_idx %arg8[%broadcast_in_dim3A_23] : memref<32xi32, #tpu.memory_space<vmem>>[vector<16xi32>], vector<16xi32>,
    %broadcast_in_dim3A_25 = arith.constant 24 : i32
    %broadcast_in_dim3A_26 = vector.broadcast %broadcast_in_dim3A_25 : i32 to vector<16xi32>
    %gather3A_27 = tpu.vector_load_idx %arg8[%broadcast_in_dim3A_26] : memref<32xi32, #tpu.memory_space<vmem>>[vector<16xi32>], vector<16xi32>,
    %broadcast_in_dim3A_28 = arith.constant 25 : i32
    %broadcast_in_dim3A_29 = vector.broadcast %broadcast_in_dim3A_28 : i32 to vector<16xi32>
    %gather3A_30 = tpu.vector_load_idx %arg8[%broadcast_in_dim3A_29] : memref<32xi32, #tpu.memory_space<vmem>>[vector<16xi32>], vector<16xi32>,
    %broadcast_in_dim3A_31 = arith.constant 26 : i32
    %broadcast_in_dim3A_32 = vector.broadcast %broadcast_in_dim3A_31 : i32 to vector<16xi32>
    %gather3A_33 = tpu.vector_load_idx %arg8[%broadcast_in_dim3A_32] : memref<32xi32, #tpu.memory_space<vmem>>[vector<16xi32>], vector<16xi32>,
    %broadcast_in_dim3A_34 = arith.constant 27 : i32
    %broadcast_in_dim3A_35 = vector.broadcast %broadcast_in_dim3A_34 : i32 to vector<16xi32>
    %gather3A_36 = tpu.vector_load_idx %arg8[%broadcast_in_dim3A_35] : memref<32xi32, #tpu.memory_space<vmem>>[vector<16xi32>], vector<16xi32>,
    %broadcast_in_dim3A_37 = arith.constant 28 : i32
    %broadcast_in_dim3A_38 = vector.broadcast %broadcast_in_dim3A_37 : i32 to vector<16xi32>
    %gather3A_39 = tpu.vector_load_idx %arg8[%broadcast_in_dim3A_38] : memref<32xi32, #tpu.memory_space<vmem>>[vector<16xi32>], vector<16xi32>,
    %broadcast_in_dim3A_40 = arith.constant 29 : i32
    %broadcast_in_dim3A_41 = vector.broadcast %broadcast_in_dim3A_40 : i32 to vector<16xi32>
    %gather3A_42 = tpu.vector_load_idx %arg8[%broadcast_in_dim3A_41] : memref<32xi32, #tpu.memory_space<vmem>>[vector<16xi32>], vector<16xi32>,
    %broadcast_in_dim3A_43 = arith.constant 30 : i32
    %broadcast_in_dim3A_44 = vector.broadcast %broadcast_in_dim3A_43 : i32 to vector<16xi32>
    %gather3A_45 = tpu.vector_load_idx %arg8[%broadcast_in_dim3A_44] : memref<32xi32, #tpu.memory_space<vmem>>[vector<16xi32>], vector<16xi32>,
    %broadcast_in_dim3A_46 = arith.constant 31 : i32
    %broadcast_in_dim3A_47 = vector.broadcast %broadcast_in_dim3A_46 : i32 to vector<16xi32>
    %gather3A_48 = tpu.vector_load_idx %arg8[%broadcast_in_dim3A_47] : memref<32xi32, #tpu.memory_space<vmem>>[vector<16xi32>], vector<16xi32>,
    %broadcast_in_dim3A_49 = arith.constant 16 : i32
    %broadcast_in_dim3A_50 = vector.broadcast %broadcast_in_dim3A_49 : i32 to vector<16xi32>
    %gather3A_51 = tpu.vector_load_idx %arg9[%broadcast_in_dim3A_50] : memref<32xi32, #tpu.memory_space<vmem>>[vector<16xi32>], vector<16xi32>,
    %broadcast_in_dim3A_52 = arith.constant 17 : i32
    %broadcast_in_dim3A_53 = vector.broadcast %broadcast_in_dim3A_52 : i32 to vector<16xi32>
    %gather3A_54 = tpu.vector_load_idx %arg9[%broadcast_in_dim3A_53] : memref<32xi32, #tpu.memory_space<vmem>>[vector<16xi32>], vector<16xi32>,
    %broadcast_in_dim3A_55 = arith.constant 18 : i32
    %broadcast_in_dim3A_56 = vector.broadcast %broadcast_in_dim3A_55 : i32 to vector<16xi32>
    %gather3A_57 = tpu.vector_load_idx %arg9[%broadcast_in_dim3A_56] : memref<32xi32, #tpu.memory_space<vmem>>[vector<16xi32>], vector<16xi32>,
    %broadcast_in_dim3A_58 = arith.constant 19 : i32
    %broadcast_in_dim3A_59 = vector.broadcast %broadcast_in_dim3A_58 : i32 to vector<16xi32>
    %gather3A_60 = tpu.vector_load_idx %arg9[%broadcast_in_dim3A_59] : memref<32xi32, #tpu.memory_space<vmem>>[vector<16xi32>], vector<16xi32>,
    %broadcast_in_dim3A_61 = arith.constant 20 : i32
    %broadcast_in_dim3A_62 = vector.broadcast %broadcast_in_dim3A_61 : i32 to vector<16xi32>
    %gather3A_63 = tpu.vector_load_idx %arg9[%broadcast_in_dim3A_62] : memref<32xi32, #tpu.memory_space<vmem>>[vector<16xi32>], vector<16xi32>,
    %broadcast_in_dim3A_64 = arith.constant 21 : i32
    %broadcast_in_dim3A_65 = vector.broadcast %broadcast_in_dim3A_64 : i32 to vector<16xi32>
    %gather3A_66 = tpu.vector_load_idx %arg9[%broadcast_in_dim3A_65] : memref<32xi32, #tpu.memory_space<vmem>>[vector<16xi32>], vector<16xi32>,
    %broadcast_in_dim3A_67 = arith.constant 22 : i32
    %broadcast_in_dim3A_68 = vector.broadcast %broadcast_in_dim3A_67 : i32 to vector<16xi32>
    %gather3A_69 = tpu.vector_load_idx %arg9[%broadcast_in_dim3A_68] : memref<32xi32, #tpu.memory_space<vmem>>[vector<16xi32>], vector<16xi32>,
    %broadcast_in_dim3A_70 = arith.constant 23 : i32
    %broadcast_in_dim3A_71 = vector.broadcast %broadcast_in_dim3A_70 : i32 to vector<16xi32>
    %gather3A_72 = tpu.vector_load_idx %arg9[%broadcast_in_dim3A_71] : memref<32xi32, #tpu.memory_space<vmem>>[vector<16xi32>], vector<16xi32>,
    %broadcast_in_dim3A_73 = arith.constant 24 : i32
    %broadcast_in_dim3A_74 = vector.broadcast %broadcast_in_dim3A_73 : i32 to vector<16xi32>
    %gather3A_75 = tpu.vector_load_idx %arg9[%broadcast_in_dim3A_74] : memref<32xi32, #tpu.memory_space<vmem>>[vector<16xi32>], vector<16xi32>,
    %broadcast_in_dim3A_76 = arith.constant 25 : i32
    %broadcast_in_dim3A_77 = vector.broadcast %broadcast_in_dim3A_76 : i32 to vector<16xi32>
    %gather3A_78 = tpu.vector_load_idx %arg9[%broadcast_in_dim3A_77] : memref<32xi32, #tpu.memory_space<vmem>>[vector<16xi32>], vector<16xi32>,
    %broadcast_in_dim3A_79 = arith.constant 26 : i32
    %broadcast_in_dim3A_80 = vector.broadcast %broadcast_in_dim3A_79 : i32 to vector<16xi32>
    %gather3A_81 = tpu.vector_load_idx %arg9[%broadcast_in_dim3A_80] : memref<32xi32, #tpu.memory_space<vmem>>[vector<16xi32>], vector<16xi32>,
    %broadcast_in_dim3A_82 = arith.constant 27 : i32
    %broadcast_in_dim3A_83 = vector.broadcast %broadcast_in_dim3A_82 : i32 to vector<16xi32>
    %gather3A_84 = tpu.vector_load_idx %arg9[%broadcast_in_dim3A_83] : memref<32xi32, #tpu.memory_space<vmem>>[vector<16xi32>], vector<16xi32>,
    %broadcast_in_dim3A_85 = arith.constant 28 : i32
    %broadcast_in_dim3A_86 = vector.broadcast %broadcast_in_dim3A_85 : i32 to vector<16xi32>
    %gather3A_87 = tpu.vector_load_idx %arg9[%broadcast_in_dim3A_86] : memref<32xi32, #tpu.memory_space<vmem>>[vector<16xi32>], vector<16xi32>,
    %broadcast_in_dim3A_88 = arith.constant 29 : i32
    %broadcast_in_dim3A_89 = vector.broadcast %broadcast_in_dim3A_88 : i32 to vector<16xi32>
    %gather3A_90 = tpu.vector_load_idx %arg9[%broadcast_in_dim3A_89] : memref<32xi32, #tpu.memory_space<vmem>>[vector<16xi32>], vector<16xi32>,
    %broadcast_in_dim3A_91 = arith.constant 30 : i32
    %broadcast_in_dim3A_92 = vector.broadcast %broadcast_in_dim3A_91 : i32 to vector<16xi32>
    %gather3A_93 = tpu.vector_load_idx %arg9[%broadcast_in_dim3A_92] : memref<32xi32, #tpu.memory_space<vmem>>[vector<16xi32>], vector<16xi32>,
    %broadcast_in_dim3A_94 = arith.constant 31 : i32
    %broadcast_in_dim3A_95 = vector.broadcast %broadcast_in_dim3A_94 : i32 to vector<16xi32>
    %gather3A_96 = tpu.vector_load_idx %arg9[%broadcast_in_dim3A_95] : memref<32xi32, #tpu.memory_space<vmem>>[vector<16xi32>], vector<16xi32>,
    %broadcast_in_dim3A_97 = arith.constant 31 : i32
    %broadcast_in_dim3A_98 = vector.broadcast %broadcast_in_dim3A_97 : i32 to vector<16xi32>
    %broadcast_in_dim3A_99 = arith.constant 1 : i32
    %broadcast_in_dim3A_100 = vector.broadcast %broadcast_in_dim3A_99 : i32 to vector<16xi32>
    %scan3A = arith.constant 0 : i32
    %scan3A_101 = arith.constant 0 : i32
    %scan3A_102 = arith.constant 8 : i32
    %scan3A_103 = arith.addi %scan3A_101, %scan3A_102 : i32
    %scan3A_104 = arith.constant 1 : i32
    %scan3A_105 = scf.for %scan3A_107 = %scan3A_101 to %scan3A_103 step %scan3A_104 iter_args(%scan3A_108 = %scan3A) -> (i32)  : i32 {
      %mul3A_109 = arith.constant 128 : i32
      %mul3A_110 = arith.muli %scan3A_107, %mul3A_109 : i32
      %add3A_111 = arith.addi %mul3A_2, %mul3A_110 : i32
      %mul3A_112 = arith.constant 256 : i32
      %mul3A_113 = arith.muli %add3A_111, %mul3A_112 : i32
      "tpu.region"() ({
        %run_scoped3A = tpu.sem_alloc : memref<!tpu.dma_semaphore, #tpu.memory_space<semaphore_mem>>
        %dma_start3A = tpu.memref_slice %arg2[%mul3A_113] : memref<8388608xf32, #tpu.memory_space<hbm>> -> memref<32768xf32, #tpu.memory_space<hbm>>
        %dma_start3A_124 = tpu.memref_slice %arg2[%mul3A_113] : memref<8388608xf32, #tpu.memory_space<hbm>> -> memref<32768xf32, #tpu.memory_space<hbm>>
        tpu.enqueue_dma source(%dma_start3A_124 : memref<32768xf32, #tpu.memory_space<hbm>>) target(%arg6 : memref<32768xf32, #tpu.memory_space<vmem>>) target_semaphore(%run_scoped3A : memref<!tpu.dma_semaphore, #tpu.memory_space<semaphore_mem>>)
        %dma_wait3A = tpu.memref_slice %arg2[%mul3A_113] : memref<8388608xf32, #tpu.memory_space<hbm>> -> memref<32768xf32, #tpu.memory_space<hbm>>
        %dma_wait3A_125 = tpu.memref_slice %arg2[%mul3A_113] : memref<8388608xf32, #tpu.memory_space<hbm>> -> memref<32768xf32, #tpu.memory_space<hbm>>
        tpu.wait_dma2 semaphore(%run_scoped3A : memref<!tpu.dma_semaphore, #tpu.memory_space<semaphore_mem>>) src(%dma_wait3A_125 : memref<32768xf32, #tpu.memory_space<hbm>>) dst(%arg6 : memref<32768xf32, #tpu.memory_space<vmem>>)
        tpu.yield
      }) : () -> ()
      %scan3A_114 = arith.constant 0 : i32
      %scan3A_115 = arith.constant 0 : i32
      %scan3A_116 = arith.constant 8 : i32
      %scan3A_117 = arith.addi %scan3A_115, %scan3A_116 : i32
      %scan3A_118 = arith.constant 1 : i32
      %scan3A_119 = scf.for %scan3A_124 = %scan3A_115 to %scan3A_117 step %scan3A_118 iter_args(%scan3A_125 = %scan3A_114) -> (i32)  : i32 {
        %mul3A_126 = arith.constant 16 : i32
        %mul3A_127 = arith.muli %scan3A_124, %mul3A_126 : i32
        %add3A_128 = arith.addi %add3A_111, %mul3A_127 : i32
        %iota3A = tpu.iota {dimensions = array<i32: 0>} : vector<16xi32>
        %add3A_129 = vector.broadcast %add3A_128 : i32 to vector<16xi32>
        %add3A_130 = arith.addi %add3A_129, %iota3A : vector<16xi32>
        %broadcast_in_dim3A_131 = arith.constant 0 : i32
        %broadcast_in_dim3A_132 = vector.broadcast %broadcast_in_dim3A_131 : i32 to vector<16xi32>
        %sub3A = arith.subi %add3A_130, %gather3A : vector<16xi32>
        %shift_right_arithmetic3A = arith.shrsi %sub3A, %broadcast_in_dim3A_98 : vector<16xi32>
        %add3A_133 = arith.addi %broadcast_in_dim3A_132, %shift_right_arithmetic3A : vector<16xi32>
        %sub3A_134 = arith.subi %add3A_130, %gather3A_51 : vector<16xi32>
        %shift_right_arithmetic3A_135 = arith.shrsi %sub3A_134, %broadcast_in_dim3A_98 : vector<16xi32>
        %sub3A_136 = arith.subi %add3A_133, %shift_right_arithmetic3A_135 : vector<16xi32>
        %sub3A_137 = arith.subi %add3A_130, %gather3A_6 : vector<16xi32>
        %shift_right_arithmetic3A_138 = arith.shrsi %sub3A_137, %broadcast_in_dim3A_98 : vector<16xi32>
        %add3A_139 = arith.addi %sub3A_136, %shift_right_arithmetic3A_138 : vector<16xi32>
        %sub3A_140 = arith.subi %add3A_130, %gather3A_54 : vector<16xi32>
        %shift_right_arithmetic3A_141 = arith.shrsi %sub3A_140, %broadcast_in_dim3A_98 : vector<16xi32>
        %sub3A_142 = arith.subi %add3A_139, %shift_right_arithmetic3A_141 : vector<16xi32>
        %sub3A_143 = arith.subi %add3A_130, %gather3A_9 : vector<16xi32>
        %shift_right_arithmetic3A_144 = arith.shrsi %sub3A_143, %broadcast_in_dim3A_98 : vector<16xi32>
        %add3A_145 = arith.addi %sub3A_142, %shift_right_arithmetic3A_144 : vector<16xi32>
        %sub3A_146 = arith.subi %add3A_130, %gather3A_57 : vector<16xi32>
        %shift_right_arithmetic3A_147 = arith.shrsi %sub3A_146, %broadcast_in_dim3A_98 : vector<16xi32>
        %sub3A_148 = arith.subi %add3A_145, %shift_right_arithmetic3A_147 : vector<16xi32>
        %sub3A_149 = arith.subi %add3A_130, %gather3A_12 : vector<16xi32>
        %shift_right_arithmetic3A_150 = arith.shrsi %sub3A_149, %broadcast_in_dim3A_98 : vector<16xi32>
        %add3A_151 = arith.addi %sub3A_148, %shift_right_arithmetic3A_150 : vector<16xi32>
        %sub3A_152 = arith.subi %add3A_130, %gather3A_60 : vector<16xi32>
        %shift_right_arithmetic3A_153 = arith.shrsi %sub3A_152, %broadcast_in_dim3A_98 : vector<16xi32>
        %sub3A_154 = arith.subi %add3A_151, %shift_right_arithmetic3A_153 : vector<16xi32>
        %sub3A_155 = arith.subi %add3A_130, %gather3A_15 : vector<16xi32>
        %shift_right_arithmetic3A_156 = arith.shrsi %sub3A_155, %broadcast_in_dim3A_98 : vector<16xi32>
        %add3A_157 = arith.addi %sub3A_154, %shift_right_arithmetic3A_156 : vector<16xi32>
        %sub3A_158 = arith.subi %add3A_130, %gather3A_63 : vector<16xi32>
        %shift_right_arithmetic3A_159 = arith.shrsi %sub3A_158, %broadcast_in_dim3A_98 : vector<16xi32>
        %sub3A_160 = arith.subi %add3A_157, %shift_right_arithmetic3A_159 : vector<16xi32>
        %sub3A_161 = arith.subi %add3A_130, %gather3A_18 : vector<16xi32>
        %shift_right_arithmetic3A_162 = arith.shrsi %sub3A_161, %broadcast_in_dim3A_98 : vector<16xi32>
        %add3A_163 = arith.addi %sub3A_160, %shift_right_arithmetic3A_162 : vector<16xi32>
        %sub3A_164 = arith.subi %add3A_130, %gather3A_66 : vector<16xi32>
        %shift_right_arithmetic3A_165 = arith.shrsi %sub3A_164, %broadcast_in_dim3A_98 : vector<16xi32>
        %sub3A_166 = arith.subi %add3A_163, %shift_right_arithmetic3A_165 : vector<16xi32>
        %sub3A_167 = arith.subi %add3A_130, %gather3A_21 : vector<16xi32>
        %shift_right_arithmetic3A_168 = arith.shrsi %sub3A_167, %broadcast_in_dim3A_98 : vector<16xi32>
        %add3A_169 = arith.addi %sub3A_166, %shift_right_arithmetic3A_168 : vector<16xi32>
        %sub3A_170 = arith.subi %add3A_130, %gather3A_69 : vector<16xi32>
        %shift_right_arithmetic3A_171 = arith.shrsi %sub3A_170, %broadcast_in_dim3A_98 : vector<16xi32>
        %sub3A_172 = arith.subi %add3A_169, %shift_right_arithmetic3A_171 : vector<16xi32>
        %sub3A_173 = arith.subi %add3A_130, %gather3A_24 : vector<16xi32>
        %shift_right_arithmetic3A_174 = arith.shrsi %sub3A_173, %broadcast_in_dim3A_98 : vector<16xi32>
        %add3A_175 = arith.addi %sub3A_172, %shift_right_arithmetic3A_174 : vector<16xi32>
        %sub3A_176 = arith.subi %add3A_130, %gather3A_72 : vector<16xi32>
        %shift_right_arithmetic3A_177 = arith.shrsi %sub3A_176, %broadcast_in_dim3A_98 : vector<16xi32>
        %sub3A_178 = arith.subi %add3A_175, %shift_right_arithmetic3A_177 : vector<16xi32>
        %sub3A_179 = arith.subi %add3A_130, %gather3A_27 : vector<16xi32>
        %shift_right_arithmetic3A_180 = arith.shrsi %sub3A_179, %broadcast_in_dim3A_98 : vector<16xi32>
        %add3A_181 = arith.addi %sub3A_178, %shift_right_arithmetic3A_180 : vector<16xi32>
        %sub3A_182 = arith.subi %add3A_130, %gather3A_75 : vector<16xi32>
        %shift_right_arithmetic3A_183 = arith.shrsi %sub3A_182, %broadcast_in_dim3A_98 : vector<16xi32>
        %sub3A_184 = arith.subi %add3A_181, %shift_right_arithmetic3A_183 : vector<16xi32>
        %sub3A_185 = arith.subi %add3A_130, %gather3A_30 : vector<16xi32>
        %shift_right_arithmetic3A_186 = arith.shrsi %sub3A_185, %broadcast_in_dim3A_98 : vector<16xi32>
        %add3A_187 = arith.addi %sub3A_184, %shift_right_arithmetic3A_186 : vector<16xi32>
        %sub3A_188 = arith.subi %add3A_130, %gather3A_78 : vector<16xi32>
        %shift_right_arithmetic3A_189 = arith.shrsi %sub3A_188, %broadcast_in_dim3A_98 : vector<16xi32>
        %sub3A_190 = arith.subi %add3A_187, %shift_right_arithmetic3A_189 : vector<16xi32>
        %sub3A_191 = arith.subi %add3A_130, %gather3A_33 : vector<16xi32>
        %shift_right_arithmetic3A_192 = arith.shrsi %sub3A_191, %broadcast_in_dim3A_98 : vector<16xi32>
        %add3A_193 = arith.addi %sub3A_190, %shift_right_arithmetic3A_192 : vector<16xi32>
        %sub3A_194 = arith.subi %add3A_130, %gather3A_81 : vector<16xi32>
        %shift_right_arithmetic3A_195 = arith.shrsi %sub3A_194, %broadcast_in_dim3A_98 : vector<16xi32>
        %sub3A_196 = arith.subi %add3A_193, %shift_right_arithmetic3A_195 : vector<16xi32>
        %sub3A_197 = arith.subi %add3A_130, %gather3A_36 : vector<16xi32>
        %shift_right_arithmetic3A_198 = arith.shrsi %sub3A_197, %broadcast_in_dim3A_98 : vector<16xi32>
        %add3A_199 = arith.addi %sub3A_196, %shift_right_arithmetic3A_198 : vector<16xi32>
        %sub3A_200 = arith.subi %add3A_130, %gather3A_84 : vector<16xi32>
        %shift_right_arithmetic3A_201 = arith.shrsi %sub3A_200, %broadcast_in_dim3A_98 : vector<16xi32>
        %sub3A_202 = arith.subi %add3A_199, %shift_right_arithmetic3A_201 : vector<16xi32>
        %sub3A_203 = arith.subi %add3A_130, %gather3A_39 : vector<16xi32>
        %shift_right_arithmetic3A_204 = arith.shrsi %sub3A_203, %broadcast_in_dim3A_98 : vector<16xi32>
        %add3A_205 = arith.addi %sub3A_202, %shift_right_arithmetic3A_204 : vector<16xi32>
        %sub3A_206 = arith.subi %add3A_130, %gather3A_87 : vector<16xi32>
        %shift_right_arithmetic3A_207 = arith.shrsi %sub3A_206, %broadcast_in_dim3A_98 : vector<16xi32>
        %sub3A_208 = arith.subi %add3A_205, %shift_right_arithmetic3A_207 : vector<16xi32>
        %sub3A_209 = arith.subi %add3A_130, %gather3A_42 : vector<16xi32>
        %shift_right_arithmetic3A_210 = arith.shrsi %sub3A_209, %broadcast_in_dim3A_98 : vector<16xi32>
        %add3A_211 = arith.addi %sub3A_208, %shift_right_arithmetic3A_210 : vector<16xi32>
        %sub3A_212 = arith.subi %add3A_130, %gather3A_90 : vector<16xi32>
        %shift_right_arithmetic3A_213 = arith.shrsi %sub3A_212, %broadcast_in_dim3A_98 : vector<16xi32>
        %sub3A_214 = arith.subi %add3A_211, %shift_right_arithmetic3A_213 : vector<16xi32>
        %sub3A_215 = arith.subi %add3A_130, %gather3A_45 : vector<16xi32>
        %shift_right_arithmetic3A_216 = arith.shrsi %sub3A_215, %broadcast_in_dim3A_98 : vector<16xi32>
        %add3A_217 = arith.addi %sub3A_214, %shift_right_arithmetic3A_216 : vector<16xi32>
        %sub3A_218 = arith.subi %add3A_130, %gather3A_93 : vector<16xi32>
        %shift_right_arithmetic3A_219 = arith.shrsi %sub3A_218, %broadcast_in_dim3A_98 : vector<16xi32>
        %sub3A_220 = arith.subi %add3A_217, %shift_right_arithmetic3A_219 : vector<16xi32>
        %sub3A_221 = arith.subi %add3A_130, %gather3A_48 : vector<16xi32>
        %shift_right_arithmetic3A_222 = arith.shrsi %sub3A_221, %broadcast_in_dim3A_98 : vector<16xi32>
        %add3A_223 = arith.addi %sub3A_220, %shift_right_arithmetic3A_222 : vector<16xi32>
        %sub3A_224 = arith.subi %add3A_130, %gather3A_96 : vector<16xi32>
        %shift_right_arithmetic3A_225 = arith.shrsi %sub3A_224, %broadcast_in_dim3A_98 : vector<16xi32>
        %sub3A_226 = arith.subi %add3A_223, %shift_right_arithmetic3A_225 : vector<16xi32>
        %min3A = arith.minsi %sub3A_226, %broadcast_in_dim3A_100 : vector<16xi32>
        %convert_element_type3A = arith.sitofp %min3A : vector<16xi32> to vector<16xf32>
        %mul3A_227 = arith.constant 16 : i32
        %mul3A_228 = arith.muli %scan3A_124, %mul3A_227 : i32
        %add3A_229 = arith.constant 16 : i32
        %add3A_230 = arith.addi %add3A_229, %mul3A_228 : i32
        %swap3A = arith.index_cast %add3A_230 : i32 to index
        %swap3A_231 = tpu.vector_load %arg7[%swap3A] {strides = array<i32>} : memref<144xf32, #tpu.memory_space<vmem>>, vector<16xf32>,
        tpu.vector_store %arg7[%swap3A], %convert_element_type3A {strides = array<i32>} : memref<144xf32, #tpu.memory_space<vmem>>, vector<16xf32>,
        %mul3A_232 = arith.constant 16 : i32
        %mul3A_233 = arith.muli %scan3A_124, %mul3A_232 : i32
        %add3A_234 = arith.constant 0 : i32
        %add3A_235 = arith.addi %mul3A_233, %add3A_234 : i32
        %add3A_236 = arith.constant 16 : i32
        %add3A_237 = arith.addi %add3A_236, %add3A_235 : i32
        %broadcast_in_dim3A_238 = vector.broadcast %add3A_237 : i32 to vector<16xi32>
        %gather3A_239 = tpu.vector_load_idx %arg7[%broadcast_in_dim3A_238] : memref<144xf32, #tpu.memory_space<vmem>>[vector<16xi32>], vector<16xf32>,
        %mul3A_240 = arith.constant 256 : i32
        %mul3A_241 = arith.muli %add3A_235, %mul3A_240 : i32
        %add3A_242 = arith.constant 0 : i32
        %add3A_243 = arith.addi %mul3A_241, %add3A_242 : i32
        %get3A = arith.index_cast %add3A_243 : i32 to index
        %get3A_244 = tpu.vector_load %arg6[%get3A] {strides = array<i32>} : memref<32768xf32, #tpu.memory_space<vmem>>, vector<16xf32>,
        %mul3A_245 = arith.mulf %get3A_244, %gather3A_239 : vector<16xf32>
        %swap3A_246 = arith.index_cast %add3A_243 : i32 to index
        %swap3A_247 = tpu.vector_load %arg6[%swap3A_246] {strides = array<i32>} : memref<32768xf32, #tpu.memory_space<vmem>>, vector<16xf32>,
        tpu.vector_store %arg6[%swap3A_246], %mul3A_245 {strides = array<i32>} : memref<32768xf32, #tpu.memory_space<vmem>>, vector<16xf32>,
        %add3A_248 = arith.constant 16 : i32
        %add3A_249 = arith.addi %mul3A_241, %add3A_248 : i32
        %get3A_250 = arith.index_cast %add3A_249 : i32 to index
        %get3A_251 = tpu.vector_load %arg6[%get3A_250] {strides = array<i32>} : memref<32768xf32, #tpu.memory_space<vmem>>, vector<16xf32>,
        %mul3A_252 = arith.mulf %get3A_251, %gather3A_239 : vector<16xf32>
        %swap3A_253 = arith.index_cast %add3A_249 : i32 to index
        %swap3A_254 = tpu.vector_load %arg6[%swap3A_253] {strides = array<i32>} : memref<32768xf32, #tpu.memory_space<vmem>>, vector<16xf32>,
        tpu.vector_store %arg6[%swap3A_253], %mul3A_252 {strides = array<i32>} : memref<32768xf32, #tpu.memory_space<vmem>>, vector<16xf32>,
        %add3A_255 = arith.constant 32 : i32
        %add3A_256 = arith.addi %mul3A_241, %add3A_255 : i32
        %get3A_257 = arith.index_cast %add3A_256 : i32 to index
        %get3A_258 = tpu.vector_load %arg6[%get3A_257] {strides = array<i32>} : memref<32768xf32, #tpu.memory_space<vmem>>, vector<16xf32>,
        %mul3A_259 = arith.mulf %get3A_258, %gather3A_239 : vector<16xf32>
        %swap3A_260 = arith.index_cast %add3A_256 : i32 to index
        %swap3A_261 = tpu.vector_load %arg6[%swap3A_260] {strides = array<i32>} : memref<32768xf32, #tpu.memory_space<vmem>>, vector<16xf32>,
        tpu.vector_store %arg6[%swap3A_260], %mul3A_259 {strides = array<i32>} : memref<32768xf32, #tpu.memory_space<vmem>>, vector<16xf32>,
        %add3A_262 = arith.constant 48 : i32
        %add3A_263 = arith.addi %mul3A_241, %add3A_262 : i32
        %get3A_264 = arith.index_cast %add3A_263 : i32 to index
        %get3A_265 = tpu.vector_load %arg6[%get3A_264] {strides = array<i32>} : memref<32768xf32, #tpu.memory_space<vmem>>, vector<16xf32>,
        %mul3A_266 = arith.mulf %get3A_265, %gather3A_239 : vector<16xf32>
        %swap3A_267 = arith.index_cast %add3A_263 : i32 to index
        %swap3A_268 = tpu.vector_load %arg6[%swap3A_267] {strides = array<i32>} : memref<32768xf32, #tpu.memory_space<vmem>>, vector<16xf32>,
        tpu.vector_store %arg6[%swap3A_267], %mul3A_266 {strides = array<i32>} : memref<32768xf32, #tpu.memory_space<vmem>>, vector<16xf32>,
        %add3A_269 = arith.constant 64 : i32
        %add3A_270 = arith.addi %mul3A_241, %add3A_269 : i32
        %get3A_271 = arith.index_cast %add3A_270 : i32 to index
        %get3A_272 = tpu.vector_load %arg6[%get3A_271] {strides = array<i32>} : memref<32768xf32, #tpu.memory_space<vmem>>, vector<16xf32>,
        %mul3A_273 = arith.mulf %get3A_272, %gather3A_239 : vector<16xf32>
        %swap3A_274 = arith.index_cast %add3A_270 : i32 to index
        %swap3A_275 = tpu.vector_load %arg6[%swap3A_274] {strides = array<i32>} : memref<32768xf32, #tpu.memory_space<vmem>>, vector<16xf32>,
        tpu.vector_store %arg6[%swap3A_274], %mul3A_273 {strides = array<i32>} : memref<32768xf32, #tpu.memory_space<vmem>>, vector<16xf32>,
        %add3A_276 = arith.constant 80 : i32
        %add3A_277 = arith.addi %mul3A_241, %add3A_276 : i32
        %get3A_278 = arith.index_cast %add3A_277 : i32 to index
        %get3A_279 = tpu.vector_load %arg6[%get3A_278] {strides = array<i32>} : memref<32768xf32, #tpu.memory_space<vmem>>, vector<16xf32>,
        %mul3A_280 = arith.mulf %get3A_279, %gather3A_239 : vector<16xf32>
        %swap3A_281 = arith.index_cast %add3A_277 : i32 to index
        %swap3A_282 = tpu.vector_load %arg6[%swap3A_281] {strides = array<i32>} : memref<32768xf32, #tpu.memory_space<vmem>>, vector<16xf32>,
        tpu.vector_store %arg6[%swap3A_281], %mul3A_280 {strides = array<i32>} : memref<32768xf32, #tpu.memory_space<vmem>>, vector<16xf32>,
        %add3A_283 = arith.constant 96 : i32
        %add3A_284 = arith.addi %mul3A_241, %add3A_283 : i32
        %get3A_285 = arith.index_cast %add3A_284 : i32 to index
        %get3A_286 = tpu.vector_load %arg6[%get3A_285] {strides = array<i32>} : memref<32768xf32, #tpu.memory_space<vmem>>, vector<16xf32>,
        %mul3A_287 = arith.mulf %get3A_286, %gather3A_239 : vector<16xf32>
        %swap3A_288 = arith.index_cast %add3A_284 : i32 to index
        %swap3A_289 = tpu.vector_load %arg6[%swap3A_288] {strides = array<i32>} : memref<32768xf32, #tpu.memory_space<vmem>>, vector<16xf32>,
        tpu.vector_store %arg6[%swap3A_288], %mul3A_287 {strides = array<i32>} : memref<32768xf32, #tpu.memory_space<vmem>>, vector<16xf32>,
        %add3A_290 = arith.constant 112 : i32
        %add3A_291 = arith.addi %mul3A_241, %add3A_290 : i32
        %get3A_292 = arith.index_cast %add3A_291 : i32 to index
        %get3A_293 = tpu.vector_load %arg6[%get3A_292] {strides = array<i32>} : memref<32768xf32, #tpu.memory_space<vmem>>, vector<16xf32>,
        %mul3A_294 = arith.mulf %get3A_293, %gather3A_239 : vector<16xf32>
        %swap3A_295 = arith.index_cast %add3A_291 : i32 to index
        %swap3A_296 = tpu.vector_load %arg6[%swap3A_295] {strides = array<i32>} : memref<32768xf32, #tpu.memory_space<vmem>>, vector<16xf32>,
        tpu.vector_store %arg6[%swap3A_295], %mul3A_294 {strides = array<i32>} : memref<32768xf32, #tpu.memory_space<vmem>>, vector<16xf32>,
        %add3A_297 = arith.constant 128 : i32
        %add3A_298 = arith.addi %mul3A_241, %add3A_297 : i32
        %get3A_299 = arith.index_cast %add3A_298 : i32 to index
        %get3A_300 = tpu.vector_load %arg6[%get3A_299] {strides = array<i32>} : memref<32768xf32, #tpu.memory_space<vmem>>, vector<16xf32>,
        %mul3A_301 = arith.mulf %get3A_300, %gather3A_239 : vector<16xf32>
        %swap3A_302 = arith.index_cast %add3A_298 : i32 to index
        %swap3A_303 = tpu.vector_load %arg6[%swap3A_302] {strides = array<i32>} : memref<32768xf32, #tpu.memory_space<vmem>>, vector<16xf32>,
        tpu.vector_store %arg6[%swap3A_302], %mul3A_301 {strides = array<i32>} : memref<32768xf32, #tpu.memory_space<vmem>>, vector<16xf32>,
        %add3A_304 = arith.constant 144 : i32
        %add3A_305 = arith.addi %mul3A_241, %add3A_304 : i32
        %get3A_306 = arith.index_cast %add3A_305 : i32 to index
        %get3A_307 = tpu.vector_load %arg6[%get3A_306] {strides = array<i32>} : memref<32768xf32, #tpu.memory_space<vmem>>, vector<16xf32>,
        %mul3A_308 = arith.mulf %get3A_307, %gather3A_239 : vector<16xf32>
        %swap3A_309 = arith.index_cast %add3A_305 : i32 to index
        %swap3A_310 = tpu.vector_load %arg6[%swap3A_309] {strides = array<i32>} : memref<32768xf32, #tpu.memory_space<vmem>>, vector<16xf32>,
        tpu.vector_store %arg6[%swap3A_309], %mul3A_308 {strides = array<i32>} : memref<32768xf32, #tpu.memory_space<vmem>>, vector<16xf32>,
        %add3A_311 = arith.constant 160 : i32
        %add3A_312 = arith.addi %mul3A_241, %add3A_311 : i32
        %get3A_313 = arith.index_cast %add3A_312 : i32 to index
        %get3A_314 = tpu.vector_load %arg6[%get3A_313] {strides = array<i32>} : memref<32768xf32, #tpu.memory_space<vmem>>, vector<16xf32>,
        %mul3A_315 = arith.mulf %get3A_314, %gather3A_239 : vector<16xf32>
        %swap3A_316 = arith.index_cast %add3A_312 : i32 to index
        %swap3A_317 = tpu.vector_load %arg6[%swap3A_316] {strides = array<i32>} : memref<32768xf32, #tpu.memory_space<vmem>>, vector<16xf32>,
        tpu.vector_store %arg6[%swap3A_316], %mul3A_315 {strides = array<i32>} : memref<32768xf32, #tpu.memory_space<vmem>>, vector<16xf32>,
        %add3A_318 = arith.constant 176 : i32
        %add3A_319 = arith.addi %mul3A_241, %add3A_318 : i32
        %get3A_320 = arith.index_cast %add3A_319 : i32 to index
        %get3A_321 = tpu.vector_load %arg6[%get3A_320] {strides = array<i32>} : memref<32768xf32, #tpu.memory_space<vmem>>, vector<16xf32>,
        %mul3A_322 = arith.mulf %get3A_321, %gather3A_239 : vector<16xf32>
        %swap3A_323 = arith.index_cast %add3A_319 : i32 to index
        %swap3A_324 = tpu.vector_load %arg6[%swap3A_323] {strides = array<i32>} : memref<32768xf32, #tpu.memory_space<vmem>>, vector<16xf32>,
        tpu.vector_store %arg6[%swap3A_323], %mul3A_322 {strides = array<i32>} : memref<32768xf32, #tpu.memory_space<vmem>>, vector<16xf32>,
        %add3A_325 = arith.constant 192 : i32
        %add3A_326 = arith.addi %mul3A_241, %add3A_325 : i32
        %get3A_327 = arith.index_cast %add3A_326 : i32 to index
        %get3A_328 = tpu.vector_load %arg6[%get3A_327] {strides = array<i32>} : memref<32768xf32, #tpu.memory_space<vmem>>, vector<16xf32>,
        %mul3A_329 = arith.mulf %get3A_328, %gather3A_239 : vector<16xf32>
        %swap3A_330 = arith.index_cast %add3A_326 : i32 to index
        %swap3A_331 = tpu.vector_load %arg6[%swap3A_330] {strides = array<i32>} : memref<32768xf32, #tpu.memory_space<vmem>>, vector<16xf32>,
        tpu.vector_store %arg6[%swap3A_330], %mul3A_329 {strides = array<i32>} : memref<32768xf32, #tpu.memory_space<vmem>>, vector<16xf32>,
        %add3A_332 = arith.constant 208 : i32
        %add3A_333 = arith.addi %mul3A_241, %add3A_332 : i32
        %get3A_334 = arith.index_cast %add3A_333 : i32 to index
        %get3A_335 = tpu.vector_load %arg6[%get3A_334] {strides = array<i32>} : memref<32768xf32, #tpu.memory_space<vmem>>, vector<16xf32>,
        %mul3A_336 = arith.mulf %get3A_335, %gather3A_239 : vector<16xf32>
        %swap3A_337 = arith.index_cast %add3A_333 : i32 to index
        %swap3A_338 = tpu.vector_load %arg6[%swap3A_337] {strides = array<i32>} : memref<32768xf32, #tpu.memory_space<vmem>>, vector<16xf32>,
        tpu.vector_store %arg6[%swap3A_337], %mul3A_336 {strides = array<i32>} : memref<32768xf32, #tpu.memory_space<vmem>>, vector<16xf32>,
        %add3A_339 = arith.constant 224 : i32
        %add3A_340 = arith.addi %mul3A_241, %add3A_339 : i32
        %get3A_341 = arith.index_cast %add3A_340 : i32 to index
        %get3A_342 = tpu.vector_load %arg6[%get3A_341] {strides = array<i32>} : memref<32768xf32, #tpu.memory_space<vmem>>, vector<16xf32>,
        %mul3A_343 = arith.mulf %get3A_342, %gather3A_239 : vector<16xf32>
        %swap3A_344 = arith.index_cast %add3A_340 : i32 to index
        %swap3A_345 = tpu.vector_load %arg6[%swap3A_344] {strides = array<i32>} : memref<32768xf32, #tpu.memory_space<vmem>>, vector<16xf32>,
        tpu.vector_store %arg6[%swap3A_344], %mul3A_343 {strides = array<i32>} : memref<32768xf32, #tpu.memory_space<vmem>>, vector<16xf32>,
        %add3A_346 = arith.constant 240 : i32
        %add3A_347 = arith.addi %mul3A_241, %add3A_346 : i32
        %get3A_348 = arith.index_cast %add3A_347 : i32 to index
        %get3A_349 = tpu.vector_load %arg6[%get3A_348] {strides = array<i32>} : memref<32768xf32, #tpu.memory_space<vmem>>, vector<16xf32>,
        %mul3A_350 = arith.mulf %get3A_349, %gather3A_239 : vector<16xf32>
        %swap3A_351 = arith.index_cast %add3A_347 : i32 to index
        %swap3A_352 = tpu.vector_load %arg6[%swap3A_351] {strides = array<i32>} : memref<32768xf32, #tpu.memory_space<vmem>>, vector<16xf32>,
        tpu.vector_store %arg6[%swap3A_351], %mul3A_350 {strides = array<i32>} : memref<32768xf32, #tpu.memory_space<vmem>>, vector<16xf32>,
        %mul3A_353 = arith.constant 16 : i32
        %mul3A_354 = arith.muli %scan3A_124, %mul3A_353 : i32
        %add3A_355 = arith.constant 1 : i32
        %add3A_356 = arith.addi %mul3A_354, %add3A_355 : i32
        %add3A_357 = arith.constant 16 : i32
        %add3A_358 = arith.addi %add3A_357, %add3A_356 : i32
        %broadcast_in_dim3A_359 = vector.broadcast %add3A_358 : i32 to vector<16xi32>
        %gather3A_360 = tpu.vector_load_idx %arg7[%broadcast_in_dim3A_359] : memref<144xf32, #tpu.memory_space<vmem>>[vector<16xi32>], vector<16xf32>,
        %mul3A_361 = arith.constant 256 : i32
        %mul3A_362 = arith.muli %add3A_356, %mul3A_361 : i32
        %add3A_363 = arith.constant 0 : i32
        %add3A_364 = arith.addi %mul3A_362, %add3A_363 : i32
        %get3A_365 = arith.index_cast %add3A_364 : i32 to index
        %get3A_366 = tpu.vector_load %arg6[%get3A_365] {strides = array<i32>} : memref<32768xf32, #tpu.memory_space<vmem>>, vector<16xf32>,
        %mul3A_367 = arith.mulf %get3A_366, %gather3A_360 : vector<16xf32>
        %swap3A_368 = arith.index_cast %add3A_364 : i32 to index
        %swap3A_369 = tpu.vector_load %arg6[%swap3A_368] {strides = array<i32>} : memref<32768xf32, #tpu.memory_space<vmem>>, vector<16xf32>,
        tpu.vector_store %arg6[%swap3A_368], %mul3A_367 {strides = array<i32>} : memref<32768xf32, #tpu.memory_space<vmem>>, vector<16xf32>,
        %add3A_370 = arith.constant 16 : i32
        %add3A_371 = arith.addi %mul3A_362, %add3A_370 : i32
        %get3A_372 = arith.index_cast %add3A_371 : i32 to index
        %get3A_373 = tpu.vector_load %arg6[%get3A_372] {strides = array<i32>} : memref<32768xf32, #tpu.memory_space<vmem>>, vector<16xf32>,
        %mul3A_374 = arith.mulf %get3A_373, %gather3A_360 : vector<16xf32>
        %swap3A_375 = arith.index_cast %add3A_371 : i32 to index
        %swap3A_376 = tpu.vector_load %arg6[%swap3A_375] {strides = array<i32>} : memref<32768xf32, #tpu.memory_space<vmem>>, vector<16xf32>,
        tpu.vector_store %arg6[%swap3A_375], %mul3A_374 {strides = array<i32>} : memref<32768xf32, #tpu.memory_space<vmem>>, vector<16xf32>,
        %add3A_377 = arith.constant 32 : i32
        %add3A_378 = arith.addi %mul3A_362, %add3A_377 : i32
        %get3A_379 = arith.index_cast %add3A_378 : i32 to index
        %get3A_380 = tpu.vector_load %arg6[%get3A_379] {strides = array<i32>} : memref<32768xf32, #tpu.memory_space<vmem>>, vector<16xf32>,
        %mul3A_381 = arith.mulf %get3A_380, %gather3A_360 : vector<16xf32>
        %swap3A_382 = arith.index_cast %add3A_378 : i32 to index
        %swap3A_383 = tpu.vector_load %arg6[%swap3A_382] {strides = array<i32>} : memref<32768xf32, #tpu.memory_space<vmem>>, vector<16xf32>,
        tpu.vector_store %arg6[%swap3A_382], %mul3A_381 {strides = array<i32>} : memref<32768xf32, #tpu.memory_space<vmem>>, vector<16xf32>,
        %add3A_384 = arith.constant 48 : i32
        %add3A_385 = arith.addi %mul3A_362, %add3A_384 : i32
        %get3A_386 = arith.index_cast %add3A_385 : i32 to index
        %get3A_387 = tpu.vector_load %arg6[%get3A_386] {strides = array<i32>} : memref<32768xf32, #tpu.memory_space<vmem>>, vector<16xf32>,
        %mul3A_388 = arith.mulf %get3A_387, %gather3A_360 : vector<16xf32>
        %swap3A_389 = arith.index_cast %add3A_385 : i32 to index
        %swap3A_390 = tpu.vector_load %arg6[%swap3A_389] {strides = array<i32>} : memref<32768xf32, #tpu.memory_space<vmem>>, vector<16xf32>,
        tpu.vector_store %arg6[%swap3A_389], %mul3A_388 {strides = array<i32>} : memref<32768xf32, #tpu.memory_space<vmem>>, vector<16xf32>,
        %add3A_391 = arith.constant 64 : i32
        %add3A_392 = arith.addi %mul3A_362, %add3A_391 : i32
        %get3A_393 = arith.index_cast %add3A_392 : i32 to index
        %get3A_394 = tpu.vector_load %arg6[%get3A_393] {strides = array<i32>} : memref<32768xf32, #tpu.memory_space<vmem>>, vector<16xf32>,
        %mul3A_395 = arith.mulf %get3A_394, %gather3A_360 : vector<16xf32>
        %swap3A_396 = arith.index_cast %add3A_392 : i32 to index
        %swap3A_397 = tpu.vector_load %arg6[%swap3A_396] {strides = array<i32>} : memref<32768xf32, #tpu.memory_space<vmem>>, vector<16xf32>,
        tpu.vector_store %arg6[%swap3A_396], %mul3A_395 {strides = array<i32>} : memref<32768xf32, #tpu.memory_space<vmem>>, vector<16xf32>,
        %add3A_398 = arith.constant 80 : i32
        %add3A_399 = arith.addi %mul3A_362, %add3A_398 : i32
        %get3A_400 = arith.index_cast %add3A_399 : i32 to index
        %get3A_401 = tpu.vector_load %arg6[%get3A_400] {strides = array<i32>} : memref<32768xf32, #tpu.memory_space<vmem>>, vector<16xf32>,
        %mul3A_402 = arith.mulf %get3A_401, %gather3A_360 : vector<16xf32>
        %swap3A_403 = arith.index_cast %add3A_399 : i32 to index
        %swap3A_404 = tpu.vector_load %arg6[%swap3A_403] {strides = array<i32>} : memref<32768xf32, #tpu.memory_space<vmem>>, vector<16xf32>,
        tpu.vector_store %arg6[%swap3A_403], %mul3A_402 {strides = array<i32>} : memref<32768xf32, #tpu.memory_space<vmem>>, vector<16xf32>,
        %add3A_405 = arith.constant 96 : i32
        %add3A_406 = arith.addi %mul3A_362, %add3A_405 : i32
        %get3A_407 = arith.index_cast %add3A_406 : i32 to index
        %get3A_408 = tpu.vector_load %arg6[%get3A_407] {strides = array<i32>} : memref<32768xf32, #tpu.memory_space<vmem>>, vector<16xf32>,
        %mul3A_409 = arith.mulf %get3A_408, %gather3A_360 : vector<16xf32>
        %swap3A_410 = arith.index_cast %add3A_406 : i32 to index
        %swap3A_411 = tpu.vector_load %arg6[%swap3A_410] {strides = array<i32>} : memref<32768xf32, #tpu.memory_space<vmem>>, vector<16xf32>,
        tpu.vector_store %arg6[%swap3A_410], %mul3A_409 {strides = array<i32>} : memref<32768xf32, #tpu.memory_space<vmem>>, vector<16xf32>,
        %add3A_412 = arith.constant 112 : i32
        %add3A_413 = arith.addi %mul3A_362, %add3A_412 : i32
        %get3A_414 = arith.index_cast %add3A_413 : i32 to index
        %get3A_415 = tpu.vector_load %arg6[%get3A_414] {strides = array<i32>} : memref<32768xf32, #tpu.memory_space<vmem>>, vector<16xf32>,
        %mul3A_416 = arith.mulf %get3A_415, %gather3A_360 : vector<16xf32>
        %swap3A_417 = arith.index_cast %add3A_413 : i32 to index
        %swap3A_418 = tpu.vector_load %arg6[%swap3A_417] {strides = array<i32>} : memref<32768xf32, #tpu.memory_space<vmem>>, vector<16xf32>,
        tpu.vector_store %arg6[%swap3A_417], %mul3A_416 {strides = array<i32>} : memref<32768xf32, #tpu.memory_space<vmem>>, vector<16xf32>,
        %add3A_419 = arith.constant 128 : i32
        %add3A_420 = arith.addi %mul3A_362, %add3A_419 : i32
        %get3A_421 = arith.index_cast %add3A_420 : i32 to index
        %get3A_422 = tpu.vector_load %arg6[%get3A_421] {strides = array<i32>} : memref<32768xf32, #tpu.memory_space<vmem>>, vector<16xf32>,
        %mul3A_423 = arith.mulf %get3A_422, %gather3A_360 : vector<16xf32>
        %swap3A_424 = arith.index_cast %add3A_420 : i32 to index
        %swap3A_425 = tpu.vector_load %arg6[%swap3A_424] {strides = array<i32>} : memref<32768xf32, #tpu.memory_space<vmem>>, vector<16xf32>,
        tpu.vector_store %arg6[%swap3A_424], %mul3A_423 {strides = array<i32>} : memref<32768xf32, #tpu.memory_space<vmem>>, vector<16xf32>,
        %add3A_426 = arith.constant 144 : i32
        %add3A_427 = arith.addi %mul3A_362, %add3A_426 : i32
        %get3A_428 = arith.index_cast %add3A_427 : i32 to index
        %get3A_429 = tpu.vector_load %arg6[%get3A_428] {strides = array<i32>} : memref<32768xf32, #tpu.memory_space<vmem>>, vector<16xf32>,
        %mul3A_430 = arith.mulf %get3A_429, %gather3A_360 : vector<16xf32>
        %swap3A_431 = arith.index_cast %add3A_427 : i32 to index
        %swap3A_432 = tpu.vector_load %arg6[%swap3A_431] {strides = array<i32>} : memref<32768xf32, #tpu.memory_space<vmem>>, vector<16xf32>,
        tpu.vector_store %arg6[%swap3A_431], %mul3A_430 {strides = array<i32>} : memref<32768xf32, #tpu.memory_space<vmem>>, vector<16xf32>,
        %add3A_433 = arith.constant 160 : i32
        %add3A_434 = arith.addi %mul3A_362, %add3A_433 : i32
        %get3A_435 = arith.index_cast %add3A_434 : i32 to index
        %get3A_436 = tpu.vector_load %arg6[%get3A_435] {strides = array<i32>} : memref<32768xf32, #tpu.memory_space<vmem>>, vector<16xf32>,
        %mul3A_437 = arith.mulf %get3A_436, %gather3A_360 : vector<16xf32>
        %swap3A_438 = arith.index_cast %add3A_434 : i32 to index
        %swap3A_439 = tpu.vector_load %arg6[%swap3A_438] {strides = array<i32>} : memref<32768xf32, #tpu.memory_space<vmem>>, vector<16xf32>,
        tpu.vector_store %arg6[%swap3A_438], %mul3A_437 {strides = array<i32>} : memref<32768xf32, #tpu.memory_space<vmem>>, vector<16xf32>,
        %add3A_440 = arith.constant 176 : i32
        %add3A_441 = arith.addi %mul3A_362, %add3A_440 : i32
        %get3A_442 = arith.index_cast %add3A_441 : i32 to index
        %get3A_443 = tpu.vector_load %arg6[%get3A_442] {strides = array<i32>} : memref<32768xf32, #tpu.memory_space<vmem>>, vector<16xf32>,
        %mul3A_444 = arith.mulf %get3A_443, %gather3A_360 : vector<16xf32>
        %swap3A_445 = arith.index_cast %add3A_441 : i32 to index
        %swap3A_446 = tpu.vector_load %arg6[%swap3A_445] {strides = array<i32>} : memref<32768xf32, #tpu.memory_space<vmem>>, vector<16xf32>,
        tpu.vector_store %arg6[%swap3A_445], %mul3A_444 {strides = array<i32>} : memref<32768xf32, #tpu.memory_space<vmem>>, vector<16xf32>,
        %add3A_447 = arith.constant 192 : i32
        %add3A_448 = arith.addi %mul3A_362, %add3A_447 : i32
        %get3A_449 = arith.index_cast %add3A_448 : i32 to index
        %get3A_450 = tpu.vector_load %arg6[%get3A_449] {strides = array<i32>} : memref<32768xf32, #tpu.memory_space<vmem>>, vector<16xf32>,
        %mul3A_451 = arith.mulf %get3A_450, %gather3A_360 : vector<16xf32>
        %swap3A_452 = arith.index_cast %add3A_448 : i32 to index
        %swap3A_453 = tpu.vector_load %arg6[%swap3A_452] {strides = array<i32>} : memref<32768xf32, #tpu.memory_space<vmem>>, vector<16xf32>,
        tpu.vector_store %arg6[%swap3A_452], %mul3A_451 {strides = array<i32>} : memref<32768xf32, #tpu.memory_space<vmem>>, vector<16xf32>,
        %add3A_454 = arith.constant 208 : i32
        %add3A_455 = arith.addi %mul3A_362, %add3A_454 : i32
        %get3A_456 = arith.index_cast %add3A_455 : i32 to index
        %get3A_457 = tpu.vector_load %arg6[%get3A_456] {strides = array<i32>} : memref<32768xf32, #tpu.memory_space<vmem>>, vector<16xf32>,
        %mul3A_458 = arith.mulf %get3A_457, %gather3A_360 : vector<16xf32>
        %swap3A_459 = arith.index_cast %add3A_455 : i32 to index
        %swap3A_460 = tpu.vector_load %arg6[%swap3A_459] {strides = array<i32>} : memref<32768xf32, #tpu.memory_space<vmem>>, vector<16xf32>,
        tpu.vector_store %arg6[%swap3A_459], %mul3A_458 {strides = array<i32>} : memref<32768xf32, #tpu.memory_space<vmem>>, vector<16xf32>,
        %add3A_461 = arith.constant 224 : i32
        %add3A_462 = arith.addi %mul3A_362, %add3A_461 : i32
        %get3A_463 = arith.index_cast %add3A_462 : i32 to index
        %get3A_464 = tpu.vector_load %arg6[%get3A_463] {strides = array<i32>} : memref<32768xf32, #tpu.memory_space<vmem>>, vector<16xf32>,
        %mul3A_465 = arith.mulf %get3A_464, %gather3A_360 : vector<16xf32>
        %swap3A_466 = arith.index_cast %add3A_462 : i32 to index
        %swap3A_467 = tpu.vector_load %arg6[%swap3A_466] {strides = array<i32>} : memref<32768xf32, #tpu.memory_space<vmem>>, vector<16xf32>,
        tpu.vector_store %arg6[%swap3A_466], %mul3A_465 {strides = array<i32>} : memref<32768xf32, #tpu.memory_space<vmem>>, vector<16xf32>,
        %add3A_468 = arith.constant 240 : i32
        %add3A_469 = arith.addi %mul3A_362, %add3A_468 : i32
        %get3A_470 = arith.index_cast %add3A_469 : i32 to index
        %get3A_471 = tpu.vector_load %arg6[%get3A_470] {strides = array<i32>} : memref<32768xf32, #tpu.memory_space<vmem>>, vector<16xf32>,
        %mul3A_472 = arith.mulf %get3A_471, %gather3A_360 : vector<16xf32>
        %swap3A_473 = arith.index_cast %add3A_469 : i32 to index
        %swap3A_474 = tpu.vector_load %arg6[%swap3A_473] {strides = array<i32>} : memref<32768xf32, #tpu.memory_space<vmem>>, vector<16xf32>,
        tpu.vector_store %arg6[%swap3A_473], %mul3A_472 {strides = array<i32>} : memref<32768xf32, #tpu.memory_space<vmem>>, vector<16xf32>,
        %mul3A_475 = arith.constant 16 : i32
        %mul3A_476 = arith.muli %scan3A_124, %mul3A_475 : i32
        %add3A_477 = arith.constant 2 : i32
        %add3A_478 = arith.addi %mul3A_476, %add3A_477 : i32
        %add3A_479 = arith.constant 16 : i32
        %add3A_480 = arith.addi %add3A_479, %add3A_478 : i32
        %broadcast_in_dim3A_481 = vector.broadcast %add3A_480 : i32 to vector<16xi32>
        %gather3A_482 = tpu.vector_load_idx %arg7[%broadcast_in_dim3A_481] : memref<144xf32, #tpu.memory_space<vmem>>[vector<16xi32>], vector<16xf32>,
        %mul3A_483 = arith.constant 256 : i32
        %mul3A_484 = arith.muli %add3A_478, %mul3A_483 : i32
        %add3A_485 = arith.constant 0 : i32
        %add3A_486 = arith.addi %mul3A_484, %add3A_485 : i32
        %get3A_487 = arith.index_cast %add3A_486 : i32 to index
        %get3A_488 = tpu.vector_load %arg6[%get3A_487] {strides = array<i32>} : memref<32768xf32, #tpu.memory_space<vmem>>, vector<16xf32>,
        %mul3A_489 = arith.mulf %get3A_488, %gather3A_482 : vector<16xf32>
        %swap3A_490 = arith.index_cast %add3A_486 : i32 to index
        %swap3A_491 = tpu.vector_load %arg6[%swap3A_490] {strides = array<i32>} : memref<32768xf32, #tpu.memory_space<vmem>>, vector<16xf32>,
        tpu.vector_store %arg6[%swap3A_490], %mul3A_489 {strides = array<i32>} : memref<32768xf32, #tpu.memory_space<vmem>>, vector<16xf32>,
        %add3A_492 = arith.constant 16 : i32
        %add3A_493 = arith.addi %mul3A_484, %add3A_492 : i32
        %get3A_494 = arith.index_cast %add3A_493 : i32 to index
        %get3A_495 = tpu.vector_load %arg6[%get3A_494] {strides = array<i32>} : memref<32768xf32, #tpu.memory_space<vmem>>, vector<16xf32>,
        %mul3A_496 = arith.mulf %get3A_495, %gather3A_482 : vector<16xf32>
        %swap3A_497 = arith.index_cast %add3A_493 : i32 to index
        %swap3A_498 = tpu.vector_load %arg6[%swap3A_497] {strides = array<i32>} : memref<32768xf32, #tpu.memory_space<vmem>>, vector<16xf32>,
        tpu.vector_store %arg6[%swap3A_497], %mul3A_496 {strides = array<i32>} : memref<32768xf32, #tpu.memory_space<vmem>>, vector<16xf32>,
        %add3A_499 = arith.constant 32 : i32
        %add3A_500 = arith.addi %mul3A_484, %add3A_499 : i32
        %get3A_501 = arith.index_cast %add3A_500 : i32 to index
        %get3A_502 = tpu.vector_load %arg6[%get3A_501] {strides = array<i32>} : memref<32768xf32, #tpu.memory_space<vmem>>, vector<16xf32>,
        %mul3A_503 = arith.mulf %get3A_502, %gather3A_482 : vector<16xf32>
        %swap3A_504 = arith.index_cast %add3A_500 : i32 to index
        %swap3A_505 = tpu.vector_load %arg6[%swap3A_504] {strides = array<i32>} : memref<32768xf32, #tpu.memory_space<vmem>>, vector<16xf32>,
        tpu.vector_store %arg6[%swap3A_504], %mul3A_503 {strides = array<i32>} : memref<32768xf32, #tpu.memory_space<vmem>>, vector<16xf32>,
        %add3A_506 = arith.constant 48 : i32
        %add3A_507 = arith.addi %mul3A_484, %add3A_506 : i32
        %get3A_508 = arith.index_cast %add3A_507 : i32 to index
        %get3A_509 = tpu.vector_load %arg6[%get3A_508] {strides = array<i32>} : memref<32768xf32, #tpu.memory_space<vmem>>, vector<16xf32>,
        %mul3A_510 = arith.mulf %get3A_509, %gather3A_482 : vector<16xf32>
        %swap3A_511 = arith.index_cast %add3A_507 : i32 to index
        %swap3A_512 = tpu.vector_load %arg6[%swap3A_511] {strides = array<i32>} : memref<32768xf32, #tpu.memory_space<vmem>>, vector<16xf32>,
        tpu.vector_store %arg6[%swap3A_511], %mul3A_510 {strides = array<i32>} : memref<32768xf32, #tpu.memory_space<vmem>>, vector<16xf32>,
        %add3A_513 = arith.constant 64 : i32
        %add3A_514 = arith.addi %mul3A_484, %add3A_513 : i32
        %get3A_515 = arith.index_cast %add3A_514 : i32 to index
        %get3A_516 = tpu.vector_load %arg6[%get3A_515] {strides = array<i32>} : memref<32768xf32, #tpu.memory_space<vmem>>, vector<16xf32>,
        %mul3A_517 = arith.mulf %get3A_516, %gather3A_482 : vector<16xf32>
        %swap3A_518 = arith.index_cast %add3A_514 : i32 to index
        %swap3A_519 = tpu.vector_load %arg6[%swap3A_518] {strides = array<i32>} : memref<32768xf32, #tpu.memory_space<vmem>>, vector<16xf32>,
        tpu.vector_store %arg6[%swap3A_518], %mul3A_517 {strides = array<i32>} : memref<32768xf32, #tpu.memory_space<vmem>>, vector<16xf32>,
        %add3A_520 = arith.constant 80 : i32
        %add3A_521 = arith.addi %mul3A_484, %add3A_520 : i32
        %get3A_522 = arith.index_cast %add3A_521 : i32 to index
        %get3A_523 = tpu.vector_load %arg6[%get3A_522] {strides = array<i32>} : memref<32768xf32, #tpu.memory_space<vmem>>, vector<16xf32>,
        %mul3A_524 = arith.mulf %get3A_523, %gather3A_482 : vector<16xf32>
        %swap3A_525 = arith.index_cast %add3A_521 : i32 to index
        %swap3A_526 = tpu.vector_load %arg6[%swap3A_525] {strides = array<i32>} : memref<32768xf32, #tpu.memory_space<vmem>>, vector<16xf32>,
        tpu.vector_store %arg6[%swap3A_525], %mul3A_524 {strides = array<i32>} : memref<32768xf32, #tpu.memory_space<vmem>>, vector<16xf32>,
        %add3A_527 = arith.constant 96 : i32
        %add3A_528 = arith.addi %mul3A_484, %add3A_527 : i32
        %get3A_529 = arith.index_cast %add3A_528 : i32 to index
        %get3A_530 = tpu.vector_load %arg6[%get3A_529] {strides = array<i32>} : memref<32768xf32, #tpu.memory_space<vmem>>, vector<16xf32>,
        %mul3A_531 = arith.mulf %get3A_530, %gather3A_482 : vector<16xf32>
        %swap3A_532 = arith.index_cast %add3A_528 : i32 to index
        %swap3A_533 = tpu.vector_load %arg6[%swap3A_532] {strides = array<i32>} : memref<32768xf32, #tpu.memory_space<vmem>>, vector<16xf32>,
        tpu.vector_store %arg6[%swap3A_532], %mul3A_531 {strides = array<i32>} : memref<32768xf32, #tpu.memory_space<vmem>>, vector<16xf32>,
        %add3A_534 = arith.constant 112 : i32
        %add3A_535 = arith.addi %mul3A_484, %add3A_534 : i32
        %get3A_536 = arith.index_cast %add3A_535 : i32 to index
        %get3A_537 = tpu.vector_load %arg6[%get3A_536] {strides = array<i32>} : memref<32768xf32, #tpu.memory_space<vmem>>, vector<16xf32>,
        %mul3A_538 = arith.mulf %get3A_537, %gather3A_482 : vector<16xf32>
        %swap3A_539 = arith.index_cast %add3A_535 : i32 to index
        %swap3A_540 = tpu.vector_load %arg6[%swap3A_539] {strides = array<i32>} : memref<32768xf32, #tpu.memory_space<vmem>>, vector<16xf32>,
        tpu.vector_store %arg6[%swap3A_539], %mul3A_538 {strides = array<i32>} : memref<32768xf32, #tpu.memory_space<vmem>>, vector<16xf32>,
        %add3A_541 = arith.constant 128 : i32
        %add3A_542 = arith.addi %mul3A_484, %add3A_541 : i32
        %get3A_543 = arith.index_cast %add3A_542 : i32 to index
        %get3A_544 = tpu.vector_load %arg6[%get3A_543] {strides = array<i32>} : memref<32768xf32, #tpu.memory_space<vmem>>, vector<16xf32>,
        %mul3A_545 = arith.mulf %get3A_544, %gather3A_482 : vector<16xf32>
        %swap3A_546 = arith.index_cast %add3A_542 : i32 to index
        %swap3A_547 = tpu.vector_load %arg6[%swap3A_546] {strides = array<i32>} : memref<32768xf32, #tpu.memory_space<vmem>>, vector<16xf32>,
        tpu.vector_store %arg6[%swap3A_546], %mul3A_545 {strides = array<i32>} : memref<32768xf32, #tpu.memory_space<vmem>>, vector<16xf32>,
        %add3A_548 = arith.constant 144 : i32
        %add3A_549 = arith.addi %mul3A_484, %add3A_548 : i32
        %get3A_550 = arith.index_cast %add3A_549 : i32 to index
        %get3A_551 = tpu.vector_load %arg6[%get3A_550] {strides = array<i32>} : memref<32768xf32, #tpu.memory_space<vmem>>, vector<16xf32>,
        %mul3A_552 = arith.mulf %get3A_551, %gather3A_482 : vector<16xf32>
        %swap3A_553 = arith.index_cast %add3A_549 : i32 to index
        %swap3A_554 = tpu.vector_load %arg6[%swap3A_553] {strides = array<i32>} : memref<32768xf32, #tpu.memory_space<vmem>>, vector<16xf32>,
        tpu.vector_store %arg6[%swap3A_553], %mul3A_552 {strides = array<i32>} : memref<32768xf32, #tpu.memory_space<vmem>>, vector<16xf32>,
        %add3A_555 = arith.constant 160 : i32
        %add3A_556 = arith.addi %mul3A_484, %add3A_555 : i32
        %get3A_557 = arith.index_cast %add3A_556 : i32 to index
        %get3A_558 = tpu.vector_load %arg6[%get3A_557] {strides = array<i32>} : memref<32768xf32, #tpu.memory_space<vmem>>, vector<16xf32>,
        %mul3A_559 = arith.mulf %get3A_558, %gather3A_482 : vector<16xf32>
        %swap3A_560 = arith.index_cast %add3A_556 : i32 to index
        %swap3A_561 = tpu.vector_load %arg6[%swap3A_560] {strides = array<i32>} : memref<32768xf32, #tpu.memory_space<vmem>>, vector<16xf32>,
        tpu.vector_store %arg6[%swap3A_560], %mul3A_559 {strides = array<i32>} : memref<32768xf32, #tpu.memory_space<vmem>>, vector<16xf32>,
        %add3A_562 = arith.constant 176 : i32
        %add3A_563 = arith.addi %mul3A_484, %add3A_562 : i32
        %get3A_564 = arith.index_cast %add3A_563 : i32 to index
        %get3A_565 = tpu.vector_load %arg6[%get3A_564] {strides = array<i32>} : memref<32768xf32, #tpu.memory_space<vmem>>, vector<16xf32>,
        %mul3A_566 = arith.mulf %get3A_565, %gather3A_482 : vector<16xf32>
        %swap3A_567 = arith.index_cast %add3A_563 : i32 to index
        %swap3A_568 = tpu.vector_load %arg6[%swap3A_567] {strides = array<i32>} : memref<32768xf32, #tpu.memory_space<vmem>>, vector<16xf32>,
        tpu.vector_store %arg6[%swap3A_567], %mul3A_566 {strides = array<i32>} : memref<32768xf32, #tpu.memory_space<vmem>>, vector<16xf32>,
        %add3A_569 = arith.constant 192 : i32
        %add3A_570 = arith.addi %mul3A_484, %add3A_569 : i32
        %get3A_571 = arith.index_cast %add3A_570 : i32 to index
        %get3A_572 = tpu.vector_load %arg6[%get3A_571] {strides = array<i32>} : memref<32768xf32, #tpu.memory_space<vmem>>, vector<16xf32>,
        %mul3A_573 = arith.mulf %get3A_572, %gather3A_482 : vector<16xf32>
        %swap3A_574 = arith.index_cast %add3A_570 : i32 to index
        %swap3A_575 = tpu.vector_load %arg6[%swap3A_574] {strides = array<i32>} : memref<32768xf32, #tpu.memory_space<vmem>>, vector<16xf32>,
        tpu.vector_store %arg6[%swap3A_574], %mul3A_573 {strides = array<i32>} : memref<32768xf32, #tpu.memory_space<vmem>>, vector<16xf32>,
        %add3A_576 = arith.constant 208 : i32
        %add3A_577 = arith.addi %mul3A_484, %add3A_576 : i32
        %get3A_578 = arith.index_cast %add3A_577 : i32 to index
        %get3A_579 = tpu.vector_load %arg6[%get3A_578] {strides = array<i32>} : memref<32768xf32, #tpu.memory_space<vmem>>, vector<16xf32>,
        %mul3A_580 = arith.mulf %get3A_579, %gather3A_482 : vector<16xf32>
        %swap3A_581 = arith.index_cast %add3A_577 : i32 to index
        %swap3A_582 = tpu.vector_load %arg6[%swap3A_581] {strides = array<i32>} : memref<32768xf32, #tpu.memory_space<vmem>>, vector<16xf32>,
        tpu.vector_store %arg6[%swap3A_581], %mul3A_580 {strides = array<i32>} : memref<32768xf32, #tpu.memory_space<vmem>>, vector<16xf32>,
        %add3A_583 = arith.constant 224 : i32
        %add3A_584 = arith.addi %mul3A_484, %add3A_583 : i32
        %get3A_585 = arith.index_cast %add3A_584 : i32 to index
        %get3A_586 = tpu.vector_load %arg6[%get3A_585] {strides = array<i32>} : memref<32768xf32, #tpu.memory_space<vmem>>, vector<16xf32>,
        %mul3A_587 = arith.mulf %get3A_586, %gather3A_482 : vector<16xf32>
        %swap3A_588 = arith.index_cast %add3A_584 : i32 to index
        %swap3A_589 = tpu.vector_load %arg6[%swap3A_588] {strides = array<i32>} : memref<32768xf32, #tpu.memory_space<vmem>>, vector<16xf32>,
        tpu.vector_store %arg6[%swap3A_588], %mul3A_587 {strides = array<i32>} : memref<32768xf32, #tpu.memory_space<vmem>>, vector<16xf32>,
        %add3A_590 = arith.constant 240 : i32
        %add3A_591 = arith.addi %mul3A_484, %add3A_590 : i32
        %get3A_592 = arith.index_cast %add3A_591 : i32 to index
        %get3A_593 = tpu.vector_load %arg6[%get3A_592] {strides = array<i32>} : memref<32768xf32, #tpu.memory_space<vmem>>, vector<16xf32>,
        %mul3A_594 = arith.mulf %get3A_593, %gather3A_482 : vector<16xf32>
        %swap3A_595 = arith.index_cast %add3A_591 : i32 to index
        %swap3A_596 = tpu.vector_load %arg6[%swap3A_595] {strides = array<i32>} : memref<32768xf32, #tpu.memory_space<vmem>>, vector<16xf32>,
        tpu.vector_store %arg6[%swap3A_595], %mul3A_594 {strides = array<i32>} : memref<32768xf32, #tpu.memory_space<vmem>>, vector<16xf32>,
        %mul3A_597 = arith.constant 16 : i32
        %mul3A_598 = arith.muli %scan3A_124, %mul3A_597 : i32
        %add3A_599 = arith.constant 3 : i32
        %add3A_600 = arith.addi %mul3A_598, %add3A_599 : i32
        %add3A_601 = arith.constant 16 : i32
        %add3A_602 = arith.addi %add3A_601, %add3A_600 : i32
        %broadcast_in_dim3A_603 = vector.broadcast %add3A_602 : i32 to vector<16xi32>
        %gather3A_604 = tpu.vector_load_idx %arg7[%broadcast_in_dim3A_603] : memref<144xf32, #tpu.memory_space<vmem>>[vector<16xi32>], vector<16xf32>,
        %mul3A_605 = arith.constant 256 : i32
        %mul3A_606 = arith.muli %add3A_600, %mul3A_605 : i32
        %add3A_607 = arith.constant 0 : i32
        %add3A_608 = arith.addi %mul3A_606, %add3A_607 : i32
        %get3A_609 = arith.index_cast %add3A_608 : i32 to index
        %get3A_610 = tpu.vector_load %arg6[%get3A_609] {strides = array<i32>} : memref<32768xf32, #tpu.memory_space<vmem>>, vector<16xf32>,
        %mul3A_611 = arith.mulf %get3A_610, %gather3A_604 : vector<16xf32>
        %swap3A_612 = arith.index_cast %add3A_608 : i32 to index
        %swap3A_613 = tpu.vector_load %arg6[%swap3A_612] {strides = array<i32>} : memref<32768xf32, #tpu.memory_space<vmem>>, vector<16xf32>,
        tpu.vector_store %arg6[%swap3A_612], %mul3A_611 {strides = array<i32>} : memref<32768xf32, #tpu.memory_space<vmem>>, vector<16xf32>,
        %add3A_614 = arith.constant 16 : i32
        %add3A_615 = arith.addi %mul3A_606, %add3A_614 : i32
        %get3A_616 = arith.index_cast %add3A_615 : i32 to index
        %get3A_617 = tpu.vector_load %arg6[%get3A_616] {strides = array<i32>} : memref<32768xf32, #tpu.memory_space<vmem>>, vector<16xf32>,
        %mul3A_618 = arith.mulf %get3A_617, %gather3A_604 : vector<16xf32>
        %swap3A_619 = arith.index_cast %add3A_615 : i32 to index
        %swap3A_620 = tpu.vector_load %arg6[%swap3A_619] {strides = array<i32>} : memref<32768xf32, #tpu.memory_space<vmem>>, vector<16xf32>,
        tpu.vector_store %arg6[%swap3A_619], %mul3A_618 {strides = array<i32>} : memref<32768xf32, #tpu.memory_space<vmem>>, vector<16xf32>,
        %add3A_621 = arith.constant 32 : i32
        %add3A_622 = arith.addi %mul3A_606, %add3A_621 : i32
        %get3A_623 = arith.index_cast %add3A_622 : i32 to index
        %get3A_624 = tpu.vector_load %arg6[%get3A_623] {strides = array<i32>} : memref<32768xf32, #tpu.memory_space<vmem>>, vector<16xf32>,
        %mul3A_625 = arith.mulf %get3A_624, %gather3A_604 : vector<16xf32>
        %swap3A_626 = arith.index_cast %add3A_622 : i32 to index
        %swap3A_627 = tpu.vector_load %arg6[%swap3A_626] {strides = array<i32>} : memref<32768xf32, #tpu.memory_space<vmem>>, vector<16xf32>,
        tpu.vector_store %arg6[%swap3A_626], %mul3A_625 {strides = array<i32>} : memref<32768xf32, #tpu.memory_space<vmem>>, vector<16xf32>,
        %add3A_628 = arith.constant 48 : i32
        %add3A_629 = arith.addi %mul3A_606, %add3A_628 : i32
        %get3A_630 = arith.index_cast %add3A_629 : i32 to index
        %get3A_631 = tpu.vector_load %arg6[%get3A_630] {strides = array<i32>} : memref<32768xf32, #tpu.memory_space<vmem>>, vector<16xf32>,
        %mul3A_632 = arith.mulf %get3A_631, %gather3A_604 : vector<16xf32>
        %swap3A_633 = arith.index_cast %add3A_629 : i32 to index
        %swap3A_634 = tpu.vector_load %arg6[%swap3A_633] {strides = array<i32>} : memref<32768xf32, #tpu.memory_space<vmem>>, vector<16xf32>,
        tpu.vector_store %arg6[%swap3A_633], %mul3A_632 {strides = array<i32>} : memref<32768xf32, #tpu.memory_space<vmem>>, vector<16xf32>,
        %add3A_635 = arith.constant 64 : i32
        %add3A_636 = arith.addi %mul3A_606, %add3A_635 : i32
        %get3A_637 = arith.index_cast %add3A_636 : i32 to index
        %get3A_638 = tpu.vector_load %arg6[%get3A_637] {strides = array<i32>} : memref<32768xf32, #tpu.memory_space<vmem>>, vector<16xf32>,
        %mul3A_639 = arith.mulf %get3A_638, %gather3A_604 : vector<16xf32>
        %swap3A_640 = arith.index_cast %add3A_636 : i32 to index
        %swap3A_641 = tpu.vector_load %arg6[%swap3A_640] {strides = array<i32>} : memref<32768xf32, #tpu.memory_space<vmem>>, vector<16xf32>,
        tpu.vector_store %arg6[%swap3A_640], %mul3A_639 {strides = array<i32>} : memref<32768xf32, #tpu.memory_space<vmem>>, vector<16xf32>,
        %add3A_642 = arith.constant 80 : i32
        %add3A_643 = arith.addi %mul3A_606, %add3A_642 : i32
        %get3A_644 = arith.index_cast %add3A_643 : i32 to index
        %get3A_645 = tpu.vector_load %arg6[%get3A_644] {strides = array<i32>} : memref<32768xf32, #tpu.memory_space<vmem>>, vector<16xf32>,
        %mul3A_646 = arith.mulf %get3A_645, %gather3A_604 : vector<16xf32>
        %swap3A_647 = arith.index_cast %add3A_643 : i32 to index
        %swap3A_648 = tpu.vector_load %arg6[%swap3A_647] {strides = array<i32>} : memref<32768xf32, #tpu.memory_space<vmem>>, vector<16xf32>,
        tpu.vector_store %arg6[%swap3A_647], %mul3A_646 {strides = array<i32>} : memref<32768xf32, #tpu.memory_space<vmem>>, vector<16xf32>,
        %add3A_649 = arith.constant 96 : i32
        %add3A_650 = arith.addi %mul3A_606, %add3A_649 : i32
        %get3A_651 = arith.index_cast %add3A_650 : i32 to index
        %get3A_652 = tpu.vector_load %arg6[%get3A_651] {strides = array<i32>} : memref<32768xf32, #tpu.memory_space<vmem>>, vector<16xf32>,
        %mul3A_653 = arith.mulf %get3A_652, %gather3A_604 : vector<16xf32>
        %swap3A_654 = arith.index_cast %add3A_650 : i32 to index
        %swap3A_655 = tpu.vector_load %arg6[%swap3A_654] {strides = array<i32>} : memref<32768xf32, #tpu.memory_space<vmem>>, vector<16xf32>,
        tpu.vector_store %arg6[%swap3A_654], %mul3A_653 {strides = array<i32>} : memref<32768xf32, #tpu.memory_space<vmem>>, vector<16xf32>,
        %add3A_656 = arith.constant 112 : i32
        %add3A_657 = arith.addi %mul3A_606, %add3A_656 : i32
        %get3A_658 = arith.index_cast %add3A_657 : i32 to index
        %get3A_659 = tpu.vector_load %arg6[%get3A_658] {strides = array<i32>} : memref<32768xf32, #tpu.memory_space<vmem>>, vector<16xf32>,
        %mul3A_660 = arith.mulf %get3A_659, %gather3A_604 : vector<16xf32>
        %swap3A_661 = arith.index_cast %add3A_657 : i32 to index
        %swap3A_662 = tpu.vector_load %arg6[%swap3A_661] {strides = array<i32>} : memref<32768xf32, #tpu.memory_space<vmem>>, vector<16xf32>,
        tpu.vector_store %arg6[%swap3A_661], %mul3A_660 {strides = array<i32>} : memref<32768xf32, #tpu.memory_space<vmem>>, vector<16xf32>,
        %add3A_663 = arith.constant 128 : i32
        %add3A_664 = arith.addi %mul3A_606, %add3A_663 : i32
        %get3A_665 = arith.index_cast %add3A_664 : i32 to index
        %get3A_666 = tpu.vector_load %arg6[%get3A_665] {strides = array<i32>} : memref<32768xf32, #tpu.memory_space<vmem>>, vector<16xf32>,
        %mul3A_667 = arith.mulf %get3A_666, %gather3A_604 : vector<16xf32>
        %swap3A_668 = arith.index_cast %add3A_664 : i32 to index
        %swap3A_669 = tpu.vector_load %arg6[%swap3A_668] {strides = array<i32>} : memref<32768xf32, #tpu.memory_space<vmem>>, vector<16xf32>,
        tpu.vector_store %arg6[%swap3A_668], %mul3A_667 {strides = array<i32>} : memref<32768xf32, #tpu.memory_space<vmem>>, vector<16xf32>,
        %add3A_670 = arith.constant 144 : i32
        %add3A_671 = arith.addi %mul3A_606, %add3A_670 : i32
        %get3A_672 = arith.index_cast %add3A_671 : i32 to index
        %get3A_673 = tpu.vector_load %arg6[%get3A_672] {strides = array<i32>} : memref<32768xf32, #tpu.memory_space<vmem>>, vector<16xf32>,
        %mul3A_674 = arith.mulf %get3A_673, %gather3A_604 : vector<16xf32>
        %swap3A_675 = arith.index_cast %add3A_671 : i32 to index
        %swap3A_676 = tpu.vector_load %arg6[%swap3A_675] {strides = array<i32>} : memref<32768xf32, #tpu.memory_space<vmem>>, vector<16xf32>,
        tpu.vector_store %arg6[%swap3A_675], %mul3A_674 {strides = array<i32>} : memref<32768xf32, #tpu.memory_space<vmem>>, vector<16xf32>,
        %add3A_677 = arith.constant 160 : i32
        %add3A_678 = arith.addi %mul3A_606, %add3A_677 : i32
        %get3A_679 = arith.index_cast %add3A_678 : i32 to index
        %get3A_680 = tpu.vector_load %arg6[%get3A_679] {strides = array<i32>} : memref<32768xf32, #tpu.memory_space<vmem>>, vector<16xf32>,
        %mul3A_681 = arith.mulf %get3A_680, %gather3A_604 : vector<16xf32>
        %swap3A_682 = arith.index_cast %add3A_678 : i32 to index
        %swap3A_683 = tpu.vector_load %arg6[%swap3A_682] {strides = array<i32>} : memref<32768xf32, #tpu.memory_space<vmem>>, vector<16xf32>,
        tpu.vector_store %arg6[%swap3A_682], %mul3A_681 {strides = array<i32>} : memref<32768xf32, #tpu.memory_space<vmem>>, vector<16xf32>,
        %add3A_684 = arith.constant 176 : i32
        %add3A_685 = arith.addi %mul3A_606, %add3A_684 : i32
        %get3A_686 = arith.index_cast %add3A_685 : i32 to index
        %get3A_687 = tpu.vector_load %arg6[%get3A_686] {strides = array<i32>} : memref<32768xf32, #tpu.memory_space<vmem>>, vector<16xf32>,
        %mul3A_688 = arith.mulf %get3A_687, %gather3A_604 : vector<16xf32>
        %swap3A_689 = arith.index_cast %add3A_685 : i32 to index
        %swap3A_690 = tpu.vector_load %arg6[%swap3A_689] {strides = array<i32>} : memref<32768xf32, #tpu.memory_space<vmem>>, vector<16xf32>,
        tpu.vector_store %arg6[%swap3A_689], %mul3A_688 {strides = array<i32>} : memref<32768xf32, #tpu.memory_space<vmem>>, vector<16xf32>,
        %add3A_691 = arith.constant 192 : i32
        %add3A_692 = arith.addi %mul3A_606, %add3A_691 : i32
        %get3A_693 = arith.index_cast %add3A_692 : i32 to index
        %get3A_694 = tpu.vector_load %arg6[%get3A_693] {strides = array<i32>} : memref<32768xf32, #tpu.memory_space<vmem>>, vector<16xf32>,
        %mul3A_695 = arith.mulf %get3A_694, %gather3A_604 : vector<16xf32>
        %swap3A_696 = arith.index_cast %add3A_692 : i32 to index
        %swap3A_697 = tpu.vector_load %arg6[%swap3A_696] {strides = array<i32>} : memref<32768xf32, #tpu.memory_space<vmem>>, vector<16xf32>,
        tpu.vector_store %arg6[%swap3A_696], %mul3A_695 {strides = array<i32>} : memref<32768xf32, #tpu.memory_space<vmem>>, vector<16xf32>,
        %add3A_698 = arith.constant 208 : i32
        %add3A_699 = arith.addi %mul3A_606, %add3A_698 : i32
        %get3A_700 = arith.index_cast %add3A_699 : i32 to index
        %get3A_701 = tpu.vector_load %arg6[%get3A_700] {strides = array<i32>} : memref<32768xf32, #tpu.memory_space<vmem>>, vector<16xf32>,
        %mul3A_702 = arith.mulf %get3A_701, %gather3A_604 : vector<16xf32>
        %swap3A_703 = arith.index_cast %add3A_699 : i32 to index
        %swap3A_704 = tpu.vector_load %arg6[%swap3A_703] {strides = array<i32>} : memref<32768xf32, #tpu.memory_space<vmem>>, vector<16xf32>,
        tpu.vector_store %arg6[%swap3A_703], %mul3A_702 {strides = array<i32>} : memref<32768xf32, #tpu.memory_space<vmem>>, vector<16xf32>,
        %add3A_705 = arith.constant 224 : i32
        %add3A_706 = arith.addi %mul3A_606, %add3A_705 : i32
        %get3A_707 = arith.index_cast %add3A_706 : i32 to index
        %get3A_708 = tpu.vector_load %arg6[%get3A_707] {strides = array<i32>} : memref<32768xf32, #tpu.memory_space<vmem>>, vector<16xf32>,
        %mul3A_709 = arith.mulf %get3A_708, %gather3A_604 : vector<16xf32>
        %swap3A_710 = arith.index_cast %add3A_706 : i32 to index
        %swap3A_711 = tpu.vector_load %arg6[%swap3A_710] {strides = array<i32>} : memref<32768xf32, #tpu.memory_space<vmem>>, vector<16xf32>,
        tpu.vector_store %arg6[%swap3A_710], %mul3A_709 {strides = array<i32>} : memref<32768xf32, #tpu.memory_space<vmem>>, vector<16xf32>,
        %add3A_712 = arith.constant 240 : i32
        %add3A_713 = arith.addi %mul3A_606, %add3A_712 : i32
        %get3A_714 = arith.index_cast %add3A_713 : i32 to index
        %get3A_715 = tpu.vector_load %arg6[%get3A_714] {strides = array<i32>} : memref<32768xf32, #tpu.memory_space<vmem>>, vector<16xf32>,
        %mul3A_716 = arith.mulf %get3A_715, %gather3A_604 : vector<16xf32>
        %swap3A_717 = arith.index_cast %add3A_713 : i32 to index
        %swap3A_718 = tpu.vector_load %arg6[%swap3A_717] {strides = array<i32>} : memref<32768xf32, #tpu.memory_space<vmem>>, vector<16xf32>,
        tpu.vector_store %arg6[%swap3A_717], %mul3A_716 {strides = array<i32>} : memref<32768xf32, #tpu.memory_space<vmem>>, vector<16xf32>,
        %mul3A_719 = arith.constant 16 : i32
        %mul3A_720 = arith.muli %scan3A_124, %mul3A_719 : i32
        %add3A_721 = arith.constant 4 : i32
        %add3A_722 = arith.addi %mul3A_720, %add3A_721 : i32
        %add3A_723 = arith.constant 16 : i32
        %add3A_724 = arith.addi %add3A_723, %add3A_722 : i32
        %broadcast_in_dim3A_725 = vector.broadcast %add3A_724 : i32 to vector<16xi32>
        %gather3A_726 = tpu.vector_load_idx %arg7[%broadcast_in_dim3A_725] : memref<144xf32, #tpu.memory_space<vmem>>[vector<16xi32>], vector<16xf32>,
        %mul3A_727 = arith.constant 256 : i32
        %mul3A_728 = arith.muli %add3A_722, %mul3A_727 : i32
        %add3A_729 = arith.constant 0 : i32
        %add3A_730 = arith.addi %mul3A_728, %add3A_729 : i32
        %get3A_731 = arith.index_cast %add3A_730 : i32 to index
        %get3A_732 = tpu.vector_load %arg6[%get3A_731] {strides = array<i32>} : memref<32768xf32, #tpu.memory_space<vmem>>, vector<16xf32>,
        %mul3A_733 = arith.mulf %get3A_732, %gather3A_726 : vector<16xf32>
        %swap3A_734 = arith.index_cast %add3A_730 : i32 to index
        %swap3A_735 = tpu.vector_load %arg6[%swap3A_734] {strides = array<i32>} : memref<32768xf32, #tpu.memory_space<vmem>>, vector<16xf32>,
        tpu.vector_store %arg6[%swap3A_734], %mul3A_733 {strides = array<i32>} : memref<32768xf32, #tpu.memory_space<vmem>>, vector<16xf32>,
        %add3A_736 = arith.constant 16 : i32
        %add3A_737 = arith.addi %mul3A_728, %add3A_736 : i32
        %get3A_738 = arith.index_cast %add3A_737 : i32 to index
        %get3A_739 = tpu.vector_load %arg6[%get3A_738] {strides = array<i32>} : memref<32768xf32, #tpu.memory_space<vmem>>, vector<16xf32>,
        %mul3A_740 = arith.mulf %get3A_739, %gather3A_726 : vector<16xf32>
        %swap3A_741 = arith.index_cast %add3A_737 : i32 to index
        %swap3A_742 = tpu.vector_load %arg6[%swap3A_741] {strides = array<i32>} : memref<32768xf32, #tpu.memory_space<vmem>>, vector<16xf32>,
        tpu.vector_store %arg6[%swap3A_741], %mul3A_740 {strides = array<i32>} : memref<32768xf32, #tpu.memory_space<vmem>>, vector<16xf32>,
        %add3A_743 = arith.constant 32 : i32
        %add3A_744 = arith.addi %mul3A_728, %add3A_743 : i32
        %get3A_745 = arith.index_cast %add3A_744 : i32 to index
        %get3A_746 = tpu.vector_load %arg6[%get3A_745] {strides = array<i32>} : memref<32768xf32, #tpu.memory_space<vmem>>, vector<16xf32>,
        %mul3A_747 = arith.mulf %get3A_746, %gather3A_726 : vector<16xf32>
        %swap3A_748 = arith.index_cast %add3A_744 : i32 to index
        %swap3A_749 = tpu.vector_load %arg6[%swap3A_748] {strides = array<i32>} : memref<32768xf32, #tpu.memory_space<vmem>>, vector<16xf32>,
        tpu.vector_store %arg6[%swap3A_748], %mul3A_747 {strides = array<i32>} : memref<32768xf32, #tpu.memory_space<vmem>>, vector<16xf32>,
        %add3A_750 = arith.constant 48 : i32
        %add3A_751 = arith.addi %mul3A_728, %add3A_750 : i32
        %get3A_752 = arith.index_cast %add3A_751 : i32 to index
        %get3A_753 = tpu.vector_load %arg6[%get3A_752] {strides = array<i32>} : memref<32768xf32, #tpu.memory_space<vmem>>, vector<16xf32>,
        %mul3A_754 = arith.mulf %get3A_753, %gather3A_726 : vector<16xf32>
        %swap3A_755 = arith.index_cast %add3A_751 : i32 to index
        %swap3A_756 = tpu.vector_load %arg6[%swap3A_755] {strides = array<i32>} : memref<32768xf32, #tpu.memory_space<vmem>>, vector<16xf32>,
        tpu.vector_store %arg6[%swap3A_755], %mul3A_754 {strides = array<i32>} : memref<32768xf32, #tpu.memory_space<vmem>>, vector<16xf32>,
        %add3A_757 = arith.constant 64 : i32
        %add3A_758 = arith.addi %mul3A_728, %add3A_757 : i32
        %get3A_759 = arith.index_cast %add3A_758 : i32 to index
        %get3A_760 = tpu.vector_load %arg6[%get3A_759] {strides = array<i32>} : memref<32768xf32, #tpu.memory_space<vmem>>, vector<16xf32>,
        %mul3A_761 = arith.mulf %get3A_760, %gather3A_726 : vector<16xf32>
        %swap3A_762 = arith.index_cast %add3A_758 : i32 to index
        %swap3A_763 = tpu.vector_load %arg6[%swap3A_762] {strides = array<i32>} : memref<32768xf32, #tpu.memory_space<vmem>>, vector<16xf32>,
        tpu.vector_store %arg6[%swap3A_762], %mul3A_761 {strides = array<i32>} : memref<32768xf32, #tpu.memory_space<vmem>>, vector<16xf32>,
        %add3A_764 = arith.constant 80 : i32
        %add3A_765 = arith.addi %mul3A_728, %add3A_764 : i32
        %get3A_766 = arith.index_cast %add3A_765 : i32 to index
        %get3A_767 = tpu.vector_load %arg6[%get3A_766] {strides = array<i32>} : memref<32768xf32, #tpu.memory_space<vmem>>, vector<16xf32>,
        %mul3A_768 = arith.mulf %get3A_767, %gather3A_726 : vector<16xf32>
        %swap3A_769 = arith.index_cast %add3A_765 : i32 to index
        %swap3A_770 = tpu.vector_load %arg6[%swap3A_769] {strides = array<i32>} : memref<32768xf32, #tpu.memory_space<vmem>>, vector<16xf32>,
        tpu.vector_store %arg6[%swap3A_769], %mul3A_768 {strides = array<i32>} : memref<32768xf32, #tpu.memory_space<vmem>>, vector<16xf32>,
        %add3A_771 = arith.constant 96 : i32
        %add3A_772 = arith.addi %mul3A_728, %add3A_771 : i32
        %get3A_773 = arith.index_cast %add3A_772 : i32 to index
        %get3A_774 = tpu.vector_load %arg6[%get3A_773] {strides = array<i32>} : memref<32768xf32, #tpu.memory_space<vmem>>, vector<16xf32>,
        %mul3A_775 = arith.mulf %get3A_774, %gather3A_726 : vector<16xf32>
        %swap3A_776 = arith.index_cast %add3A_772 : i32 to index
        %swap3A_777 = tpu.vector_load %arg6[%swap3A_776] {strides = array<i32>} : memref<32768xf32, #tpu.memory_space<vmem>>, vector<16xf32>,
        tpu.vector_store %arg6[%swap3A_776], %mul3A_775 {strides = array<i32>} : memref<32768xf32, #tpu.memory_space<vmem>>, vector<16xf32>,
        %add3A_778 = arith.constant 112 : i32
        %add3A_779 = arith.addi %mul3A_728, %add3A_778 : i32
        %get3A_780 = arith.index_cast %add3A_779 : i32 to index
        %get3A_781 = tpu.vector_load %arg6[%get3A_780] {strides = array<i32>} : memref<32768xf32, #tpu.memory_space<vmem>>, vector<16xf32>,
        %mul3A_782 = arith.mulf %get3A_781, %gather3A_726 : vector<16xf32>
        %swap3A_783 = arith.index_cast %add3A_779 : i32 to index
        %swap3A_784 = tpu.vector_load %arg6[%swap3A_783] {strides = array<i32>} : memref<32768xf32, #tpu.memory_space<vmem>>, vector<16xf32>,
        tpu.vector_store %arg6[%swap3A_783], %mul3A_782 {strides = array<i32>} : memref<32768xf32, #tpu.memory_space<vmem>>, vector<16xf32>,
        %add3A_785 = arith.constant 128 : i32
        %add3A_786 = arith.addi %mul3A_728, %add3A_785 : i32
        %get3A_787 = arith.index_cast %add3A_786 : i32 to index
        %get3A_788 = tpu.vector_load %arg6[%get3A_787] {strides = array<i32>} : memref<32768xf32, #tpu.memory_space<vmem>>, vector<16xf32>,
        %mul3A_789 = arith.mulf %get3A_788, %gather3A_726 : vector<16xf32>
        %swap3A_790 = arith.index_cast %add3A_786 : i32 to index
        %swap3A_791 = tpu.vector_load %arg6[%swap3A_790] {strides = array<i32>} : memref<32768xf32, #tpu.memory_space<vmem>>, vector<16xf32>,
        tpu.vector_store %arg6[%swap3A_790], %mul3A_789 {strides = array<i32>} : memref<32768xf32, #tpu.memory_space<vmem>>, vector<16xf32>,
        %add3A_792 = arith.constant 144 : i32
        %add3A_793 = arith.addi %mul3A_728, %add3A_792 : i32
        %get3A_794 = arith.index_cast %add3A_793 : i32 to index
        %get3A_795 = tpu.vector_load %arg6[%get3A_794] {strides = array<i32>} : memref<32768xf32, #tpu.memory_space<vmem>>, vector<16xf32>,
        %mul3A_796 = arith.mulf %get3A_795, %gather3A_726 : vector<16xf32>
        %swap3A_797 = arith.index_cast %add3A_793 : i32 to index
        %swap3A_798 = tpu.vector_load %arg6[%swap3A_797] {strides = array<i32>} : memref<32768xf32, #tpu.memory_space<vmem>>, vector<16xf32>,
        tpu.vector_store %arg6[%swap3A_797], %mul3A_796 {strides = array<i32>} : memref<32768xf32, #tpu.memory_space<vmem>>, vector<16xf32>,
        %add3A_799 = arith.constant 160 : i32
        %add3A_800 = arith.addi %mul3A_728, %add3A_799 : i32
        %get3A_801 = arith.index_cast %add3A_800 : i32 to index
        %get3A_802 = tpu.vector_load %arg6[%get3A_801] {strides = array<i32>} : memref<32768xf32, #tpu.memory_space<vmem>>, vector<16xf32>,
        %mul3A_803 = arith.mulf %get3A_802, %gather3A_726 : vector<16xf32>
        %swap3A_804 = arith.index_cast %add3A_800 : i32 to index
        %swap3A_805 = tpu.vector_load %arg6[%swap3A_804] {strides = array<i32>} : memref<32768xf32, #tpu.memory_space<vmem>>, vector<16xf32>,
        tpu.vector_store %arg6[%swap3A_804], %mul3A_803 {strides = array<i32>} : memref<32768xf32, #tpu.memory_space<vmem>>, vector<16xf32>,
        %add3A_806 = arith.constant 176 : i32
        %add3A_807 = arith.addi %mul3A_728, %add3A_806 : i32
        %get3A_808 = arith.index_cast %add3A_807 : i32 to index
        %get3A_809 = tpu.vector_load %arg6[%get3A_808] {strides = array<i32>} : memref<32768xf32, #tpu.memory_space<vmem>>, vector<16xf32>,
        %mul3A_810 = arith.mulf %get3A_809, %gather3A_726 : vector<16xf32>
        %swap3A_811 = arith.index_cast %add3A_807 : i32 to index
        %swap3A_812 = tpu.vector_load %arg6[%swap3A_811] {strides = array<i32>} : memref<32768xf32, #tpu.memory_space<vmem>>, vector<16xf32>,
        tpu.vector_store %arg6[%swap3A_811], %mul3A_810 {strides = array<i32>} : memref<32768xf32, #tpu.memory_space<vmem>>, vector<16xf32>,
        %add3A_813 = arith.constant 192 : i32
        %add3A_814 = arith.addi %mul3A_728, %add3A_813 : i32
        %get3A_815 = arith.index_cast %add3A_814 : i32 to index
        %get3A_816 = tpu.vector_load %arg6[%get3A_815] {strides = array<i32>} : memref<32768xf32, #tpu.memory_space<vmem>>, vector<16xf32>,
        %mul3A_817 = arith.mulf %get3A_816, %gather3A_726 : vector<16xf32>
        %swap3A_818 = arith.index_cast %add3A_814 : i32 to index
        %swap3A_819 = tpu.vector_load %arg6[%swap3A_818] {strides = array<i32>} : memref<32768xf32, #tpu.memory_space<vmem>>, vector<16xf32>,
        tpu.vector_store %arg6[%swap3A_818], %mul3A_817 {strides = array<i32>} : memref<32768xf32, #tpu.memory_space<vmem>>, vector<16xf32>,
        %add3A_820 = arith.constant 208 : i32
        %add3A_821 = arith.addi %mul3A_728, %add3A_820 : i32
        %get3A_822 = arith.index_cast %add3A_821 : i32 to index
        %get3A_823 = tpu.vector_load %arg6[%get3A_822] {strides = array<i32>} : memref<32768xf32, #tpu.memory_space<vmem>>, vector<16xf32>,
        %mul3A_824 = arith.mulf %get3A_823, %gather3A_726 : vector<16xf32>
        %swap3A_825 = arith.index_cast %add3A_821 : i32 to index
        %swap3A_826 = tpu.vector_load %arg6[%swap3A_825] {strides = array<i32>} : memref<32768xf32, #tpu.memory_space<vmem>>, vector<16xf32>,
        tpu.vector_store %arg6[%swap3A_825], %mul3A_824 {strides = array<i32>} : memref<32768xf32, #tpu.memory_space<vmem>>, vector<16xf32>,
        %add3A_827 = arith.constant 224 : i32
        %add3A_828 = arith.addi %mul3A_728, %add3A_827 : i32
        %get3A_829 = arith.index_cast %add3A_828 : i32 to index
        %get3A_830 = tpu.vector_load %arg6[%get3A_829] {strides = array<i32>} : memref<32768xf32, #tpu.memory_space<vmem>>, vector<16xf32>,
        %mul3A_831 = arith.mulf %get3A_830, %gather3A_726 : vector<16xf32>
        %swap3A_832 = arith.index_cast %add3A_828 : i32 to index
        %swap3A_833 = tpu.vector_load %arg6[%swap3A_832] {strides = array<i32>} : memref<32768xf32, #tpu.memory_space<vmem>>, vector<16xf32>,
        tpu.vector_store %arg6[%swap3A_832], %mul3A_831 {strides = array<i32>} : memref<32768xf32, #tpu.memory_space<vmem>>, vector<16xf32>,
        %add3A_834 = arith.constant 240 : i32
        %add3A_835 = arith.addi %mul3A_728, %add3A_834 : i32
        %get3A_836 = arith.index_cast %add3A_835 : i32 to index
        %get3A_837 = tpu.vector_load %arg6[%get3A_836] {strides = array<i32>} : memref<32768xf32, #tpu.memory_space<vmem>>, vector<16xf32>,
        %mul3A_838 = arith.mulf %get3A_837, %gather3A_726 : vector<16xf32>
        %swap3A_839 = arith.index_cast %add3A_835 : i32 to index
        %swap3A_840 = tpu.vector_load %arg6[%swap3A_839] {strides = array<i32>} : memref<32768xf32, #tpu.memory_space<vmem>>, vector<16xf32>,
        tpu.vector_store %arg6[%swap3A_839], %mul3A_838 {strides = array<i32>} : memref<32768xf32, #tpu.memory_space<vmem>>, vector<16xf32>,
        %mul3A_841 = arith.constant 16 : i32
        %mul3A_842 = arith.muli %scan3A_124, %mul3A_841 : i32
        %add3A_843 = arith.constant 5 : i32
        %add3A_844 = arith.addi %mul3A_842, %add3A_843 : i32
        %add3A_845 = arith.constant 16 : i32
        %add3A_846 = arith.addi %add3A_845, %add3A_844 : i32
        %broadcast_in_dim3A_847 = vector.broadcast %add3A_846 : i32 to vector<16xi32>
        %gather3A_848 = tpu.vector_load_idx %arg7[%broadcast_in_dim3A_847] : memref<144xf32, #tpu.memory_space<vmem>>[vector<16xi32>], vector<16xf32>,
        %mul3A_849 = arith.constant 256 : i32
        %mul3A_850 = arith.muli %add3A_844, %mul3A_849 : i32
        %add3A_851 = arith.constant 0 : i32
        %add3A_852 = arith.addi %mul3A_850, %add3A_851 : i32
        %get3A_853 = arith.index_cast %add3A_852 : i32 to index
        %get3A_854 = tpu.vector_load %arg6[%get3A_853] {strides = array<i32>} : memref<32768xf32, #tpu.memory_space<vmem>>, vector<16xf32>,
        %mul3A_855 = arith.mulf %get3A_854, %gather3A_848 : vector<16xf32>
        %swap3A_856 = arith.index_cast %add3A_852 : i32 to index
        %swap3A_857 = tpu.vector_load %arg6[%swap3A_856] {strides = array<i32>} : memref<32768xf32, #tpu.memory_space<vmem>>, vector<16xf32>,
        tpu.vector_store %arg6[%swap3A_856], %mul3A_855 {strides = array<i32>} : memref<32768xf32, #tpu.memory_space<vmem>>, vector<16xf32>,
        %add3A_858 = arith.constant 16 : i32
        %add3A_859 = arith.addi %mul3A_850, %add3A_858 : i32
        %get3A_860 = arith.index_cast %add3A_859 : i32 to index
        %get3A_861 = tpu.vector_load %arg6[%get3A_860] {strides = array<i32>} : memref<32768xf32, #tpu.memory_space<vmem>>, vector<16xf32>,
        %mul3A_862 = arith.mulf %get3A_861, %gather3A_848 : vector<16xf32>
        %swap3A_863 = arith.index_cast %add3A_859 : i32 to index
        %swap3A_864 = tpu.vector_load %arg6[%swap3A_863] {strides = array<i32>} : memref<32768xf32, #tpu.memory_space<vmem>>, vector<16xf32>,
        tpu.vector_store %arg6[%swap3A_863], %mul3A_862 {strides = array<i32>} : memref<32768xf32, #tpu.memory_space<vmem>>, vector<16xf32>,
        %add3A_865 = arith.constant 32 : i32
        %add3A_866 = arith.addi %mul3A_850, %add3A_865 : i32
        %get3A_867 = arith.index_cast %add3A_866 : i32 to index
        %get3A_868 = tpu.vector_load %arg6[%get3A_867] {strides = array<i32>} : memref<32768xf32, #tpu.memory_space<vmem>>, vector<16xf32>,
        %mul3A_869 = arith.mulf %get3A_868, %gather3A_848 : vector<16xf32>
        %swap3A_870 = arith.index_cast %add3A_866 : i32 to index
        %swap3A_871 = tpu.vector_load %arg6[%swap3A_870] {strides = array<i32>} : memref<32768xf32, #tpu.memory_space<vmem>>, vector<16xf32>,
        tpu.vector_store %arg6[%swap3A_870], %mul3A_869 {strides = array<i32>} : memref<32768xf32, #tpu.memory_space<vmem>>, vector<16xf32>,
        %add3A_872 = arith.constant 48 : i32
        %add3A_873 = arith.addi %mul3A_850, %add3A_872 : i32
        %get3A_874 = arith.index_cast %add3A_873 : i32 to index
        %get3A_875 = tpu.vector_load %arg6[%get3A_874] {strides = array<i32>} : memref<32768xf32, #tpu.memory_space<vmem>>, vector<16xf32>,
        %mul3A_876 = arith.mulf %get3A_875, %gather3A_848 : vector<16xf32>
        %swap3A_877 = arith.index_cast %add3A_873 : i32 to index
        %swap3A_878 = tpu.vector_load %arg6[%swap3A_877] {strides = array<i32>} : memref<32768xf32, #tpu.memory_space<vmem>>, vector<16xf32>,
        tpu.vector_store %arg6[%swap3A_877], %mul3A_876 {strides = array<i32>} : memref<32768xf32, #tpu.memory_space<vmem>>, vector<16xf32>,
        %add3A_879 = arith.constant 64 : i32
        %add3A_880 = arith.addi %mul3A_850, %add3A_879 : i32
        %get3A_881 = arith.index_cast %add3A_880 : i32 to index
        %get3A_882 = tpu.vector_load %arg6[%get3A_881] {strides = array<i32>} : memref<32768xf32, #tpu.memory_space<vmem>>, vector<16xf32>,
        %mul3A_883 = arith.mulf %get3A_882, %gather3A_848 : vector<16xf32>
        %swap3A_884 = arith.index_cast %add3A_880 : i32 to index
        %swap3A_885 = tpu.vector_load %arg6[%swap3A_884] {strides = array<i32>} : memref<32768xf32, #tpu.memory_space<vmem>>, vector<16xf32>,
        tpu.vector_store %arg6[%swap3A_884], %mul3A_883 {strides = array<i32>} : memref<32768xf32, #tpu.memory_space<vmem>>, vector<16xf32>,
        %add3A_886 = arith.constant 80 : i32
        %add3A_887 = arith.addi %mul3A_850, %add3A_886 : i32
        %get3A_888 = arith.index_cast %add3A_887 : i32 to index
        %get3A_889 = tpu.vector_load %arg6[%get3A_888] {strides = array<i32>} : memref<32768xf32, #tpu.memory_space<vmem>>, vector<16xf32>,
        %mul3A_890 = arith.mulf %get3A_889, %gather3A_848 : vector<16xf32>
        %swap3A_891 = arith.index_cast %add3A_887 : i32 to index
        %swap3A_892 = tpu.vector_load %arg6[%swap3A_891] {strides = array<i32>} : memref<32768xf32, #tpu.memory_space<vmem>>, vector<16xf32>,
        tpu.vector_store %arg6[%swap3A_891], %mul3A_890 {strides = array<i32>} : memref<32768xf32, #tpu.memory_space<vmem>>, vector<16xf32>,
        %add3A_893 = arith.constant 96 : i32
        %add3A_894 = arith.addi %mul3A_850, %add3A_893 : i32
        %get3A_895 = arith.index_cast %add3A_894 : i32 to index
        %get3A_896 = tpu.vector_load %arg6[%get3A_895] {strides = array<i32>} : memref<32768xf32, #tpu.memory_space<vmem>>, vector<16xf32>,
        %mul3A_897 = arith.mulf %get3A_896, %gather3A_848 : vector<16xf32>
        %swap3A_898 = arith.index_cast %add3A_894 : i32 to index
        %swap3A_899 = tpu.vector_load %arg6[%swap3A_898] {strides = array<i32>} : memref<32768xf32, #tpu.memory_space<vmem>>, vector<16xf32>,
        tpu.vector_store %arg6[%swap3A_898], %mul3A_897 {strides = array<i32>} : memref<32768xf32, #tpu.memory_space<vmem>>, vector<16xf32>,
        %add3A_900 = arith.constant 112 : i32
        %add3A_901 = arith.addi %mul3A_850, %add3A_900 : i32
        %get3A_902 = arith.index_cast %add3A_901 : i32 to index
        %get3A_903 = tpu.vector_load %arg6[%get3A_902] {strides = array<i32>} : memref<32768xf32, #tpu.memory_space<vmem>>, vector<16xf32>,
        %mul3A_904 = arith.mulf %get3A_903, %gather3A_848 : vector<16xf32>
        %swap3A_905 = arith.index_cast %add3A_901 : i32 to index
        %swap3A_906 = tpu.vector_load %arg6[%swap3A_905] {strides = array<i32>} : memref<32768xf32, #tpu.memory_space<vmem>>, vector<16xf32>,
        tpu.vector_store %arg6[%swap3A_905], %mul3A_904 {strides = array<i32>} : memref<32768xf32, #tpu.memory_space<vmem>>, vector<16xf32>,
        %add3A_907 = arith.constant 128 : i32
        %add3A_908 = arith.addi %mul3A_850, %add3A_907 : i32
        %get3A_909 = arith.index_cast %add3A_908 : i32 to index
        %get3A_910 = tpu.vector_load %arg6[%get3A_909] {strides = array<i32>} : memref<32768xf32, #tpu.memory_space<vmem>>, vector<16xf32>,
        %mul3A_911 = arith.mulf %get3A_910, %gather3A_848 : vector<16xf32>
        %swap3A_912 = arith.index_cast %add3A_908 : i32 to index
        %swap3A_913 = tpu.vector_load %arg6[%swap3A_912] {strides = array<i32>} : memref<32768xf32, #tpu.memory_space<vmem>>, vector<16xf32>,
        tpu.vector_store %arg6[%swap3A_912], %mul3A_911 {strides = array<i32>} : memref<32768xf32, #tpu.memory_space<vmem>>, vector<16xf32>,
        %add3A_914 = arith.constant 144 : i32
        %add3A_915 = arith.addi %mul3A_850, %add3A_914 : i32
        %get3A_916 = arith.index_cast %add3A_915 : i32 to index
        %get3A_917 = tpu.vector_load %arg6[%get3A_916] {strides = array<i32>} : memref<32768xf32, #tpu.memory_space<vmem>>, vector<16xf32>,
        %mul3A_918 = arith.mulf %get3A_917, %gather3A_848 : vector<16xf32>
        %swap3A_919 = arith.index_cast %add3A_915 : i32 to index
        %swap3A_920 = tpu.vector_load %arg6[%swap3A_919] {strides = array<i32>} : memref<32768xf32, #tpu.memory_space<vmem>>, vector<16xf32>,
        tpu.vector_store %arg6[%swap3A_919], %mul3A_918 {strides = array<i32>} : memref<32768xf32, #tpu.memory_space<vmem>>, vector<16xf32>,
        %add3A_921 = arith.constant 160 : i32
        %add3A_922 = arith.addi %mul3A_850, %add3A_921 : i32
        %get3A_923 = arith.index_cast %add3A_922 : i32 to index
        %get3A_924 = tpu.vector_load %arg6[%get3A_923] {strides = array<i32>} : memref<32768xf32, #tpu.memory_space<vmem>>, vector<16xf32>,
        %mul3A_925 = arith.mulf %get3A_924, %gather3A_848 : vector<16xf32>
        %swap3A_926 = arith.index_cast %add3A_922 : i32 to index
        %swap3A_927 = tpu.vector_load %arg6[%swap3A_926] {strides = array<i32>} : memref<32768xf32, #tpu.memory_space<vmem>>, vector<16xf32>,
        tpu.vector_store %arg6[%swap3A_926], %mul3A_925 {strides = array<i32>} : memref<32768xf32, #tpu.memory_space<vmem>>, vector<16xf32>,
        %add3A_928 = arith.constant 176 : i32
        %add3A_929 = arith.addi %mul3A_850, %add3A_928 : i32
        %get3A_930 = arith.index_cast %add3A_929 : i32 to index
        %get3A_931 = tpu.vector_load %arg6[%get3A_930] {strides = array<i32>} : memref<32768xf32, #tpu.memory_space<vmem>>, vector<16xf32>,
        %mul3A_932 = arith.mulf %get3A_931, %gather3A_848 : vector<16xf32>
        %swap3A_933 = arith.index_cast %add3A_929 : i32 to index
        %swap3A_934 = tpu.vector_load %arg6[%swap3A_933] {strides = array<i32>} : memref<32768xf32, #tpu.memory_space<vmem>>, vector<16xf32>,
        tpu.vector_store %arg6[%swap3A_933], %mul3A_932 {strides = array<i32>} : memref<32768xf32, #tpu.memory_space<vmem>>, vector<16xf32>,
        %add3A_935 = arith.constant 192 : i32
        %add3A_936 = arith.addi %mul3A_850, %add3A_935 : i32
        %get3A_937 = arith.index_cast %add3A_936 : i32 to index
        %get3A_938 = tpu.vector_load %arg6[%get3A_937] {strides = array<i32>} : memref<32768xf32, #tpu.memory_space<vmem>>, vector<16xf32>,
        %mul3A_939 = arith.mulf %get3A_938, %gather3A_848 : vector<16xf32>
        %swap3A_940 = arith.index_cast %add3A_936 : i32 to index
        %swap3A_941 = tpu.vector_load %arg6[%swap3A_940] {strides = array<i32>} : memref<32768xf32, #tpu.memory_space<vmem>>, vector<16xf32>,
        tpu.vector_store %arg6[%swap3A_940], %mul3A_939 {strides = array<i32>} : memref<32768xf32, #tpu.memory_space<vmem>>, vector<16xf32>,
        %add3A_942 = arith.constant 208 : i32
        %add3A_943 = arith.addi %mul3A_850, %add3A_942 : i32
        %get3A_944 = arith.index_cast %add3A_943 : i32 to index
        %get3A_945 = tpu.vector_load %arg6[%get3A_944] {strides = array<i32>} : memref<32768xf32, #tpu.memory_space<vmem>>, vector<16xf32>,
        %mul3A_946 = arith.mulf %get3A_945, %gather3A_848 : vector<16xf32>
        %swap3A_947 = arith.index_cast %add3A_943 : i32 to index
        %swap3A_948 = tpu.vector_load %arg6[%swap3A_947] {strides = array<i32>} : memref<32768xf32, #tpu.memory_space<vmem>>, vector<16xf32>,
        tpu.vector_store %arg6[%swap3A_947], %mul3A_946 {strides = array<i32>} : memref<32768xf32, #tpu.memory_space<vmem>>, vector<16xf32>,
        %add3A_949 = arith.constant 224 : i32
        %add3A_950 = arith.addi %mul3A_850, %add3A_949 : i32
        %get3A_951 = arith.index_cast %add3A_950 : i32 to index
        %get3A_952 = tpu.vector_load %arg6[%get3A_951] {strides = array<i32>} : memref<32768xf32, #tpu.memory_space<vmem>>, vector<16xf32>,
        %mul3A_953 = arith.mulf %get3A_952, %gather3A_848 : vector<16xf32>
        %swap3A_954 = arith.index_cast %add3A_950 : i32 to index
        %swap3A_955 = tpu.vector_load %arg6[%swap3A_954] {strides = array<i32>} : memref<32768xf32, #tpu.memory_space<vmem>>, vector<16xf32>,
        tpu.vector_store %arg6[%swap3A_954], %mul3A_953 {strides = array<i32>} : memref<32768xf32, #tpu.memory_space<vmem>>, vector<16xf32>,
        %add3A_956 = arith.constant 240 : i32
        %add3A_957 = arith.addi %mul3A_850, %add3A_956 : i32
        %get3A_958 = arith.index_cast %add3A_957 : i32 to index
        %get3A_959 = tpu.vector_load %arg6[%get3A_958] {strides = array<i32>} : memref<32768xf32, #tpu.memory_space<vmem>>, vector<16xf32>,
        %mul3A_960 = arith.mulf %get3A_959, %gather3A_848 : vector<16xf32>
        %swap3A_961 = arith.index_cast %add3A_957 : i32 to index
        %swap3A_962 = tpu.vector_load %arg6[%swap3A_961] {strides = array<i32>} : memref<32768xf32, #tpu.memory_space<vmem>>, vector<16xf32>,
        tpu.vector_store %arg6[%swap3A_961], %mul3A_960 {strides = array<i32>} : memref<32768xf32, #tpu.memory_space<vmem>>, vector<16xf32>,
        %mul3A_963 = arith.constant 16 : i32
        %mul3A_964 = arith.muli %scan3A_124, %mul3A_963 : i32
        %add3A_965 = arith.constant 6 : i32
        %add3A_966 = arith.addi %mul3A_964, %add3A_965 : i32
        %add3A_967 = arith.constant 16 : i32
        %add3A_968 = arith.addi %add3A_967, %add3A_966 : i32
        %broadcast_in_dim3A_969 = vector.broadcast %add3A_968 : i32 to vector<16xi32>
        %gather3A_970 = tpu.vector_load_idx %arg7[%broadcast_in_dim3A_969] : memref<144xf32, #tpu.memory_space<vmem>>[vector<16xi32>], vector<16xf32>,
        %mul3A_971 = arith.constant 256 : i32
        %mul3A_972 = arith.muli %add3A_966, %mul3A_971 : i32
        %add3A_973 = arith.constant 0 : i32
        %add3A_974 = arith.addi %mul3A_972, %add3A_973 : i32
        %get3A_975 = arith.index_cast %add3A_974 : i32 to index
        %get3A_976 = tpu.vector_load %arg6[%get3A_975] {strides = array<i32>} : memref<32768xf32, #tpu.memory_space<vmem>>, vector<16xf32>,
        %mul3A_977 = arith.mulf %get3A_976, %gather3A_970 : vector<16xf32>
        %swap3A_978 = arith.index_cast %add3A_974 : i32 to index
        %swap3A_979 = tpu.vector_load %arg6[%swap3A_978] {strides = array<i32>} : memref<32768xf32, #tpu.memory_space<vmem>>, vector<16xf32>,
        tpu.vector_store %arg6[%swap3A_978], %mul3A_977 {strides = array<i32>} : memref<32768xf32, #tpu.memory_space<vmem>>, vector<16xf32>,
        %add3A_980 = arith.constant 16 : i32
        %add3A_981 = arith.addi %mul3A_972, %add3A_980 : i32
        %get3A_982 = arith.index_cast %add3A_981 : i32 to index
        %get3A_983 = tpu.vector_load %arg6[%get3A_982] {strides = array<i32>} : memref<32768xf32, #tpu.memory_space<vmem>>, vector<16xf32>,
        %mul3A_984 = arith.mulf %get3A_983, %gather3A_970 : vector<16xf32>
        %swap3A_985 = arith.index_cast %add3A_981 : i32 to index
        %swap3A_986 = tpu.vector_load %arg6[%swap3A_985] {strides = array<i32>} : memref<32768xf32, #tpu.memory_space<vmem>>, vector<16xf32>,
        tpu.vector_store %arg6[%swap3A_985], %mul3A_984 {strides = array<i32>} : memref<32768xf32, #tpu.memory_space<vmem>>, vector<16xf32>,
        %add3A_987 = arith.constant 32 : i32
        %add3A_988 = arith.addi %mul3A_972, %add3A_987 : i32
        %get3A_989 = arith.index_cast %add3A_988 : i32 to index
        %get3A_990 = tpu.vector_load %arg6[%get3A_989] {strides = array<i32>} : memref<32768xf32, #tpu.memory_space<vmem>>, vector<16xf32>,
        %mul3A_991 = arith.mulf %get3A_990, %gather3A_970 : vector<16xf32>
        %swap3A_992 = arith.index_cast %add3A_988 : i32 to index
        %swap3A_993 = tpu.vector_load %arg6[%swap3A_992] {strides = array<i32>} : memref<32768xf32, #tpu.memory_space<vmem>>, vector<16xf32>,
        tpu.vector_store %arg6[%swap3A_992], %mul3A_991 {strides = array<i32>} : memref<32768xf32, #tpu.memory_space<vmem>>, vector<16xf32>,
        %add3A_994 = arith.constant 48 : i32
        %add3A_995 = arith.addi %mul3A_972, %add3A_994 : i32
        %get3A_996 = arith.index_cast %add3A_995 : i32 to index
        %get3A_997 = tpu.vector_load %arg6[%get3A_996] {strides = array<i32>} : memref<32768xf32, #tpu.memory_space<vmem>>, vector<16xf32>,
        %mul3A_998 = arith.mulf %get3A_997, %gather3A_970 : vector<16xf32>
        %swap3A_999 = arith.index_cast %add3A_995 : i32 to index
        %swap3A_1000 = tpu.vector_load %arg6[%swap3A_999] {strides = array<i32>} : memref<32768xf32, #tpu.memory_space<vmem>>, vector<16xf32>,
        tpu.vector_store %arg6[%swap3A_999], %mul3A_998 {strides = array<i32>} : memref<32768xf32, #tpu.memory_space<vmem>>, vector<16xf32>,
        %add3A_1001 = arith.constant 64 : i32
        %add3A_1002 = arith.addi %mul3A_972, %add3A_1001 : i32
        %get3A_1003 = arith.index_cast %add3A_1002 : i32 to index
        %get3A_1004 = tpu.vector_load %arg6[%get3A_1003] {strides = array<i32>} : memref<32768xf32, #tpu.memory_space<vmem>>, vector<16xf32>,
        %mul3A_1005 = arith.mulf %get3A_1004, %gather3A_970 : vector<16xf32>
        %swap3A_1006 = arith.index_cast %add3A_1002 : i32 to index
        %swap3A_1007 = tpu.vector_load %arg6[%swap3A_1006] {strides = array<i32>} : memref<32768xf32, #tpu.memory_space<vmem>>, vector<16xf32>,
        tpu.vector_store %arg6[%swap3A_1006], %mul3A_1005 {strides = array<i32>} : memref<32768xf32, #tpu.memory_space<vmem>>, vector<16xf32>,
        %add3A_1008 = arith.constant 80 : i32
        %add3A_1009 = arith.addi %mul3A_972, %add3A_1008 : i32
        %get3A_1010 = arith.index_cast %add3A_1009 : i32 to index
        %get3A_1011 = tpu.vector_load %arg6[%get3A_1010] {strides = array<i32>} : memref<32768xf32, #tpu.memory_space<vmem>>, vector<16xf32>,
        %mul3A_1012 = arith.mulf %get3A_1011, %gather3A_970 : vector<16xf32>
        %swap3A_1013 = arith.index_cast %add3A_1009 : i32 to index
        %swap3A_1014 = tpu.vector_load %arg6[%swap3A_1013] {strides = array<i32>} : memref<32768xf32, #tpu.memory_space<vmem>>, vector<16xf32>,
        tpu.vector_store %arg6[%swap3A_1013], %mul3A_1012 {strides = array<i32>} : memref<32768xf32, #tpu.memory_space<vmem>>, vector<16xf32>,
        %add3A_1015 = arith.constant 96 : i32
        %add3A_1016 = arith.addi %mul3A_972, %add3A_1015 : i32
        %get3A_1017 = arith.index_cast %add3A_1016 : i32 to index
        %get3A_1018 = tpu.vector_load %arg6[%get3A_1017] {strides = array<i32>} : memref<32768xf32, #tpu.memory_space<vmem>>, vector<16xf32>,
        %mul3A_1019 = arith.mulf %get3A_1018, %gather3A_970 : vector<16xf32>
        %swap3A_1020 = arith.index_cast %add3A_1016 : i32 to index
        %swap3A_1021 = tpu.vector_load %arg6[%swap3A_1020] {strides = array<i32>} : memref<32768xf32, #tpu.memory_space<vmem>>, vector<16xf32>,
        tpu.vector_store %arg6[%swap3A_1020], %mul3A_1019 {strides = array<i32>} : memref<32768xf32, #tpu.memory_space<vmem>>, vector<16xf32>,
        %add3A_1022 = arith.constant 112 : i32
        %add3A_1023 = arith.addi %mul3A_972, %add3A_1022 : i32
        %get3A_1024 = arith.index_cast %add3A_1023 : i32 to index
        %get3A_1025 = tpu.vector_load %arg6[%get3A_1024] {strides = array<i32>} : memref<32768xf32, #tpu.memory_space<vmem>>, vector<16xf32>,
        %mul3A_1026 = arith.mulf %get3A_1025, %gather3A_970 : vector<16xf32>
        %swap3A_1027 = arith.index_cast %add3A_1023 : i32 to index
        %swap3A_1028 = tpu.vector_load %arg6[%swap3A_1027] {strides = array<i32>} : memref<32768xf32, #tpu.memory_space<vmem>>, vector<16xf32>,
        tpu.vector_store %arg6[%swap3A_1027], %mul3A_1026 {strides = array<i32>} : memref<32768xf32, #tpu.memory_space<vmem>>, vector<16xf32>,
        %add3A_1029 = arith.constant 128 : i32
        %add3A_1030 = arith.addi %mul3A_972, %add3A_1029 : i32
        %get3A_1031 = arith.index_cast %add3A_1030 : i32 to index
        %get3A_1032 = tpu.vector_load %arg6[%get3A_1031] {strides = array<i32>} : memref<32768xf32, #tpu.memory_space<vmem>>, vector<16xf32>,
        %mul3A_1033 = arith.mulf %get3A_1032, %gather3A_970 : vector<16xf32>
        %swap3A_1034 = arith.index_cast %add3A_1030 : i32 to index
        %swap3A_1035 = tpu.vector_load %arg6[%swap3A_1034] {strides = array<i32>} : memref<32768xf32, #tpu.memory_space<vmem>>, vector<16xf32>,
        tpu.vector_store %arg6[%swap3A_1034], %mul3A_1033 {strides = array<i32>} : memref<32768xf32, #tpu.memory_space<vmem>>, vector<16xf32>,
        %add3A_1036 = arith.constant 144 : i32
        %add3A_1037 = arith.addi %mul3A_972, %add3A_1036 : i32
        %get3A_1038 = arith.index_cast %add3A_1037 : i32 to index
        %get3A_1039 = tpu.vector_load %arg6[%get3A_1038] {strides = array<i32>} : memref<32768xf32, #tpu.memory_space<vmem>>, vector<16xf32>,
        %mul3A_1040 = arith.mulf %get3A_1039, %gather3A_970 : vector<16xf32>
        %swap3A_1041 = arith.index_cast %add3A_1037 : i32 to index
        %swap3A_1042 = tpu.vector_load %arg6[%swap3A_1041] {strides = array<i32>} : memref<32768xf32, #tpu.memory_space<vmem>>, vector<16xf32>,
        tpu.vector_store %arg6[%swap3A_1041], %mul3A_1040 {strides = array<i32>} : memref<32768xf32, #tpu.memory_space<vmem>>, vector<16xf32>,
        %add3A_1043 = arith.constant 160 : i32
        %add3A_1044 = arith.addi %mul3A_972, %add3A_1043 : i32
        %get3A_1045 = arith.index_cast %add3A_1044 : i32 to index
        %get3A_1046 = tpu.vector_load %arg6[%get3A_1045] {strides = array<i32>} : memref<32768xf32, #tpu.memory_space<vmem>>, vector<16xf32>,
        %mul3A_1047 = arith.mulf %get3A_1046, %gather3A_970 : vector<16xf32>
        %swap3A_1048 = arith.index_cast %add3A_1044 : i32 to index
        %swap3A_1049 = tpu.vector_load %arg6[%swap3A_1048] {strides = array<i32>} : memref<32768xf32, #tpu.memory_space<vmem>>, vector<16xf32>,
        tpu.vector_store %arg6[%swap3A_1048], %mul3A_1047 {strides = array<i32>} : memref<32768xf32, #tpu.memory_space<vmem>>, vector<16xf32>,
        %add3A_1050 = arith.constant 176 : i32
        %add3A_1051 = arith.addi %mul3A_972, %add3A_1050 : i32
        %get3A_1052 = arith.index_cast %add3A_1051 : i32 to index
        %get3A_1053 = tpu.vector_load %arg6[%get3A_1052] {strides = array<i32>} : memref<32768xf32, #tpu.memory_space<vmem>>, vector<16xf32>,
        %mul3A_1054 = arith.mulf %get3A_1053, %gather3A_970 : vector<16xf32>
        %swap3A_1055 = arith.index_cast %add3A_1051 : i32 to index
        %swap3A_1056 = tpu.vector_load %arg6[%swap3A_1055] {strides = array<i32>} : memref<32768xf32, #tpu.memory_space<vmem>>, vector<16xf32>,
        tpu.vector_store %arg6[%swap3A_1055], %mul3A_1054 {strides = array<i32>} : memref<32768xf32, #tpu.memory_space<vmem>>, vector<16xf32>,
        %add3A_1057 = arith.constant 192 : i32
        %add3A_1058 = arith.addi %mul3A_972, %add3A_1057 : i32
        %get3A_1059 = arith.index_cast %add3A_1058 : i32 to index
        %get3A_1060 = tpu.vector_load %arg6[%get3A_1059] {strides = array<i32>} : memref<32768xf32, #tpu.memory_space<vmem>>, vector<16xf32>,
        %mul3A_1061 = arith.mulf %get3A_1060, %gather3A_970 : vector<16xf32>
        %swap3A_1062 = arith.index_cast %add3A_1058 : i32 to index
        %swap3A_1063 = tpu.vector_load %arg6[%swap3A_1062] {strides = array<i32>} : memref<32768xf32, #tpu.memory_space<vmem>>, vector<16xf32>,
        tpu.vector_store %arg6[%swap3A_1062], %mul3A_1061 {strides = array<i32>} : memref<32768xf32, #tpu.memory_space<vmem>>, vector<16xf32>,
        %add3A_1064 = arith.constant 208 : i32
        %add3A_1065 = arith.addi %mul3A_972, %add3A_1064 : i32
        %get3A_1066 = arith.index_cast %add3A_1065 : i32 to index
        %get3A_1067 = tpu.vector_load %arg6[%get3A_1066] {strides = array<i32>} : memref<32768xf32, #tpu.memory_space<vmem>>, vector<16xf32>,
        %mul3A_1068 = arith.mulf %get3A_1067, %gather3A_970 : vector<16xf32>
        %swap3A_1069 = arith.index_cast %add3A_1065 : i32 to index
        %swap3A_1070 = tpu.vector_load %arg6[%swap3A_1069] {strides = array<i32>} : memref<32768xf32, #tpu.memory_space<vmem>>, vector<16xf32>,
        tpu.vector_store %arg6[%swap3A_1069], %mul3A_1068 {strides = array<i32>} : memref<32768xf32, #tpu.memory_space<vmem>>, vector<16xf32>,
        %add3A_1071 = arith.constant 224 : i32
        %add3A_1072 = arith.addi %mul3A_972, %add3A_1071 : i32
        %get3A_1073 = arith.index_cast %add3A_1072 : i32 to index
        %get3A_1074 = tpu.vector_load %arg6[%get3A_1073] {strides = array<i32>} : memref<32768xf32, #tpu.memory_space<vmem>>, vector<16xf32>,
        %mul3A_1075 = arith.mulf %get3A_1074, %gather3A_970 : vector<16xf32>
        %swap3A_1076 = arith.index_cast %add3A_1072 : i32 to index
        %swap3A_1077 = tpu.vector_load %arg6[%swap3A_1076] {strides = array<i32>} : memref<32768xf32, #tpu.memory_space<vmem>>, vector<16xf32>,
        tpu.vector_store %arg6[%swap3A_1076], %mul3A_1075 {strides = array<i32>} : memref<32768xf32, #tpu.memory_space<vmem>>, vector<16xf32>,
        %add3A_1078 = arith.constant 240 : i32
        %add3A_1079 = arith.addi %mul3A_972, %add3A_1078 : i32
        %get3A_1080 = arith.index_cast %add3A_1079 : i32 to index
        %get3A_1081 = tpu.vector_load %arg6[%get3A_1080] {strides = array<i32>} : memref<32768xf32, #tpu.memory_space<vmem>>, vector<16xf32>,
        %mul3A_1082 = arith.mulf %get3A_1081, %gather3A_970 : vector<16xf32>
        %swap3A_1083 = arith.index_cast %add3A_1079 : i32 to index
        %swap3A_1084 = tpu.vector_load %arg6[%swap3A_1083] {strides = array<i32>} : memref<32768xf32, #tpu.memory_space<vmem>>, vector<16xf32>,
        tpu.vector_store %arg6[%swap3A_1083], %mul3A_1082 {strides = array<i32>} : memref<32768xf32, #tpu.memory_space<vmem>>, vector<16xf32>,
        %mul3A_1085 = arith.constant 16 : i32
        %mul3A_1086 = arith.muli %scan3A_124, %mul3A_1085 : i32
        %add3A_1087 = arith.constant 7 : i32
        %add3A_1088 = arith.addi %mul3A_1086, %add3A_1087 : i32
        %add3A_1089 = arith.constant 16 : i32
        %add3A_1090 = arith.addi %add3A_1089, %add3A_1088 : i32
        %broadcast_in_dim3A_1091 = vector.broadcast %add3A_1090 : i32 to vector<16xi32>
        %gather3A_1092 = tpu.vector_load_idx %arg7[%broadcast_in_dim3A_1091] : memref<144xf32, #tpu.memory_space<vmem>>[vector<16xi32>], vector<16xf32>,
        %mul3A_1093 = arith.constant 256 : i32
        %mul3A_1094 = arith.muli %add3A_1088, %mul3A_1093 : i32
        %add3A_1095 = arith.constant 0 : i32
        %add3A_1096 = arith.addi %mul3A_1094, %add3A_1095 : i32
        %get3A_1097 = arith.index_cast %add3A_1096 : i32 to index
        %get3A_1098 = tpu.vector_load %arg6[%get3A_1097] {strides = array<i32>} : memref<32768xf32, #tpu.memory_space<vmem>>, vector<16xf32>,
        %mul3A_1099 = arith.mulf %get3A_1098, %gather3A_1092 : vector<16xf32>
        %swap3A_1100 = arith.index_cast %add3A_1096 : i32 to index
        %swap3A_1101 = tpu.vector_load %arg6[%swap3A_1100] {strides = array<i32>} : memref<32768xf32, #tpu.memory_space<vmem>>, vector<16xf32>,
        tpu.vector_store %arg6[%swap3A_1100], %mul3A_1099 {strides = array<i32>} : memref<32768xf32, #tpu.memory_space<vmem>>, vector<16xf32>,
        %add3A_1102 = arith.constant 16 : i32
        %add3A_1103 = arith.addi %mul3A_1094, %add3A_1102 : i32
        %get3A_1104 = arith.index_cast %add3A_1103 : i32 to index
        %get3A_1105 = tpu.vector_load %arg6[%get3A_1104] {strides = array<i32>} : memref<32768xf32, #tpu.memory_space<vmem>>, vector<16xf32>,
        %mul3A_1106 = arith.mulf %get3A_1105, %gather3A_1092 : vector<16xf32>
        %swap3A_1107 = arith.index_cast %add3A_1103 : i32 to index
        %swap3A_1108 = tpu.vector_load %arg6[%swap3A_1107] {strides = array<i32>} : memref<32768xf32, #tpu.memory_space<vmem>>, vector<16xf32>,
        tpu.vector_store %arg6[%swap3A_1107], %mul3A_1106 {strides = array<i32>} : memref<32768xf32, #tpu.memory_space<vmem>>, vector<16xf32>,
        %add3A_1109 = arith.constant 32 : i32
        %add3A_1110 = arith.addi %mul3A_1094, %add3A_1109 : i32
        %get3A_1111 = arith.index_cast %add3A_1110 : i32 to index
        %get3A_1112 = tpu.vector_load %arg6[%get3A_1111] {strides = array<i32>} : memref<32768xf32, #tpu.memory_space<vmem>>, vector<16xf32>,
        %mul3A_1113 = arith.mulf %get3A_1112, %gather3A_1092 : vector<16xf32>
        %swap3A_1114 = arith.index_cast %add3A_1110 : i32 to index
        %swap3A_1115 = tpu.vector_load %arg6[%swap3A_1114] {strides = array<i32>} : memref<32768xf32, #tpu.memory_space<vmem>>, vector<16xf32>,
        tpu.vector_store %arg6[%swap3A_1114], %mul3A_1113 {strides = array<i32>} : memref<32768xf32, #tpu.memory_space<vmem>>, vector<16xf32>,
        %add3A_1116 = arith.constant 48 : i32
        %add3A_1117 = arith.addi %mul3A_1094, %add3A_1116 : i32
        %get3A_1118 = arith.index_cast %add3A_1117 : i32 to index
        %get3A_1119 = tpu.vector_load %arg6[%get3A_1118] {strides = array<i32>} : memref<32768xf32, #tpu.memory_space<vmem>>, vector<16xf32>,
        %mul3A_1120 = arith.mulf %get3A_1119, %gather3A_1092 : vector<16xf32>
        %swap3A_1121 = arith.index_cast %add3A_1117 : i32 to index
        %swap3A_1122 = tpu.vector_load %arg6[%swap3A_1121] {strides = array<i32>} : memref<32768xf32, #tpu.memory_space<vmem>>, vector<16xf32>,
        tpu.vector_store %arg6[%swap3A_1121], %mul3A_1120 {strides = array<i32>} : memref<32768xf32, #tpu.memory_space<vmem>>, vector<16xf32>,
        %add3A_1123 = arith.constant 64 : i32
        %add3A_1124 = arith.addi %mul3A_1094, %add3A_1123 : i32
        %get3A_1125 = arith.index_cast %add3A_1124 : i32 to index
        %get3A_1126 = tpu.vector_load %arg6[%get3A_1125] {strides = array<i32>} : memref<32768xf32, #tpu.memory_space<vmem>>, vector<16xf32>,
        %mul3A_1127 = arith.mulf %get3A_1126, %gather3A_1092 : vector<16xf32>
        %swap3A_1128 = arith.index_cast %add3A_1124 : i32 to index
        %swap3A_1129 = tpu.vector_load %arg6[%swap3A_1128] {strides = array<i32>} : memref<32768xf32, #tpu.memory_space<vmem>>, vector<16xf32>,
        tpu.vector_store %arg6[%swap3A_1128], %mul3A_1127 {strides = array<i32>} : memref<32768xf32, #tpu.memory_space<vmem>>, vector<16xf32>,
        %add3A_1130 = arith.constant 80 : i32
        %add3A_1131 = arith.addi %mul3A_1094, %add3A_1130 : i32
        %get3A_1132 = arith.index_cast %add3A_1131 : i32 to index
        %get3A_1133 = tpu.vector_load %arg6[%get3A_1132] {strides = array<i32>} : memref<32768xf32, #tpu.memory_space<vmem>>, vector<16xf32>,
        %mul3A_1134 = arith.mulf %get3A_1133, %gather3A_1092 : vector<16xf32>
        %swap3A_1135 = arith.index_cast %add3A_1131 : i32 to index
        %swap3A_1136 = tpu.vector_load %arg6[%swap3A_1135] {strides = array<i32>} : memref<32768xf32, #tpu.memory_space<vmem>>, vector<16xf32>,
        tpu.vector_store %arg6[%swap3A_1135], %mul3A_1134 {strides = array<i32>} : memref<32768xf32, #tpu.memory_space<vmem>>, vector<16xf32>,
        %add3A_1137 = arith.constant 96 : i32
        %add3A_1138 = arith.addi %mul3A_1094, %add3A_1137 : i32
        %get3A_1139 = arith.index_cast %add3A_1138 : i32 to index
        %get3A_1140 = tpu.vector_load %arg6[%get3A_1139] {strides = array<i32>} : memref<32768xf32, #tpu.memory_space<vmem>>, vector<16xf32>,
        %mul3A_1141 = arith.mulf %get3A_1140, %gather3A_1092 : vector<16xf32>
        %swap3A_1142 = arith.index_cast %add3A_1138 : i32 to index
        %swap3A_1143 = tpu.vector_load %arg6[%swap3A_1142] {strides = array<i32>} : memref<32768xf32, #tpu.memory_space<vmem>>, vector<16xf32>,
        tpu.vector_store %arg6[%swap3A_1142], %mul3A_1141 {strides = array<i32>} : memref<32768xf32, #tpu.memory_space<vmem>>, vector<16xf32>,
        %add3A_1144 = arith.constant 112 : i32
        %add3A_1145 = arith.addi %mul3A_1094, %add3A_1144 : i32
        %get3A_1146 = arith.index_cast %add3A_1145 : i32 to index
        %get3A_1147 = tpu.vector_load %arg6[%get3A_1146] {strides = array<i32>} : memref<32768xf32, #tpu.memory_space<vmem>>, vector<16xf32>,
        %mul3A_1148 = arith.mulf %get3A_1147, %gather3A_1092 : vector<16xf32>
        %swap3A_1149 = arith.index_cast %add3A_1145 : i32 to index
        %swap3A_1150 = tpu.vector_load %arg6[%swap3A_1149] {strides = array<i32>} : memref<32768xf32, #tpu.memory_space<vmem>>, vector<16xf32>,
        tpu.vector_store %arg6[%swap3A_1149], %mul3A_1148 {strides = array<i32>} : memref<32768xf32, #tpu.memory_space<vmem>>, vector<16xf32>,
        %add3A_1151 = arith.constant 128 : i32
        %add3A_1152 = arith.addi %mul3A_1094, %add3A_1151 : i32
        %get3A_1153 = arith.index_cast %add3A_1152 : i32 to index
        %get3A_1154 = tpu.vector_load %arg6[%get3A_1153] {strides = array<i32>} : memref<32768xf32, #tpu.memory_space<vmem>>, vector<16xf32>,
        %mul3A_1155 = arith.mulf %get3A_1154, %gather3A_1092 : vector<16xf32>
        %swap3A_1156 = arith.index_cast %add3A_1152 : i32 to index
        %swap3A_1157 = tpu.vector_load %arg6[%swap3A_1156] {strides = array<i32>} : memref<32768xf32, #tpu.memory_space<vmem>>, vector<16xf32>,
        tpu.vector_store %arg6[%swap3A_1156], %mul3A_1155 {strides = array<i32>} : memref<32768xf32, #tpu.memory_space<vmem>>, vector<16xf32>,
        %add3A_1158 = arith.constant 144 : i32
        %add3A_1159 = arith.addi %mul3A_1094, %add3A_1158 : i32
        %get3A_1160 = arith.index_cast %add3A_1159 : i32 to index
        %get3A_1161 = tpu.vector_load %arg6[%get3A_1160] {strides = array<i32>} : memref<32768xf32, #tpu.memory_space<vmem>>, vector<16xf32>,
        %mul3A_1162 = arith.mulf %get3A_1161, %gather3A_1092 : vector<16xf32>
        %swap3A_1163 = arith.index_cast %add3A_1159 : i32 to index
        %swap3A_1164 = tpu.vector_load %arg6[%swap3A_1163] {strides = array<i32>} : memref<32768xf32, #tpu.memory_space<vmem>>, vector<16xf32>,
        tpu.vector_store %arg6[%swap3A_1163], %mul3A_1162 {strides = array<i32>} : memref<32768xf32, #tpu.memory_space<vmem>>, vector<16xf32>,
        %add3A_1165 = arith.constant 160 : i32
        %add3A_1166 = arith.addi %mul3A_1094, %add3A_1165 : i32
        %get3A_1167 = arith.index_cast %add3A_1166 : i32 to index
        %get3A_1168 = tpu.vector_load %arg6[%get3A_1167] {strides = array<i32>} : memref<32768xf32, #tpu.memory_space<vmem>>, vector<16xf32>,
        %mul3A_1169 = arith.mulf %get3A_1168, %gather3A_1092 : vector<16xf32>
        %swap3A_1170 = arith.index_cast %add3A_1166 : i32 to index
        %swap3A_1171 = tpu.vector_load %arg6[%swap3A_1170] {strides = array<i32>} : memref<32768xf32, #tpu.memory_space<vmem>>, vector<16xf32>,
        tpu.vector_store %arg6[%swap3A_1170], %mul3A_1169 {strides = array<i32>} : memref<32768xf32, #tpu.memory_space<vmem>>, vector<16xf32>,
        %add3A_1172 = arith.constant 176 : i32
        %add3A_1173 = arith.addi %mul3A_1094, %add3A_1172 : i32
        %get3A_1174 = arith.index_cast %add3A_1173 : i32 to index
        %get3A_1175 = tpu.vector_load %arg6[%get3A_1174] {strides = array<i32>} : memref<32768xf32, #tpu.memory_space<vmem>>, vector<16xf32>,
        %mul3A_1176 = arith.mulf %get3A_1175, %gather3A_1092 : vector<16xf32>
        %swap3A_1177 = arith.index_cast %add3A_1173 : i32 to index
        %swap3A_1178 = tpu.vector_load %arg6[%swap3A_1177] {strides = array<i32>} : memref<32768xf32, #tpu.memory_space<vmem>>, vector<16xf32>,
        tpu.vector_store %arg6[%swap3A_1177], %mul3A_1176 {strides = array<i32>} : memref<32768xf32, #tpu.memory_space<vmem>>, vector<16xf32>,
        %add3A_1179 = arith.constant 192 : i32
        %add3A_1180 = arith.addi %mul3A_1094, %add3A_1179 : i32
        %get3A_1181 = arith.index_cast %add3A_1180 : i32 to index
        %get3A_1182 = tpu.vector_load %arg6[%get3A_1181] {strides = array<i32>} : memref<32768xf32, #tpu.memory_space<vmem>>, vector<16xf32>,
        %mul3A_1183 = arith.mulf %get3A_1182, %gather3A_1092 : vector<16xf32>
        %swap3A_1184 = arith.index_cast %add3A_1180 : i32 to index
        %swap3A_1185 = tpu.vector_load %arg6[%swap3A_1184] {strides = array<i32>} : memref<32768xf32, #tpu.memory_space<vmem>>, vector<16xf32>,
        tpu.vector_store %arg6[%swap3A_1184], %mul3A_1183 {strides = array<i32>} : memref<32768xf32, #tpu.memory_space<vmem>>, vector<16xf32>,
        %add3A_1186 = arith.constant 208 : i32
        %add3A_1187 = arith.addi %mul3A_1094, %add3A_1186 : i32
        %get3A_1188 = arith.index_cast %add3A_1187 : i32 to index
        %get3A_1189 = tpu.vector_load %arg6[%get3A_1188] {strides = array<i32>} : memref<32768xf32, #tpu.memory_space<vmem>>, vector<16xf32>,
        %mul3A_1190 = arith.mulf %get3A_1189, %gather3A_1092 : vector<16xf32>
        %swap3A_1191 = arith.index_cast %add3A_1187 : i32 to index
        %swap3A_1192 = tpu.vector_load %arg6[%swap3A_1191] {strides = array<i32>} : memref<32768xf32, #tpu.memory_space<vmem>>, vector<16xf32>,
        tpu.vector_store %arg6[%swap3A_1191], %mul3A_1190 {strides = array<i32>} : memref<32768xf32, #tpu.memory_space<vmem>>, vector<16xf32>,
        %add3A_1193 = arith.constant 224 : i32
        %add3A_1194 = arith.addi %mul3A_1094, %add3A_1193 : i32
        %get3A_1195 = arith.index_cast %add3A_1194 : i32 to index
        %get3A_1196 = tpu.vector_load %arg6[%get3A_1195] {strides = array<i32>} : memref<32768xf32, #tpu.memory_space<vmem>>, vector<16xf32>,
        %mul3A_1197 = arith.mulf %get3A_1196, %gather3A_1092 : vector<16xf32>
        %swap3A_1198 = arith.index_cast %add3A_1194 : i32 to index
        %swap3A_1199 = tpu.vector_load %arg6[%swap3A_1198] {strides = array<i32>} : memref<32768xf32, #tpu.memory_space<vmem>>, vector<16xf32>,
        tpu.vector_store %arg6[%swap3A_1198], %mul3A_1197 {strides = array<i32>} : memref<32768xf32, #tpu.memory_space<vmem>>, vector<16xf32>,
        %add3A_1200 = arith.constant 240 : i32
        %add3A_1201 = arith.addi %mul3A_1094, %add3A_1200 : i32
        %get3A_1202 = arith.index_cast %add3A_1201 : i32 to index
        %get3A_1203 = tpu.vector_load %arg6[%get3A_1202] {strides = array<i32>} : memref<32768xf32, #tpu.memory_space<vmem>>, vector<16xf32>,
        %mul3A_1204 = arith.mulf %get3A_1203, %gather3A_1092 : vector<16xf32>
        %swap3A_1205 = arith.index_cast %add3A_1201 : i32 to index
        %swap3A_1206 = tpu.vector_load %arg6[%swap3A_1205] {strides = array<i32>} : memref<32768xf32, #tpu.memory_space<vmem>>, vector<16xf32>,
        tpu.vector_store %arg6[%swap3A_1205], %mul3A_1204 {strides = array<i32>} : memref<32768xf32, #tpu.memory_space<vmem>>, vector<16xf32>,
        %mul3A_1207 = arith.constant 16 : i32
        %mul3A_1208 = arith.muli %scan3A_124, %mul3A_1207 : i32
        %add3A_1209 = arith.constant 8 : i32
        %add3A_1210 = arith.addi %mul3A_1208, %add3A_1209 : i32
        %add3A_1211 = arith.constant 16 : i32
        %add3A_1212 = arith.addi %add3A_1211, %add3A_1210 : i32
        %broadcast_in_dim3A_1213 = vector.broadcast %add3A_1212 : i32 to vector<16xi32>
        %gather3A_1214 = tpu.vector_load_idx %arg7[%broadcast_in_dim3A_1213] : memref<144xf32, #tpu.memory_space<vmem>>[vector<16xi32>], vector<16xf32>,
        %mul3A_1215 = arith.constant 256 : i32
        %mul3A_1216 = arith.muli %add3A_1210, %mul3A_1215 : i32
        %add3A_1217 = arith.constant 0 : i32
        %add3A_1218 = arith.addi %mul3A_1216, %add3A_1217 : i32
        %get3A_1219 = arith.index_cast %add3A_1218 : i32 to index
        %get3A_1220 = tpu.vector_load %arg6[%get3A_1219] {strides = array<i32>} : memref<32768xf32, #tpu.memory_space<vmem>>, vector<16xf32>,
        %mul3A_1221 = arith.mulf %get3A_1220, %gather3A_1214 : vector<16xf32>
        %swap3A_1222 = arith.index_cast %add3A_1218 : i32 to index
        %swap3A_1223 = tpu.vector_load %arg6[%swap3A_1222] {strides = array<i32>} : memref<32768xf32, #tpu.memory_space<vmem>>, vector<16xf32>,
        tpu.vector_store %arg6[%swap3A_1222], %mul3A_1221 {strides = array<i32>} : memref<32768xf32, #tpu.memory_space<vmem>>, vector<16xf32>,
        %add3A_1224 = arith.constant 16 : i32
        %add3A_1225 = arith.addi %mul3A_1216, %add3A_1224 : i32
        %get3A_1226 = arith.index_cast %add3A_1225 : i32 to index
        %get3A_1227 = tpu.vector_load %arg6[%get3A_1226] {strides = array<i32>} : memref<32768xf32, #tpu.memory_space<vmem>>, vector<16xf32>,
        %mul3A_1228 = arith.mulf %get3A_1227, %gather3A_1214 : vector<16xf32>
        %swap3A_1229 = arith.index_cast %add3A_1225 : i32 to index
        %swap3A_1230 = tpu.vector_load %arg6[%swap3A_1229] {strides = array<i32>} : memref<32768xf32, #tpu.memory_space<vmem>>, vector<16xf32>,
        tpu.vector_store %arg6[%swap3A_1229], %mul3A_1228 {strides = array<i32>} : memref<32768xf32, #tpu.memory_space<vmem>>, vector<16xf32>,
        %add3A_1231 = arith.constant 32 : i32
        %add3A_1232 = arith.addi %mul3A_1216, %add3A_1231 : i32
        %get3A_1233 = arith.index_cast %add3A_1232 : i32 to index
        %get3A_1234 = tpu.vector_load %arg6[%get3A_1233] {strides = array<i32>} : memref<32768xf32, #tpu.memory_space<vmem>>, vector<16xf32>,
        %mul3A_1235 = arith.mulf %get3A_1234, %gather3A_1214 : vector<16xf32>
        %swap3A_1236 = arith.index_cast %add3A_1232 : i32 to index
        %swap3A_1237 = tpu.vector_load %arg6[%swap3A_1236] {strides = array<i32>} : memref<32768xf32, #tpu.memory_space<vmem>>, vector<16xf32>,
        tpu.vector_store %arg6[%swap3A_1236], %mul3A_1235 {strides = array<i32>} : memref<32768xf32, #tpu.memory_space<vmem>>, vector<16xf32>,
        %add3A_1238 = arith.constant 48 : i32
        %add3A_1239 = arith.addi %mul3A_1216, %add3A_1238 : i32
        %get3A_1240 = arith.index_cast %add3A_1239 : i32 to index
        %get3A_1241 = tpu.vector_load %arg6[%get3A_1240] {strides = array<i32>} : memref<32768xf32, #tpu.memory_space<vmem>>, vector<16xf32>,
        %mul3A_1242 = arith.mulf %get3A_1241, %gather3A_1214 : vector<16xf32>
        %swap3A_1243 = arith.index_cast %add3A_1239 : i32 to index
        %swap3A_1244 = tpu.vector_load %arg6[%swap3A_1243] {strides = array<i32>} : memref<32768xf32, #tpu.memory_space<vmem>>, vector<16xf32>,
        tpu.vector_store %arg6[%swap3A_1243], %mul3A_1242 {strides = array<i32>} : memref<32768xf32, #tpu.memory_space<vmem>>, vector<16xf32>,
        %add3A_1245 = arith.constant 64 : i32
        %add3A_1246 = arith.addi %mul3A_1216, %add3A_1245 : i32
        %get3A_1247 = arith.index_cast %add3A_1246 : i32 to index
        %get3A_1248 = tpu.vector_load %arg6[%get3A_1247] {strides = array<i32>} : memref<32768xf32, #tpu.memory_space<vmem>>, vector<16xf32>,
        %mul3A_1249 = arith.mulf %get3A_1248, %gather3A_1214 : vector<16xf32>
        %swap3A_1250 = arith.index_cast %add3A_1246 : i32 to index
        %swap3A_1251 = tpu.vector_load %arg6[%swap3A_1250] {strides = array<i32>} : memref<32768xf32, #tpu.memory_space<vmem>>, vector<16xf32>,
        tpu.vector_store %arg6[%swap3A_1250], %mul3A_1249 {strides = array<i32>} : memref<32768xf32, #tpu.memory_space<vmem>>, vector<16xf32>,
        %add3A_1252 = arith.constant 80 : i32
        %add3A_1253 = arith.addi %mul3A_1216, %add3A_1252 : i32
        %get3A_1254 = arith.index_cast %add3A_1253 : i32 to index
        %get3A_1255 = tpu.vector_load %arg6[%get3A_1254] {strides = array<i32>} : memref<32768xf32, #tpu.memory_space<vmem>>, vector<16xf32>,
        %mul3A_1256 = arith.mulf %get3A_1255, %gather3A_1214 : vector<16xf32>
        %swap3A_1257 = arith.index_cast %add3A_1253 : i32 to index
        %swap3A_1258 = tpu.vector_load %arg6[%swap3A_1257] {strides = array<i32>} : memref<32768xf32, #tpu.memory_space<vmem>>, vector<16xf32>,
        tpu.vector_store %arg6[%swap3A_1257], %mul3A_1256 {strides = array<i32>} : memref<32768xf32, #tpu.memory_space<vmem>>, vector<16xf32>,
        %add3A_1259 = arith.constant 96 : i32
        %add3A_1260 = arith.addi %mul3A_1216, %add3A_1259 : i32
        %get3A_1261 = arith.index_cast %add3A_1260 : i32 to index
        %get3A_1262 = tpu.vector_load %arg6[%get3A_1261] {strides = array<i32>} : memref<32768xf32, #tpu.memory_space<vmem>>, vector<16xf32>,
        %mul3A_1263 = arith.mulf %get3A_1262, %gather3A_1214 : vector<16xf32>
        %swap3A_1264 = arith.index_cast %add3A_1260 : i32 to index
        %swap3A_1265 = tpu.vector_load %arg6[%swap3A_1264] {strides = array<i32>} : memref<32768xf32, #tpu.memory_space<vmem>>, vector<16xf32>,
        tpu.vector_store %arg6[%swap3A_1264], %mul3A_1263 {strides = array<i32>} : memref<32768xf32, #tpu.memory_space<vmem>>, vector<16xf32>,
        %add3A_1266 = arith.constant 112 : i32
        %add3A_1267 = arith.addi %mul3A_1216, %add3A_1266 : i32
        %get3A_1268 = arith.index_cast %add3A_1267 : i32 to index
        %get3A_1269 = tpu.vector_load %arg6[%get3A_1268] {strides = array<i32>} : memref<32768xf32, #tpu.memory_space<vmem>>, vector<16xf32>,
        %mul3A_1270 = arith.mulf %get3A_1269, %gather3A_1214 : vector<16xf32>
        %swap3A_1271 = arith.index_cast %add3A_1267 : i32 to index
        %swap3A_1272 = tpu.vector_load %arg6[%swap3A_1271] {strides = array<i32>} : memref<32768xf32, #tpu.memory_space<vmem>>, vector<16xf32>,
        tpu.vector_store %arg6[%swap3A_1271], %mul3A_1270 {strides = array<i32>} : memref<32768xf32, #tpu.memory_space<vmem>>, vector<16xf32>,
        %add3A_1273 = arith.constant 128 : i32
        %add3A_1274 = arith.addi %mul3A_1216, %add3A_1273 : i32
        %get3A_1275 = arith.index_cast %add3A_1274 : i32 to index
        %get3A_1276 = tpu.vector_load %arg6[%get3A_1275] {strides = array<i32>} : memref<32768xf32, #tpu.memory_space<vmem>>, vector<16xf32>,
        %mul3A_1277 = arith.mulf %get3A_1276, %gather3A_1214 : vector<16xf32>
        %swap3A_1278 = arith.index_cast %add3A_1274 : i32 to index
        %swap3A_1279 = tpu.vector_load %arg6[%swap3A_1278] {strides = array<i32>} : memref<32768xf32, #tpu.memory_space<vmem>>, vector<16xf32>,
        tpu.vector_store %arg6[%swap3A_1278], %mul3A_1277 {strides = array<i32>} : memref<32768xf32, #tpu.memory_space<vmem>>, vector<16xf32>,
        %add3A_1280 = arith.constant 144 : i32
        %add3A_1281 = arith.addi %mul3A_1216, %add3A_1280 : i32
        %get3A_1282 = arith.index_cast %add3A_1281 : i32 to index
        %get3A_1283 = tpu.vector_load %arg6[%get3A_1282] {strides = array<i32>} : memref<32768xf32, #tpu.memory_space<vmem>>, vector<16xf32>,
        %mul3A_1284 = arith.mulf %get3A_1283, %gather3A_1214 : vector<16xf32>
        %swap3A_1285 = arith.index_cast %add3A_1281 : i32 to index
        %swap3A_1286 = tpu.vector_load %arg6[%swap3A_1285] {strides = array<i32>} : memref<32768xf32, #tpu.memory_space<vmem>>, vector<16xf32>,
        tpu.vector_store %arg6[%swap3A_1285], %mul3A_1284 {strides = array<i32>} : memref<32768xf32, #tpu.memory_space<vmem>>, vector<16xf32>,
        %add3A_1287 = arith.constant 160 : i32
        %add3A_1288 = arith.addi %mul3A_1216, %add3A_1287 : i32
        %get3A_1289 = arith.index_cast %add3A_1288 : i32 to index
        %get3A_1290 = tpu.vector_load %arg6[%get3A_1289] {strides = array<i32>} : memref<32768xf32, #tpu.memory_space<vmem>>, vector<16xf32>,
        %mul3A_1291 = arith.mulf %get3A_1290, %gather3A_1214 : vector<16xf32>
        %swap3A_1292 = arith.index_cast %add3A_1288 : i32 to index
        %swap3A_1293 = tpu.vector_load %arg6[%swap3A_1292] {strides = array<i32>} : memref<32768xf32, #tpu.memory_space<vmem>>, vector<16xf32>,
        tpu.vector_store %arg6[%swap3A_1292], %mul3A_1291 {strides = array<i32>} : memref<32768xf32, #tpu.memory_space<vmem>>, vector<16xf32>,
        %add3A_1294 = arith.constant 176 : i32
        %add3A_1295 = arith.addi %mul3A_1216, %add3A_1294 : i32
        %get3A_1296 = arith.index_cast %add3A_1295 : i32 to index
        %get3A_1297 = tpu.vector_load %arg6[%get3A_1296] {strides = array<i32>} : memref<32768xf32, #tpu.memory_space<vmem>>, vector<16xf32>,
        %mul3A_1298 = arith.mulf %get3A_1297, %gather3A_1214 : vector<16xf32>
        %swap3A_1299 = arith.index_cast %add3A_1295 : i32 to index
        %swap3A_1300 = tpu.vector_load %arg6[%swap3A_1299] {strides = array<i32>} : memref<32768xf32, #tpu.memory_space<vmem>>, vector<16xf32>,
        tpu.vector_store %arg6[%swap3A_1299], %mul3A_1298 {strides = array<i32>} : memref<32768xf32, #tpu.memory_space<vmem>>, vector<16xf32>,
        %add3A_1301 = arith.constant 192 : i32
        %add3A_1302 = arith.addi %mul3A_1216, %add3A_1301 : i32
        %get3A_1303 = arith.index_cast %add3A_1302 : i32 to index
        %get3A_1304 = tpu.vector_load %arg6[%get3A_1303] {strides = array<i32>} : memref<32768xf32, #tpu.memory_space<vmem>>, vector<16xf32>,
        %mul3A_1305 = arith.mulf %get3A_1304, %gather3A_1214 : vector<16xf32>
        %swap3A_1306 = arith.index_cast %add3A_1302 : i32 to index
        %swap3A_1307 = tpu.vector_load %arg6[%swap3A_1306] {strides = array<i32>} : memref<32768xf32, #tpu.memory_space<vmem>>, vector<16xf32>,
        tpu.vector_store %arg6[%swap3A_1306], %mul3A_1305 {strides = array<i32>} : memref<32768xf32, #tpu.memory_space<vmem>>, vector<16xf32>,
        %add3A_1308 = arith.constant 208 : i32
        %add3A_1309 = arith.addi %mul3A_1216, %add3A_1308 : i32
        %get3A_1310 = arith.index_cast %add3A_1309 : i32 to index
        %get3A_1311 = tpu.vector_load %arg6[%get3A_1310] {strides = array<i32>} : memref<32768xf32, #tpu.memory_space<vmem>>, vector<16xf32>,
        %mul3A_1312 = arith.mulf %get3A_1311, %gather3A_1214 : vector<16xf32>
        %swap3A_1313 = arith.index_cast %add3A_1309 : i32 to index
        %swap3A_1314 = tpu.vector_load %arg6[%swap3A_1313] {strides = array<i32>} : memref<32768xf32, #tpu.memory_space<vmem>>, vector<16xf32>,
        tpu.vector_store %arg6[%swap3A_1313], %mul3A_1312 {strides = array<i32>} : memref<32768xf32, #tpu.memory_space<vmem>>, vector<16xf32>,
        %add3A_1315 = arith.constant 224 : i32
        %add3A_1316 = arith.addi %mul3A_1216, %add3A_1315 : i32
        %get3A_1317 = arith.index_cast %add3A_1316 : i32 to index
        %get3A_1318 = tpu.vector_load %arg6[%get3A_1317] {strides = array<i32>} : memref<32768xf32, #tpu.memory_space<vmem>>, vector<16xf32>,
        %mul3A_1319 = arith.mulf %get3A_1318, %gather3A_1214 : vector<16xf32>
        %swap3A_1320 = arith.index_cast %add3A_1316 : i32 to index
        %swap3A_1321 = tpu.vector_load %arg6[%swap3A_1320] {strides = array<i32>} : memref<32768xf32, #tpu.memory_space<vmem>>, vector<16xf32>,
        tpu.vector_store %arg6[%swap3A_1320], %mul3A_1319 {strides = array<i32>} : memref<32768xf32, #tpu.memory_space<vmem>>, vector<16xf32>,
        %add3A_1322 = arith.constant 240 : i32
        %add3A_1323 = arith.addi %mul3A_1216, %add3A_1322 : i32
        %get3A_1324 = arith.index_cast %add3A_1323 : i32 to index
        %get3A_1325 = tpu.vector_load %arg6[%get3A_1324] {strides = array<i32>} : memref<32768xf32, #tpu.memory_space<vmem>>, vector<16xf32>,
        %mul3A_1326 = arith.mulf %get3A_1325, %gather3A_1214 : vector<16xf32>
        %swap3A_1327 = arith.index_cast %add3A_1323 : i32 to index
        %swap3A_1328 = tpu.vector_load %arg6[%swap3A_1327] {strides = array<i32>} : memref<32768xf32, #tpu.memory_space<vmem>>, vector<16xf32>,
        tpu.vector_store %arg6[%swap3A_1327], %mul3A_1326 {strides = array<i32>} : memref<32768xf32, #tpu.memory_space<vmem>>, vector<16xf32>,
        %mul3A_1329 = arith.constant 16 : i32
        %mul3A_1330 = arith.muli %scan3A_124, %mul3A_1329 : i32
        %add3A_1331 = arith.constant 9 : i32
        %add3A_1332 = arith.addi %mul3A_1330, %add3A_1331 : i32
        %add3A_1333 = arith.constant 16 : i32
        %add3A_1334 = arith.addi %add3A_1333, %add3A_1332 : i32
        %broadcast_in_dim3A_1335 = vector.broadcast %add3A_1334 : i32 to vector<16xi32>
        %gather3A_1336 = tpu.vector_load_idx %arg7[%broadcast_in_dim3A_1335] : memref<144xf32, #tpu.memory_space<vmem>>[vector<16xi32>], vector<16xf32>,
        %mul3A_1337 = arith.constant 256 : i32
        %mul3A_1338 = arith.muli %add3A_1332, %mul3A_1337 : i32
        %add3A_1339 = arith.constant 0 : i32
        %add3A_1340 = arith.addi %mul3A_1338, %add3A_1339 : i32
        %get3A_1341 = arith.index_cast %add3A_1340 : i32 to index
        %get3A_1342 = tpu.vector_load %arg6[%get3A_1341] {strides = array<i32>} : memref<32768xf32, #tpu.memory_space<vmem>>, vector<16xf32>,
        %mul3A_1343 = arith.mulf %get3A_1342, %gather3A_1336 : vector<16xf32>
        %swap3A_1344 = arith.index_cast %add3A_1340 : i32 to index
        %swap3A_1345 = tpu.vector_load %arg6[%swap3A_1344] {strides = array<i32>} : memref<32768xf32, #tpu.memory_space<vmem>>, vector<16xf32>,
        tpu.vector_store %arg6[%swap3A_1344], %mul3A_1343 {strides = array<i32>} : memref<32768xf32, #tpu.memory_space<vmem>>, vector<16xf32>,
        %add3A_1346 = arith.constant 16 : i32
        %add3A_1347 = arith.addi %mul3A_1338, %add3A_1346 : i32
        %get3A_1348 = arith.index_cast %add3A_1347 : i32 to index
        %get3A_1349 = tpu.vector_load %arg6[%get3A_1348] {strides = array<i32>} : memref<32768xf32, #tpu.memory_space<vmem>>, vector<16xf32>,
        %mul3A_1350 = arith.mulf %get3A_1349, %gather3A_1336 : vector<16xf32>
        %swap3A_1351 = arith.index_cast %add3A_1347 : i32 to index
        %swap3A_1352 = tpu.vector_load %arg6[%swap3A_1351] {strides = array<i32>} : memref<32768xf32, #tpu.memory_space<vmem>>, vector<16xf32>,
        tpu.vector_store %arg6[%swap3A_1351], %mul3A_1350 {strides = array<i32>} : memref<32768xf32, #tpu.memory_space<vmem>>, vector<16xf32>,
        %add3A_1353 = arith.constant 32 : i32
        %add3A_1354 = arith.addi %mul3A_1338, %add3A_1353 : i32
        %get3A_1355 = arith.index_cast %add3A_1354 : i32 to index
        %get3A_1356 = tpu.vector_load %arg6[%get3A_1355] {strides = array<i32>} : memref<32768xf32, #tpu.memory_space<vmem>>, vector<16xf32>,
        %mul3A_1357 = arith.mulf %get3A_1356, %gather3A_1336 : vector<16xf32>
        %swap3A_1358 = arith.index_cast %add3A_1354 : i32 to index
        %swap3A_1359 = tpu.vector_load %arg6[%swap3A_1358] {strides = array<i32>} : memref<32768xf32, #tpu.memory_space<vmem>>, vector<16xf32>,
        tpu.vector_store %arg6[%swap3A_1358], %mul3A_1357 {strides = array<i32>} : memref<32768xf32, #tpu.memory_space<vmem>>, vector<16xf32>,
        %add3A_1360 = arith.constant 48 : i32
        %add3A_1361 = arith.addi %mul3A_1338, %add3A_1360 : i32
        %get3A_1362 = arith.index_cast %add3A_1361 : i32 to index
        %get3A_1363 = tpu.vector_load %arg6[%get3A_1362] {strides = array<i32>} : memref<32768xf32, #tpu.memory_space<vmem>>, vector<16xf32>,
        %mul3A_1364 = arith.mulf %get3A_1363, %gather3A_1336 : vector<16xf32>
        %swap3A_1365 = arith.index_cast %add3A_1361 : i32 to index
        %swap3A_1366 = tpu.vector_load %arg6[%swap3A_1365] {strides = array<i32>} : memref<32768xf32, #tpu.memory_space<vmem>>, vector<16xf32>,
        tpu.vector_store %arg6[%swap3A_1365], %mul3A_1364 {strides = array<i32>} : memref<32768xf32, #tpu.memory_space<vmem>>, vector<16xf32>,
        %add3A_1367 = arith.constant 64 : i32
        %add3A_1368 = arith.addi %mul3A_1338, %add3A_1367 : i32
        %get3A_1369 = arith.index_cast %add3A_1368 : i32 to index
        %get3A_1370 = tpu.vector_load %arg6[%get3A_1369] {strides = array<i32>} : memref<32768xf32, #tpu.memory_space<vmem>>, vector<16xf32>,
        %mul3A_1371 = arith.mulf %get3A_1370, %gather3A_1336 : vector<16xf32>
        %swap3A_1372 = arith.index_cast %add3A_1368 : i32 to index
        %swap3A_1373 = tpu.vector_load %arg6[%swap3A_1372] {strides = array<i32>} : memref<32768xf32, #tpu.memory_space<vmem>>, vector<16xf32>,
        tpu.vector_store %arg6[%swap3A_1372], %mul3A_1371 {strides = array<i32>} : memref<32768xf32, #tpu.memory_space<vmem>>, vector<16xf32>,
        %add3A_1374 = arith.constant 80 : i32
        %add3A_1375 = arith.addi %mul3A_1338, %add3A_1374 : i32
        %get3A_1376 = arith.index_cast %add3A_1375 : i32 to index
        %get3A_1377 = tpu.vector_load %arg6[%get3A_1376] {strides = array<i32>} : memref<32768xf32, #tpu.memory_space<vmem>>, vector<16xf32>,
        %mul3A_1378 = arith.mulf %get3A_1377, %gather3A_1336 : vector<16xf32>
        %swap3A_1379 = arith.index_cast %add3A_1375 : i32 to index
        %swap3A_1380 = tpu.vector_load %arg6[%swap3A_1379] {strides = array<i32>} : memref<32768xf32, #tpu.memory_space<vmem>>, vector<16xf32>,
        tpu.vector_store %arg6[%swap3A_1379], %mul3A_1378 {strides = array<i32>} : memref<32768xf32, #tpu.memory_space<vmem>>, vector<16xf32>,
        %add3A_1381 = arith.constant 96 : i32
        %add3A_1382 = arith.addi %mul3A_1338, %add3A_1381 : i32
        %get3A_1383 = arith.index_cast %add3A_1382 : i32 to index
        %get3A_1384 = tpu.vector_load %arg6[%get3A_1383] {strides = array<i32>} : memref<32768xf32, #tpu.memory_space<vmem>>, vector<16xf32>,
        %mul3A_1385 = arith.mulf %get3A_1384, %gather3A_1336 : vector<16xf32>
        %swap3A_1386 = arith.index_cast %add3A_1382 : i32 to index
        %swap3A_1387 = tpu.vector_load %arg6[%swap3A_1386] {strides = array<i32>} : memref<32768xf32, #tpu.memory_space<vmem>>, vector<16xf32>,
        tpu.vector_store %arg6[%swap3A_1386], %mul3A_1385 {strides = array<i32>} : memref<32768xf32, #tpu.memory_space<vmem>>, vector<16xf32>,
        %add3A_1388 = arith.constant 112 : i32
        %add3A_1389 = arith.addi %mul3A_1338, %add3A_1388 : i32
        %get3A_1390 = arith.index_cast %add3A_1389 : i32 to index
        %get3A_1391 = tpu.vector_load %arg6[%get3A_1390] {strides = array<i32>} : memref<32768xf32, #tpu.memory_space<vmem>>, vector<16xf32>,
        %mul3A_1392 = arith.mulf %get3A_1391, %gather3A_1336 : vector<16xf32>
        %swap3A_1393 = arith.index_cast %add3A_1389 : i32 to index
        %swap3A_1394 = tpu.vector_load %arg6[%swap3A_1393] {strides = array<i32>} : memref<32768xf32, #tpu.memory_space<vmem>>, vector<16xf32>,
        tpu.vector_store %arg6[%swap3A_1393], %mul3A_1392 {strides = array<i32>} : memref<32768xf32, #tpu.memory_space<vmem>>, vector<16xf32>,
        %add3A_1395 = arith.constant 128 : i32
        %add3A_1396 = arith.addi %mul3A_1338, %add3A_1395 : i32
        %get3A_1397 = arith.index_cast %add3A_1396 : i32 to index
        %get3A_1398 = tpu.vector_load %arg6[%get3A_1397] {strides = array<i32>} : memref<32768xf32, #tpu.memory_space<vmem>>, vector<16xf32>,
        %mul3A_1399 = arith.mulf %get3A_1398, %gather3A_1336 : vector<16xf32>
        %swap3A_1400 = arith.index_cast %add3A_1396 : i32 to index
        %swap3A_1401 = tpu.vector_load %arg6[%swap3A_1400] {strides = array<i32>} : memref<32768xf32, #tpu.memory_space<vmem>>, vector<16xf32>,
        tpu.vector_store %arg6[%swap3A_1400], %mul3A_1399 {strides = array<i32>} : memref<32768xf32, #tpu.memory_space<vmem>>, vector<16xf32>,
        %add3A_1402 = arith.constant 144 : i32
        %add3A_1403 = arith.addi %mul3A_1338, %add3A_1402 : i32
        %get3A_1404 = arith.index_cast %add3A_1403 : i32 to index
        %get3A_1405 = tpu.vector_load %arg6[%get3A_1404] {strides = array<i32>} : memref<32768xf32, #tpu.memory_space<vmem>>, vector<16xf32>,
        %mul3A_1406 = arith.mulf %get3A_1405, %gather3A_1336 : vector<16xf32>
        %swap3A_1407 = arith.index_cast %add3A_1403 : i32 to index
        %swap3A_1408 = tpu.vector_load %arg6[%swap3A_1407] {strides = array<i32>} : memref<32768xf32, #tpu.memory_space<vmem>>, vector<16xf32>,
        tpu.vector_store %arg6[%swap3A_1407], %mul3A_1406 {strides = array<i32>} : memref<32768xf32, #tpu.memory_space<vmem>>, vector<16xf32>,
        %add3A_1409 = arith.constant 160 : i32
        %add3A_1410 = arith.addi %mul3A_1338, %add3A_1409 : i32
        %get3A_1411 = arith.index_cast %add3A_1410 : i32 to index
        %get3A_1412 = tpu.vector_load %arg6[%get3A_1411] {strides = array<i32>} : memref<32768xf32, #tpu.memory_space<vmem>>, vector<16xf32>,
        %mul3A_1413 = arith.mulf %get3A_1412, %gather3A_1336 : vector<16xf32>
        %swap3A_1414 = arith.index_cast %add3A_1410 : i32 to index
        %swap3A_1415 = tpu.vector_load %arg6[%swap3A_1414] {strides = array<i32>} : memref<32768xf32, #tpu.memory_space<vmem>>, vector<16xf32>,
        tpu.vector_store %arg6[%swap3A_1414], %mul3A_1413 {strides = array<i32>} : memref<32768xf32, #tpu.memory_space<vmem>>, vector<16xf32>,
        %add3A_1416 = arith.constant 176 : i32
        %add3A_1417 = arith.addi %mul3A_1338, %add3A_1416 : i32
        %get3A_1418 = arith.index_cast %add3A_1417 : i32 to index
        %get3A_1419 = tpu.vector_load %arg6[%get3A_1418] {strides = array<i32>} : memref<32768xf32, #tpu.memory_space<vmem>>, vector<16xf32>,
        %mul3A_1420 = arith.mulf %get3A_1419, %gather3A_1336 : vector<16xf32>
        %swap3A_1421 = arith.index_cast %add3A_1417 : i32 to index
        %swap3A_1422 = tpu.vector_load %arg6[%swap3A_1421] {strides = array<i32>} : memref<32768xf32, #tpu.memory_space<vmem>>, vector<16xf32>,
        tpu.vector_store %arg6[%swap3A_1421], %mul3A_1420 {strides = array<i32>} : memref<32768xf32, #tpu.memory_space<vmem>>, vector<16xf32>,
        %add3A_1423 = arith.constant 192 : i32
        %add3A_1424 = arith.addi %mul3A_1338, %add3A_1423 : i32
        %get3A_1425 = arith.index_cast %add3A_1424 : i32 to index
        %get3A_1426 = tpu.vector_load %arg6[%get3A_1425] {strides = array<i32>} : memref<32768xf32, #tpu.memory_space<vmem>>, vector<16xf32>,
        %mul3A_1427 = arith.mulf %get3A_1426, %gather3A_1336 : vector<16xf32>
        %swap3A_1428 = arith.index_cast %add3A_1424 : i32 to index
        %swap3A_1429 = tpu.vector_load %arg6[%swap3A_1428] {strides = array<i32>} : memref<32768xf32, #tpu.memory_space<vmem>>, vector<16xf32>,
        tpu.vector_store %arg6[%swap3A_1428], %mul3A_1427 {strides = array<i32>} : memref<32768xf32, #tpu.memory_space<vmem>>, vector<16xf32>,
        %add3A_1430 = arith.constant 208 : i32
        %add3A_1431 = arith.addi %mul3A_1338, %add3A_1430 : i32
        %get3A_1432 = arith.index_cast %add3A_1431 : i32 to index
        %get3A_1433 = tpu.vector_load %arg6[%get3A_1432] {strides = array<i32>} : memref<32768xf32, #tpu.memory_space<vmem>>, vector<16xf32>,
        %mul3A_1434 = arith.mulf %get3A_1433, %gather3A_1336 : vector<16xf32>
        %swap3A_1435 = arith.index_cast %add3A_1431 : i32 to index
        %swap3A_1436 = tpu.vector_load %arg6[%swap3A_1435] {strides = array<i32>} : memref<32768xf32, #tpu.memory_space<vmem>>, vector<16xf32>,
        tpu.vector_store %arg6[%swap3A_1435], %mul3A_1434 {strides = array<i32>} : memref<32768xf32, #tpu.memory_space<vmem>>, vector<16xf32>,
        %add3A_1437 = arith.constant 224 : i32
        %add3A_1438 = arith.addi %mul3A_1338, %add3A_1437 : i32
        %get3A_1439 = arith.index_cast %add3A_1438 : i32 to index
        %get3A_1440 = tpu.vector_load %arg6[%get3A_1439] {strides = array<i32>} : memref<32768xf32, #tpu.memory_space<vmem>>, vector<16xf32>,
        %mul3A_1441 = arith.mulf %get3A_1440, %gather3A_1336 : vector<16xf32>
        %swap3A_1442 = arith.index_cast %add3A_1438 : i32 to index
        %swap3A_1443 = tpu.vector_load %arg6[%swap3A_1442] {strides = array<i32>} : memref<32768xf32, #tpu.memory_space<vmem>>, vector<16xf32>,
        tpu.vector_store %arg6[%swap3A_1442], %mul3A_1441 {strides = array<i32>} : memref<32768xf32, #tpu.memory_space<vmem>>, vector<16xf32>,
        %add3A_1444 = arith.constant 240 : i32
        %add3A_1445 = arith.addi %mul3A_1338, %add3A_1444 : i32
        %get3A_1446 = arith.index_cast %add3A_1445 : i32 to index
        %get3A_1447 = tpu.vector_load %arg6[%get3A_1446] {strides = array<i32>} : memref<32768xf32, #tpu.memory_space<vmem>>, vector<16xf32>,
        %mul3A_1448 = arith.mulf %get3A_1447, %gather3A_1336 : vector<16xf32>
        %swap3A_1449 = arith.index_cast %add3A_1445 : i32 to index
        %swap3A_1450 = tpu.vector_load %arg6[%swap3A_1449] {strides = array<i32>} : memref<32768xf32, #tpu.memory_space<vmem>>, vector<16xf32>,
        tpu.vector_store %arg6[%swap3A_1449], %mul3A_1448 {strides = array<i32>} : memref<32768xf32, #tpu.memory_space<vmem>>, vector<16xf32>,
        %mul3A_1451 = arith.constant 16 : i32
        %mul3A_1452 = arith.muli %scan3A_124, %mul3A_1451 : i32
        %add3A_1453 = arith.constant 10 : i32
        %add3A_1454 = arith.addi %mul3A_1452, %add3A_1453 : i32
        %add3A_1455 = arith.constant 16 : i32
        %add3A_1456 = arith.addi %add3A_1455, %add3A_1454 : i32
        %broadcast_in_dim3A_1457 = vector.broadcast %add3A_1456 : i32 to vector<16xi32>
        %gather3A_1458 = tpu.vector_load_idx %arg7[%broadcast_in_dim3A_1457] : memref<144xf32, #tpu.memory_space<vmem>>[vector<16xi32>], vector<16xf32>,
        %mul3A_1459 = arith.constant 256 : i32
        %mul3A_1460 = arith.muli %add3A_1454, %mul3A_1459 : i32
        %add3A_1461 = arith.constant 0 : i32
        %add3A_1462 = arith.addi %mul3A_1460, %add3A_1461 : i32
        %get3A_1463 = arith.index_cast %add3A_1462 : i32 to index
        %get3A_1464 = tpu.vector_load %arg6[%get3A_1463] {strides = array<i32>} : memref<32768xf32, #tpu.memory_space<vmem>>, vector<16xf32>,
        %mul3A_1465 = arith.mulf %get3A_1464, %gather3A_1458 : vector<16xf32>
        %swap3A_1466 = arith.index_cast %add3A_1462 : i32 to index
        %swap3A_1467 = tpu.vector_load %arg6[%swap3A_1466] {strides = array<i32>} : memref<32768xf32, #tpu.memory_space<vmem>>, vector<16xf32>,
        tpu.vector_store %arg6[%swap3A_1466], %mul3A_1465 {strides = array<i32>} : memref<32768xf32, #tpu.memory_space<vmem>>, vector<16xf32>,
        %add3A_1468 = arith.constant 16 : i32
        %add3A_1469 = arith.addi %mul3A_1460, %add3A_1468 : i32
        %get3A_1470 = arith.index_cast %add3A_1469 : i32 to index
        %get3A_1471 = tpu.vector_load %arg6[%get3A_1470] {strides = array<i32>} : memref<32768xf32, #tpu.memory_space<vmem>>, vector<16xf32>,
        %mul3A_1472 = arith.mulf %get3A_1471, %gather3A_1458 : vector<16xf32>
        %swap3A_1473 = arith.index_cast %add3A_1469 : i32 to index
        %swap3A_1474 = tpu.vector_load %arg6[%swap3A_1473] {strides = array<i32>} : memref<32768xf32, #tpu.memory_space<vmem>>, vector<16xf32>,
        tpu.vector_store %arg6[%swap3A_1473], %mul3A_1472 {strides = array<i32>} : memref<32768xf32, #tpu.memory_space<vmem>>, vector<16xf32>,
        %add3A_1475 = arith.constant 32 : i32
        %add3A_1476 = arith.addi %mul3A_1460, %add3A_1475 : i32
        %get3A_1477 = arith.index_cast %add3A_1476 : i32 to index
        %get3A_1478 = tpu.vector_load %arg6[%get3A_1477] {strides = array<i32>} : memref<32768xf32, #tpu.memory_space<vmem>>, vector<16xf32>,
        %mul3A_1479 = arith.mulf %get3A_1478, %gather3A_1458 : vector<16xf32>
        %swap3A_1480 = arith.index_cast %add3A_1476 : i32 to index
        %swap3A_1481 = tpu.vector_load %arg6[%swap3A_1480] {strides = array<i32>} : memref<32768xf32, #tpu.memory_space<vmem>>, vector<16xf32>,
        tpu.vector_store %arg6[%swap3A_1480], %mul3A_1479 {strides = array<i32>} : memref<32768xf32, #tpu.memory_space<vmem>>, vector<16xf32>,
        %add3A_1482 = arith.constant 48 : i32
        %add3A_1483 = arith.addi %mul3A_1460, %add3A_1482 : i32
        %get3A_1484 = arith.index_cast %add3A_1483 : i32 to index
        %get3A_1485 = tpu.vector_load %arg6[%get3A_1484] {strides = array<i32>} : memref<32768xf32, #tpu.memory_space<vmem>>, vector<16xf32>,
        %mul3A_1486 = arith.mulf %get3A_1485, %gather3A_1458 : vector<16xf32>
        %swap3A_1487 = arith.index_cast %add3A_1483 : i32 to index
        %swap3A_1488 = tpu.vector_load %arg6[%swap3A_1487] {strides = array<i32>} : memref<32768xf32, #tpu.memory_space<vmem>>, vector<16xf32>,
        tpu.vector_store %arg6[%swap3A_1487], %mul3A_1486 {strides = array<i32>} : memref<32768xf32, #tpu.memory_space<vmem>>, vector<16xf32>,
        %add3A_1489 = arith.constant 64 : i32
        %add3A_1490 = arith.addi %mul3A_1460, %add3A_1489 : i32
        %get3A_1491 = arith.index_cast %add3A_1490 : i32 to index
        %get3A_1492 = tpu.vector_load %arg6[%get3A_1491] {strides = array<i32>} : memref<32768xf32, #tpu.memory_space<vmem>>, vector<16xf32>,
        %mul3A_1493 = arith.mulf %get3A_1492, %gather3A_1458 : vector<16xf32>
        %swap3A_1494 = arith.index_cast %add3A_1490 : i32 to index
        %swap3A_1495 = tpu.vector_load %arg6[%swap3A_1494] {strides = array<i32>} : memref<32768xf32, #tpu.memory_space<vmem>>, vector<16xf32>,
        tpu.vector_store %arg6[%swap3A_1494], %mul3A_1493 {strides = array<i32>} : memref<32768xf32, #tpu.memory_space<vmem>>, vector<16xf32>,
        %add3A_1496 = arith.constant 80 : i32
        %add3A_1497 = arith.addi %mul3A_1460, %add3A_1496 : i32
        %get3A_1498 = arith.index_cast %add3A_1497 : i32 to index
        %get3A_1499 = tpu.vector_load %arg6[%get3A_1498] {strides = array<i32>} : memref<32768xf32, #tpu.memory_space<vmem>>, vector<16xf32>,
        %mul3A_1500 = arith.mulf %get3A_1499, %gather3A_1458 : vector<16xf32>
        %swap3A_1501 = arith.index_cast %add3A_1497 : i32 to index
        %swap3A_1502 = tpu.vector_load %arg6[%swap3A_1501] {strides = array<i32>} : memref<32768xf32, #tpu.memory_space<vmem>>, vector<16xf32>,
        tpu.vector_store %arg6[%swap3A_1501], %mul3A_1500 {strides = array<i32>} : memref<32768xf32, #tpu.memory_space<vmem>>, vector<16xf32>,
        %add3A_1503 = arith.constant 96 : i32
        %add3A_1504 = arith.addi %mul3A_1460, %add3A_1503 : i32
        %get3A_1505 = arith.index_cast %add3A_1504 : i32 to index
        %get3A_1506 = tpu.vector_load %arg6[%get3A_1505] {strides = array<i32>} : memref<32768xf32, #tpu.memory_space<vmem>>, vector<16xf32>,
        %mul3A_1507 = arith.mulf %get3A_1506, %gather3A_1458 : vector<16xf32>
        %swap3A_1508 = arith.index_cast %add3A_1504 : i32 to index
        %swap3A_1509 = tpu.vector_load %arg6[%swap3A_1508] {strides = array<i32>} : memref<32768xf32, #tpu.memory_space<vmem>>, vector<16xf32>,
        tpu.vector_store %arg6[%swap3A_1508], %mul3A_1507 {strides = array<i32>} : memref<32768xf32, #tpu.memory_space<vmem>>, vector<16xf32>,
        %add3A_1510 = arith.constant 112 : i32
        %add3A_1511 = arith.addi %mul3A_1460, %add3A_1510 : i32
        %get3A_1512 = arith.index_cast %add3A_1511 : i32 to index
        %get3A_1513 = tpu.vector_load %arg6[%get3A_1512] {strides = array<i32>} : memref<32768xf32, #tpu.memory_space<vmem>>, vector<16xf32>,
        %mul3A_1514 = arith.mulf %get3A_1513, %gather3A_1458 : vector<16xf32>
        %swap3A_1515 = arith.index_cast %add3A_1511 : i32 to index
        %swap3A_1516 = tpu.vector_load %arg6[%swap3A_1515] {strides = array<i32>} : memref<32768xf32, #tpu.memory_space<vmem>>, vector<16xf32>,
        tpu.vector_store %arg6[%swap3A_1515], %mul3A_1514 {strides = array<i32>} : memref<32768xf32, #tpu.memory_space<vmem>>, vector<16xf32>,
        %add3A_1517 = arith.constant 128 : i32
        %add3A_1518 = arith.addi %mul3A_1460, %add3A_1517 : i32
        %get3A_1519 = arith.index_cast %add3A_1518 : i32 to index
        %get3A_1520 = tpu.vector_load %arg6[%get3A_1519] {strides = array<i32>} : memref<32768xf32, #tpu.memory_space<vmem>>, vector<16xf32>,
        %mul3A_1521 = arith.mulf %get3A_1520, %gather3A_1458 : vector<16xf32>
        %swap3A_1522 = arith.index_cast %add3A_1518 : i32 to index
        %swap3A_1523 = tpu.vector_load %arg6[%swap3A_1522] {strides = array<i32>} : memref<32768xf32, #tpu.memory_space<vmem>>, vector<16xf32>,
        tpu.vector_store %arg6[%swap3A_1522], %mul3A_1521 {strides = array<i32>} : memref<32768xf32, #tpu.memory_space<vmem>>, vector<16xf32>,
        %add3A_1524 = arith.constant 144 : i32
        %add3A_1525 = arith.addi %mul3A_1460, %add3A_1524 : i32
        %get3A_1526 = arith.index_cast %add3A_1525 : i32 to index
        %get3A_1527 = tpu.vector_load %arg6[%get3A_1526] {strides = array<i32>} : memref<32768xf32, #tpu.memory_space<vmem>>, vector<16xf32>,
        %mul3A_1528 = arith.mulf %get3A_1527, %gather3A_1458 : vector<16xf32>
        %swap3A_1529 = arith.index_cast %add3A_1525 : i32 to index
        %swap3A_1530 = tpu.vector_load %arg6[%swap3A_1529] {strides = array<i32>} : memref<32768xf32, #tpu.memory_space<vmem>>, vector<16xf32>,
        tpu.vector_store %arg6[%swap3A_1529], %mul3A_1528 {strides = array<i32>} : memref<32768xf32, #tpu.memory_space<vmem>>, vector<16xf32>,
        %add3A_1531 = arith.constant 160 : i32
        %add3A_1532 = arith.addi %mul3A_1460, %add3A_1531 : i32
        %get3A_1533 = arith.index_cast %add3A_1532 : i32 to index
        %get3A_1534 = tpu.vector_load %arg6[%get3A_1533] {strides = array<i32>} : memref<32768xf32, #tpu.memory_space<vmem>>, vector<16xf32>,
        %mul3A_1535 = arith.mulf %get3A_1534, %gather3A_1458 : vector<16xf32>
        %swap3A_1536 = arith.index_cast %add3A_1532 : i32 to index
        %swap3A_1537 = tpu.vector_load %arg6[%swap3A_1536] {strides = array<i32>} : memref<32768xf32, #tpu.memory_space<vmem>>, vector<16xf32>,
        tpu.vector_store %arg6[%swap3A_1536], %mul3A_1535 {strides = array<i32>} : memref<32768xf32, #tpu.memory_space<vmem>>, vector<16xf32>,
        %add3A_1538 = arith.constant 176 : i32
        %add3A_1539 = arith.addi %mul3A_1460, %add3A_1538 : i32
        %get3A_1540 = arith.index_cast %add3A_1539 : i32 to index
        %get3A_1541 = tpu.vector_load %arg6[%get3A_1540] {strides = array<i32>} : memref<32768xf32, #tpu.memory_space<vmem>>, vector<16xf32>,
        %mul3A_1542 = arith.mulf %get3A_1541, %gather3A_1458 : vector<16xf32>
        %swap3A_1543 = arith.index_cast %add3A_1539 : i32 to index
        %swap3A_1544 = tpu.vector_load %arg6[%swap3A_1543] {strides = array<i32>} : memref<32768xf32, #tpu.memory_space<vmem>>, vector<16xf32>,
        tpu.vector_store %arg6[%swap3A_1543], %mul3A_1542 {strides = array<i32>} : memref<32768xf32, #tpu.memory_space<vmem>>, vector<16xf32>,
        %add3A_1545 = arith.constant 192 : i32
        %add3A_1546 = arith.addi %mul3A_1460, %add3A_1545 : i32
        %get3A_1547 = arith.index_cast %add3A_1546 : i32 to index
        %get3A_1548 = tpu.vector_load %arg6[%get3A_1547] {strides = array<i32>} : memref<32768xf32, #tpu.memory_space<vmem>>, vector<16xf32>,
        %mul3A_1549 = arith.mulf %get3A_1548, %gather3A_1458 : vector<16xf32>
        %swap3A_1550 = arith.index_cast %add3A_1546 : i32 to index
        %swap3A_1551 = tpu.vector_load %arg6[%swap3A_1550] {strides = array<i32>} : memref<32768xf32, #tpu.memory_space<vmem>>, vector<16xf32>,
        tpu.vector_store %arg6[%swap3A_1550], %mul3A_1549 {strides = array<i32>} : memref<32768xf32, #tpu.memory_space<vmem>>, vector<16xf32>,
        %add3A_1552 = arith.constant 208 : i32
        %add3A_1553 = arith.addi %mul3A_1460, %add3A_1552 : i32
        %get3A_1554 = arith.index_cast %add3A_1553 : i32 to index
        %get3A_1555 = tpu.vector_load %arg6[%get3A_1554] {strides = array<i32>} : memref<32768xf32, #tpu.memory_space<vmem>>, vector<16xf32>,
        %mul3A_1556 = arith.mulf %get3A_1555, %gather3A_1458 : vector<16xf32>
        %swap3A_1557 = arith.index_cast %add3A_1553 : i32 to index
        %swap3A_1558 = tpu.vector_load %arg6[%swap3A_1557] {strides = array<i32>} : memref<32768xf32, #tpu.memory_space<vmem>>, vector<16xf32>,
        tpu.vector_store %arg6[%swap3A_1557], %mul3A_1556 {strides = array<i32>} : memref<32768xf32, #tpu.memory_space<vmem>>, vector<16xf32>,
        %add3A_1559 = arith.constant 224 : i32
        %add3A_1560 = arith.addi %mul3A_1460, %add3A_1559 : i32
        %get3A_1561 = arith.index_cast %add3A_1560 : i32 to index
        %get3A_1562 = tpu.vector_load %arg6[%get3A_1561] {strides = array<i32>} : memref<32768xf32, #tpu.memory_space<vmem>>, vector<16xf32>,
        %mul3A_1563 = arith.mulf %get3A_1562, %gather3A_1458 : vector<16xf32>
        %swap3A_1564 = arith.index_cast %add3A_1560 : i32 to index
        %swap3A_1565 = tpu.vector_load %arg6[%swap3A_1564] {strides = array<i32>} : memref<32768xf32, #tpu.memory_space<vmem>>, vector<16xf32>,
        tpu.vector_store %arg6[%swap3A_1564], %mul3A_1563 {strides = array<i32>} : memref<32768xf32, #tpu.memory_space<vmem>>, vector<16xf32>,
        %add3A_1566 = arith.constant 240 : i32
        %add3A_1567 = arith.addi %mul3A_1460, %add3A_1566 : i32
        %get3A_1568 = arith.index_cast %add3A_1567 : i32 to index
        %get3A_1569 = tpu.vector_load %arg6[%get3A_1568] {strides = array<i32>} : memref<32768xf32, #tpu.memory_space<vmem>>, vector<16xf32>,
        %mul3A_1570 = arith.mulf %get3A_1569, %gather3A_1458 : vector<16xf32>
        %swap3A_1571 = arith.index_cast %add3A_1567 : i32 to index
        %swap3A_1572 = tpu.vector_load %arg6[%swap3A_1571] {strides = array<i32>} : memref<32768xf32, #tpu.memory_space<vmem>>, vector<16xf32>,
        tpu.vector_store %arg6[%swap3A_1571], %mul3A_1570 {strides = array<i32>} : memref<32768xf32, #tpu.memory_space<vmem>>, vector<16xf32>,
        %mul3A_1573 = arith.constant 16 : i32
        %mul3A_1574 = arith.muli %scan3A_124, %mul3A_1573 : i32
        %add3A_1575 = arith.constant 11 : i32
        %add3A_1576 = arith.addi %mul3A_1574, %add3A_1575 : i32
        %add3A_1577 = arith.constant 16 : i32
        %add3A_1578 = arith.addi %add3A_1577, %add3A_1576 : i32
        %broadcast_in_dim3A_1579 = vector.broadcast %add3A_1578 : i32 to vector<16xi32>
        %gather3A_1580 = tpu.vector_load_idx %arg7[%broadcast_in_dim3A_1579] : memref<144xf32, #tpu.memory_space<vmem>>[vector<16xi32>], vector<16xf32>,
        %mul3A_1581 = arith.constant 256 : i32
        %mul3A_1582 = arith.muli %add3A_1576, %mul3A_1581 : i32
        %add3A_1583 = arith.constant 0 : i32
        %add3A_1584 = arith.addi %mul3A_1582, %add3A_1583 : i32
        %get3A_1585 = arith.index_cast %add3A_1584 : i32 to index
        %get3A_1586 = tpu.vector_load %arg6[%get3A_1585] {strides = array<i32>} : memref<32768xf32, #tpu.memory_space<vmem>>, vector<16xf32>,
        %mul3A_1587 = arith.mulf %get3A_1586, %gather3A_1580 : vector<16xf32>
        %swap3A_1588 = arith.index_cast %add3A_1584 : i32 to index
        %swap3A_1589 = tpu.vector_load %arg6[%swap3A_1588] {strides = array<i32>} : memref<32768xf32, #tpu.memory_space<vmem>>, vector<16xf32>,
        tpu.vector_store %arg6[%swap3A_1588], %mul3A_1587 {strides = array<i32>} : memref<32768xf32, #tpu.memory_space<vmem>>, vector<16xf32>,
        %add3A_1590 = arith.constant 16 : i32
        %add3A_1591 = arith.addi %mul3A_1582, %add3A_1590 : i32
        %get3A_1592 = arith.index_cast %add3A_1591 : i32 to index
        %get3A_1593 = tpu.vector_load %arg6[%get3A_1592] {strides = array<i32>} : memref<32768xf32, #tpu.memory_space<vmem>>, vector<16xf32>,
        %mul3A_1594 = arith.mulf %get3A_1593, %gather3A_1580 : vector<16xf32>
        %swap3A_1595 = arith.index_cast %add3A_1591 : i32 to index
        %swap3A_1596 = tpu.vector_load %arg6[%swap3A_1595] {strides = array<i32>} : memref<32768xf32, #tpu.memory_space<vmem>>, vector<16xf32>,
        tpu.vector_store %arg6[%swap3A_1595], %mul3A_1594 {strides = array<i32>} : memref<32768xf32, #tpu.memory_space<vmem>>, vector<16xf32>,
        %add3A_1597 = arith.constant 32 : i32
        %add3A_1598 = arith.addi %mul3A_1582, %add3A_1597 : i32
        %get3A_1599 = arith.index_cast %add3A_1598 : i32 to index
        %get3A_1600 = tpu.vector_load %arg6[%get3A_1599] {strides = array<i32>} : memref<32768xf32, #tpu.memory_space<vmem>>, vector<16xf32>,
        %mul3A_1601 = arith.mulf %get3A_1600, %gather3A_1580 : vector<16xf32>
        %swap3A_1602 = arith.index_cast %add3A_1598 : i32 to index
        %swap3A_1603 = tpu.vector_load %arg6[%swap3A_1602] {strides = array<i32>} : memref<32768xf32, #tpu.memory_space<vmem>>, vector<16xf32>,
        tpu.vector_store %arg6[%swap3A_1602], %mul3A_1601 {strides = array<i32>} : memref<32768xf32, #tpu.memory_space<vmem>>, vector<16xf32>,
        %add3A_1604 = arith.constant 48 : i32
        %add3A_1605 = arith.addi %mul3A_1582, %add3A_1604 : i32
        %get3A_1606 = arith.index_cast %add3A_1605 : i32 to index
        %get3A_1607 = tpu.vector_load %arg6[%get3A_1606] {strides = array<i32>} : memref<32768xf32, #tpu.memory_space<vmem>>, vector<16xf32>,
        %mul3A_1608 = arith.mulf %get3A_1607, %gather3A_1580 : vector<16xf32>
        %swap3A_1609 = arith.index_cast %add3A_1605 : i32 to index
        %swap3A_1610 = tpu.vector_load %arg6[%swap3A_1609] {strides = array<i32>} : memref<32768xf32, #tpu.memory_space<vmem>>, vector<16xf32>,
        tpu.vector_store %arg6[%swap3A_1609], %mul3A_1608 {strides = array<i32>} : memref<32768xf32, #tpu.memory_space<vmem>>, vector<16xf32>,
        %add3A_1611 = arith.constant 64 : i32
        %add3A_1612 = arith.addi %mul3A_1582, %add3A_1611 : i32
        %get3A_1613 = arith.index_cast %add3A_1612 : i32 to index
        %get3A_1614 = tpu.vector_load %arg6[%get3A_1613] {strides = array<i32>} : memref<32768xf32, #tpu.memory_space<vmem>>, vector<16xf32>,
        %mul3A_1615 = arith.mulf %get3A_1614, %gather3A_1580 : vector<16xf32>
        %swap3A_1616 = arith.index_cast %add3A_1612 : i32 to index
        %swap3A_1617 = tpu.vector_load %arg6[%swap3A_1616] {strides = array<i32>} : memref<32768xf32, #tpu.memory_space<vmem>>, vector<16xf32>,
        tpu.vector_store %arg6[%swap3A_1616], %mul3A_1615 {strides = array<i32>} : memref<32768xf32, #tpu.memory_space<vmem>>, vector<16xf32>,
        %add3A_1618 = arith.constant 80 : i32
        %add3A_1619 = arith.addi %mul3A_1582, %add3A_1618 : i32
        %get3A_1620 = arith.index_cast %add3A_1619 : i32 to index
        %get3A_1621 = tpu.vector_load %arg6[%get3A_1620] {strides = array<i32>} : memref<32768xf32, #tpu.memory_space<vmem>>, vector<16xf32>,
        %mul3A_1622 = arith.mulf %get3A_1621, %gather3A_1580 : vector<16xf32>
        %swap3A_1623 = arith.index_cast %add3A_1619 : i32 to index
        %swap3A_1624 = tpu.vector_load %arg6[%swap3A_1623] {strides = array<i32>} : memref<32768xf32, #tpu.memory_space<vmem>>, vector<16xf32>,
        tpu.vector_store %arg6[%swap3A_1623], %mul3A_1622 {strides = array<i32>} : memref<32768xf32, #tpu.memory_space<vmem>>, vector<16xf32>,
        %add3A_1625 = arith.constant 96 : i32
        %add3A_1626 = arith.addi %mul3A_1582, %add3A_1625 : i32
        %get3A_1627 = arith.index_cast %add3A_1626 : i32 to index
        %get3A_1628 = tpu.vector_load %arg6[%get3A_1627] {strides = array<i32>} : memref<32768xf32, #tpu.memory_space<vmem>>, vector<16xf32>,
        %mul3A_1629 = arith.mulf %get3A_1628, %gather3A_1580 : vector<16xf32>
        %swap3A_1630 = arith.index_cast %add3A_1626 : i32 to index
        %swap3A_1631 = tpu.vector_load %arg6[%swap3A_1630] {strides = array<i32>} : memref<32768xf32, #tpu.memory_space<vmem>>, vector<16xf32>,
        tpu.vector_store %arg6[%swap3A_1630], %mul3A_1629 {strides = array<i32>} : memref<32768xf32, #tpu.memory_space<vmem>>, vector<16xf32>,
        %add3A_1632 = arith.constant 112 : i32
        %add3A_1633 = arith.addi %mul3A_1582, %add3A_1632 : i32
        %get3A_1634 = arith.index_cast %add3A_1633 : i32 to index
        %get3A_1635 = tpu.vector_load %arg6[%get3A_1634] {strides = array<i32>} : memref<32768xf32, #tpu.memory_space<vmem>>, vector<16xf32>,
        %mul3A_1636 = arith.mulf %get3A_1635, %gather3A_1580 : vector<16xf32>
        %swap3A_1637 = arith.index_cast %add3A_1633 : i32 to index
        %swap3A_1638 = tpu.vector_load %arg6[%swap3A_1637] {strides = array<i32>} : memref<32768xf32, #tpu.memory_space<vmem>>, vector<16xf32>,
        tpu.vector_store %arg6[%swap3A_1637], %mul3A_1636 {strides = array<i32>} : memref<32768xf32, #tpu.memory_space<vmem>>, vector<16xf32>,
        %add3A_1639 = arith.constant 128 : i32
        %add3A_1640 = arith.addi %mul3A_1582, %add3A_1639 : i32
        %get3A_1641 = arith.index_cast %add3A_1640 : i32 to index
        %get3A_1642 = tpu.vector_load %arg6[%get3A_1641] {strides = array<i32>} : memref<32768xf32, #tpu.memory_space<vmem>>, vector<16xf32>,
        %mul3A_1643 = arith.mulf %get3A_1642, %gather3A_1580 : vector<16xf32>
        %swap3A_1644 = arith.index_cast %add3A_1640 : i32 to index
        %swap3A_1645 = tpu.vector_load %arg6[%swap3A_1644] {strides = array<i32>} : memref<32768xf32, #tpu.memory_space<vmem>>, vector<16xf32>,
        tpu.vector_store %arg6[%swap3A_1644], %mul3A_1643 {strides = array<i32>} : memref<32768xf32, #tpu.memory_space<vmem>>, vector<16xf32>,
        %add3A_1646 = arith.constant 144 : i32
        %add3A_1647 = arith.addi %mul3A_1582, %add3A_1646 : i32
        %get3A_1648 = arith.index_cast %add3A_1647 : i32 to index
        %get3A_1649 = tpu.vector_load %arg6[%get3A_1648] {strides = array<i32>} : memref<32768xf32, #tpu.memory_space<vmem>>, vector<16xf32>,
        %mul3A_1650 = arith.mulf %get3A_1649, %gather3A_1580 : vector<16xf32>
        %swap3A_1651 = arith.index_cast %add3A_1647 : i32 to index
        %swap3A_1652 = tpu.vector_load %arg6[%swap3A_1651] {strides = array<i32>} : memref<32768xf32, #tpu.memory_space<vmem>>, vector<16xf32>,
        tpu.vector_store %arg6[%swap3A_1651], %mul3A_1650 {strides = array<i32>} : memref<32768xf32, #tpu.memory_space<vmem>>, vector<16xf32>,
        %add3A_1653 = arith.constant 160 : i32
        %add3A_1654 = arith.addi %mul3A_1582, %add3A_1653 : i32
        %get3A_1655 = arith.index_cast %add3A_1654 : i32 to index
        %get3A_1656 = tpu.vector_load %arg6[%get3A_1655] {strides = array<i32>} : memref<32768xf32, #tpu.memory_space<vmem>>, vector<16xf32>,
        %mul3A_1657 = arith.mulf %get3A_1656, %gather3A_1580 : vector<16xf32>
        %swap3A_1658 = arith.index_cast %add3A_1654 : i32 to index
        %swap3A_1659 = tpu.vector_load %arg6[%swap3A_1658] {strides = array<i32>} : memref<32768xf32, #tpu.memory_space<vmem>>, vector<16xf32>,
        tpu.vector_store %arg6[%swap3A_1658], %mul3A_1657 {strides = array<i32>} : memref<32768xf32, #tpu.memory_space<vmem>>, vector<16xf32>,
        %add3A_1660 = arith.constant 176 : i32
        %add3A_1661 = arith.addi %mul3A_1582, %add3A_1660 : i32
        %get3A_1662 = arith.index_cast %add3A_1661 : i32 to index
        %get3A_1663 = tpu.vector_load %arg6[%get3A_1662] {strides = array<i32>} : memref<32768xf32, #tpu.memory_space<vmem>>, vector<16xf32>,
        %mul3A_1664 = arith.mulf %get3A_1663, %gather3A_1580 : vector<16xf32>
        %swap3A_1665 = arith.index_cast %add3A_1661 : i32 to index
        %swap3A_1666 = tpu.vector_load %arg6[%swap3A_1665] {strides = array<i32>} : memref<32768xf32, #tpu.memory_space<vmem>>, vector<16xf32>,
        tpu.vector_store %arg6[%swap3A_1665], %mul3A_1664 {strides = array<i32>} : memref<32768xf32, #tpu.memory_space<vmem>>, vector<16xf32>,
        %add3A_1667 = arith.constant 192 : i32
        %add3A_1668 = arith.addi %mul3A_1582, %add3A_1667 : i32
        %get3A_1669 = arith.index_cast %add3A_1668 : i32 to index
        %get3A_1670 = tpu.vector_load %arg6[%get3A_1669] {strides = array<i32>} : memref<32768xf32, #tpu.memory_space<vmem>>, vector<16xf32>,
        %mul3A_1671 = arith.mulf %get3A_1670, %gather3A_1580 : vector<16xf32>
        %swap3A_1672 = arith.index_cast %add3A_1668 : i32 to index
        %swap3A_1673 = tpu.vector_load %arg6[%swap3A_1672] {strides = array<i32>} : memref<32768xf32, #tpu.memory_space<vmem>>, vector<16xf32>,
        tpu.vector_store %arg6[%swap3A_1672], %mul3A_1671 {strides = array<i32>} : memref<32768xf32, #tpu.memory_space<vmem>>, vector<16xf32>,
        %add3A_1674 = arith.constant 208 : i32
        %add3A_1675 = arith.addi %mul3A_1582, %add3A_1674 : i32
        %get3A_1676 = arith.index_cast %add3A_1675 : i32 to index
        %get3A_1677 = tpu.vector_load %arg6[%get3A_1676] {strides = array<i32>} : memref<32768xf32, #tpu.memory_space<vmem>>, vector<16xf32>,
        %mul3A_1678 = arith.mulf %get3A_1677, %gather3A_1580 : vector<16xf32>
        %swap3A_1679 = arith.index_cast %add3A_1675 : i32 to index
        %swap3A_1680 = tpu.vector_load %arg6[%swap3A_1679] {strides = array<i32>} : memref<32768xf32, #tpu.memory_space<vmem>>, vector<16xf32>,
        tpu.vector_store %arg6[%swap3A_1679], %mul3A_1678 {strides = array<i32>} : memref<32768xf32, #tpu.memory_space<vmem>>, vector<16xf32>,
        %add3A_1681 = arith.constant 224 : i32
        %add3A_1682 = arith.addi %mul3A_1582, %add3A_1681 : i32
        %get3A_1683 = arith.index_cast %add3A_1682 : i32 to index
        %get3A_1684 = tpu.vector_load %arg6[%get3A_1683] {strides = array<i32>} : memref<32768xf32, #tpu.memory_space<vmem>>, vector<16xf32>,
        %mul3A_1685 = arith.mulf %get3A_1684, %gather3A_1580 : vector<16xf32>
        %swap3A_1686 = arith.index_cast %add3A_1682 : i32 to index
        %swap3A_1687 = tpu.vector_load %arg6[%swap3A_1686] {strides = array<i32>} : memref<32768xf32, #tpu.memory_space<vmem>>, vector<16xf32>,
        tpu.vector_store %arg6[%swap3A_1686], %mul3A_1685 {strides = array<i32>} : memref<32768xf32, #tpu.memory_space<vmem>>, vector<16xf32>,
        %add3A_1688 = arith.constant 240 : i32
        %add3A_1689 = arith.addi %mul3A_1582, %add3A_1688 : i32
        %get3A_1690 = arith.index_cast %add3A_1689 : i32 to index
        %get3A_1691 = tpu.vector_load %arg6[%get3A_1690] {strides = array<i32>} : memref<32768xf32, #tpu.memory_space<vmem>>, vector<16xf32>,
        %mul3A_1692 = arith.mulf %get3A_1691, %gather3A_1580 : vector<16xf32>
        %swap3A_1693 = arith.index_cast %add3A_1689 : i32 to index
        %swap3A_1694 = tpu.vector_load %arg6[%swap3A_1693] {strides = array<i32>} : memref<32768xf32, #tpu.memory_space<vmem>>, vector<16xf32>,
        tpu.vector_store %arg6[%swap3A_1693], %mul3A_1692 {strides = array<i32>} : memref<32768xf32, #tpu.memory_space<vmem>>, vector<16xf32>,
        %mul3A_1695 = arith.constant 16 : i32
        %mul3A_1696 = arith.muli %scan3A_124, %mul3A_1695 : i32
        %add3A_1697 = arith.constant 12 : i32
        %add3A_1698 = arith.addi %mul3A_1696, %add3A_1697 : i32
        %add3A_1699 = arith.constant 16 : i32
        %add3A_1700 = arith.addi %add3A_1699, %add3A_1698 : i32
        %broadcast_in_dim3A_1701 = vector.broadcast %add3A_1700 : i32 to vector<16xi32>
        %gather3A_1702 = tpu.vector_load_idx %arg7[%broadcast_in_dim3A_1701] : memref<144xf32, #tpu.memory_space<vmem>>[vector<16xi32>], vector<16xf32>,
        %mul3A_1703 = arith.constant 256 : i32
        %mul3A_1704 = arith.muli %add3A_1698, %mul3A_1703 : i32
        %add3A_1705 = arith.constant 0 : i32
        %add3A_1706 = arith.addi %mul3A_1704, %add3A_1705 : i32
        %get3A_1707 = arith.index_cast %add3A_1706 : i32 to index
        %get3A_1708 = tpu.vector_load %arg6[%get3A_1707] {strides = array<i32>} : memref<32768xf32, #tpu.memory_space<vmem>>, vector<16xf32>,
        %mul3A_1709 = arith.mulf %get3A_1708, %gather3A_1702 : vector<16xf32>
        %swap3A_1710 = arith.index_cast %add3A_1706 : i32 to index
        %swap3A_1711 = tpu.vector_load %arg6[%swap3A_1710] {strides = array<i32>} : memref<32768xf32, #tpu.memory_space<vmem>>, vector<16xf32>,
        tpu.vector_store %arg6[%swap3A_1710], %mul3A_1709 {strides = array<i32>} : memref<32768xf32, #tpu.memory_space<vmem>>, vector<16xf32>,
        %add3A_1712 = arith.constant 16 : i32
        %add3A_1713 = arith.addi %mul3A_1704, %add3A_1712 : i32
        %get3A_1714 = arith.index_cast %add3A_1713 : i32 to index
        %get3A_1715 = tpu.vector_load %arg6[%get3A_1714] {strides = array<i32>} : memref<32768xf32, #tpu.memory_space<vmem>>, vector<16xf32>,
        %mul3A_1716 = arith.mulf %get3A_1715, %gather3A_1702 : vector<16xf32>
        %swap3A_1717 = arith.index_cast %add3A_1713 : i32 to index
        %swap3A_1718 = tpu.vector_load %arg6[%swap3A_1717] {strides = array<i32>} : memref<32768xf32, #tpu.memory_space<vmem>>, vector<16xf32>,
        tpu.vector_store %arg6[%swap3A_1717], %mul3A_1716 {strides = array<i32>} : memref<32768xf32, #tpu.memory_space<vmem>>, vector<16xf32>,
        %add3A_1719 = arith.constant 32 : i32
        %add3A_1720 = arith.addi %mul3A_1704, %add3A_1719 : i32
        %get3A_1721 = arith.index_cast %add3A_1720 : i32 to index
        %get3A_1722 = tpu.vector_load %arg6[%get3A_1721] {strides = array<i32>} : memref<32768xf32, #tpu.memory_space<vmem>>, vector<16xf32>,
        %mul3A_1723 = arith.mulf %get3A_1722, %gather3A_1702 : vector<16xf32>
        %swap3A_1724 = arith.index_cast %add3A_1720 : i32 to index
        %swap3A_1725 = tpu.vector_load %arg6[%swap3A_1724] {strides = array<i32>} : memref<32768xf32, #tpu.memory_space<vmem>>, vector<16xf32>,
        tpu.vector_store %arg6[%swap3A_1724], %mul3A_1723 {strides = array<i32>} : memref<32768xf32, #tpu.memory_space<vmem>>, vector<16xf32>,
        %add3A_1726 = arith.constant 48 : i32
        %add3A_1727 = arith.addi %mul3A_1704, %add3A_1726 : i32
        %get3A_1728 = arith.index_cast %add3A_1727 : i32 to index
        %get3A_1729 = tpu.vector_load %arg6[%get3A_1728] {strides = array<i32>} : memref<32768xf32, #tpu.memory_space<vmem>>, vector<16xf32>,
        %mul3A_1730 = arith.mulf %get3A_1729, %gather3A_1702 : vector<16xf32>
        %swap3A_1731 = arith.index_cast %add3A_1727 : i32 to index
        %swap3A_1732 = tpu.vector_load %arg6[%swap3A_1731] {strides = array<i32>} : memref<32768xf32, #tpu.memory_space<vmem>>, vector<16xf32>,
        tpu.vector_store %arg6[%swap3A_1731], %mul3A_1730 {strides = array<i32>} : memref<32768xf32, #tpu.memory_space<vmem>>, vector<16xf32>,
        %add3A_1733 = arith.constant 64 : i32
        %add3A_1734 = arith.addi %mul3A_1704, %add3A_1733 : i32
        %get3A_1735 = arith.index_cast %add3A_1734 : i32 to index
        %get3A_1736 = tpu.vector_load %arg6[%get3A_1735] {strides = array<i32>} : memref<32768xf32, #tpu.memory_space<vmem>>, vector<16xf32>,
        %mul3A_1737 = arith.mulf %get3A_1736, %gather3A_1702 : vector<16xf32>
        %swap3A_1738 = arith.index_cast %add3A_1734 : i32 to index
        %swap3A_1739 = tpu.vector_load %arg6[%swap3A_1738] {strides = array<i32>} : memref<32768xf32, #tpu.memory_space<vmem>>, vector<16xf32>,
        tpu.vector_store %arg6[%swap3A_1738], %mul3A_1737 {strides = array<i32>} : memref<32768xf32, #tpu.memory_space<vmem>>, vector<16xf32>,
        %add3A_1740 = arith.constant 80 : i32
        %add3A_1741 = arith.addi %mul3A_1704, %add3A_1740 : i32
        %get3A_1742 = arith.index_cast %add3A_1741 : i32 to index
        %get3A_1743 = tpu.vector_load %arg6[%get3A_1742] {strides = array<i32>} : memref<32768xf32, #tpu.memory_space<vmem>>, vector<16xf32>,
        %mul3A_1744 = arith.mulf %get3A_1743, %gather3A_1702 : vector<16xf32>
        %swap3A_1745 = arith.index_cast %add3A_1741 : i32 to index
        %swap3A_1746 = tpu.vector_load %arg6[%swap3A_1745] {strides = array<i32>} : memref<32768xf32, #tpu.memory_space<vmem>>, vector<16xf32>,
        tpu.vector_store %arg6[%swap3A_1745], %mul3A_1744 {strides = array<i32>} : memref<32768xf32, #tpu.memory_space<vmem>>, vector<16xf32>,
        %add3A_1747 = arith.constant 96 : i32
        %add3A_1748 = arith.addi %mul3A_1704, %add3A_1747 : i32
        %get3A_1749 = arith.index_cast %add3A_1748 : i32 to index
        %get3A_1750 = tpu.vector_load %arg6[%get3A_1749] {strides = array<i32>} : memref<32768xf32, #tpu.memory_space<vmem>>, vector<16xf32>,
        %mul3A_1751 = arith.mulf %get3A_1750, %gather3A_1702 : vector<16xf32>
        %swap3A_1752 = arith.index_cast %add3A_1748 : i32 to index
        %swap3A_1753 = tpu.vector_load %arg6[%swap3A_1752] {strides = array<i32>} : memref<32768xf32, #tpu.memory_space<vmem>>, vector<16xf32>,
        tpu.vector_store %arg6[%swap3A_1752], %mul3A_1751 {strides = array<i32>} : memref<32768xf32, #tpu.memory_space<vmem>>, vector<16xf32>,
        %add3A_1754 = arith.constant 112 : i32
        %add3A_1755 = arith.addi %mul3A_1704, %add3A_1754 : i32
        %get3A_1756 = arith.index_cast %add3A_1755 : i32 to index
        %get3A_1757 = tpu.vector_load %arg6[%get3A_1756] {strides = array<i32>} : memref<32768xf32, #tpu.memory_space<vmem>>, vector<16xf32>,
        %mul3A_1758 = arith.mulf %get3A_1757, %gather3A_1702 : vector<16xf32>
        %swap3A_1759 = arith.index_cast %add3A_1755 : i32 to index
        %swap3A_1760 = tpu.vector_load %arg6[%swap3A_1759] {strides = array<i32>} : memref<32768xf32, #tpu.memory_space<vmem>>, vector<16xf32>,
        tpu.vector_store %arg6[%swap3A_1759], %mul3A_1758 {strides = array<i32>} : memref<32768xf32, #tpu.memory_space<vmem>>, vector<16xf32>,
        %add3A_1761 = arith.constant 128 : i32
        %add3A_1762 = arith.addi %mul3A_1704, %add3A_1761 : i32
        %get3A_1763 = arith.index_cast %add3A_1762 : i32 to index
        %get3A_1764 = tpu.vector_load %arg6[%get3A_1763] {strides = array<i32>} : memref<32768xf32, #tpu.memory_space<vmem>>, vector<16xf32>,
        %mul3A_1765 = arith.mulf %get3A_1764, %gather3A_1702 : vector<16xf32>
        %swap3A_1766 = arith.index_cast %add3A_1762 : i32 to index
        %swap3A_1767 = tpu.vector_load %arg6[%swap3A_1766] {strides = array<i32>} : memref<32768xf32, #tpu.memory_space<vmem>>, vector<16xf32>,
        tpu.vector_store %arg6[%swap3A_1766], %mul3A_1765 {strides = array<i32>} : memref<32768xf32, #tpu.memory_space<vmem>>, vector<16xf32>,
        %add3A_1768 = arith.constant 144 : i32
        %add3A_1769 = arith.addi %mul3A_1704, %add3A_1768 : i32
        %get3A_1770 = arith.index_cast %add3A_1769 : i32 to index
        %get3A_1771 = tpu.vector_load %arg6[%get3A_1770] {strides = array<i32>} : memref<32768xf32, #tpu.memory_space<vmem>>, vector<16xf32>,
        %mul3A_1772 = arith.mulf %get3A_1771, %gather3A_1702 : vector<16xf32>
        %swap3A_1773 = arith.index_cast %add3A_1769 : i32 to index
        %swap3A_1774 = tpu.vector_load %arg6[%swap3A_1773] {strides = array<i32>} : memref<32768xf32, #tpu.memory_space<vmem>>, vector<16xf32>,
        tpu.vector_store %arg6[%swap3A_1773], %mul3A_1772 {strides = array<i32>} : memref<32768xf32, #tpu.memory_space<vmem>>, vector<16xf32>,
        %add3A_1775 = arith.constant 160 : i32
        %add3A_1776 = arith.addi %mul3A_1704, %add3A_1775 : i32
        %get3A_1777 = arith.index_cast %add3A_1776 : i32 to index
        %get3A_1778 = tpu.vector_load %arg6[%get3A_1777] {strides = array<i32>} : memref<32768xf32, #tpu.memory_space<vmem>>, vector<16xf32>,
        %mul3A_1779 = arith.mulf %get3A_1778, %gather3A_1702 : vector<16xf32>
        %swap3A_1780 = arith.index_cast %add3A_1776 : i32 to index
        %swap3A_1781 = tpu.vector_load %arg6[%swap3A_1780] {strides = array<i32>} : memref<32768xf32, #tpu.memory_space<vmem>>, vector<16xf32>,
        tpu.vector_store %arg6[%swap3A_1780], %mul3A_1779 {strides = array<i32>} : memref<32768xf32, #tpu.memory_space<vmem>>, vector<16xf32>,
        %add3A_1782 = arith.constant 176 : i32
        %add3A_1783 = arith.addi %mul3A_1704, %add3A_1782 : i32
        %get3A_1784 = arith.index_cast %add3A_1783 : i32 to index
        %get3A_1785 = tpu.vector_load %arg6[%get3A_1784] {strides = array<i32>} : memref<32768xf32, #tpu.memory_space<vmem>>, vector<16xf32>,
        %mul3A_1786 = arith.mulf %get3A_1785, %gather3A_1702 : vector<16xf32>
        %swap3A_1787 = arith.index_cast %add3A_1783 : i32 to index
        %swap3A_1788 = tpu.vector_load %arg6[%swap3A_1787] {strides = array<i32>} : memref<32768xf32, #tpu.memory_space<vmem>>, vector<16xf32>,
        tpu.vector_store %arg6[%swap3A_1787], %mul3A_1786 {strides = array<i32>} : memref<32768xf32, #tpu.memory_space<vmem>>, vector<16xf32>,
        %add3A_1789 = arith.constant 192 : i32
        %add3A_1790 = arith.addi %mul3A_1704, %add3A_1789 : i32
        %get3A_1791 = arith.index_cast %add3A_1790 : i32 to index
        %get3A_1792 = tpu.vector_load %arg6[%get3A_1791] {strides = array<i32>} : memref<32768xf32, #tpu.memory_space<vmem>>, vector<16xf32>,
        %mul3A_1793 = arith.mulf %get3A_1792, %gather3A_1702 : vector<16xf32>
        %swap3A_1794 = arith.index_cast %add3A_1790 : i32 to index
        %swap3A_1795 = tpu.vector_load %arg6[%swap3A_1794] {strides = array<i32>} : memref<32768xf32, #tpu.memory_space<vmem>>, vector<16xf32>,
        tpu.vector_store %arg6[%swap3A_1794], %mul3A_1793 {strides = array<i32>} : memref<32768xf32, #tpu.memory_space<vmem>>, vector<16xf32>,
        %add3A_1796 = arith.constant 208 : i32
        %add3A_1797 = arith.addi %mul3A_1704, %add3A_1796 : i32
        %get3A_1798 = arith.index_cast %add3A_1797 : i32 to index
        %get3A_1799 = tpu.vector_load %arg6[%get3A_1798] {strides = array<i32>} : memref<32768xf32, #tpu.memory_space<vmem>>, vector<16xf32>,
        %mul3A_1800 = arith.mulf %get3A_1799, %gather3A_1702 : vector<16xf32>
        %swap3A_1801 = arith.index_cast %add3A_1797 : i32 to index
        %swap3A_1802 = tpu.vector_load %arg6[%swap3A_1801] {strides = array<i32>} : memref<32768xf32, #tpu.memory_space<vmem>>, vector<16xf32>,
        tpu.vector_store %arg6[%swap3A_1801], %mul3A_1800 {strides = array<i32>} : memref<32768xf32, #tpu.memory_space<vmem>>, vector<16xf32>,
        %add3A_1803 = arith.constant 224 : i32
        %add3A_1804 = arith.addi %mul3A_1704, %add3A_1803 : i32
        %get3A_1805 = arith.index_cast %add3A_1804 : i32 to index
        %get3A_1806 = tpu.vector_load %arg6[%get3A_1805] {strides = array<i32>} : memref<32768xf32, #tpu.memory_space<vmem>>, vector<16xf32>,
        %mul3A_1807 = arith.mulf %get3A_1806, %gather3A_1702 : vector<16xf32>
        %swap3A_1808 = arith.index_cast %add3A_1804 : i32 to index
        %swap3A_1809 = tpu.vector_load %arg6[%swap3A_1808] {strides = array<i32>} : memref<32768xf32, #tpu.memory_space<vmem>>, vector<16xf32>,
        tpu.vector_store %arg6[%swap3A_1808], %mul3A_1807 {strides = array<i32>} : memref<32768xf32, #tpu.memory_space<vmem>>, vector<16xf32>,
        %add3A_1810 = arith.constant 240 : i32
        %add3A_1811 = arith.addi %mul3A_1704, %add3A_1810 : i32
        %get3A_1812 = arith.index_cast %add3A_1811 : i32 to index
        %get3A_1813 = tpu.vector_load %arg6[%get3A_1812] {strides = array<i32>} : memref<32768xf32, #tpu.memory_space<vmem>>, vector<16xf32>,
        %mul3A_1814 = arith.mulf %get3A_1813, %gather3A_1702 : vector<16xf32>
        %swap3A_1815 = arith.index_cast %add3A_1811 : i32 to index
        %swap3A_1816 = tpu.vector_load %arg6[%swap3A_1815] {strides = array<i32>} : memref<32768xf32, #tpu.memory_space<vmem>>, vector<16xf32>,
        tpu.vector_store %arg6[%swap3A_1815], %mul3A_1814 {strides = array<i32>} : memref<32768xf32, #tpu.memory_space<vmem>>, vector<16xf32>,
        %mul3A_1817 = arith.constant 16 : i32
        %mul3A_1818 = arith.muli %scan3A_124, %mul3A_1817 : i32
        %add3A_1819 = arith.constant 13 : i32
        %add3A_1820 = arith.addi %mul3A_1818, %add3A_1819 : i32
        %add3A_1821 = arith.constant 16 : i32
        %add3A_1822 = arith.addi %add3A_1821, %add3A_1820 : i32
        %broadcast_in_dim3A_1823 = vector.broadcast %add3A_1822 : i32 to vector<16xi32>
        %gather3A_1824 = tpu.vector_load_idx %arg7[%broadcast_in_dim3A_1823] : memref<144xf32, #tpu.memory_space<vmem>>[vector<16xi32>], vector<16xf32>,
        %mul3A_1825 = arith.constant 256 : i32
        %mul3A_1826 = arith.muli %add3A_1820, %mul3A_1825 : i32
        %add3A_1827 = arith.constant 0 : i32
        %add3A_1828 = arith.addi %mul3A_1826, %add3A_1827 : i32
        %get3A_1829 = arith.index_cast %add3A_1828 : i32 to index
        %get3A_1830 = tpu.vector_load %arg6[%get3A_1829] {strides = array<i32>} : memref<32768xf32, #tpu.memory_space<vmem>>, vector<16xf32>,
        %mul3A_1831 = arith.mulf %get3A_1830, %gather3A_1824 : vector<16xf32>
        %swap3A_1832 = arith.index_cast %add3A_1828 : i32 to index
        %swap3A_1833 = tpu.vector_load %arg6[%swap3A_1832] {strides = array<i32>} : memref<32768xf32, #tpu.memory_space<vmem>>, vector<16xf32>,
        tpu.vector_store %arg6[%swap3A_1832], %mul3A_1831 {strides = array<i32>} : memref<32768xf32, #tpu.memory_space<vmem>>, vector<16xf32>,
        %add3A_1834 = arith.constant 16 : i32
        %add3A_1835 = arith.addi %mul3A_1826, %add3A_1834 : i32
        %get3A_1836 = arith.index_cast %add3A_1835 : i32 to index
        %get3A_1837 = tpu.vector_load %arg6[%get3A_1836] {strides = array<i32>} : memref<32768xf32, #tpu.memory_space<vmem>>, vector<16xf32>,
        %mul3A_1838 = arith.mulf %get3A_1837, %gather3A_1824 : vector<16xf32>
        %swap3A_1839 = arith.index_cast %add3A_1835 : i32 to index
        %swap3A_1840 = tpu.vector_load %arg6[%swap3A_1839] {strides = array<i32>} : memref<32768xf32, #tpu.memory_space<vmem>>, vector<16xf32>,
        tpu.vector_store %arg6[%swap3A_1839], %mul3A_1838 {strides = array<i32>} : memref<32768xf32, #tpu.memory_space<vmem>>, vector<16xf32>,
        %add3A_1841 = arith.constant 32 : i32
        %add3A_1842 = arith.addi %mul3A_1826, %add3A_1841 : i32
        %get3A_1843 = arith.index_cast %add3A_1842 : i32 to index
        %get3A_1844 = tpu.vector_load %arg6[%get3A_1843] {strides = array<i32>} : memref<32768xf32, #tpu.memory_space<vmem>>, vector<16xf32>,
        %mul3A_1845 = arith.mulf %get3A_1844, %gather3A_1824 : vector<16xf32>
        %swap3A_1846 = arith.index_cast %add3A_1842 : i32 to index
        %swap3A_1847 = tpu.vector_load %arg6[%swap3A_1846] {strides = array<i32>} : memref<32768xf32, #tpu.memory_space<vmem>>, vector<16xf32>,
        tpu.vector_store %arg6[%swap3A_1846], %mul3A_1845 {strides = array<i32>} : memref<32768xf32, #tpu.memory_space<vmem>>, vector<16xf32>,
        %add3A_1848 = arith.constant 48 : i32
        %add3A_1849 = arith.addi %mul3A_1826, %add3A_1848 : i32
        %get3A_1850 = arith.index_cast %add3A_1849 : i32 to index
        %get3A_1851 = tpu.vector_load %arg6[%get3A_1850] {strides = array<i32>} : memref<32768xf32, #tpu.memory_space<vmem>>, vector<16xf32>,
        %mul3A_1852 = arith.mulf %get3A_1851, %gather3A_1824 : vector<16xf32>
        %swap3A_1853 = arith.index_cast %add3A_1849 : i32 to index
        %swap3A_1854 = tpu.vector_load %arg6[%swap3A_1853] {strides = array<i32>} : memref<32768xf32, #tpu.memory_space<vmem>>, vector<16xf32>,
        tpu.vector_store %arg6[%swap3A_1853], %mul3A_1852 {strides = array<i32>} : memref<32768xf32, #tpu.memory_space<vmem>>, vector<16xf32>,
        %add3A_1855 = arith.constant 64 : i32
        %add3A_1856 = arith.addi %mul3A_1826, %add3A_1855 : i32
        %get3A_1857 = arith.index_cast %add3A_1856 : i32 to index
        %get3A_1858 = tpu.vector_load %arg6[%get3A_1857] {strides = array<i32>} : memref<32768xf32, #tpu.memory_space<vmem>>, vector<16xf32>,
        %mul3A_1859 = arith.mulf %get3A_1858, %gather3A_1824 : vector<16xf32>
        %swap3A_1860 = arith.index_cast %add3A_1856 : i32 to index
        %swap3A_1861 = tpu.vector_load %arg6[%swap3A_1860] {strides = array<i32>} : memref<32768xf32, #tpu.memory_space<vmem>>, vector<16xf32>,
        tpu.vector_store %arg6[%swap3A_1860], %mul3A_1859 {strides = array<i32>} : memref<32768xf32, #tpu.memory_space<vmem>>, vector<16xf32>,
        %add3A_1862 = arith.constant 80 : i32
        %add3A_1863 = arith.addi %mul3A_1826, %add3A_1862 : i32
        %get3A_1864 = arith.index_cast %add3A_1863 : i32 to index
        %get3A_1865 = tpu.vector_load %arg6[%get3A_1864] {strides = array<i32>} : memref<32768xf32, #tpu.memory_space<vmem>>, vector<16xf32>,
        %mul3A_1866 = arith.mulf %get3A_1865, %gather3A_1824 : vector<16xf32>
        %swap3A_1867 = arith.index_cast %add3A_1863 : i32 to index
        %swap3A_1868 = tpu.vector_load %arg6[%swap3A_1867] {strides = array<i32>} : memref<32768xf32, #tpu.memory_space<vmem>>, vector<16xf32>,
        tpu.vector_store %arg6[%swap3A_1867], %mul3A_1866 {strides = array<i32>} : memref<32768xf32, #tpu.memory_space<vmem>>, vector<16xf32>,
        %add3A_1869 = arith.constant 96 : i32
        %add3A_1870 = arith.addi %mul3A_1826, %add3A_1869 : i32
        %get3A_1871 = arith.index_cast %add3A_1870 : i32 to index
        %get3A_1872 = tpu.vector_load %arg6[%get3A_1871] {strides = array<i32>} : memref<32768xf32, #tpu.memory_space<vmem>>, vector<16xf32>,
        %mul3A_1873 = arith.mulf %get3A_1872, %gather3A_1824 : vector<16xf32>
        %swap3A_1874 = arith.index_cast %add3A_1870 : i32 to index
        %swap3A_1875 = tpu.vector_load %arg6[%swap3A_1874] {strides = array<i32>} : memref<32768xf32, #tpu.memory_space<vmem>>, vector<16xf32>,
        tpu.vector_store %arg6[%swap3A_1874], %mul3A_1873 {strides = array<i32>} : memref<32768xf32, #tpu.memory_space<vmem>>, vector<16xf32>,
        %add3A_1876 = arith.constant 112 : i32
        %add3A_1877 = arith.addi %mul3A_1826, %add3A_1876 : i32
        %get3A_1878 = arith.index_cast %add3A_1877 : i32 to index
        %get3A_1879 = tpu.vector_load %arg6[%get3A_1878] {strides = array<i32>} : memref<32768xf32, #tpu.memory_space<vmem>>, vector<16xf32>,
        %mul3A_1880 = arith.mulf %get3A_1879, %gather3A_1824 : vector<16xf32>
        %swap3A_1881 = arith.index_cast %add3A_1877 : i32 to index
        %swap3A_1882 = tpu.vector_load %arg6[%swap3A_1881] {strides = array<i32>} : memref<32768xf32, #tpu.memory_space<vmem>>, vector<16xf32>,
        tpu.vector_store %arg6[%swap3A_1881], %mul3A_1880 {strides = array<i32>} : memref<32768xf32, #tpu.memory_space<vmem>>, vector<16xf32>,
        %add3A_1883 = arith.constant 128 : i32
        %add3A_1884 = arith.addi %mul3A_1826, %add3A_1883 : i32
        %get3A_1885 = arith.index_cast %add3A_1884 : i32 to index
        %get3A_1886 = tpu.vector_load %arg6[%get3A_1885] {strides = array<i32>} : memref<32768xf32, #tpu.memory_space<vmem>>, vector<16xf32>,
        %mul3A_1887 = arith.mulf %get3A_1886, %gather3A_1824 : vector<16xf32>
        %swap3A_1888 = arith.index_cast %add3A_1884 : i32 to index
        %swap3A_1889 = tpu.vector_load %arg6[%swap3A_1888] {strides = array<i32>} : memref<32768xf32, #tpu.memory_space<vmem>>, vector<16xf32>,
        tpu.vector_store %arg6[%swap3A_1888], %mul3A_1887 {strides = array<i32>} : memref<32768xf32, #tpu.memory_space<vmem>>, vector<16xf32>,
        %add3A_1890 = arith.constant 144 : i32
        %add3A_1891 = arith.addi %mul3A_1826, %add3A_1890 : i32
        %get3A_1892 = arith.index_cast %add3A_1891 : i32 to index
        %get3A_1893 = tpu.vector_load %arg6[%get3A_1892] {strides = array<i32>} : memref<32768xf32, #tpu.memory_space<vmem>>, vector<16xf32>,
        %mul3A_1894 = arith.mulf %get3A_1893, %gather3A_1824 : vector<16xf32>
        %swap3A_1895 = arith.index_cast %add3A_1891 : i32 to index
        %swap3A_1896 = tpu.vector_load %arg6[%swap3A_1895] {strides = array<i32>} : memref<32768xf32, #tpu.memory_space<vmem>>, vector<16xf32>,
        tpu.vector_store %arg6[%swap3A_1895], %mul3A_1894 {strides = array<i32>} : memref<32768xf32, #tpu.memory_space<vmem>>, vector<16xf32>,
        %add3A_1897 = arith.constant 160 : i32
        %add3A_1898 = arith.addi %mul3A_1826, %add3A_1897 : i32
        %get3A_1899 = arith.index_cast %add3A_1898 : i32 to index
        %get3A_1900 = tpu.vector_load %arg6[%get3A_1899] {strides = array<i32>} : memref<32768xf32, #tpu.memory_space<vmem>>, vector<16xf32>,
        %mul3A_1901 = arith.mulf %get3A_1900, %gather3A_1824 : vector<16xf32>
        %swap3A_1902 = arith.index_cast %add3A_1898 : i32 to index
        %swap3A_1903 = tpu.vector_load %arg6[%swap3A_1902] {strides = array<i32>} : memref<32768xf32, #tpu.memory_space<vmem>>, vector<16xf32>,
        tpu.vector_store %arg6[%swap3A_1902], %mul3A_1901 {strides = array<i32>} : memref<32768xf32, #tpu.memory_space<vmem>>, vector<16xf32>,
        %add3A_1904 = arith.constant 176 : i32
        %add3A_1905 = arith.addi %mul3A_1826, %add3A_1904 : i32
        %get3A_1906 = arith.index_cast %add3A_1905 : i32 to index
        %get3A_1907 = tpu.vector_load %arg6[%get3A_1906] {strides = array<i32>} : memref<32768xf32, #tpu.memory_space<vmem>>, vector<16xf32>,
        %mul3A_1908 = arith.mulf %get3A_1907, %gather3A_1824 : vector<16xf32>
        %swap3A_1909 = arith.index_cast %add3A_1905 : i32 to index
        %swap3A_1910 = tpu.vector_load %arg6[%swap3A_1909] {strides = array<i32>} : memref<32768xf32, #tpu.memory_space<vmem>>, vector<16xf32>,
        tpu.vector_store %arg6[%swap3A_1909], %mul3A_1908 {strides = array<i32>} : memref<32768xf32, #tpu.memory_space<vmem>>, vector<16xf32>,
        %add3A_1911 = arith.constant 192 : i32
        %add3A_1912 = arith.addi %mul3A_1826, %add3A_1911 : i32
        %get3A_1913 = arith.index_cast %add3A_1912 : i32 to index
        %get3A_1914 = tpu.vector_load %arg6[%get3A_1913] {strides = array<i32>} : memref<32768xf32, #tpu.memory_space<vmem>>, vector<16xf32>,
        %mul3A_1915 = arith.mulf %get3A_1914, %gather3A_1824 : vector<16xf32>
        %swap3A_1916 = arith.index_cast %add3A_1912 : i32 to index
        %swap3A_1917 = tpu.vector_load %arg6[%swap3A_1916] {strides = array<i32>} : memref<32768xf32, #tpu.memory_space<vmem>>, vector<16xf32>,
        tpu.vector_store %arg6[%swap3A_1916], %mul3A_1915 {strides = array<i32>} : memref<32768xf32, #tpu.memory_space<vmem>>, vector<16xf32>,
        %add3A_1918 = arith.constant 208 : i32
        %add3A_1919 = arith.addi %mul3A_1826, %add3A_1918 : i32
        %get3A_1920 = arith.index_cast %add3A_1919 : i32 to index
        %get3A_1921 = tpu.vector_load %arg6[%get3A_1920] {strides = array<i32>} : memref<32768xf32, #tpu.memory_space<vmem>>, vector<16xf32>,
        %mul3A_1922 = arith.mulf %get3A_1921, %gather3A_1824 : vector<16xf32>
        %swap3A_1923 = arith.index_cast %add3A_1919 : i32 to index
        %swap3A_1924 = tpu.vector_load %arg6[%swap3A_1923] {strides = array<i32>} : memref<32768xf32, #tpu.memory_space<vmem>>, vector<16xf32>,
        tpu.vector_store %arg6[%swap3A_1923], %mul3A_1922 {strides = array<i32>} : memref<32768xf32, #tpu.memory_space<vmem>>, vector<16xf32>,
        %add3A_1925 = arith.constant 224 : i32
        %add3A_1926 = arith.addi %mul3A_1826, %add3A_1925 : i32
        %get3A_1927 = arith.index_cast %add3A_1926 : i32 to index
        %get3A_1928 = tpu.vector_load %arg6[%get3A_1927] {strides = array<i32>} : memref<32768xf32, #tpu.memory_space<vmem>>, vector<16xf32>,
        %mul3A_1929 = arith.mulf %get3A_1928, %gather3A_1824 : vector<16xf32>
        %swap3A_1930 = arith.index_cast %add3A_1926 : i32 to index
        %swap3A_1931 = tpu.vector_load %arg6[%swap3A_1930] {strides = array<i32>} : memref<32768xf32, #tpu.memory_space<vmem>>, vector<16xf32>,
        tpu.vector_store %arg6[%swap3A_1930], %mul3A_1929 {strides = array<i32>} : memref<32768xf32, #tpu.memory_space<vmem>>, vector<16xf32>,
        %add3A_1932 = arith.constant 240 : i32
        %add3A_1933 = arith.addi %mul3A_1826, %add3A_1932 : i32
        %get3A_1934 = arith.index_cast %add3A_1933 : i32 to index
        %get3A_1935 = tpu.vector_load %arg6[%get3A_1934] {strides = array<i32>} : memref<32768xf32, #tpu.memory_space<vmem>>, vector<16xf32>,
        %mul3A_1936 = arith.mulf %get3A_1935, %gather3A_1824 : vector<16xf32>
        %swap3A_1937 = arith.index_cast %add3A_1933 : i32 to index
        %swap3A_1938 = tpu.vector_load %arg6[%swap3A_1937] {strides = array<i32>} : memref<32768xf32, #tpu.memory_space<vmem>>, vector<16xf32>,
        tpu.vector_store %arg6[%swap3A_1937], %mul3A_1936 {strides = array<i32>} : memref<32768xf32, #tpu.memory_space<vmem>>, vector<16xf32>,
        %mul3A_1939 = arith.constant 16 : i32
        %mul3A_1940 = arith.muli %scan3A_124, %mul3A_1939 : i32
        %add3A_1941 = arith.constant 14 : i32
        %add3A_1942 = arith.addi %mul3A_1940, %add3A_1941 : i32
        %add3A_1943 = arith.constant 16 : i32
        %add3A_1944 = arith.addi %add3A_1943, %add3A_1942 : i32
        %broadcast_in_dim3A_1945 = vector.broadcast %add3A_1944 : i32 to vector<16xi32>
        %gather3A_1946 = tpu.vector_load_idx %arg7[%broadcast_in_dim3A_1945] : memref<144xf32, #tpu.memory_space<vmem>>[vector<16xi32>], vector<16xf32>,
        %mul3A_1947 = arith.constant 256 : i32
        %mul3A_1948 = arith.muli %add3A_1942, %mul3A_1947 : i32
        %add3A_1949 = arith.constant 0 : i32
        %add3A_1950 = arith.addi %mul3A_1948, %add3A_1949 : i32
        %get3A_1951 = arith.index_cast %add3A_1950 : i32 to index
        %get3A_1952 = tpu.vector_load %arg6[%get3A_1951] {strides = array<i32>} : memref<32768xf32, #tpu.memory_space<vmem>>, vector<16xf32>,
        %mul3A_1953 = arith.mulf %get3A_1952, %gather3A_1946 : vector<16xf32>
        %swap3A_1954 = arith.index_cast %add3A_1950 : i32 to index
        %swap3A_1955 = tpu.vector_load %arg6[%swap3A_1954] {strides = array<i32>} : memref<32768xf32, #tpu.memory_space<vmem>>, vector<16xf32>,
        tpu.vector_store %arg6[%swap3A_1954], %mul3A_1953 {strides = array<i32>} : memref<32768xf32, #tpu.memory_space<vmem>>, vector<16xf32>,
        %add3A_1956 = arith.constant 16 : i32
        %add3A_1957 = arith.addi %mul3A_1948, %add3A_1956 : i32
        %get3A_1958 = arith.index_cast %add3A_1957 : i32 to index
        %get3A_1959 = tpu.vector_load %arg6[%get3A_1958] {strides = array<i32>} : memref<32768xf32, #tpu.memory_space<vmem>>, vector<16xf32>,
        %mul3A_1960 = arith.mulf %get3A_1959, %gather3A_1946 : vector<16xf32>
        %swap3A_1961 = arith.index_cast %add3A_1957 : i32 to index
        %swap3A_1962 = tpu.vector_load %arg6[%swap3A_1961] {strides = array<i32>} : memref<32768xf32, #tpu.memory_space<vmem>>, vector<16xf32>,
        tpu.vector_store %arg6[%swap3A_1961], %mul3A_1960 {strides = array<i32>} : memref<32768xf32, #tpu.memory_space<vmem>>, vector<16xf32>,
        %add3A_1963 = arith.constant 32 : i32
        %add3A_1964 = arith.addi %mul3A_1948, %add3A_1963 : i32
        %get3A_1965 = arith.index_cast %add3A_1964 : i32 to index
        %get3A_1966 = tpu.vector_load %arg6[%get3A_1965] {strides = array<i32>} : memref<32768xf32, #tpu.memory_space<vmem>>, vector<16xf32>,
        %mul3A_1967 = arith.mulf %get3A_1966, %gather3A_1946 : vector<16xf32>
        %swap3A_1968 = arith.index_cast %add3A_1964 : i32 to index
        %swap3A_1969 = tpu.vector_load %arg6[%swap3A_1968] {strides = array<i32>} : memref<32768xf32, #tpu.memory_space<vmem>>, vector<16xf32>,
        tpu.vector_store %arg6[%swap3A_1968], %mul3A_1967 {strides = array<i32>} : memref<32768xf32, #tpu.memory_space<vmem>>, vector<16xf32>,
        %add3A_1970 = arith.constant 48 : i32
        %add3A_1971 = arith.addi %mul3A_1948, %add3A_1970 : i32
        %get3A_1972 = arith.index_cast %add3A_1971 : i32 to index
        %get3A_1973 = tpu.vector_load %arg6[%get3A_1972] {strides = array<i32>} : memref<32768xf32, #tpu.memory_space<vmem>>, vector<16xf32>,
        %mul3A_1974 = arith.mulf %get3A_1973, %gather3A_1946 : vector<16xf32>
        %swap3A_1975 = arith.index_cast %add3A_1971 : i32 to index
        %swap3A_1976 = tpu.vector_load %arg6[%swap3A_1975] {strides = array<i32>} : memref<32768xf32, #tpu.memory_space<vmem>>, vector<16xf32>,
        tpu.vector_store %arg6[%swap3A_1975], %mul3A_1974 {strides = array<i32>} : memref<32768xf32, #tpu.memory_space<vmem>>, vector<16xf32>,
        %add3A_1977 = arith.constant 64 : i32
        %add3A_1978 = arith.addi %mul3A_1948, %add3A_1977 : i32
        %get3A_1979 = arith.index_cast %add3A_1978 : i32 to index
        %get3A_1980 = tpu.vector_load %arg6[%get3A_1979] {strides = array<i32>} : memref<32768xf32, #tpu.memory_space<vmem>>, vector<16xf32>,
        %mul3A_1981 = arith.mulf %get3A_1980, %gather3A_1946 : vector<16xf32>
        %swap3A_1982 = arith.index_cast %add3A_1978 : i32 to index
        %swap3A_1983 = tpu.vector_load %arg6[%swap3A_1982] {strides = array<i32>} : memref<32768xf32, #tpu.memory_space<vmem>>, vector<16xf32>,
        tpu.vector_store %arg6[%swap3A_1982], %mul3A_1981 {strides = array<i32>} : memref<32768xf32, #tpu.memory_space<vmem>>, vector<16xf32>,
        %add3A_1984 = arith.constant 80 : i32
        %add3A_1985 = arith.addi %mul3A_1948, %add3A_1984 : i32
        %get3A_1986 = arith.index_cast %add3A_1985 : i32 to index
        %get3A_1987 = tpu.vector_load %arg6[%get3A_1986] {strides = array<i32>} : memref<32768xf32, #tpu.memory_space<vmem>>, vector<16xf32>,
        %mul3A_1988 = arith.mulf %get3A_1987, %gather3A_1946 : vector<16xf32>
        %swap3A_1989 = arith.index_cast %add3A_1985 : i32 to index
        %swap3A_1990 = tpu.vector_load %arg6[%swap3A_1989] {strides = array<i32>} : memref<32768xf32, #tpu.memory_space<vmem>>, vector<16xf32>,
        tpu.vector_store %arg6[%swap3A_1989], %mul3A_1988 {strides = array<i32>} : memref<32768xf32, #tpu.memory_space<vmem>>, vector<16xf32>,
        %add3A_1991 = arith.constant 96 : i32
        %add3A_1992 = arith.addi %mul3A_1948, %add3A_1991 : i32
        %get3A_1993 = arith.index_cast %add3A_1992 : i32 to index
        %get3A_1994 = tpu.vector_load %arg6[%get3A_1993] {strides = array<i32>} : memref<32768xf32, #tpu.memory_space<vmem>>, vector<16xf32>,
        %mul3A_1995 = arith.mulf %get3A_1994, %gather3A_1946 : vector<16xf32>
        %swap3A_1996 = arith.index_cast %add3A_1992 : i32 to index
        %swap3A_1997 = tpu.vector_load %arg6[%swap3A_1996] {strides = array<i32>} : memref<32768xf32, #tpu.memory_space<vmem>>, vector<16xf32>,
        tpu.vector_store %arg6[%swap3A_1996], %mul3A_1995 {strides = array<i32>} : memref<32768xf32, #tpu.memory_space<vmem>>, vector<16xf32>,
        %add3A_1998 = arith.constant 112 : i32
        %add3A_1999 = arith.addi %mul3A_1948, %add3A_1998 : i32
        %get3A_2000 = arith.index_cast %add3A_1999 : i32 to index
        %get3A_2001 = tpu.vector_load %arg6[%get3A_2000] {strides = array<i32>} : memref<32768xf32, #tpu.memory_space<vmem>>, vector<16xf32>,
        %mul3A_2002 = arith.mulf %get3A_2001, %gather3A_1946 : vector<16xf32>
        %swap3A_2003 = arith.index_cast %add3A_1999 : i32 to index
        %swap3A_2004 = tpu.vector_load %arg6[%swap3A_2003] {strides = array<i32>} : memref<32768xf32, #tpu.memory_space<vmem>>, vector<16xf32>,
        tpu.vector_store %arg6[%swap3A_2003], %mul3A_2002 {strides = array<i32>} : memref<32768xf32, #tpu.memory_space<vmem>>, vector<16xf32>,
        %add3A_2005 = arith.constant 128 : i32
        %add3A_2006 = arith.addi %mul3A_1948, %add3A_2005 : i32
        %get3A_2007 = arith.index_cast %add3A_2006 : i32 to index
        %get3A_2008 = tpu.vector_load %arg6[%get3A_2007] {strides = array<i32>} : memref<32768xf32, #tpu.memory_space<vmem>>, vector<16xf32>,
        %mul3A_2009 = arith.mulf %get3A_2008, %gather3A_1946 : vector<16xf32>
        %swap3A_2010 = arith.index_cast %add3A_2006 : i32 to index
        %swap3A_2011 = tpu.vector_load %arg6[%swap3A_2010] {strides = array<i32>} : memref<32768xf32, #tpu.memory_space<vmem>>, vector<16xf32>,
        tpu.vector_store %arg6[%swap3A_2010], %mul3A_2009 {strides = array<i32>} : memref<32768xf32, #tpu.memory_space<vmem>>, vector<16xf32>,
        %add3A_2012 = arith.constant 144 : i32
        %add3A_2013 = arith.addi %mul3A_1948, %add3A_2012 : i32
        %get3A_2014 = arith.index_cast %add3A_2013 : i32 to index
        %get3A_2015 = tpu.vector_load %arg6[%get3A_2014] {strides = array<i32>} : memref<32768xf32, #tpu.memory_space<vmem>>, vector<16xf32>,
        %mul3A_2016 = arith.mulf %get3A_2015, %gather3A_1946 : vector<16xf32>
        %swap3A_2017 = arith.index_cast %add3A_2013 : i32 to index
        %swap3A_2018 = tpu.vector_load %arg6[%swap3A_2017] {strides = array<i32>} : memref<32768xf32, #tpu.memory_space<vmem>>, vector<16xf32>,
        tpu.vector_store %arg6[%swap3A_2017], %mul3A_2016 {strides = array<i32>} : memref<32768xf32, #tpu.memory_space<vmem>>, vector<16xf32>,
        %add3A_2019 = arith.constant 160 : i32
        %add3A_2020 = arith.addi %mul3A_1948, %add3A_2019 : i32
        %get3A_2021 = arith.index_cast %add3A_2020 : i32 to index
        %get3A_2022 = tpu.vector_load %arg6[%get3A_2021] {strides = array<i32>} : memref<32768xf32, #tpu.memory_space<vmem>>, vector<16xf32>,
        %mul3A_2023 = arith.mulf %get3A_2022, %gather3A_1946 : vector<16xf32>
        %swap3A_2024 = arith.index_cast %add3A_2020 : i32 to index
        %swap3A_2025 = tpu.vector_load %arg6[%swap3A_2024] {strides = array<i32>} : memref<32768xf32, #tpu.memory_space<vmem>>, vector<16xf32>,
        tpu.vector_store %arg6[%swap3A_2024], %mul3A_2023 {strides = array<i32>} : memref<32768xf32, #tpu.memory_space<vmem>>, vector<16xf32>,
        %add3A_2026 = arith.constant 176 : i32
        %add3A_2027 = arith.addi %mul3A_1948, %add3A_2026 : i32
        %get3A_2028 = arith.index_cast %add3A_2027 : i32 to index
        %get3A_2029 = tpu.vector_load %arg6[%get3A_2028] {strides = array<i32>} : memref<32768xf32, #tpu.memory_space<vmem>>, vector<16xf32>,
        %mul3A_2030 = arith.mulf %get3A_2029, %gather3A_1946 : vector<16xf32>
        %swap3A_2031 = arith.index_cast %add3A_2027 : i32 to index
        %swap3A_2032 = tpu.vector_load %arg6[%swap3A_2031] {strides = array<i32>} : memref<32768xf32, #tpu.memory_space<vmem>>, vector<16xf32>,
        tpu.vector_store %arg6[%swap3A_2031], %mul3A_2030 {strides = array<i32>} : memref<32768xf32, #tpu.memory_space<vmem>>, vector<16xf32>,
        %add3A_2033 = arith.constant 192 : i32
        %add3A_2034 = arith.addi %mul3A_1948, %add3A_2033 : i32
        %get3A_2035 = arith.index_cast %add3A_2034 : i32 to index
        %get3A_2036 = tpu.vector_load %arg6[%get3A_2035] {strides = array<i32>} : memref<32768xf32, #tpu.memory_space<vmem>>, vector<16xf32>,
        %mul3A_2037 = arith.mulf %get3A_2036, %gather3A_1946 : vector<16xf32>
        %swap3A_2038 = arith.index_cast %add3A_2034 : i32 to index
        %swap3A_2039 = tpu.vector_load %arg6[%swap3A_2038] {strides = array<i32>} : memref<32768xf32, #tpu.memory_space<vmem>>, vector<16xf32>,
        tpu.vector_store %arg6[%swap3A_2038], %mul3A_2037 {strides = array<i32>} : memref<32768xf32, #tpu.memory_space<vmem>>, vector<16xf32>,
        %add3A_2040 = arith.constant 208 : i32
        %add3A_2041 = arith.addi %mul3A_1948, %add3A_2040 : i32
        %get3A_2042 = arith.index_cast %add3A_2041 : i32 to index
        %get3A_2043 = tpu.vector_load %arg6[%get3A_2042] {strides = array<i32>} : memref<32768xf32, #tpu.memory_space<vmem>>, vector<16xf32>,
        %mul3A_2044 = arith.mulf %get3A_2043, %gather3A_1946 : vector<16xf32>
        %swap3A_2045 = arith.index_cast %add3A_2041 : i32 to index
        %swap3A_2046 = tpu.vector_load %arg6[%swap3A_2045] {strides = array<i32>} : memref<32768xf32, #tpu.memory_space<vmem>>, vector<16xf32>,
        tpu.vector_store %arg6[%swap3A_2045], %mul3A_2044 {strides = array<i32>} : memref<32768xf32, #tpu.memory_space<vmem>>, vector<16xf32>,
        %add3A_2047 = arith.constant 224 : i32
        %add3A_2048 = arith.addi %mul3A_1948, %add3A_2047 : i32
        %get3A_2049 = arith.index_cast %add3A_2048 : i32 to index
        %get3A_2050 = tpu.vector_load %arg6[%get3A_2049] {strides = array<i32>} : memref<32768xf32, #tpu.memory_space<vmem>>, vector<16xf32>,
        %mul3A_2051 = arith.mulf %get3A_2050, %gather3A_1946 : vector<16xf32>
        %swap3A_2052 = arith.index_cast %add3A_2048 : i32 to index
        %swap3A_2053 = tpu.vector_load %arg6[%swap3A_2052] {strides = array<i32>} : memref<32768xf32, #tpu.memory_space<vmem>>, vector<16xf32>,
        tpu.vector_store %arg6[%swap3A_2052], %mul3A_2051 {strides = array<i32>} : memref<32768xf32, #tpu.memory_space<vmem>>, vector<16xf32>,
        %add3A_2054 = arith.constant 240 : i32
        %add3A_2055 = arith.addi %mul3A_1948, %add3A_2054 : i32
        %get3A_2056 = arith.index_cast %add3A_2055 : i32 to index
        %get3A_2057 = tpu.vector_load %arg6[%get3A_2056] {strides = array<i32>} : memref<32768xf32, #tpu.memory_space<vmem>>, vector<16xf32>,
        %mul3A_2058 = arith.mulf %get3A_2057, %gather3A_1946 : vector<16xf32>
        %swap3A_2059 = arith.index_cast %add3A_2055 : i32 to index
        %swap3A_2060 = tpu.vector_load %arg6[%swap3A_2059] {strides = array<i32>} : memref<32768xf32, #tpu.memory_space<vmem>>, vector<16xf32>,
        tpu.vector_store %arg6[%swap3A_2059], %mul3A_2058 {strides = array<i32>} : memref<32768xf32, #tpu.memory_space<vmem>>, vector<16xf32>,
        %mul3A_2061 = arith.constant 16 : i32
        %mul3A_2062 = arith.muli %scan3A_124, %mul3A_2061 : i32
        %add3A_2063 = arith.constant 15 : i32
        %add3A_2064 = arith.addi %mul3A_2062, %add3A_2063 : i32
        %add3A_2065 = arith.constant 16 : i32
        %add3A_2066 = arith.addi %add3A_2065, %add3A_2064 : i32
        %broadcast_in_dim3A_2067 = vector.broadcast %add3A_2066 : i32 to vector<16xi32>
        %gather3A_2068 = tpu.vector_load_idx %arg7[%broadcast_in_dim3A_2067] : memref<144xf32, #tpu.memory_space<vmem>>[vector<16xi32>], vector<16xf32>,
        %mul3A_2069 = arith.constant 256 : i32
        %mul3A_2070 = arith.muli %add3A_2064, %mul3A_2069 : i32
        %add3A_2071 = arith.constant 0 : i32
        %add3A_2072 = arith.addi %mul3A_2070, %add3A_2071 : i32
        %get3A_2073 = arith.index_cast %add3A_2072 : i32 to index
        %get3A_2074 = tpu.vector_load %arg6[%get3A_2073] {strides = array<i32>} : memref<32768xf32, #tpu.memory_space<vmem>>, vector<16xf32>,
        %mul3A_2075 = arith.mulf %get3A_2074, %gather3A_2068 : vector<16xf32>
        %swap3A_2076 = arith.index_cast %add3A_2072 : i32 to index
        %swap3A_2077 = tpu.vector_load %arg6[%swap3A_2076] {strides = array<i32>} : memref<32768xf32, #tpu.memory_space<vmem>>, vector<16xf32>,
        tpu.vector_store %arg6[%swap3A_2076], %mul3A_2075 {strides = array<i32>} : memref<32768xf32, #tpu.memory_space<vmem>>, vector<16xf32>,
        %add3A_2078 = arith.constant 16 : i32
        %add3A_2079 = arith.addi %mul3A_2070, %add3A_2078 : i32
        %get3A_2080 = arith.index_cast %add3A_2079 : i32 to index
        %get3A_2081 = tpu.vector_load %arg6[%get3A_2080] {strides = array<i32>} : memref<32768xf32, #tpu.memory_space<vmem>>, vector<16xf32>,
        %mul3A_2082 = arith.mulf %get3A_2081, %gather3A_2068 : vector<16xf32>
        %swap3A_2083 = arith.index_cast %add3A_2079 : i32 to index
        %swap3A_2084 = tpu.vector_load %arg6[%swap3A_2083] {strides = array<i32>} : memref<32768xf32, #tpu.memory_space<vmem>>, vector<16xf32>,
        tpu.vector_store %arg6[%swap3A_2083], %mul3A_2082 {strides = array<i32>} : memref<32768xf32, #tpu.memory_space<vmem>>, vector<16xf32>,
        %add3A_2085 = arith.constant 32 : i32
        %add3A_2086 = arith.addi %mul3A_2070, %add3A_2085 : i32
        %get3A_2087 = arith.index_cast %add3A_2086 : i32 to index
        %get3A_2088 = tpu.vector_load %arg6[%get3A_2087] {strides = array<i32>} : memref<32768xf32, #tpu.memory_space<vmem>>, vector<16xf32>,
        %mul3A_2089 = arith.mulf %get3A_2088, %gather3A_2068 : vector<16xf32>
        %swap3A_2090 = arith.index_cast %add3A_2086 : i32 to index
        %swap3A_2091 = tpu.vector_load %arg6[%swap3A_2090] {strides = array<i32>} : memref<32768xf32, #tpu.memory_space<vmem>>, vector<16xf32>,
        tpu.vector_store %arg6[%swap3A_2090], %mul3A_2089 {strides = array<i32>} : memref<32768xf32, #tpu.memory_space<vmem>>, vector<16xf32>,
        %add3A_2092 = arith.constant 48 : i32
        %add3A_2093 = arith.addi %mul3A_2070, %add3A_2092 : i32
        %get3A_2094 = arith.index_cast %add3A_2093 : i32 to index
        %get3A_2095 = tpu.vector_load %arg6[%get3A_2094] {strides = array<i32>} : memref<32768xf32, #tpu.memory_space<vmem>>, vector<16xf32>,
        %mul3A_2096 = arith.mulf %get3A_2095, %gather3A_2068 : vector<16xf32>
        %swap3A_2097 = arith.index_cast %add3A_2093 : i32 to index
        %swap3A_2098 = tpu.vector_load %arg6[%swap3A_2097] {strides = array<i32>} : memref<32768xf32, #tpu.memory_space<vmem>>, vector<16xf32>,
        tpu.vector_store %arg6[%swap3A_2097], %mul3A_2096 {strides = array<i32>} : memref<32768xf32, #tpu.memory_space<vmem>>, vector<16xf32>,
        %add3A_2099 = arith.constant 64 : i32
        %add3A_2100 = arith.addi %mul3A_2070, %add3A_2099 : i32
        %get3A_2101 = arith.index_cast %add3A_2100 : i32 to index
        %get3A_2102 = tpu.vector_load %arg6[%get3A_2101] {strides = array<i32>} : memref<32768xf32, #tpu.memory_space<vmem>>, vector<16xf32>,
        %mul3A_2103 = arith.mulf %get3A_2102, %gather3A_2068 : vector<16xf32>
        %swap3A_2104 = arith.index_cast %add3A_2100 : i32 to index
        %swap3A_2105 = tpu.vector_load %arg6[%swap3A_2104] {strides = array<i32>} : memref<32768xf32, #tpu.memory_space<vmem>>, vector<16xf32>,
        tpu.vector_store %arg6[%swap3A_2104], %mul3A_2103 {strides = array<i32>} : memref<32768xf32, #tpu.memory_space<vmem>>, vector<16xf32>,
        %add3A_2106 = arith.constant 80 : i32
        %add3A_2107 = arith.addi %mul3A_2070, %add3A_2106 : i32
        %get3A_2108 = arith.index_cast %add3A_2107 : i32 to index
        %get3A_2109 = tpu.vector_load %arg6[%get3A_2108] {strides = array<i32>} : memref<32768xf32, #tpu.memory_space<vmem>>, vector<16xf32>,
        %mul3A_2110 = arith.mulf %get3A_2109, %gather3A_2068 : vector<16xf32>
        %swap3A_2111 = arith.index_cast %add3A_2107 : i32 to index
        %swap3A_2112 = tpu.vector_load %arg6[%swap3A_2111] {strides = array<i32>} : memref<32768xf32, #tpu.memory_space<vmem>>, vector<16xf32>,
        tpu.vector_store %arg6[%swap3A_2111], %mul3A_2110 {strides = array<i32>} : memref<32768xf32, #tpu.memory_space<vmem>>, vector<16xf32>,
        %add3A_2113 = arith.constant 96 : i32
        %add3A_2114 = arith.addi %mul3A_2070, %add3A_2113 : i32
        %get3A_2115 = arith.index_cast %add3A_2114 : i32 to index
        %get3A_2116 = tpu.vector_load %arg6[%get3A_2115] {strides = array<i32>} : memref<32768xf32, #tpu.memory_space<vmem>>, vector<16xf32>,
        %mul3A_2117 = arith.mulf %get3A_2116, %gather3A_2068 : vector<16xf32>
        %swap3A_2118 = arith.index_cast %add3A_2114 : i32 to index
        %swap3A_2119 = tpu.vector_load %arg6[%swap3A_2118] {strides = array<i32>} : memref<32768xf32, #tpu.memory_space<vmem>>, vector<16xf32>,
        tpu.vector_store %arg6[%swap3A_2118], %mul3A_2117 {strides = array<i32>} : memref<32768xf32, #tpu.memory_space<vmem>>, vector<16xf32>,
        %add3A_2120 = arith.constant 112 : i32
        %add3A_2121 = arith.addi %mul3A_2070, %add3A_2120 : i32
        %get3A_2122 = arith.index_cast %add3A_2121 : i32 to index
        %get3A_2123 = tpu.vector_load %arg6[%get3A_2122] {strides = array<i32>} : memref<32768xf32, #tpu.memory_space<vmem>>, vector<16xf32>,
        %mul3A_2124 = arith.mulf %get3A_2123, %gather3A_2068 : vector<16xf32>
        %swap3A_2125 = arith.index_cast %add3A_2121 : i32 to index
        %swap3A_2126 = tpu.vector_load %arg6[%swap3A_2125] {strides = array<i32>} : memref<32768xf32, #tpu.memory_space<vmem>>, vector<16xf32>,
        tpu.vector_store %arg6[%swap3A_2125], %mul3A_2124 {strides = array<i32>} : memref<32768xf32, #tpu.memory_space<vmem>>, vector<16xf32>,
        %add3A_2127 = arith.constant 128 : i32
        %add3A_2128 = arith.addi %mul3A_2070, %add3A_2127 : i32
        %get3A_2129 = arith.index_cast %add3A_2128 : i32 to index
        %get3A_2130 = tpu.vector_load %arg6[%get3A_2129] {strides = array<i32>} : memref<32768xf32, #tpu.memory_space<vmem>>, vector<16xf32>,
        %mul3A_2131 = arith.mulf %get3A_2130, %gather3A_2068 : vector<16xf32>
        %swap3A_2132 = arith.index_cast %add3A_2128 : i32 to index
        %swap3A_2133 = tpu.vector_load %arg6[%swap3A_2132] {strides = array<i32>} : memref<32768xf32, #tpu.memory_space<vmem>>, vector<16xf32>,
        tpu.vector_store %arg6[%swap3A_2132], %mul3A_2131 {strides = array<i32>} : memref<32768xf32, #tpu.memory_space<vmem>>, vector<16xf32>,
        %add3A_2134 = arith.constant 144 : i32
        %add3A_2135 = arith.addi %mul3A_2070, %add3A_2134 : i32
        %get3A_2136 = arith.index_cast %add3A_2135 : i32 to index
        %get3A_2137 = tpu.vector_load %arg6[%get3A_2136] {strides = array<i32>} : memref<32768xf32, #tpu.memory_space<vmem>>, vector<16xf32>,
        %mul3A_2138 = arith.mulf %get3A_2137, %gather3A_2068 : vector<16xf32>
        %swap3A_2139 = arith.index_cast %add3A_2135 : i32 to index
        %swap3A_2140 = tpu.vector_load %arg6[%swap3A_2139] {strides = array<i32>} : memref<32768xf32, #tpu.memory_space<vmem>>, vector<16xf32>,
        tpu.vector_store %arg6[%swap3A_2139], %mul3A_2138 {strides = array<i32>} : memref<32768xf32, #tpu.memory_space<vmem>>, vector<16xf32>,
        %add3A_2141 = arith.constant 160 : i32
        %add3A_2142 = arith.addi %mul3A_2070, %add3A_2141 : i32
        %get3A_2143 = arith.index_cast %add3A_2142 : i32 to index
        %get3A_2144 = tpu.vector_load %arg6[%get3A_2143] {strides = array<i32>} : memref<32768xf32, #tpu.memory_space<vmem>>, vector<16xf32>,
        %mul3A_2145 = arith.mulf %get3A_2144, %gather3A_2068 : vector<16xf32>
        %swap3A_2146 = arith.index_cast %add3A_2142 : i32 to index
        %swap3A_2147 = tpu.vector_load %arg6[%swap3A_2146] {strides = array<i32>} : memref<32768xf32, #tpu.memory_space<vmem>>, vector<16xf32>,
        tpu.vector_store %arg6[%swap3A_2146], %mul3A_2145 {strides = array<i32>} : memref<32768xf32, #tpu.memory_space<vmem>>, vector<16xf32>,
        %add3A_2148 = arith.constant 176 : i32
        %add3A_2149 = arith.addi %mul3A_2070, %add3A_2148 : i32
        %get3A_2150 = arith.index_cast %add3A_2149 : i32 to index
        %get3A_2151 = tpu.vector_load %arg6[%get3A_2150] {strides = array<i32>} : memref<32768xf32, #tpu.memory_space<vmem>>, vector<16xf32>,
        %mul3A_2152 = arith.mulf %get3A_2151, %gather3A_2068 : vector<16xf32>
        %swap3A_2153 = arith.index_cast %add3A_2149 : i32 to index
        %swap3A_2154 = tpu.vector_load %arg6[%swap3A_2153] {strides = array<i32>} : memref<32768xf32, #tpu.memory_space<vmem>>, vector<16xf32>,
        tpu.vector_store %arg6[%swap3A_2153], %mul3A_2152 {strides = array<i32>} : memref<32768xf32, #tpu.memory_space<vmem>>, vector<16xf32>,
        %add3A_2155 = arith.constant 192 : i32
        %add3A_2156 = arith.addi %mul3A_2070, %add3A_2155 : i32
        %get3A_2157 = arith.index_cast %add3A_2156 : i32 to index
        %get3A_2158 = tpu.vector_load %arg6[%get3A_2157] {strides = array<i32>} : memref<32768xf32, #tpu.memory_space<vmem>>, vector<16xf32>,
        %mul3A_2159 = arith.mulf %get3A_2158, %gather3A_2068 : vector<16xf32>
        %swap3A_2160 = arith.index_cast %add3A_2156 : i32 to index
        %swap3A_2161 = tpu.vector_load %arg6[%swap3A_2160] {strides = array<i32>} : memref<32768xf32, #tpu.memory_space<vmem>>, vector<16xf32>,
        tpu.vector_store %arg6[%swap3A_2160], %mul3A_2159 {strides = array<i32>} : memref<32768xf32, #tpu.memory_space<vmem>>, vector<16xf32>,
        %add3A_2162 = arith.constant 208 : i32
        %add3A_2163 = arith.addi %mul3A_2070, %add3A_2162 : i32
        %get3A_2164 = arith.index_cast %add3A_2163 : i32 to index
        %get3A_2165 = tpu.vector_load %arg6[%get3A_2164] {strides = array<i32>} : memref<32768xf32, #tpu.memory_space<vmem>>, vector<16xf32>,
        %mul3A_2166 = arith.mulf %get3A_2165, %gather3A_2068 : vector<16xf32>
        %swap3A_2167 = arith.index_cast %add3A_2163 : i32 to index
        %swap3A_2168 = tpu.vector_load %arg6[%swap3A_2167] {strides = array<i32>} : memref<32768xf32, #tpu.memory_space<vmem>>, vector<16xf32>,
        tpu.vector_store %arg6[%swap3A_2167], %mul3A_2166 {strides = array<i32>} : memref<32768xf32, #tpu.memory_space<vmem>>, vector<16xf32>,
        %add3A_2169 = arith.constant 224 : i32
        %add3A_2170 = arith.addi %mul3A_2070, %add3A_2169 : i32
        %get3A_2171 = arith.index_cast %add3A_2170 : i32 to index
        %get3A_2172 = tpu.vector_load %arg6[%get3A_2171] {strides = array<i32>} : memref<32768xf32, #tpu.memory_space<vmem>>, vector<16xf32>,
        %mul3A_2173 = arith.mulf %get3A_2172, %gather3A_2068 : vector<16xf32>
        %swap3A_2174 = arith.index_cast %add3A_2170 : i32 to index
        %swap3A_2175 = tpu.vector_load %arg6[%swap3A_2174] {strides = array<i32>} : memref<32768xf32, #tpu.memory_space<vmem>>, vector<16xf32>,
        tpu.vector_store %arg6[%swap3A_2174], %mul3A_2173 {strides = array<i32>} : memref<32768xf32, #tpu.memory_space<vmem>>, vector<16xf32>,
        %add3A_2176 = arith.constant 240 : i32
        %add3A_2177 = arith.addi %mul3A_2070, %add3A_2176 : i32
        %get3A_2178 = arith.index_cast %add3A_2177 : i32 to index
        %get3A_2179 = tpu.vector_load %arg6[%get3A_2178] {strides = array<i32>} : memref<32768xf32, #tpu.memory_space<vmem>>, vector<16xf32>,
        %mul3A_2180 = arith.mulf %get3A_2179, %gather3A_2068 : vector<16xf32>
        %swap3A_2181 = arith.index_cast %add3A_2177 : i32 to index
        %swap3A_2182 = tpu.vector_load %arg6[%swap3A_2181] {strides = array<i32>} : memref<32768xf32, #tpu.memory_space<vmem>>, vector<16xf32>,
        tpu.vector_store %arg6[%swap3A_2181], %mul3A_2180 {strides = array<i32>} : memref<32768xf32, #tpu.memory_space<vmem>>, vector<16xf32>,
        %scan3A_2183 = arith.constant 0 : i32
        scf.yield %scan3A_2183 : i32
      }
      %scan3A_120 = arith.constant 8 : i32
      %mul3A_121 = arith.constant 256 : i32
      %mul3A_122 = arith.muli %add3A_111, %mul3A_121 : i32
      "tpu.region"() ({
        %run_scoped3A = tpu.sem_alloc : memref<!tpu.dma_semaphore, #tpu.memory_space<semaphore_mem>>
        %dma_start3A = tpu.memref_slice %arg5[%mul3A_122] : memref<8388608xf32, #tpu.memory_space<hbm>> -> memref<32768xf32, #tpu.memory_space<hbm>>
        %dma_start3A_124 = tpu.memref_slice %arg5[%mul3A_122] : memref<8388608xf32, #tpu.memory_space<hbm>> -> memref<32768xf32, #tpu.memory_space<hbm>>
        tpu.enqueue_dma source(%arg6 : memref<32768xf32, #tpu.memory_space<vmem>>) target(%dma_start3A_124 : memref<32768xf32, #tpu.memory_space<hbm>>) target_semaphore(%run_scoped3A : memref<!tpu.dma_semaphore, #tpu.memory_space<semaphore_mem>>)
        %dma_wait3A = tpu.memref_slice %arg5[%mul3A_122] : memref<8388608xf32, #tpu.memory_space<hbm>> -> memref<32768xf32, #tpu.memory_space<hbm>>
        %dma_wait3A_125 = tpu.memref_slice %arg5[%mul3A_122] : memref<8388608xf32, #tpu.memory_space<hbm>> -> memref<32768xf32, #tpu.memory_space<hbm>>
        tpu.wait_dma2 semaphore(%run_scoped3A : memref<!tpu.dma_semaphore, #tpu.memory_space<semaphore_mem>>) src(%arg6 : memref<32768xf32, #tpu.memory_space<vmem>>) dst(%dma_wait3A_125 : memref<32768xf32, #tpu.memory_space<hbm>>)
        tpu.yield
      }) : () -> ()
      %scan3A_123 = arith.constant 0 : i32
      scf.yield %scan3A_123 : i32
    }
    %scan3A_106 = arith.constant 8 : i32
    return
  }
}

module attributes {stable_mosaic.version = 14 : i64} {
  func.func @_atom_mask_body(%arg0: i32, %arg1: memref<16xi32, #tpu.memory_space<smem>>, %arg2: memref<16xi32, #tpu.memory_space<smem>>, %arg3: memref<256x128xi32, #tpu.memory_space<vmem>>, %arg4: memref<256x128xf32, #tpu.memory_space<vmem>>) attributes {dimension_semantics = [#tpu.dimension_semantics<arbitrary>], iteration_bounds = array<i64: 4>, scalar_prefetch = 0 : i64, scratch_operands = 0 : i64, tpu.core_type = #tpu.core_type<tc>, window_params = [{transform_indices = @transform_0, window_bounds = array<i64: 16>}, {transform_indices = @transform_1, window_bounds = array<i64: 16>}, {transform_indices = @transform_2, window_bounds = array<i64: 256, 128>}, {transform_indices = @transform_3, window_bounds = array<i64: 256, 128>}]} {
    %get3A = arith.constant 0 : index
    %get3A_0 = arith.constant 0 : index
    %get3A_1 = vector.load %arg3[%get3A, %get3A_0] : memref<256x128xi32, #tpu.memory_space<vmem>>, vector<256x128xi32>
    %broadcast_in_dim3A = arith.constant 0 : i32
    %broadcast_in_dim3A_2 = vector.broadcast %broadcast_in_dim3A : i32 to vector<256x128xi32>
    %get3A_3 = arith.constant 0 : index
    %get3A_4 = memref.load %arg1[%get3A_3] : memref<16xi32, #tpu.memory_space<smem>>
    %get3A_5 = arith.constant 0 : index
    %get3A_6 = memref.load %arg2[%get3A_5] : memref<16xi32, #tpu.memory_space<smem>>
    %ge3A = vector.broadcast %get3A_4 : i32 to vector<256x128xi32>
    %ge3A_7 = arith.cmpi sge, %get3A_1, %ge3A : vector<256x128xi32>
    %convert_element_type3A = arith.extui %ge3A_7 : vector<256x128xi1> to vector<256x128xi32>
    %add3A = arith.addi %broadcast_in_dim3A_2, %convert_element_type3A : vector<256x128xi32>
    %ge3A_8 = vector.broadcast %get3A_6 : i32 to vector<256x128xi32>
    %ge3A_9 = arith.cmpi sge, %get3A_1, %ge3A_8 : vector<256x128xi32>
    %convert_element_type3A_10 = arith.extui %ge3A_9 : vector<256x128xi1> to vector<256x128xi32>
    %sub3A = arith.subi %add3A, %convert_element_type3A_10 : vector<256x128xi32>
    %get3A_11 = arith.constant 1 : index
    %get3A_12 = memref.load %arg1[%get3A_11] : memref<16xi32, #tpu.memory_space<smem>>
    %get3A_13 = arith.constant 1 : index
    %get3A_14 = memref.load %arg2[%get3A_13] : memref<16xi32, #tpu.memory_space<smem>>
    %ge3A_15 = vector.broadcast %get3A_12 : i32 to vector<256x128xi32>
    %ge3A_16 = arith.cmpi sge, %get3A_1, %ge3A_15 : vector<256x128xi32>
    %convert_element_type3A_17 = arith.extui %ge3A_16 : vector<256x128xi1> to vector<256x128xi32>
    %add3A_18 = arith.addi %sub3A, %convert_element_type3A_17 : vector<256x128xi32>
    %ge3A_19 = vector.broadcast %get3A_14 : i32 to vector<256x128xi32>
    %ge3A_20 = arith.cmpi sge, %get3A_1, %ge3A_19 : vector<256x128xi32>
    %convert_element_type3A_21 = arith.extui %ge3A_20 : vector<256x128xi1> to vector<256x128xi32>
    %sub3A_22 = arith.subi %add3A_18, %convert_element_type3A_21 : vector<256x128xi32>
    %get3A_23 = arith.constant 2 : index
    %get3A_24 = memref.load %arg1[%get3A_23] : memref<16xi32, #tpu.memory_space<smem>>
    %get3A_25 = arith.constant 2 : index
    %get3A_26 = memref.load %arg2[%get3A_25] : memref<16xi32, #tpu.memory_space<smem>>
    %ge3A_27 = vector.broadcast %get3A_24 : i32 to vector<256x128xi32>
    %ge3A_28 = arith.cmpi sge, %get3A_1, %ge3A_27 : vector<256x128xi32>
    %convert_element_type3A_29 = arith.extui %ge3A_28 : vector<256x128xi1> to vector<256x128xi32>
    %add3A_30 = arith.addi %sub3A_22, %convert_element_type3A_29 : vector<256x128xi32>
    %ge3A_31 = vector.broadcast %get3A_26 : i32 to vector<256x128xi32>
    %ge3A_32 = arith.cmpi sge, %get3A_1, %ge3A_31 : vector<256x128xi32>
    %convert_element_type3A_33 = arith.extui %ge3A_32 : vector<256x128xi1> to vector<256x128xi32>
    %sub3A_34 = arith.subi %add3A_30, %convert_element_type3A_33 : vector<256x128xi32>
    %get3A_35 = arith.constant 3 : index
    %get3A_36 = memref.load %arg1[%get3A_35] : memref<16xi32, #tpu.memory_space<smem>>
    %get3A_37 = arith.constant 3 : index
    %get3A_38 = memref.load %arg2[%get3A_37] : memref<16xi32, #tpu.memory_space<smem>>
    %ge3A_39 = vector.broadcast %get3A_36 : i32 to vector<256x128xi32>
    %ge3A_40 = arith.cmpi sge, %get3A_1, %ge3A_39 : vector<256x128xi32>
    %convert_element_type3A_41 = arith.extui %ge3A_40 : vector<256x128xi1> to vector<256x128xi32>
    %add3A_42 = arith.addi %sub3A_34, %convert_element_type3A_41 : vector<256x128xi32>
    %ge3A_43 = vector.broadcast %get3A_38 : i32 to vector<256x128xi32>
    %ge3A_44 = arith.cmpi sge, %get3A_1, %ge3A_43 : vector<256x128xi32>
    %convert_element_type3A_45 = arith.extui %ge3A_44 : vector<256x128xi1> to vector<256x128xi32>
    %sub3A_46 = arith.subi %add3A_42, %convert_element_type3A_45 : vector<256x128xi32>
    %get3A_47 = arith.constant 4 : index
    %get3A_48 = memref.load %arg1[%get3A_47] : memref<16xi32, #tpu.memory_space<smem>>
    %get3A_49 = arith.constant 4 : index
    %get3A_50 = memref.load %arg2[%get3A_49] : memref<16xi32, #tpu.memory_space<smem>>
    %ge3A_51 = vector.broadcast %get3A_48 : i32 to vector<256x128xi32>
    %ge3A_52 = arith.cmpi sge, %get3A_1, %ge3A_51 : vector<256x128xi32>
    %convert_element_type3A_53 = arith.extui %ge3A_52 : vector<256x128xi1> to vector<256x128xi32>
    %add3A_54 = arith.addi %sub3A_46, %convert_element_type3A_53 : vector<256x128xi32>
    %ge3A_55 = vector.broadcast %get3A_50 : i32 to vector<256x128xi32>
    %ge3A_56 = arith.cmpi sge, %get3A_1, %ge3A_55 : vector<256x128xi32>
    %convert_element_type3A_57 = arith.extui %ge3A_56 : vector<256x128xi1> to vector<256x128xi32>
    %sub3A_58 = arith.subi %add3A_54, %convert_element_type3A_57 : vector<256x128xi32>
    %get3A_59 = arith.constant 5 : index
    %get3A_60 = memref.load %arg1[%get3A_59] : memref<16xi32, #tpu.memory_space<smem>>
    %get3A_61 = arith.constant 5 : index
    %get3A_62 = memref.load %arg2[%get3A_61] : memref<16xi32, #tpu.memory_space<smem>>
    %ge3A_63 = vector.broadcast %get3A_60 : i32 to vector<256x128xi32>
    %ge3A_64 = arith.cmpi sge, %get3A_1, %ge3A_63 : vector<256x128xi32>
    %convert_element_type3A_65 = arith.extui %ge3A_64 : vector<256x128xi1> to vector<256x128xi32>
    %add3A_66 = arith.addi %sub3A_58, %convert_element_type3A_65 : vector<256x128xi32>
    %ge3A_67 = vector.broadcast %get3A_62 : i32 to vector<256x128xi32>
    %ge3A_68 = arith.cmpi sge, %get3A_1, %ge3A_67 : vector<256x128xi32>
    %convert_element_type3A_69 = arith.extui %ge3A_68 : vector<256x128xi1> to vector<256x128xi32>
    %sub3A_70 = arith.subi %add3A_66, %convert_element_type3A_69 : vector<256x128xi32>
    %get3A_71 = arith.constant 6 : index
    %get3A_72 = memref.load %arg1[%get3A_71] : memref<16xi32, #tpu.memory_space<smem>>
    %get3A_73 = arith.constant 6 : index
    %get3A_74 = memref.load %arg2[%get3A_73] : memref<16xi32, #tpu.memory_space<smem>>
    %ge3A_75 = vector.broadcast %get3A_72 : i32 to vector<256x128xi32>
    %ge3A_76 = arith.cmpi sge, %get3A_1, %ge3A_75 : vector<256x128xi32>
    %convert_element_type3A_77 = arith.extui %ge3A_76 : vector<256x128xi1> to vector<256x128xi32>
    %add3A_78 = arith.addi %sub3A_70, %convert_element_type3A_77 : vector<256x128xi32>
    %ge3A_79 = vector.broadcast %get3A_74 : i32 to vector<256x128xi32>
    %ge3A_80 = arith.cmpi sge, %get3A_1, %ge3A_79 : vector<256x128xi32>
    %convert_element_type3A_81 = arith.extui %ge3A_80 : vector<256x128xi1> to vector<256x128xi32>
    %sub3A_82 = arith.subi %add3A_78, %convert_element_type3A_81 : vector<256x128xi32>
    %get3A_83 = arith.constant 7 : index
    %get3A_84 = memref.load %arg1[%get3A_83] : memref<16xi32, #tpu.memory_space<smem>>
    %get3A_85 = arith.constant 7 : index
    %get3A_86 = memref.load %arg2[%get3A_85] : memref<16xi32, #tpu.memory_space<smem>>
    %ge3A_87 = vector.broadcast %get3A_84 : i32 to vector<256x128xi32>
    %ge3A_88 = arith.cmpi sge, %get3A_1, %ge3A_87 : vector<256x128xi32>
    %convert_element_type3A_89 = arith.extui %ge3A_88 : vector<256x128xi1> to vector<256x128xi32>
    %add3A_90 = arith.addi %sub3A_82, %convert_element_type3A_89 : vector<256x128xi32>
    %ge3A_91 = vector.broadcast %get3A_86 : i32 to vector<256x128xi32>
    %ge3A_92 = arith.cmpi sge, %get3A_1, %ge3A_91 : vector<256x128xi32>
    %convert_element_type3A_93 = arith.extui %ge3A_92 : vector<256x128xi1> to vector<256x128xi32>
    %sub3A_94 = arith.subi %add3A_90, %convert_element_type3A_93 : vector<256x128xi32>
    %get3A_95 = arith.constant 8 : index
    %get3A_96 = memref.load %arg1[%get3A_95] : memref<16xi32, #tpu.memory_space<smem>>
    %get3A_97 = arith.constant 8 : index
    %get3A_98 = memref.load %arg2[%get3A_97] : memref<16xi32, #tpu.memory_space<smem>>
    %ge3A_99 = vector.broadcast %get3A_96 : i32 to vector<256x128xi32>
    %ge3A_100 = arith.cmpi sge, %get3A_1, %ge3A_99 : vector<256x128xi32>
    %convert_element_type3A_101 = arith.extui %ge3A_100 : vector<256x128xi1> to vector<256x128xi32>
    %add3A_102 = arith.addi %sub3A_94, %convert_element_type3A_101 : vector<256x128xi32>
    %ge3A_103 = vector.broadcast %get3A_98 : i32 to vector<256x128xi32>
    %ge3A_104 = arith.cmpi sge, %get3A_1, %ge3A_103 : vector<256x128xi32>
    %convert_element_type3A_105 = arith.extui %ge3A_104 : vector<256x128xi1> to vector<256x128xi32>
    %sub3A_106 = arith.subi %add3A_102, %convert_element_type3A_105 : vector<256x128xi32>
    %get3A_107 = arith.constant 9 : index
    %get3A_108 = memref.load %arg1[%get3A_107] : memref<16xi32, #tpu.memory_space<smem>>
    %get3A_109 = arith.constant 9 : index
    %get3A_110 = memref.load %arg2[%get3A_109] : memref<16xi32, #tpu.memory_space<smem>>
    %ge3A_111 = vector.broadcast %get3A_108 : i32 to vector<256x128xi32>
    %ge3A_112 = arith.cmpi sge, %get3A_1, %ge3A_111 : vector<256x128xi32>
    %convert_element_type3A_113 = arith.extui %ge3A_112 : vector<256x128xi1> to vector<256x128xi32>
    %add3A_114 = arith.addi %sub3A_106, %convert_element_type3A_113 : vector<256x128xi32>
    %ge3A_115 = vector.broadcast %get3A_110 : i32 to vector<256x128xi32>
    %ge3A_116 = arith.cmpi sge, %get3A_1, %ge3A_115 : vector<256x128xi32>
    %convert_element_type3A_117 = arith.extui %ge3A_116 : vector<256x128xi1> to vector<256x128xi32>
    %sub3A_118 = arith.subi %add3A_114, %convert_element_type3A_117 : vector<256x128xi32>
    %get3A_119 = arith.constant 10 : index
    %get3A_120 = memref.load %arg1[%get3A_119] : memref<16xi32, #tpu.memory_space<smem>>
    %get3A_121 = arith.constant 10 : index
    %get3A_122 = memref.load %arg2[%get3A_121] : memref<16xi32, #tpu.memory_space<smem>>
    %ge3A_123 = vector.broadcast %get3A_120 : i32 to vector<256x128xi32>
    %ge3A_124 = arith.cmpi sge, %get3A_1, %ge3A_123 : vector<256x128xi32>
    %convert_element_type3A_125 = arith.extui %ge3A_124 : vector<256x128xi1> to vector<256x128xi32>
    %add3A_126 = arith.addi %sub3A_118, %convert_element_type3A_125 : vector<256x128xi32>
    %ge3A_127 = vector.broadcast %get3A_122 : i32 to vector<256x128xi32>
    %ge3A_128 = arith.cmpi sge, %get3A_1, %ge3A_127 : vector<256x128xi32>
    %convert_element_type3A_129 = arith.extui %ge3A_128 : vector<256x128xi1> to vector<256x128xi32>
    %sub3A_130 = arith.subi %add3A_126, %convert_element_type3A_129 : vector<256x128xi32>
    %get3A_131 = arith.constant 11 : index
    %get3A_132 = memref.load %arg1[%get3A_131] : memref<16xi32, #tpu.memory_space<smem>>
    %get3A_133 = arith.constant 11 : index
    %get3A_134 = memref.load %arg2[%get3A_133] : memref<16xi32, #tpu.memory_space<smem>>
    %ge3A_135 = vector.broadcast %get3A_132 : i32 to vector<256x128xi32>
    %ge3A_136 = arith.cmpi sge, %get3A_1, %ge3A_135 : vector<256x128xi32>
    %convert_element_type3A_137 = arith.extui %ge3A_136 : vector<256x128xi1> to vector<256x128xi32>
    %add3A_138 = arith.addi %sub3A_130, %convert_element_type3A_137 : vector<256x128xi32>
    %ge3A_139 = vector.broadcast %get3A_134 : i32 to vector<256x128xi32>
    %ge3A_140 = arith.cmpi sge, %get3A_1, %ge3A_139 : vector<256x128xi32>
    %convert_element_type3A_141 = arith.extui %ge3A_140 : vector<256x128xi1> to vector<256x128xi32>
    %sub3A_142 = arith.subi %add3A_138, %convert_element_type3A_141 : vector<256x128xi32>
    %get3A_143 = arith.constant 12 : index
    %get3A_144 = memref.load %arg1[%get3A_143] : memref<16xi32, #tpu.memory_space<smem>>
    %get3A_145 = arith.constant 12 : index
    %get3A_146 = memref.load %arg2[%get3A_145] : memref<16xi32, #tpu.memory_space<smem>>
    %ge3A_147 = vector.broadcast %get3A_144 : i32 to vector<256x128xi32>
    %ge3A_148 = arith.cmpi sge, %get3A_1, %ge3A_147 : vector<256x128xi32>
    %convert_element_type3A_149 = arith.extui %ge3A_148 : vector<256x128xi1> to vector<256x128xi32>
    %add3A_150 = arith.addi %sub3A_142, %convert_element_type3A_149 : vector<256x128xi32>
    %ge3A_151 = vector.broadcast %get3A_146 : i32 to vector<256x128xi32>
    %ge3A_152 = arith.cmpi sge, %get3A_1, %ge3A_151 : vector<256x128xi32>
    %convert_element_type3A_153 = arith.extui %ge3A_152 : vector<256x128xi1> to vector<256x128xi32>
    %sub3A_154 = arith.subi %add3A_150, %convert_element_type3A_153 : vector<256x128xi32>
    %get3A_155 = arith.constant 13 : index
    %get3A_156 = memref.load %arg1[%get3A_155] : memref<16xi32, #tpu.memory_space<smem>>
    %get3A_157 = arith.constant 13 : index
    %get3A_158 = memref.load %arg2[%get3A_157] : memref<16xi32, #tpu.memory_space<smem>>
    %ge3A_159 = vector.broadcast %get3A_156 : i32 to vector<256x128xi32>
    %ge3A_160 = arith.cmpi sge, %get3A_1, %ge3A_159 : vector<256x128xi32>
    %convert_element_type3A_161 = arith.extui %ge3A_160 : vector<256x128xi1> to vector<256x128xi32>
    %add3A_162 = arith.addi %sub3A_154, %convert_element_type3A_161 : vector<256x128xi32>
    %ge3A_163 = vector.broadcast %get3A_158 : i32 to vector<256x128xi32>
    %ge3A_164 = arith.cmpi sge, %get3A_1, %ge3A_163 : vector<256x128xi32>
    %convert_element_type3A_165 = arith.extui %ge3A_164 : vector<256x128xi1> to vector<256x128xi32>
    %sub3A_166 = arith.subi %add3A_162, %convert_element_type3A_165 : vector<256x128xi32>
    %get3A_167 = arith.constant 14 : index
    %get3A_168 = memref.load %arg1[%get3A_167] : memref<16xi32, #tpu.memory_space<smem>>
    %get3A_169 = arith.constant 14 : index
    %get3A_170 = memref.load %arg2[%get3A_169] : memref<16xi32, #tpu.memory_space<smem>>
    %ge3A_171 = vector.broadcast %get3A_168 : i32 to vector<256x128xi32>
    %ge3A_172 = arith.cmpi sge, %get3A_1, %ge3A_171 : vector<256x128xi32>
    %convert_element_type3A_173 = arith.extui %ge3A_172 : vector<256x128xi1> to vector<256x128xi32>
    %add3A_174 = arith.addi %sub3A_166, %convert_element_type3A_173 : vector<256x128xi32>
    %ge3A_175 = vector.broadcast %get3A_170 : i32 to vector<256x128xi32>
    %ge3A_176 = arith.cmpi sge, %get3A_1, %ge3A_175 : vector<256x128xi32>
    %convert_element_type3A_177 = arith.extui %ge3A_176 : vector<256x128xi1> to vector<256x128xi32>
    %sub3A_178 = arith.subi %add3A_174, %convert_element_type3A_177 : vector<256x128xi32>
    %get3A_179 = arith.constant 15 : index
    %get3A_180 = memref.load %arg1[%get3A_179] : memref<16xi32, #tpu.memory_space<smem>>
    %get3A_181 = arith.constant 15 : index
    %get3A_182 = memref.load %arg2[%get3A_181] : memref<16xi32, #tpu.memory_space<smem>>
    %ge3A_183 = vector.broadcast %get3A_180 : i32 to vector<256x128xi32>
    %ge3A_184 = arith.cmpi sge, %get3A_1, %ge3A_183 : vector<256x128xi32>
    %convert_element_type3A_185 = arith.extui %ge3A_184 : vector<256x128xi1> to vector<256x128xi32>
    %add3A_186 = arith.addi %sub3A_178, %convert_element_type3A_185 : vector<256x128xi32>
    %ge3A_187 = vector.broadcast %get3A_182 : i32 to vector<256x128xi32>
    %ge3A_188 = arith.cmpi sge, %get3A_1, %ge3A_187 : vector<256x128xi32>
    %convert_element_type3A_189 = arith.extui %ge3A_188 : vector<256x128xi1> to vector<256x128xi32>
    %sub3A_190 = arith.subi %add3A_186, %convert_element_type3A_189 : vector<256x128xi32>
    %gt3A = arith.constant 0 : i32
    %gt3A_191 = vector.broadcast %gt3A : i32 to vector<256x128xi32>
    %gt3A_192 = arith.cmpi sgt, %sub3A_190, %gt3A_191 : vector<256x128xi32>
    %convert_element_type3A_193 = arith.extui %gt3A_192 : vector<256x128xi1> to vector<256x128xi32>
    %convert_element_type3A_194 = arith.sitofp %convert_element_type3A_193 : vector<256x128xi32> to vector<256x128xf32>
    %swap3A = arith.constant 0 : index
    %swap3A_195 = arith.constant 0 : index
    %swap3A_196 = vector.load %arg4[%swap3A, %swap3A_195] : memref<256x128xf32, #tpu.memory_space<vmem>>, vector<256x128xf32>
    tpu.vector_store %arg4[%swap3A, %swap3A_195], %convert_element_type3A_194 {strides = array<i32>} : memref<256x128xf32, #tpu.memory_space<vmem>>, vector<256x128xf32>,
    return
  }
  func.func @transform_0(%arg0: i32) -> i32 {
    %c0_i32 = arith.constant 0 : i32
    %c0_i32_0 = arith.constant 0 : i32
    return %c0_i32 : i32
  }
  func.func @transform_1(%arg0: i32) -> i32 {
    %c0_i32 = arith.constant 0 : i32
    %c0_i32_0 = arith.constant 0 : i32
    return %c0_i32 : i32
  }
  func.func @transform_2(%arg0: i32) -> (i32, i32) {
    %c0_i32 = arith.constant 0 : i32
    %c0_i32_0 = arith.constant 0 : i32
    return %arg0, %c0_i32 : i32, i32
  }
  func.func @transform_3(%arg0: i32) -> (i32, i32) {
    %c0_i32 = arith.constant 0 : i32
    %c0_i32_0 = arith.constant 0 : i32
    return %arg0, %c0_i32 : i32, i32
  }
}

module attributes {stable_mosaic.version = 14 : i64} {
  func.func @_skip_mul_body(%arg0: i32, %arg1: memref<16xi32, #tpu.memory_space<smem>>, %arg2: memref<16xi32, #tpu.memory_space<smem>>, %arg3: memref<64xi32, #tpu.memory_space<smem>>, %arg4: memref<64xi32, #tpu.memory_space<smem>>, %arg5: memref<2048x1xf32, #tpu.memory_space<vmem>>, %arg6: memref<131072x256xf32, #tpu.memory_space<hbm>>, %arg7: memref<2048x256xf32, #tpu.memory_space<vmem>>, %arg8: memref<4x2048x256xf32, #tpu.memory_space<vmem>>, %arg9: memref<4x!tpu.dma_semaphore, #tpu.memory_space<semaphore_mem>>) attributes {dimension_semantics = [#tpu.dimension_semantics<arbitrary>], iteration_bounds = array<i64: 64>, scalar_prefetch = 4 : i64, scratch_operands = 2 : i64, tpu.core_type = #tpu.core_type<tc>, window_params = [{transform_indices = @transform_0, window_bounds = array<i64: 2048, 1>}, {}, {transform_indices = @transform_2, window_bounds = array<i64: 2048, 256>}]} {
    %eq3A = arith.constant 0 : i32
    %eq3A_0 = arith.cmpi eq, %arg0, %eq3A : i32
    %convert_element_type3A = arith.extui %eq3A_0 : i1 to i32
    %cond3A = arith.constant 0 : i32
    %cond3A_1 = arith.cmpi ne, %convert_element_type3A, %cond3A : i32
    scf.if %cond3A_1 {
      %min3A_398 = arith.constant 0 : i32
      %min3A_399 = arith.constant 63 : i32
      %min3A_400 = arith.minsi %min3A_398, %min3A_399 : i32
      %get3A_401 = arith.constant 0 : index
      %get3A_402 = memref.load %arg1[%get3A_401] : memref<16xi32, #tpu.memory_space<smem>>
      %get3A_403 = arith.index_cast %min3A_400 : i32 to index
      %get3A_404 = memref.load %arg4[%get3A_403] : memref<64xi32, #tpu.memory_space<smem>>
      %le3A_405 = arith.cmpi sle, %get3A_402, %get3A_404 : i32
      %get3A_406 = arith.constant 0 : index
      %get3A_407 = memref.load %arg2[%get3A_406] : memref<16xi32, #tpu.memory_space<smem>>
      %get3A_408 = arith.index_cast %min3A_400 : i32 to index
      %get3A_409 = memref.load %arg3[%get3A_408] : memref<64xi32, #tpu.memory_space<smem>>
      %gt3A_410 = arith.cmpi sgt, %get3A_407, %get3A_409 : i32
      %and3A_411 = arith.andi %le3A_405, %gt3A_410 : i1
      %get3A_412 = arith.constant 1 : index
      %get3A_413 = memref.load %arg1[%get3A_412] : memref<16xi32, #tpu.memory_space<smem>>
      %get3A_414 = arith.index_cast %min3A_400 : i32 to index
      %get3A_415 = memref.load %arg4[%get3A_414] : memref<64xi32, #tpu.memory_space<smem>>
      %le3A_416 = arith.cmpi sle, %get3A_413, %get3A_415 : i32
      %get3A_417 = arith.constant 1 : index
      %get3A_418 = memref.load %arg2[%get3A_417] : memref<16xi32, #tpu.memory_space<smem>>
      %get3A_419 = arith.index_cast %min3A_400 : i32 to index
      %get3A_420 = memref.load %arg3[%get3A_419] : memref<64xi32, #tpu.memory_space<smem>>
      %gt3A_421 = arith.cmpi sgt, %get3A_418, %get3A_420 : i32
      %and3A_422 = arith.andi %le3A_416, %gt3A_421 : i1
      %or3A_423 = arith.ori %and3A_411, %and3A_422 : i1
      %get3A_424 = arith.constant 2 : index
      %get3A_425 = memref.load %arg1[%get3A_424] : memref<16xi32, #tpu.memory_space<smem>>
      %get3A_426 = arith.index_cast %min3A_400 : i32 to index
      %get3A_427 = memref.load %arg4[%get3A_426] : memref<64xi32, #tpu.memory_space<smem>>
      %le3A_428 = arith.cmpi sle, %get3A_425, %get3A_427 : i32
      %get3A_429 = arith.constant 2 : index
      %get3A_430 = memref.load %arg2[%get3A_429] : memref<16xi32, #tpu.memory_space<smem>>
      %get3A_431 = arith.index_cast %min3A_400 : i32 to index
      %get3A_432 = memref.load %arg3[%get3A_431] : memref<64xi32, #tpu.memory_space<smem>>
      %gt3A_433 = arith.cmpi sgt, %get3A_430, %get3A_432 : i32
      %and3A_434 = arith.andi %le3A_428, %gt3A_433 : i1
      %or3A_435 = arith.ori %or3A_423, %and3A_434 : i1
      %get3A_436 = arith.constant 3 : index
      %get3A_437 = memref.load %arg1[%get3A_436] : memref<16xi32, #tpu.memory_space<smem>>
      %get3A_438 = arith.index_cast %min3A_400 : i32 to index
      %get3A_439 = memref.load %arg4[%get3A_438] : memref<64xi32, #tpu.memory_space<smem>>
      %le3A_440 = arith.cmpi sle, %get3A_437, %get3A_439 : i32
      %get3A_441 = arith.constant 3 : index
      %get3A_442 = memref.load %arg2[%get3A_441] : memref<16xi32, #tpu.memory_space<smem>>
      %get3A_443 = arith.index_cast %min3A_400 : i32 to index
      %get3A_444 = memref.load %arg3[%get3A_443] : memref<64xi32, #tpu.memory_space<smem>>
      %gt3A_445 = arith.cmpi sgt, %get3A_442, %get3A_444 : i32
      %and3A_446 = arith.andi %le3A_440, %gt3A_445 : i1
      %or3A_447 = arith.ori %or3A_435, %and3A_446 : i1
      %get3A_448 = arith.constant 4 : index
      %get3A_449 = memref.load %arg1[%get3A_448] : memref<16xi32, #tpu.memory_space<smem>>
      %get3A_450 = arith.index_cast %min3A_400 : i32 to index
      %get3A_451 = memref.load %arg4[%get3A_450] : memref<64xi32, #tpu.memory_space<smem>>
      %le3A_452 = arith.cmpi sle, %get3A_449, %get3A_451 : i32
      %get3A_453 = arith.constant 4 : index
      %get3A_454 = memref.load %arg2[%get3A_453] : memref<16xi32, #tpu.memory_space<smem>>
      %get3A_455 = arith.index_cast %min3A_400 : i32 to index
      %get3A_456 = memref.load %arg3[%get3A_455] : memref<64xi32, #tpu.memory_space<smem>>
      %gt3A_457 = arith.cmpi sgt, %get3A_454, %get3A_456 : i32
      %and3A_458 = arith.andi %le3A_452, %gt3A_457 : i1
      %or3A_459 = arith.ori %or3A_447, %and3A_458 : i1
      %get3A_460 = arith.constant 5 : index
      %get3A_461 = memref.load %arg1[%get3A_460] : memref<16xi32, #tpu.memory_space<smem>>
      %get3A_462 = arith.index_cast %min3A_400 : i32 to index
      %get3A_463 = memref.load %arg4[%get3A_462] : memref<64xi32, #tpu.memory_space<smem>>
      %le3A_464 = arith.cmpi sle, %get3A_461, %get3A_463 : i32
      %get3A_465 = arith.constant 5 : index
      %get3A_466 = memref.load %arg2[%get3A_465] : memref<16xi32, #tpu.memory_space<smem>>
      %get3A_467 = arith.index_cast %min3A_400 : i32 to index
      %get3A_468 = memref.load %arg3[%get3A_467] : memref<64xi32, #tpu.memory_space<smem>>
      %gt3A_469 = arith.cmpi sgt, %get3A_466, %get3A_468 : i32
      %and3A_470 = arith.andi %le3A_464, %gt3A_469 : i1
      %or3A_471 = arith.ori %or3A_459, %and3A_470 : i1
      %get3A_472 = arith.constant 6 : index
      %get3A_473 = memref.load %arg1[%get3A_472] : memref<16xi32, #tpu.memory_space<smem>>
      %get3A_474 = arith.index_cast %min3A_400 : i32 to index
      %get3A_475 = memref.load %arg4[%get3A_474] : memref<64xi32, #tpu.memory_space<smem>>
      %le3A_476 = arith.cmpi sle, %get3A_473, %get3A_475 : i32
      %get3A_477 = arith.constant 6 : index
      %get3A_478 = memref.load %arg2[%get3A_477] : memref<16xi32, #tpu.memory_space<smem>>
      %get3A_479 = arith.index_cast %min3A_400 : i32 to index
      %get3A_480 = memref.load %arg3[%get3A_479] : memref<64xi32, #tpu.memory_space<smem>>
      %gt3A_481 = arith.cmpi sgt, %get3A_478, %get3A_480 : i32
      %and3A_482 = arith.andi %le3A_476, %gt3A_481 : i1
      %or3A_483 = arith.ori %or3A_471, %and3A_482 : i1
      %get3A_484 = arith.constant 7 : index
      %get3A_485 = memref.load %arg1[%get3A_484] : memref<16xi32, #tpu.memory_space<smem>>
      %get3A_486 = arith.index_cast %min3A_400 : i32 to index
      %get3A_487 = memref.load %arg4[%get3A_486] : memref<64xi32, #tpu.memory_space<smem>>
      %le3A_488 = arith.cmpi sle, %get3A_485, %get3A_487 : i32
      %get3A_489 = arith.constant 7 : index
      %get3A_490 = memref.load %arg2[%get3A_489] : memref<16xi32, #tpu.memory_space<smem>>
      %get3A_491 = arith.index_cast %min3A_400 : i32 to index
      %get3A_492 = memref.load %arg3[%get3A_491] : memref<64xi32, #tpu.memory_space<smem>>
      %gt3A_493 = arith.cmpi sgt, %get3A_490, %get3A_492 : i32
      %and3A_494 = arith.andi %le3A_488, %gt3A_493 : i1
      %or3A_495 = arith.ori %or3A_483, %and3A_494 : i1
      %get3A_496 = arith.constant 8 : index
      %get3A_497 = memref.load %arg1[%get3A_496] : memref<16xi32, #tpu.memory_space<smem>>
      %get3A_498 = arith.index_cast %min3A_400 : i32 to index
      %get3A_499 = memref.load %arg4[%get3A_498] : memref<64xi32, #tpu.memory_space<smem>>
      %le3A_500 = arith.cmpi sle, %get3A_497, %get3A_499 : i32
      %get3A_501 = arith.constant 8 : index
      %get3A_502 = memref.load %arg2[%get3A_501] : memref<16xi32, #tpu.memory_space<smem>>
      %get3A_503 = arith.index_cast %min3A_400 : i32 to index
      %get3A_504 = memref.load %arg3[%get3A_503] : memref<64xi32, #tpu.memory_space<smem>>
      %gt3A_505 = arith.cmpi sgt, %get3A_502, %get3A_504 : i32
      %and3A_506 = arith.andi %le3A_500, %gt3A_505 : i1
      %or3A_507 = arith.ori %or3A_495, %and3A_506 : i1
      %get3A_508 = arith.constant 9 : index
      %get3A_509 = memref.load %arg1[%get3A_508] : memref<16xi32, #tpu.memory_space<smem>>
      %get3A_510 = arith.index_cast %min3A_400 : i32 to index
      %get3A_511 = memref.load %arg4[%get3A_510] : memref<64xi32, #tpu.memory_space<smem>>
      %le3A_512 = arith.cmpi sle, %get3A_509, %get3A_511 : i32
      %get3A_513 = arith.constant 9 : index
      %get3A_514 = memref.load %arg2[%get3A_513] : memref<16xi32, #tpu.memory_space<smem>>
      %get3A_515 = arith.index_cast %min3A_400 : i32 to index
      %get3A_516 = memref.load %arg3[%get3A_515] : memref<64xi32, #tpu.memory_space<smem>>
      %gt3A_517 = arith.cmpi sgt, %get3A_514, %get3A_516 : i32
      %and3A_518 = arith.andi %le3A_512, %gt3A_517 : i1
      %or3A_519 = arith.ori %or3A_507, %and3A_518 : i1
      %get3A_520 = arith.constant 10 : index
      %get3A_521 = memref.load %arg1[%get3A_520] : memref<16xi32, #tpu.memory_space<smem>>
      %get3A_522 = arith.index_cast %min3A_400 : i32 to index
      %get3A_523 = memref.load %arg4[%get3A_522] : memref<64xi32, #tpu.memory_space<smem>>
      %le3A_524 = arith.cmpi sle, %get3A_521, %get3A_523 : i32
      %get3A_525 = arith.constant 10 : index
      %get3A_526 = memref.load %arg2[%get3A_525] : memref<16xi32, #tpu.memory_space<smem>>
      %get3A_527 = arith.index_cast %min3A_400 : i32 to index
      %get3A_528 = memref.load %arg3[%get3A_527] : memref<64xi32, #tpu.memory_space<smem>>
      %gt3A_529 = arith.cmpi sgt, %get3A_526, %get3A_528 : i32
      %and3A_530 = arith.andi %le3A_524, %gt3A_529 : i1
      %or3A_531 = arith.ori %or3A_519, %and3A_530 : i1
      %get3A_532 = arith.constant 11 : index
      %get3A_533 = memref.load %arg1[%get3A_532] : memref<16xi32, #tpu.memory_space<smem>>
      %get3A_534 = arith.index_cast %min3A_400 : i32 to index
      %get3A_535 = memref.load %arg4[%get3A_534] : memref<64xi32, #tpu.memory_space<smem>>
      %le3A_536 = arith.cmpi sle, %get3A_533, %get3A_535 : i32
      %get3A_537 = arith.constant 11 : index
      %get3A_538 = memref.load %arg2[%get3A_537] : memref<16xi32, #tpu.memory_space<smem>>
      %get3A_539 = arith.index_cast %min3A_400 : i32 to index
      %get3A_540 = memref.load %arg3[%get3A_539] : memref<64xi32, #tpu.memory_space<smem>>
      %gt3A_541 = arith.cmpi sgt, %get3A_538, %get3A_540 : i32
      %and3A_542 = arith.andi %le3A_536, %gt3A_541 : i1
      %or3A_543 = arith.ori %or3A_531, %and3A_542 : i1
      %get3A_544 = arith.constant 12 : index
      %get3A_545 = memref.load %arg1[%get3A_544] : memref<16xi32, #tpu.memory_space<smem>>
      %get3A_546 = arith.index_cast %min3A_400 : i32 to index
      %get3A_547 = memref.load %arg4[%get3A_546] : memref<64xi32, #tpu.memory_space<smem>>
      %le3A_548 = arith.cmpi sle, %get3A_545, %get3A_547 : i32
      %get3A_549 = arith.constant 12 : index
      %get3A_550 = memref.load %arg2[%get3A_549] : memref<16xi32, #tpu.memory_space<smem>>
      %get3A_551 = arith.index_cast %min3A_400 : i32 to index
      %get3A_552 = memref.load %arg3[%get3A_551] : memref<64xi32, #tpu.memory_space<smem>>
      %gt3A_553 = arith.cmpi sgt, %get3A_550, %get3A_552 : i32
      %and3A_554 = arith.andi %le3A_548, %gt3A_553 : i1
      %or3A_555 = arith.ori %or3A_543, %and3A_554 : i1
      %get3A_556 = arith.constant 13 : index
      %get3A_557 = memref.load %arg1[%get3A_556] : memref<16xi32, #tpu.memory_space<smem>>
      %get3A_558 = arith.index_cast %min3A_400 : i32 to index
      %get3A_559 = memref.load %arg4[%get3A_558] : memref<64xi32, #tpu.memory_space<smem>>
      %le3A_560 = arith.cmpi sle, %get3A_557, %get3A_559 : i32
      %get3A_561 = arith.constant 13 : index
      %get3A_562 = memref.load %arg2[%get3A_561] : memref<16xi32, #tpu.memory_space<smem>>
      %get3A_563 = arith.index_cast %min3A_400 : i32 to index
      %get3A_564 = memref.load %arg3[%get3A_563] : memref<64xi32, #tpu.memory_space<smem>>
      %gt3A_565 = arith.cmpi sgt, %get3A_562, %get3A_564 : i32
      %and3A_566 = arith.andi %le3A_560, %gt3A_565 : i1
      %or3A_567 = arith.ori %or3A_555, %and3A_566 : i1
      %get3A_568 = arith.constant 14 : index
      %get3A_569 = memref.load %arg1[%get3A_568] : memref<16xi32, #tpu.memory_space<smem>>
      %get3A_570 = arith.index_cast %min3A_400 : i32 to index
      %get3A_571 = memref.load %arg4[%get3A_570] : memref<64xi32, #tpu.memory_space<smem>>
      %le3A_572 = arith.cmpi sle, %get3A_569, %get3A_571 : i32
      %get3A_573 = arith.constant 14 : index
      %get3A_574 = memref.load %arg2[%get3A_573] : memref<16xi32, #tpu.memory_space<smem>>
      %get3A_575 = arith.index_cast %min3A_400 : i32 to index
      %get3A_576 = memref.load %arg3[%get3A_575] : memref<64xi32, #tpu.memory_space<smem>>
      %gt3A_577 = arith.cmpi sgt, %get3A_574, %get3A_576 : i32
      %and3A_578 = arith.andi %le3A_572, %gt3A_577 : i1
      %or3A_579 = arith.ori %or3A_567, %and3A_578 : i1
      %get3A_580 = arith.constant 15 : index
      %get3A_581 = memref.load %arg1[%get3A_580] : memref<16xi32, #tpu.memory_space<smem>>
      %get3A_582 = arith.index_cast %min3A_400 : i32 to index
      %get3A_583 = memref.load %arg4[%get3A_582] : memref<64xi32, #tpu.memory_space<smem>>
      %le3A_584 = arith.cmpi sle, %get3A_581, %get3A_583 : i32
      %get3A_585 = arith.constant 15 : index
      %get3A_586 = memref.load %arg2[%get3A_585] : memref<16xi32, #tpu.memory_space<smem>>
      %get3A_587 = arith.index_cast %min3A_400 : i32 to index
      %get3A_588 = memref.load %arg3[%get3A_587] : memref<64xi32, #tpu.memory_space<smem>>
      %gt3A_589 = arith.cmpi sgt, %get3A_586, %get3A_588 : i32
      %and3A_590 = arith.andi %le3A_584, %gt3A_589 : i1
      %or3A_591 = arith.ori %or3A_579, %and3A_590 : i1
      %and3A_592 = arith.constant true
      %and3A_593 = arith.andi %and3A_592, %or3A_591 : i1
      %convert_element_type3A_594 = arith.extui %and3A_593 : i1 to i32
      %cond3A_595 = arith.constant 0 : i32
      %cond3A_596 = arith.cmpi ne, %convert_element_type3A_594, %cond3A_595 : i32
      scf.if %cond3A_596 {
        %dma_start3A = arith.constant 0 : i32
        %dma_start3A_995 = arith.constant 0 : i32
        %dma_start3A_996 = tpu.memref_slice %arg9[%dma_start3A_995] : memref<4x!tpu.dma_semaphore, #tpu.memory_space<semaphore_mem>> -> memref<1x!tpu.dma_semaphore, #tpu.memory_space<semaphore_mem>>
        %dma_start3A_997 = tpu.memref_squeeze %dma_start3A_996 : memref<1x!tpu.dma_semaphore, #tpu.memory_space<semaphore_mem>> -> memref<!tpu.dma_semaphore, #tpu.memory_space<semaphore_mem>>
        %dma_start3A_998 = arith.constant 0 : i32
        %dma_start3A_999 = arith.constant 0 : i32
        %dma_start3A_1000 = tpu.memref_slice %arg8[%dma_start3A, %dma_start3A_998, %dma_start3A_999] : memref<4x2048x256xf32, #tpu.memory_space<vmem>> -> memref<1x2048x256xf32, #tpu.memory_space<vmem>>
        %dma_start3A_1001 = tpu.memref_squeeze %dma_start3A_1000 : memref<1x2048x256xf32, #tpu.memory_space<vmem>> -> memref<2048x256xf32, #tpu.memory_space<vmem>>
        %dma_start3A_1002 = arith.constant 0 : i32
        %dma_start3A_1003 = arith.constant 0 : i32
        %dma_start3A_1004 = tpu.memref_slice %arg6[%dma_start3A_1002, %dma_start3A_1003] : memref<131072x256xf32, #tpu.memory_space<hbm>> -> memref<2048x256xf32, #tpu.memory_space<hbm>>
        tpu.enqueue_dma source(%dma_start3A_1004 : memref<2048x256xf32, #tpu.memory_space<hbm>>) target(%dma_start3A_1001 : memref<2048x256xf32, #tpu.memory_space<vmem>>) target_semaphore(%dma_start3A_997 : memref<!tpu.dma_semaphore, #tpu.memory_space<semaphore_mem>>)
      } else {
      }
      %min3A_597 = arith.constant 1 : i32
      %min3A_598 = arith.constant 63 : i32
      %min3A_599 = arith.minsi %min3A_597, %min3A_598 : i32
      %get3A_600 = arith.constant 0 : index
      %get3A_601 = memref.load %arg1[%get3A_600] : memref<16xi32, #tpu.memory_space<smem>>
      %get3A_602 = arith.index_cast %min3A_599 : i32 to index
      %get3A_603 = memref.load %arg4[%get3A_602] : memref<64xi32, #tpu.memory_space<smem>>
      %le3A_604 = arith.cmpi sle, %get3A_601, %get3A_603 : i32
      %get3A_605 = arith.constant 0 : index
      %get3A_606 = memref.load %arg2[%get3A_605] : memref<16xi32, #tpu.memory_space<smem>>
      %get3A_607 = arith.index_cast %min3A_599 : i32 to index
      %get3A_608 = memref.load %arg3[%get3A_607] : memref<64xi32, #tpu.memory_space<smem>>
      %gt3A_609 = arith.cmpi sgt, %get3A_606, %get3A_608 : i32
      %and3A_610 = arith.andi %le3A_604, %gt3A_609 : i1
      %get3A_611 = arith.constant 1 : index
      %get3A_612 = memref.load %arg1[%get3A_611] : memref<16xi32, #tpu.memory_space<smem>>
      %get3A_613 = arith.index_cast %min3A_599 : i32 to index
      %get3A_614 = memref.load %arg4[%get3A_613] : memref<64xi32, #tpu.memory_space<smem>>
      %le3A_615 = arith.cmpi sle, %get3A_612, %get3A_614 : i32
      %get3A_616 = arith.constant 1 : index
      %get3A_617 = memref.load %arg2[%get3A_616] : memref<16xi32, #tpu.memory_space<smem>>
      %get3A_618 = arith.index_cast %min3A_599 : i32 to index
      %get3A_619 = memref.load %arg3[%get3A_618] : memref<64xi32, #tpu.memory_space<smem>>
      %gt3A_620 = arith.cmpi sgt, %get3A_617, %get3A_619 : i32
      %and3A_621 = arith.andi %le3A_615, %gt3A_620 : i1
      %or3A_622 = arith.ori %and3A_610, %and3A_621 : i1
      %get3A_623 = arith.constant 2 : index
      %get3A_624 = memref.load %arg1[%get3A_623] : memref<16xi32, #tpu.memory_space<smem>>
      %get3A_625 = arith.index_cast %min3A_599 : i32 to index
      %get3A_626 = memref.load %arg4[%get3A_625] : memref<64xi32, #tpu.memory_space<smem>>
      %le3A_627 = arith.cmpi sle, %get3A_624, %get3A_626 : i32
      %get3A_628 = arith.constant 2 : index
      %get3A_629 = memref.load %arg2[%get3A_628] : memref<16xi32, #tpu.memory_space<smem>>
      %get3A_630 = arith.index_cast %min3A_599 : i32 to index
      %get3A_631 = memref.load %arg3[%get3A_630] : memref<64xi32, #tpu.memory_space<smem>>
      %gt3A_632 = arith.cmpi sgt, %get3A_629, %get3A_631 : i32
      %and3A_633 = arith.andi %le3A_627, %gt3A_632 : i1
      %or3A_634 = arith.ori %or3A_622, %and3A_633 : i1
      %get3A_635 = arith.constant 3 : index
      %get3A_636 = memref.load %arg1[%get3A_635] : memref<16xi32, #tpu.memory_space<smem>>
      %get3A_637 = arith.index_cast %min3A_599 : i32 to index
      %get3A_638 = memref.load %arg4[%get3A_637] : memref<64xi32, #tpu.memory_space<smem>>
      %le3A_639 = arith.cmpi sle, %get3A_636, %get3A_638 : i32
      %get3A_640 = arith.constant 3 : index
      %get3A_641 = memref.load %arg2[%get3A_640] : memref<16xi32, #tpu.memory_space<smem>>
      %get3A_642 = arith.index_cast %min3A_599 : i32 to index
      %get3A_643 = memref.load %arg3[%get3A_642] : memref<64xi32, #tpu.memory_space<smem>>
      %gt3A_644 = arith.cmpi sgt, %get3A_641, %get3A_643 : i32
      %and3A_645 = arith.andi %le3A_639, %gt3A_644 : i1
      %or3A_646 = arith.ori %or3A_634, %and3A_645 : i1
      %get3A_647 = arith.constant 4 : index
      %get3A_648 = memref.load %arg1[%get3A_647] : memref<16xi32, #tpu.memory_space<smem>>
      %get3A_649 = arith.index_cast %min3A_599 : i32 to index
      %get3A_650 = memref.load %arg4[%get3A_649] : memref<64xi32, #tpu.memory_space<smem>>
      %le3A_651 = arith.cmpi sle, %get3A_648, %get3A_650 : i32
      %get3A_652 = arith.constant 4 : index
      %get3A_653 = memref.load %arg2[%get3A_652] : memref<16xi32, #tpu.memory_space<smem>>
      %get3A_654 = arith.index_cast %min3A_599 : i32 to index
      %get3A_655 = memref.load %arg3[%get3A_654] : memref<64xi32, #tpu.memory_space<smem>>
      %gt3A_656 = arith.cmpi sgt, %get3A_653, %get3A_655 : i32
      %and3A_657 = arith.andi %le3A_651, %gt3A_656 : i1
      %or3A_658 = arith.ori %or3A_646, %and3A_657 : i1
      %get3A_659 = arith.constant 5 : index
      %get3A_660 = memref.load %arg1[%get3A_659] : memref<16xi32, #tpu.memory_space<smem>>
      %get3A_661 = arith.index_cast %min3A_599 : i32 to index
      %get3A_662 = memref.load %arg4[%get3A_661] : memref<64xi32, #tpu.memory_space<smem>>
      %le3A_663 = arith.cmpi sle, %get3A_660, %get3A_662 : i32
      %get3A_664 = arith.constant 5 : index
      %get3A_665 = memref.load %arg2[%get3A_664] : memref<16xi32, #tpu.memory_space<smem>>
      %get3A_666 = arith.index_cast %min3A_599 : i32 to index
      %get3A_667 = memref.load %arg3[%get3A_666] : memref<64xi32, #tpu.memory_space<smem>>
      %gt3A_668 = arith.cmpi sgt, %get3A_665, %get3A_667 : i32
      %and3A_669 = arith.andi %le3A_663, %gt3A_668 : i1
      %or3A_670 = arith.ori %or3A_658, %and3A_669 : i1
      %get3A_671 = arith.constant 6 : index
      %get3A_672 = memref.load %arg1[%get3A_671] : memref<16xi32, #tpu.memory_space<smem>>
      %get3A_673 = arith.index_cast %min3A_599 : i32 to index
      %get3A_674 = memref.load %arg4[%get3A_673] : memref<64xi32, #tpu.memory_space<smem>>
      %le3A_675 = arith.cmpi sle, %get3A_672, %get3A_674 : i32
      %get3A_676 = arith.constant 6 : index
      %get3A_677 = memref.load %arg2[%get3A_676] : memref<16xi32, #tpu.memory_space<smem>>
      %get3A_678 = arith.index_cast %min3A_599 : i32 to index
      %get3A_679 = memref.load %arg3[%get3A_678] : memref<64xi32, #tpu.memory_space<smem>>
      %gt3A_680 = arith.cmpi sgt, %get3A_677, %get3A_679 : i32
      %and3A_681 = arith.andi %le3A_675, %gt3A_680 : i1
      %or3A_682 = arith.ori %or3A_670, %and3A_681 : i1
      %get3A_683 = arith.constant 7 : index
      %get3A_684 = memref.load %arg1[%get3A_683] : memref<16xi32, #tpu.memory_space<smem>>
      %get3A_685 = arith.index_cast %min3A_599 : i32 to index
      %get3A_686 = memref.load %arg4[%get3A_685] : memref<64xi32, #tpu.memory_space<smem>>
      %le3A_687 = arith.cmpi sle, %get3A_684, %get3A_686 : i32
      %get3A_688 = arith.constant 7 : index
      %get3A_689 = memref.load %arg2[%get3A_688] : memref<16xi32, #tpu.memory_space<smem>>
      %get3A_690 = arith.index_cast %min3A_599 : i32 to index
      %get3A_691 = memref.load %arg3[%get3A_690] : memref<64xi32, #tpu.memory_space<smem>>
      %gt3A_692 = arith.cmpi sgt, %get3A_689, %get3A_691 : i32
      %and3A_693 = arith.andi %le3A_687, %gt3A_692 : i1
      %or3A_694 = arith.ori %or3A_682, %and3A_693 : i1
      %get3A_695 = arith.constant 8 : index
      %get3A_696 = memref.load %arg1[%get3A_695] : memref<16xi32, #tpu.memory_space<smem>>
      %get3A_697 = arith.index_cast %min3A_599 : i32 to index
      %get3A_698 = memref.load %arg4[%get3A_697] : memref<64xi32, #tpu.memory_space<smem>>
      %le3A_699 = arith.cmpi sle, %get3A_696, %get3A_698 : i32
      %get3A_700 = arith.constant 8 : index
      %get3A_701 = memref.load %arg2[%get3A_700] : memref<16xi32, #tpu.memory_space<smem>>
      %get3A_702 = arith.index_cast %min3A_599 : i32 to index
      %get3A_703 = memref.load %arg3[%get3A_702] : memref<64xi32, #tpu.memory_space<smem>>
      %gt3A_704 = arith.cmpi sgt, %get3A_701, %get3A_703 : i32
      %and3A_705 = arith.andi %le3A_699, %gt3A_704 : i1
      %or3A_706 = arith.ori %or3A_694, %and3A_705 : i1
      %get3A_707 = arith.constant 9 : index
      %get3A_708 = memref.load %arg1[%get3A_707] : memref<16xi32, #tpu.memory_space<smem>>
      %get3A_709 = arith.index_cast %min3A_599 : i32 to index
      %get3A_710 = memref.load %arg4[%get3A_709] : memref<64xi32, #tpu.memory_space<smem>>
      %le3A_711 = arith.cmpi sle, %get3A_708, %get3A_710 : i32
      %get3A_712 = arith.constant 9 : index
      %get3A_713 = memref.load %arg2[%get3A_712] : memref<16xi32, #tpu.memory_space<smem>>
      %get3A_714 = arith.index_cast %min3A_599 : i32 to index
      %get3A_715 = memref.load %arg3[%get3A_714] : memref<64xi32, #tpu.memory_space<smem>>
      %gt3A_716 = arith.cmpi sgt, %get3A_713, %get3A_715 : i32
      %and3A_717 = arith.andi %le3A_711, %gt3A_716 : i1
      %or3A_718 = arith.ori %or3A_706, %and3A_717 : i1
      %get3A_719 = arith.constant 10 : index
      %get3A_720 = memref.load %arg1[%get3A_719] : memref<16xi32, #tpu.memory_space<smem>>
      %get3A_721 = arith.index_cast %min3A_599 : i32 to index
      %get3A_722 = memref.load %arg4[%get3A_721] : memref<64xi32, #tpu.memory_space<smem>>
      %le3A_723 = arith.cmpi sle, %get3A_720, %get3A_722 : i32
      %get3A_724 = arith.constant 10 : index
      %get3A_725 = memref.load %arg2[%get3A_724] : memref<16xi32, #tpu.memory_space<smem>>
      %get3A_726 = arith.index_cast %min3A_599 : i32 to index
      %get3A_727 = memref.load %arg3[%get3A_726] : memref<64xi32, #tpu.memory_space<smem>>
      %gt3A_728 = arith.cmpi sgt, %get3A_725, %get3A_727 : i32
      %and3A_729 = arith.andi %le3A_723, %gt3A_728 : i1
      %or3A_730 = arith.ori %or3A_718, %and3A_729 : i1
      %get3A_731 = arith.constant 11 : index
      %get3A_732 = memref.load %arg1[%get3A_731] : memref<16xi32, #tpu.memory_space<smem>>
      %get3A_733 = arith.index_cast %min3A_599 : i32 to index
      %get3A_734 = memref.load %arg4[%get3A_733] : memref<64xi32, #tpu.memory_space<smem>>
      %le3A_735 = arith.cmpi sle, %get3A_732, %get3A_734 : i32
      %get3A_736 = arith.constant 11 : index
      %get3A_737 = memref.load %arg2[%get3A_736] : memref<16xi32, #tpu.memory_space<smem>>
      %get3A_738 = arith.index_cast %min3A_599 : i32 to index
      %get3A_739 = memref.load %arg3[%get3A_738] : memref<64xi32, #tpu.memory_space<smem>>
      %gt3A_740 = arith.cmpi sgt, %get3A_737, %get3A_739 : i32
      %and3A_741 = arith.andi %le3A_735, %gt3A_740 : i1
      %or3A_742 = arith.ori %or3A_730, %and3A_741 : i1
      %get3A_743 = arith.constant 12 : index
      %get3A_744 = memref.load %arg1[%get3A_743] : memref<16xi32, #tpu.memory_space<smem>>
      %get3A_745 = arith.index_cast %min3A_599 : i32 to index
      %get3A_746 = memref.load %arg4[%get3A_745] : memref<64xi32, #tpu.memory_space<smem>>
      %le3A_747 = arith.cmpi sle, %get3A_744, %get3A_746 : i32
      %get3A_748 = arith.constant 12 : index
      %get3A_749 = memref.load %arg2[%get3A_748] : memref<16xi32, #tpu.memory_space<smem>>
      %get3A_750 = arith.index_cast %min3A_599 : i32 to index
      %get3A_751 = memref.load %arg3[%get3A_750] : memref<64xi32, #tpu.memory_space<smem>>
      %gt3A_752 = arith.cmpi sgt, %get3A_749, %get3A_751 : i32
      %and3A_753 = arith.andi %le3A_747, %gt3A_752 : i1
      %or3A_754 = arith.ori %or3A_742, %and3A_753 : i1
      %get3A_755 = arith.constant 13 : index
      %get3A_756 = memref.load %arg1[%get3A_755] : memref<16xi32, #tpu.memory_space<smem>>
      %get3A_757 = arith.index_cast %min3A_599 : i32 to index
      %get3A_758 = memref.load %arg4[%get3A_757] : memref<64xi32, #tpu.memory_space<smem>>
      %le3A_759 = arith.cmpi sle, %get3A_756, %get3A_758 : i32
      %get3A_760 = arith.constant 13 : index
      %get3A_761 = memref.load %arg2[%get3A_760] : memref<16xi32, #tpu.memory_space<smem>>
      %get3A_762 = arith.index_cast %min3A_599 : i32 to index
      %get3A_763 = memref.load %arg3[%get3A_762] : memref<64xi32, #tpu.memory_space<smem>>
      %gt3A_764 = arith.cmpi sgt, %get3A_761, %get3A_763 : i32
      %and3A_765 = arith.andi %le3A_759, %gt3A_764 : i1
      %or3A_766 = arith.ori %or3A_754, %and3A_765 : i1
      %get3A_767 = arith.constant 14 : index
      %get3A_768 = memref.load %arg1[%get3A_767] : memref<16xi32, #tpu.memory_space<smem>>
      %get3A_769 = arith.index_cast %min3A_599 : i32 to index
      %get3A_770 = memref.load %arg4[%get3A_769] : memref<64xi32, #tpu.memory_space<smem>>
      %le3A_771 = arith.cmpi sle, %get3A_768, %get3A_770 : i32
      %get3A_772 = arith.constant 14 : index
      %get3A_773 = memref.load %arg2[%get3A_772] : memref<16xi32, #tpu.memory_space<smem>>
      %get3A_774 = arith.index_cast %min3A_599 : i32 to index
      %get3A_775 = memref.load %arg3[%get3A_774] : memref<64xi32, #tpu.memory_space<smem>>
      %gt3A_776 = arith.cmpi sgt, %get3A_773, %get3A_775 : i32
      %and3A_777 = arith.andi %le3A_771, %gt3A_776 : i1
      %or3A_778 = arith.ori %or3A_766, %and3A_777 : i1
      %get3A_779 = arith.constant 15 : index
      %get3A_780 = memref.load %arg1[%get3A_779] : memref<16xi32, #tpu.memory_space<smem>>
      %get3A_781 = arith.index_cast %min3A_599 : i32 to index
      %get3A_782 = memref.load %arg4[%get3A_781] : memref<64xi32, #tpu.memory_space<smem>>
      %le3A_783 = arith.cmpi sle, %get3A_780, %get3A_782 : i32
      %get3A_784 = arith.constant 15 : index
      %get3A_785 = memref.load %arg2[%get3A_784] : memref<16xi32, #tpu.memory_space<smem>>
      %get3A_786 = arith.index_cast %min3A_599 : i32 to index
      %get3A_787 = memref.load %arg3[%get3A_786] : memref<64xi32, #tpu.memory_space<smem>>
      %gt3A_788 = arith.cmpi sgt, %get3A_785, %get3A_787 : i32
      %and3A_789 = arith.andi %le3A_783, %gt3A_788 : i1
      %or3A_790 = arith.ori %or3A_778, %and3A_789 : i1
      %and3A_791 = arith.constant true
      %and3A_792 = arith.andi %and3A_791, %or3A_790 : i1
      %convert_element_type3A_793 = arith.extui %and3A_792 : i1 to i32
      %cond3A_794 = arith.constant 0 : i32
      %cond3A_795 = arith.cmpi ne, %convert_element_type3A_793, %cond3A_794 : i32
      scf.if %cond3A_795 {
        %dma_start3A = arith.constant 1 : i32
        %dma_start3A_995 = arith.constant 1 : i32
        %dma_start3A_996 = tpu.memref_slice %arg9[%dma_start3A_995] : memref<4x!tpu.dma_semaphore, #tpu.memory_space<semaphore_mem>> -> memref<1x!tpu.dma_semaphore, #tpu.memory_space<semaphore_mem>>
        %dma_start3A_997 = tpu.memref_squeeze %dma_start3A_996 : memref<1x!tpu.dma_semaphore, #tpu.memory_space<semaphore_mem>> -> memref<!tpu.dma_semaphore, #tpu.memory_space<semaphore_mem>>
        %dma_start3A_998 = arith.constant 0 : i32
        %dma_start3A_999 = arith.constant 0 : i32
        %dma_start3A_1000 = tpu.memref_slice %arg8[%dma_start3A, %dma_start3A_998, %dma_start3A_999] : memref<4x2048x256xf32, #tpu.memory_space<vmem>> -> memref<1x2048x256xf32, #tpu.memory_space<vmem>>
        %dma_start3A_1001 = tpu.memref_squeeze %dma_start3A_1000 : memref<1x2048x256xf32, #tpu.memory_space<vmem>> -> memref<2048x256xf32, #tpu.memory_space<vmem>>
        %dma_start3A_1002 = arith.constant 2048 : i32
        %dma_start3A_1003 = arith.constant 0 : i32
        %dma_start3A_1004 = tpu.memref_slice %arg6[%dma_start3A_1002, %dma_start3A_1003] : memref<131072x256xf32, #tpu.memory_space<hbm>> -> memref<2048x256xf32, #tpu.memory_space<hbm>>
        tpu.enqueue_dma source(%dma_start3A_1004 : memref<2048x256xf32, #tpu.memory_space<hbm>>) target(%dma_start3A_1001 : memref<2048x256xf32, #tpu.memory_space<vmem>>) target_semaphore(%dma_start3A_997 : memref<!tpu.dma_semaphore, #tpu.memory_space<semaphore_mem>>)
      } else {
      }
      %min3A_796 = arith.constant 2 : i32
      %min3A_797 = arith.constant 63 : i32
      %min3A_798 = arith.minsi %min3A_796, %min3A_797 : i32
      %get3A_799 = arith.constant 0 : index
      %get3A_800 = memref.load %arg1[%get3A_799] : memref<16xi32, #tpu.memory_space<smem>>
      %get3A_801 = arith.index_cast %min3A_798 : i32 to index
      %get3A_802 = memref.load %arg4[%get3A_801] : memref<64xi32, #tpu.memory_space<smem>>
      %le3A_803 = arith.cmpi sle, %get3A_800, %get3A_802 : i32
      %get3A_804 = arith.constant 0 : index
      %get3A_805 = memref.load %arg2[%get3A_804] : memref<16xi32, #tpu.memory_space<smem>>
      %get3A_806 = arith.index_cast %min3A_798 : i32 to index
      %get3A_807 = memref.load %arg3[%get3A_806] : memref<64xi32, #tpu.memory_space<smem>>
      %gt3A_808 = arith.cmpi sgt, %get3A_805, %get3A_807 : i32
      %and3A_809 = arith.andi %le3A_803, %gt3A_808 : i1
      %get3A_810 = arith.constant 1 : index
      %get3A_811 = memref.load %arg1[%get3A_810] : memref<16xi32, #tpu.memory_space<smem>>
      %get3A_812 = arith.index_cast %min3A_798 : i32 to index
      %get3A_813 = memref.load %arg4[%get3A_812] : memref<64xi32, #tpu.memory_space<smem>>
      %le3A_814 = arith.cmpi sle, %get3A_811, %get3A_813 : i32
      %get3A_815 = arith.constant 1 : index
      %get3A_816 = memref.load %arg2[%get3A_815] : memref<16xi32, #tpu.memory_space<smem>>
      %get3A_817 = arith.index_cast %min3A_798 : i32 to index
      %get3A_818 = memref.load %arg3[%get3A_817] : memref<64xi32, #tpu.memory_space<smem>>
      %gt3A_819 = arith.cmpi sgt, %get3A_816, %get3A_818 : i32
      %and3A_820 = arith.andi %le3A_814, %gt3A_819 : i1
      %or3A_821 = arith.ori %and3A_809, %and3A_820 : i1
      %get3A_822 = arith.constant 2 : index
      %get3A_823 = memref.load %arg1[%get3A_822] : memref<16xi32, #tpu.memory_space<smem>>
      %get3A_824 = arith.index_cast %min3A_798 : i32 to index
      %get3A_825 = memref.load %arg4[%get3A_824] : memref<64xi32, #tpu.memory_space<smem>>
      %le3A_826 = arith.cmpi sle, %get3A_823, %get3A_825 : i32
      %get3A_827 = arith.constant 2 : index
      %get3A_828 = memref.load %arg2[%get3A_827] : memref<16xi32, #tpu.memory_space<smem>>
      %get3A_829 = arith.index_cast %min3A_798 : i32 to index
      %get3A_830 = memref.load %arg3[%get3A_829] : memref<64xi32, #tpu.memory_space<smem>>
      %gt3A_831 = arith.cmpi sgt, %get3A_828, %get3A_830 : i32
      %and3A_832 = arith.andi %le3A_826, %gt3A_831 : i1
      %or3A_833 = arith.ori %or3A_821, %and3A_832 : i1
      %get3A_834 = arith.constant 3 : index
      %get3A_835 = memref.load %arg1[%get3A_834] : memref<16xi32, #tpu.memory_space<smem>>
      %get3A_836 = arith.index_cast %min3A_798 : i32 to index
      %get3A_837 = memref.load %arg4[%get3A_836] : memref<64xi32, #tpu.memory_space<smem>>
      %le3A_838 = arith.cmpi sle, %get3A_835, %get3A_837 : i32
      %get3A_839 = arith.constant 3 : index
      %get3A_840 = memref.load %arg2[%get3A_839] : memref<16xi32, #tpu.memory_space<smem>>
      %get3A_841 = arith.index_cast %min3A_798 : i32 to index
      %get3A_842 = memref.load %arg3[%get3A_841] : memref<64xi32, #tpu.memory_space<smem>>
      %gt3A_843 = arith.cmpi sgt, %get3A_840, %get3A_842 : i32
      %and3A_844 = arith.andi %le3A_838, %gt3A_843 : i1
      %or3A_845 = arith.ori %or3A_833, %and3A_844 : i1
      %get3A_846 = arith.constant 4 : index
      %get3A_847 = memref.load %arg1[%get3A_846] : memref<16xi32, #tpu.memory_space<smem>>
      %get3A_848 = arith.index_cast %min3A_798 : i32 to index
      %get3A_849 = memref.load %arg4[%get3A_848] : memref<64xi32, #tpu.memory_space<smem>>
      %le3A_850 = arith.cmpi sle, %get3A_847, %get3A_849 : i32
      %get3A_851 = arith.constant 4 : index
      %get3A_852 = memref.load %arg2[%get3A_851] : memref<16xi32, #tpu.memory_space<smem>>
      %get3A_853 = arith.index_cast %min3A_798 : i32 to index
      %get3A_854 = memref.load %arg3[%get3A_853] : memref<64xi32, #tpu.memory_space<smem>>
      %gt3A_855 = arith.cmpi sgt, %get3A_852, %get3A_854 : i32
      %and3A_856 = arith.andi %le3A_850, %gt3A_855 : i1
      %or3A_857 = arith.ori %or3A_845, %and3A_856 : i1
      %get3A_858 = arith.constant 5 : index
      %get3A_859 = memref.load %arg1[%get3A_858] : memref<16xi32, #tpu.memory_space<smem>>
      %get3A_860 = arith.index_cast %min3A_798 : i32 to index
      %get3A_861 = memref.load %arg4[%get3A_860] : memref<64xi32, #tpu.memory_space<smem>>
      %le3A_862 = arith.cmpi sle, %get3A_859, %get3A_861 : i32
      %get3A_863 = arith.constant 5 : index
      %get3A_864 = memref.load %arg2[%get3A_863] : memref<16xi32, #tpu.memory_space<smem>>
      %get3A_865 = arith.index_cast %min3A_798 : i32 to index
      %get3A_866 = memref.load %arg3[%get3A_865] : memref<64xi32, #tpu.memory_space<smem>>
      %gt3A_867 = arith.cmpi sgt, %get3A_864, %get3A_866 : i32
      %and3A_868 = arith.andi %le3A_862, %gt3A_867 : i1
      %or3A_869 = arith.ori %or3A_857, %and3A_868 : i1
      %get3A_870 = arith.constant 6 : index
      %get3A_871 = memref.load %arg1[%get3A_870] : memref<16xi32, #tpu.memory_space<smem>>
      %get3A_872 = arith.index_cast %min3A_798 : i32 to index
      %get3A_873 = memref.load %arg4[%get3A_872] : memref<64xi32, #tpu.memory_space<smem>>
      %le3A_874 = arith.cmpi sle, %get3A_871, %get3A_873 : i32
      %get3A_875 = arith.constant 6 : index
      %get3A_876 = memref.load %arg2[%get3A_875] : memref<16xi32, #tpu.memory_space<smem>>
      %get3A_877 = arith.index_cast %min3A_798 : i32 to index
      %get3A_878 = memref.load %arg3[%get3A_877] : memref<64xi32, #tpu.memory_space<smem>>
      %gt3A_879 = arith.cmpi sgt, %get3A_876, %get3A_878 : i32
      %and3A_880 = arith.andi %le3A_874, %gt3A_879 : i1
      %or3A_881 = arith.ori %or3A_869, %and3A_880 : i1
      %get3A_882 = arith.constant 7 : index
      %get3A_883 = memref.load %arg1[%get3A_882] : memref<16xi32, #tpu.memory_space<smem>>
      %get3A_884 = arith.index_cast %min3A_798 : i32 to index
      %get3A_885 = memref.load %arg4[%get3A_884] : memref<64xi32, #tpu.memory_space<smem>>
      %le3A_886 = arith.cmpi sle, %get3A_883, %get3A_885 : i32
      %get3A_887 = arith.constant 7 : index
      %get3A_888 = memref.load %arg2[%get3A_887] : memref<16xi32, #tpu.memory_space<smem>>
      %get3A_889 = arith.index_cast %min3A_798 : i32 to index
      %get3A_890 = memref.load %arg3[%get3A_889] : memref<64xi32, #tpu.memory_space<smem>>
      %gt3A_891 = arith.cmpi sgt, %get3A_888, %get3A_890 : i32
      %and3A_892 = arith.andi %le3A_886, %gt3A_891 : i1
      %or3A_893 = arith.ori %or3A_881, %and3A_892 : i1
      %get3A_894 = arith.constant 8 : index
      %get3A_895 = memref.load %arg1[%get3A_894] : memref<16xi32, #tpu.memory_space<smem>>
      %get3A_896 = arith.index_cast %min3A_798 : i32 to index
      %get3A_897 = memref.load %arg4[%get3A_896] : memref<64xi32, #tpu.memory_space<smem>>
      %le3A_898 = arith.cmpi sle, %get3A_895, %get3A_897 : i32
      %get3A_899 = arith.constant 8 : index
      %get3A_900 = memref.load %arg2[%get3A_899] : memref<16xi32, #tpu.memory_space<smem>>
      %get3A_901 = arith.index_cast %min3A_798 : i32 to index
      %get3A_902 = memref.load %arg3[%get3A_901] : memref<64xi32, #tpu.memory_space<smem>>
      %gt3A_903 = arith.cmpi sgt, %get3A_900, %get3A_902 : i32
      %and3A_904 = arith.andi %le3A_898, %gt3A_903 : i1
      %or3A_905 = arith.ori %or3A_893, %and3A_904 : i1
      %get3A_906 = arith.constant 9 : index
      %get3A_907 = memref.load %arg1[%get3A_906] : memref<16xi32, #tpu.memory_space<smem>>
      %get3A_908 = arith.index_cast %min3A_798 : i32 to index
      %get3A_909 = memref.load %arg4[%get3A_908] : memref<64xi32, #tpu.memory_space<smem>>
      %le3A_910 = arith.cmpi sle, %get3A_907, %get3A_909 : i32
      %get3A_911 = arith.constant 9 : index
      %get3A_912 = memref.load %arg2[%get3A_911] : memref<16xi32, #tpu.memory_space<smem>>
      %get3A_913 = arith.index_cast %min3A_798 : i32 to index
      %get3A_914 = memref.load %arg3[%get3A_913] : memref<64xi32, #tpu.memory_space<smem>>
      %gt3A_915 = arith.cmpi sgt, %get3A_912, %get3A_914 : i32
      %and3A_916 = arith.andi %le3A_910, %gt3A_915 : i1
      %or3A_917 = arith.ori %or3A_905, %and3A_916 : i1
      %get3A_918 = arith.constant 10 : index
      %get3A_919 = memref.load %arg1[%get3A_918] : memref<16xi32, #tpu.memory_space<smem>>
      %get3A_920 = arith.index_cast %min3A_798 : i32 to index
      %get3A_921 = memref.load %arg4[%get3A_920] : memref<64xi32, #tpu.memory_space<smem>>
      %le3A_922 = arith.cmpi sle, %get3A_919, %get3A_921 : i32
      %get3A_923 = arith.constant 10 : index
      %get3A_924 = memref.load %arg2[%get3A_923] : memref<16xi32, #tpu.memory_space<smem>>
      %get3A_925 = arith.index_cast %min3A_798 : i32 to index
      %get3A_926 = memref.load %arg3[%get3A_925] : memref<64xi32, #tpu.memory_space<smem>>
      %gt3A_927 = arith.cmpi sgt, %get3A_924, %get3A_926 : i32
      %and3A_928 = arith.andi %le3A_922, %gt3A_927 : i1
      %or3A_929 = arith.ori %or3A_917, %and3A_928 : i1
      %get3A_930 = arith.constant 11 : index
      %get3A_931 = memref.load %arg1[%get3A_930] : memref<16xi32, #tpu.memory_space<smem>>
      %get3A_932 = arith.index_cast %min3A_798 : i32 to index
      %get3A_933 = memref.load %arg4[%get3A_932] : memref<64xi32, #tpu.memory_space<smem>>
      %le3A_934 = arith.cmpi sle, %get3A_931, %get3A_933 : i32
      %get3A_935 = arith.constant 11 : index
      %get3A_936 = memref.load %arg2[%get3A_935] : memref<16xi32, #tpu.memory_space<smem>>
      %get3A_937 = arith.index_cast %min3A_798 : i32 to index
      %get3A_938 = memref.load %arg3[%get3A_937] : memref<64xi32, #tpu.memory_space<smem>>
      %gt3A_939 = arith.cmpi sgt, %get3A_936, %get3A_938 : i32
      %and3A_940 = arith.andi %le3A_934, %gt3A_939 : i1
      %or3A_941 = arith.ori %or3A_929, %and3A_940 : i1
      %get3A_942 = arith.constant 12 : index
      %get3A_943 = memref.load %arg1[%get3A_942] : memref<16xi32, #tpu.memory_space<smem>>
      %get3A_944 = arith.index_cast %min3A_798 : i32 to index
      %get3A_945 = memref.load %arg4[%get3A_944] : memref<64xi32, #tpu.memory_space<smem>>
      %le3A_946 = arith.cmpi sle, %get3A_943, %get3A_945 : i32
      %get3A_947 = arith.constant 12 : index
      %get3A_948 = memref.load %arg2[%get3A_947] : memref<16xi32, #tpu.memory_space<smem>>
      %get3A_949 = arith.index_cast %min3A_798 : i32 to index
      %get3A_950 = memref.load %arg3[%get3A_949] : memref<64xi32, #tpu.memory_space<smem>>
      %gt3A_951 = arith.cmpi sgt, %get3A_948, %get3A_950 : i32
      %and3A_952 = arith.andi %le3A_946, %gt3A_951 : i1
      %or3A_953 = arith.ori %or3A_941, %and3A_952 : i1
      %get3A_954 = arith.constant 13 : index
      %get3A_955 = memref.load %arg1[%get3A_954] : memref<16xi32, #tpu.memory_space<smem>>
      %get3A_956 = arith.index_cast %min3A_798 : i32 to index
      %get3A_957 = memref.load %arg4[%get3A_956] : memref<64xi32, #tpu.memory_space<smem>>
      %le3A_958 = arith.cmpi sle, %get3A_955, %get3A_957 : i32
      %get3A_959 = arith.constant 13 : index
      %get3A_960 = memref.load %arg2[%get3A_959] : memref<16xi32, #tpu.memory_space<smem>>
      %get3A_961 = arith.index_cast %min3A_798 : i32 to index
      %get3A_962 = memref.load %arg3[%get3A_961] : memref<64xi32, #tpu.memory_space<smem>>
      %gt3A_963 = arith.cmpi sgt, %get3A_960, %get3A_962 : i32
      %and3A_964 = arith.andi %le3A_958, %gt3A_963 : i1
      %or3A_965 = arith.ori %or3A_953, %and3A_964 : i1
      %get3A_966 = arith.constant 14 : index
      %get3A_967 = memref.load %arg1[%get3A_966] : memref<16xi32, #tpu.memory_space<smem>>
      %get3A_968 = arith.index_cast %min3A_798 : i32 to index
      %get3A_969 = memref.load %arg4[%get3A_968] : memref<64xi32, #tpu.memory_space<smem>>
      %le3A_970 = arith.cmpi sle, %get3A_967, %get3A_969 : i32
      %get3A_971 = arith.constant 14 : index
      %get3A_972 = memref.load %arg2[%get3A_971] : memref<16xi32, #tpu.memory_space<smem>>
      %get3A_973 = arith.index_cast %min3A_798 : i32 to index
      %get3A_974 = memref.load %arg3[%get3A_973] : memref<64xi32, #tpu.memory_space<smem>>
      %gt3A_975 = arith.cmpi sgt, %get3A_972, %get3A_974 : i32
      %and3A_976 = arith.andi %le3A_970, %gt3A_975 : i1
      %or3A_977 = arith.ori %or3A_965, %and3A_976 : i1
      %get3A_978 = arith.constant 15 : index
      %get3A_979 = memref.load %arg1[%get3A_978] : memref<16xi32, #tpu.memory_space<smem>>
      %get3A_980 = arith.index_cast %min3A_798 : i32 to index
      %get3A_981 = memref.load %arg4[%get3A_980] : memref<64xi32, #tpu.memory_space<smem>>
      %le3A_982 = arith.cmpi sle, %get3A_979, %get3A_981 : i32
      %get3A_983 = arith.constant 15 : index
      %get3A_984 = memref.load %arg2[%get3A_983] : memref<16xi32, #tpu.memory_space<smem>>
      %get3A_985 = arith.index_cast %min3A_798 : i32 to index
      %get3A_986 = memref.load %arg3[%get3A_985] : memref<64xi32, #tpu.memory_space<smem>>
      %gt3A_987 = arith.cmpi sgt, %get3A_984, %get3A_986 : i32
      %and3A_988 = arith.andi %le3A_982, %gt3A_987 : i1
      %or3A_989 = arith.ori %or3A_977, %and3A_988 : i1
      %and3A_990 = arith.constant true
      %and3A_991 = arith.andi %and3A_990, %or3A_989 : i1
      %convert_element_type3A_992 = arith.extui %and3A_991 : i1 to i32
      %cond3A_993 = arith.constant 0 : i32
      %cond3A_994 = arith.cmpi ne, %convert_element_type3A_992, %cond3A_993 : i32
      scf.if %cond3A_994 {
        %dma_start3A = arith.constant 2 : i32
        %dma_start3A_995 = arith.constant 2 : i32
        %dma_start3A_996 = tpu.memref_slice %arg9[%dma_start3A_995] : memref<4x!tpu.dma_semaphore, #tpu.memory_space<semaphore_mem>> -> memref<1x!tpu.dma_semaphore, #tpu.memory_space<semaphore_mem>>
        %dma_start3A_997 = tpu.memref_squeeze %dma_start3A_996 : memref<1x!tpu.dma_semaphore, #tpu.memory_space<semaphore_mem>> -> memref<!tpu.dma_semaphore, #tpu.memory_space<semaphore_mem>>
        %dma_start3A_998 = arith.constant 0 : i32
        %dma_start3A_999 = arith.constant 0 : i32
        %dma_start3A_1000 = tpu.memref_slice %arg8[%dma_start3A, %dma_start3A_998, %dma_start3A_999] : memref<4x2048x256xf32, #tpu.memory_space<vmem>> -> memref<1x2048x256xf32, #tpu.memory_space<vmem>>
        %dma_start3A_1001 = tpu.memref_squeeze %dma_start3A_1000 : memref<1x2048x256xf32, #tpu.memory_space<vmem>> -> memref<2048x256xf32, #tpu.memory_space<vmem>>
        %dma_start3A_1002 = arith.constant 4096 : i32
        %dma_start3A_1003 = arith.constant 0 : i32
        %dma_start3A_1004 = tpu.memref_slice %arg6[%dma_start3A_1002, %dma_start3A_1003] : memref<131072x256xf32, #tpu.memory_space<hbm>> -> memref<2048x256xf32, #tpu.memory_space<hbm>>
        tpu.enqueue_dma source(%dma_start3A_1004 : memref<2048x256xf32, #tpu.memory_space<hbm>>) target(%dma_start3A_1001 : memref<2048x256xf32, #tpu.memory_space<vmem>>) target_semaphore(%dma_start3A_997 : memref<!tpu.dma_semaphore, #tpu.memory_space<semaphore_mem>>)
      } else {
      }
    } else {
    }
    %add3A = arith.constant 4 : i32
    %add3A_2 = arith.addi %arg0, %add3A : i32
    %sub3A = arith.constant 1 : i32
    %sub3A_3 = arith.subi %add3A_2, %sub3A : i32
    %min3A = arith.constant 63 : i32
    %min3A_4 = arith.minsi %sub3A_3, %min3A : i32
    %add3A_5 = arith.constant 4 : i32
    %add3A_6 = arith.addi %arg0, %add3A_5 : i32
    %sub3A_7 = arith.constant 1 : i32
    %sub3A_8 = arith.subi %add3A_6, %sub3A_7 : i32
    %lt3A = arith.constant 64 : i32
    %lt3A_9 = arith.cmpi slt, %sub3A_8, %lt3A : i32
    %get3A = arith.constant 0 : index
    %get3A_10 = memref.load %arg1[%get3A] : memref<16xi32, #tpu.memory_space<smem>>
    %get3A_11 = arith.index_cast %min3A_4 : i32 to index
    %get3A_12 = memref.load %arg4[%get3A_11] : memref<64xi32, #tpu.memory_space<smem>>
    %le3A = arith.cmpi sle, %get3A_10, %get3A_12 : i32
    %get3A_13 = arith.constant 0 : index
    %get3A_14 = memref.load %arg2[%get3A_13] : memref<16xi32, #tpu.memory_space<smem>>
    %get3A_15 = arith.index_cast %min3A_4 : i32 to index
    %get3A_16 = memref.load %arg3[%get3A_15] : memref<64xi32, #tpu.memory_space<smem>>
    %gt3A = arith.cmpi sgt, %get3A_14, %get3A_16 : i32
    %and3A = arith.andi %le3A, %gt3A : i1
    %get3A_17 = arith.constant 1 : index
    %get3A_18 = memref.load %arg1[%get3A_17] : memref<16xi32, #tpu.memory_space<smem>>
    %get3A_19 = arith.index_cast %min3A_4 : i32 to index
    %get3A_20 = memref.load %arg4[%get3A_19] : memref<64xi32, #tpu.memory_space<smem>>
    %le3A_21 = arith.cmpi sle, %get3A_18, %get3A_20 : i32
    %get3A_22 = arith.constant 1 : index
    %get3A_23 = memref.load %arg2[%get3A_22] : memref<16xi32, #tpu.memory_space<smem>>
    %get3A_24 = arith.index_cast %min3A_4 : i32 to index
    %get3A_25 = memref.load %arg3[%get3A_24] : memref<64xi32, #tpu.memory_space<smem>>
    %gt3A_26 = arith.cmpi sgt, %get3A_23, %get3A_25 : i32
    %and3A_27 = arith.andi %le3A_21, %gt3A_26 : i1
    %or3A = arith.ori %and3A, %and3A_27 : i1
    %get3A_28 = arith.constant 2 : index
    %get3A_29 = memref.load %arg1[%get3A_28] : memref<16xi32, #tpu.memory_space<smem>>
    %get3A_30 = arith.index_cast %min3A_4 : i32 to index
    %get3A_31 = memref.load %arg4[%get3A_30] : memref<64xi32, #tpu.memory_space<smem>>
    %le3A_32 = arith.cmpi sle, %get3A_29, %get3A_31 : i32
    %get3A_33 = arith.constant 2 : index
    %get3A_34 = memref.load %arg2[%get3A_33] : memref<16xi32, #tpu.memory_space<smem>>
    %get3A_35 = arith.index_cast %min3A_4 : i32 to index
    %get3A_36 = memref.load %arg3[%get3A_35] : memref<64xi32, #tpu.memory_space<smem>>
    %gt3A_37 = arith.cmpi sgt, %get3A_34, %get3A_36 : i32
    %and3A_38 = arith.andi %le3A_32, %gt3A_37 : i1
    %or3A_39 = arith.ori %or3A, %and3A_38 : i1
    %get3A_40 = arith.constant 3 : index
    %get3A_41 = memref.load %arg1[%get3A_40] : memref<16xi32, #tpu.memory_space<smem>>
    %get3A_42 = arith.index_cast %min3A_4 : i32 to index
    %get3A_43 = memref.load %arg4[%get3A_42] : memref<64xi32, #tpu.memory_space<smem>>
    %le3A_44 = arith.cmpi sle, %get3A_41, %get3A_43 : i32
    %get3A_45 = arith.constant 3 : index
    %get3A_46 = memref.load %arg2[%get3A_45] : memref<16xi32, #tpu.memory_space<smem>>
    %get3A_47 = arith.index_cast %min3A_4 : i32 to index
    %get3A_48 = memref.load %arg3[%get3A_47] : memref<64xi32, #tpu.memory_space<smem>>
    %gt3A_49 = arith.cmpi sgt, %get3A_46, %get3A_48 : i32
    %and3A_50 = arith.andi %le3A_44, %gt3A_49 : i1
    %or3A_51 = arith.ori %or3A_39, %and3A_50 : i1
    %get3A_52 = arith.constant 4 : index
    %get3A_53 = memref.load %arg1[%get3A_52] : memref<16xi32, #tpu.memory_space<smem>>
    %get3A_54 = arith.index_cast %min3A_4 : i32 to index
    %get3A_55 = memref.load %arg4[%get3A_54] : memref<64xi32, #tpu.memory_space<smem>>
    %le3A_56 = arith.cmpi sle, %get3A_53, %get3A_55 : i32
    %get3A_57 = arith.constant 4 : index
    %get3A_58 = memref.load %arg2[%get3A_57] : memref<16xi32, #tpu.memory_space<smem>>
    %get3A_59 = arith.index_cast %min3A_4 : i32 to index
    %get3A_60 = memref.load %arg3[%get3A_59] : memref<64xi32, #tpu.memory_space<smem>>
    %gt3A_61 = arith.cmpi sgt, %get3A_58, %get3A_60 : i32
    %and3A_62 = arith.andi %le3A_56, %gt3A_61 : i1
    %or3A_63 = arith.ori %or3A_51, %and3A_62 : i1
    %get3A_64 = arith.constant 5 : index
    %get3A_65 = memref.load %arg1[%get3A_64] : memref<16xi32, #tpu.memory_space<smem>>
    %get3A_66 = arith.index_cast %min3A_4 : i32 to index
    %get3A_67 = memref.load %arg4[%get3A_66] : memref<64xi32, #tpu.memory_space<smem>>
    %le3A_68 = arith.cmpi sle, %get3A_65, %get3A_67 : i32
    %get3A_69 = arith.constant 5 : index
    %get3A_70 = memref.load %arg2[%get3A_69] : memref<16xi32, #tpu.memory_space<smem>>
    %get3A_71 = arith.index_cast %min3A_4 : i32 to index
    %get3A_72 = memref.load %arg3[%get3A_71] : memref<64xi32, #tpu.memory_space<smem>>
    %gt3A_73 = arith.cmpi sgt, %get3A_70, %get3A_72 : i32
    %and3A_74 = arith.andi %le3A_68, %gt3A_73 : i1
    %or3A_75 = arith.ori %or3A_63, %and3A_74 : i1
    %get3A_76 = arith.constant 6 : index
    %get3A_77 = memref.load %arg1[%get3A_76] : memref<16xi32, #tpu.memory_space<smem>>
    %get3A_78 = arith.index_cast %min3A_4 : i32 to index
    %get3A_79 = memref.load %arg4[%get3A_78] : memref<64xi32, #tpu.memory_space<smem>>
    %le3A_80 = arith.cmpi sle, %get3A_77, %get3A_79 : i32
    %get3A_81 = arith.constant 6 : index
    %get3A_82 = memref.load %arg2[%get3A_81] : memref<16xi32, #tpu.memory_space<smem>>
    %get3A_83 = arith.index_cast %min3A_4 : i32 to index
    %get3A_84 = memref.load %arg3[%get3A_83] : memref<64xi32, #tpu.memory_space<smem>>
    %gt3A_85 = arith.cmpi sgt, %get3A_82, %get3A_84 : i32
    %and3A_86 = arith.andi %le3A_80, %gt3A_85 : i1
    %or3A_87 = arith.ori %or3A_75, %and3A_86 : i1
    %get3A_88 = arith.constant 7 : index
    %get3A_89 = memref.load %arg1[%get3A_88] : memref<16xi32, #tpu.memory_space<smem>>
    %get3A_90 = arith.index_cast %min3A_4 : i32 to index
    %get3A_91 = memref.load %arg4[%get3A_90] : memref<64xi32, #tpu.memory_space<smem>>
    %le3A_92 = arith.cmpi sle, %get3A_89, %get3A_91 : i32
    %get3A_93 = arith.constant 7 : index
    %get3A_94 = memref.load %arg2[%get3A_93] : memref<16xi32, #tpu.memory_space<smem>>
    %get3A_95 = arith.index_cast %min3A_4 : i32 to index
    %get3A_96 = memref.load %arg3[%get3A_95] : memref<64xi32, #tpu.memory_space<smem>>
    %gt3A_97 = arith.cmpi sgt, %get3A_94, %get3A_96 : i32
    %and3A_98 = arith.andi %le3A_92, %gt3A_97 : i1
    %or3A_99 = arith.ori %or3A_87, %and3A_98 : i1
    %get3A_100 = arith.constant 8 : index
    %get3A_101 = memref.load %arg1[%get3A_100] : memref<16xi32, #tpu.memory_space<smem>>
    %get3A_102 = arith.index_cast %min3A_4 : i32 to index
    %get3A_103 = memref.load %arg4[%get3A_102] : memref<64xi32, #tpu.memory_space<smem>>
    %le3A_104 = arith.cmpi sle, %get3A_101, %get3A_103 : i32
    %get3A_105 = arith.constant 8 : index
    %get3A_106 = memref.load %arg2[%get3A_105] : memref<16xi32, #tpu.memory_space<smem>>
    %get3A_107 = arith.index_cast %min3A_4 : i32 to index
    %get3A_108 = memref.load %arg3[%get3A_107] : memref<64xi32, #tpu.memory_space<smem>>
    %gt3A_109 = arith.cmpi sgt, %get3A_106, %get3A_108 : i32
    %and3A_110 = arith.andi %le3A_104, %gt3A_109 : i1
    %or3A_111 = arith.ori %or3A_99, %and3A_110 : i1
    %get3A_112 = arith.constant 9 : index
    %get3A_113 = memref.load %arg1[%get3A_112] : memref<16xi32, #tpu.memory_space<smem>>
    %get3A_114 = arith.index_cast %min3A_4 : i32 to index
    %get3A_115 = memref.load %arg4[%get3A_114] : memref<64xi32, #tpu.memory_space<smem>>
    %le3A_116 = arith.cmpi sle, %get3A_113, %get3A_115 : i32
    %get3A_117 = arith.constant 9 : index
    %get3A_118 = memref.load %arg2[%get3A_117] : memref<16xi32, #tpu.memory_space<smem>>
    %get3A_119 = arith.index_cast %min3A_4 : i32 to index
    %get3A_120 = memref.load %arg3[%get3A_119] : memref<64xi32, #tpu.memory_space<smem>>
    %gt3A_121 = arith.cmpi sgt, %get3A_118, %get3A_120 : i32
    %and3A_122 = arith.andi %le3A_116, %gt3A_121 : i1
    %or3A_123 = arith.ori %or3A_111, %and3A_122 : i1
    %get3A_124 = arith.constant 10 : index
    %get3A_125 = memref.load %arg1[%get3A_124] : memref<16xi32, #tpu.memory_space<smem>>
    %get3A_126 = arith.index_cast %min3A_4 : i32 to index
    %get3A_127 = memref.load %arg4[%get3A_126] : memref<64xi32, #tpu.memory_space<smem>>
    %le3A_128 = arith.cmpi sle, %get3A_125, %get3A_127 : i32
    %get3A_129 = arith.constant 10 : index
    %get3A_130 = memref.load %arg2[%get3A_129] : memref<16xi32, #tpu.memory_space<smem>>
    %get3A_131 = arith.index_cast %min3A_4 : i32 to index
    %get3A_132 = memref.load %arg3[%get3A_131] : memref<64xi32, #tpu.memory_space<smem>>
    %gt3A_133 = arith.cmpi sgt, %get3A_130, %get3A_132 : i32
    %and3A_134 = arith.andi %le3A_128, %gt3A_133 : i1
    %or3A_135 = arith.ori %or3A_123, %and3A_134 : i1
    %get3A_136 = arith.constant 11 : index
    %get3A_137 = memref.load %arg1[%get3A_136] : memref<16xi32, #tpu.memory_space<smem>>
    %get3A_138 = arith.index_cast %min3A_4 : i32 to index
    %get3A_139 = memref.load %arg4[%get3A_138] : memref<64xi32, #tpu.memory_space<smem>>
    %le3A_140 = arith.cmpi sle, %get3A_137, %get3A_139 : i32
    %get3A_141 = arith.constant 11 : index
    %get3A_142 = memref.load %arg2[%get3A_141] : memref<16xi32, #tpu.memory_space<smem>>
    %get3A_143 = arith.index_cast %min3A_4 : i32 to index
    %get3A_144 = memref.load %arg3[%get3A_143] : memref<64xi32, #tpu.memory_space<smem>>
    %gt3A_145 = arith.cmpi sgt, %get3A_142, %get3A_144 : i32
    %and3A_146 = arith.andi %le3A_140, %gt3A_145 : i1
    %or3A_147 = arith.ori %or3A_135, %and3A_146 : i1
    %get3A_148 = arith.constant 12 : index
    %get3A_149 = memref.load %arg1[%get3A_148] : memref<16xi32, #tpu.memory_space<smem>>
    %get3A_150 = arith.index_cast %min3A_4 : i32 to index
    %get3A_151 = memref.load %arg4[%get3A_150] : memref<64xi32, #tpu.memory_space<smem>>
    %le3A_152 = arith.cmpi sle, %get3A_149, %get3A_151 : i32
    %get3A_153 = arith.constant 12 : index
    %get3A_154 = memref.load %arg2[%get3A_153] : memref<16xi32, #tpu.memory_space<smem>>
    %get3A_155 = arith.index_cast %min3A_4 : i32 to index
    %get3A_156 = memref.load %arg3[%get3A_155] : memref<64xi32, #tpu.memory_space<smem>>
    %gt3A_157 = arith.cmpi sgt, %get3A_154, %get3A_156 : i32
    %and3A_158 = arith.andi %le3A_152, %gt3A_157 : i1
    %or3A_159 = arith.ori %or3A_147, %and3A_158 : i1
    %get3A_160 = arith.constant 13 : index
    %get3A_161 = memref.load %arg1[%get3A_160] : memref<16xi32, #tpu.memory_space<smem>>
    %get3A_162 = arith.index_cast %min3A_4 : i32 to index
    %get3A_163 = memref.load %arg4[%get3A_162] : memref<64xi32, #tpu.memory_space<smem>>
    %le3A_164 = arith.cmpi sle, %get3A_161, %get3A_163 : i32
    %get3A_165 = arith.constant 13 : index
    %get3A_166 = memref.load %arg2[%get3A_165] : memref<16xi32, #tpu.memory_space<smem>>
    %get3A_167 = arith.index_cast %min3A_4 : i32 to index
    %get3A_168 = memref.load %arg3[%get3A_167] : memref<64xi32, #tpu.memory_space<smem>>
    %gt3A_169 = arith.cmpi sgt, %get3A_166, %get3A_168 : i32
    %and3A_170 = arith.andi %le3A_164, %gt3A_169 : i1
    %or3A_171 = arith.ori %or3A_159, %and3A_170 : i1
    %get3A_172 = arith.constant 14 : index
    %get3A_173 = memref.load %arg1[%get3A_172] : memref<16xi32, #tpu.memory_space<smem>>
    %get3A_174 = arith.index_cast %min3A_4 : i32 to index
    %get3A_175 = memref.load %arg4[%get3A_174] : memref<64xi32, #tpu.memory_space<smem>>
    %le3A_176 = arith.cmpi sle, %get3A_173, %get3A_175 : i32
    %get3A_177 = arith.constant 14 : index
    %get3A_178 = memref.load %arg2[%get3A_177] : memref<16xi32, #tpu.memory_space<smem>>
    %get3A_179 = arith.index_cast %min3A_4 : i32 to index
    %get3A_180 = memref.load %arg3[%get3A_179] : memref<64xi32, #tpu.memory_space<smem>>
    %gt3A_181 = arith.cmpi sgt, %get3A_178, %get3A_180 : i32
    %and3A_182 = arith.andi %le3A_176, %gt3A_181 : i1
    %or3A_183 = arith.ori %or3A_171, %and3A_182 : i1
    %get3A_184 = arith.constant 15 : index
    %get3A_185 = memref.load %arg1[%get3A_184] : memref<16xi32, #tpu.memory_space<smem>>
    %get3A_186 = arith.index_cast %min3A_4 : i32 to index
    %get3A_187 = memref.load %arg4[%get3A_186] : memref<64xi32, #tpu.memory_space<smem>>
    %le3A_188 = arith.cmpi sle, %get3A_185, %get3A_187 : i32
    %get3A_189 = arith.constant 15 : index
    %get3A_190 = memref.load %arg2[%get3A_189] : memref<16xi32, #tpu.memory_space<smem>>
    %get3A_191 = arith.index_cast %min3A_4 : i32 to index
    %get3A_192 = memref.load %arg3[%get3A_191] : memref<64xi32, #tpu.memory_space<smem>>
    %gt3A_193 = arith.cmpi sgt, %get3A_190, %get3A_192 : i32
    %and3A_194 = arith.andi %le3A_188, %gt3A_193 : i1
    %or3A_195 = arith.ori %or3A_183, %and3A_194 : i1
    %and3A_196 = arith.andi %lt3A_9, %or3A_195 : i1
    %convert_element_type3A_197 = arith.extui %and3A_196 : i1 to i32
    %cond3A_198 = arith.constant 0 : i32
    %cond3A_199 = arith.cmpi ne, %convert_element_type3A_197, %cond3A_198 : i32
    scf.if %cond3A_199 {
      %add3A_398 = arith.constant 4 : i32
      %add3A_399 = arith.addi %arg0, %add3A_398 : i32
      %sub3A_400 = arith.constant 1 : i32
      %sub3A_401 = arith.subi %add3A_399, %sub3A_400 : i32
      %rem3A = arith.constant 4 : i32
      %rem3A_402 = arith.remsi %sub3A_401, %rem3A : i32
      %mul3A = arith.constant 2048 : i32
      %mul3A_403 = arith.muli %min3A_4, %mul3A : i32
      %dma_start3A = tpu.memref_slice %arg9[%rem3A_402] : memref<4x!tpu.dma_semaphore, #tpu.memory_space<semaphore_mem>> -> memref<1x!tpu.dma_semaphore, #tpu.memory_space<semaphore_mem>>
      %dma_start3A_404 = tpu.memref_squeeze %dma_start3A : memref<1x!tpu.dma_semaphore, #tpu.memory_space<semaphore_mem>> -> memref<!tpu.dma_semaphore, #tpu.memory_space<semaphore_mem>>
      %dma_start3A_405 = arith.constant 0 : i32
      %dma_start3A_406 = arith.constant 0 : i32
      %dma_start3A_407 = tpu.memref_slice %arg8[%rem3A_402, %dma_start3A_405, %dma_start3A_406] : memref<4x2048x256xf32, #tpu.memory_space<vmem>> -> memref<1x2048x256xf32, #tpu.memory_space<vmem>>
      %dma_start3A_408 = tpu.memref_squeeze %dma_start3A_407 : memref<1x2048x256xf32, #tpu.memory_space<vmem>> -> memref<2048x256xf32, #tpu.memory_space<vmem>>
      %dma_start3A_409 = arith.constant 0 : i32
      %dma_start3A_410 = tpu.memref_slice %arg6[%mul3A_403, %dma_start3A_409] : memref<131072x256xf32, #tpu.memory_space<hbm>> -> memref<2048x256xf32, #tpu.memory_space<hbm>>
      tpu.enqueue_dma source(%dma_start3A_410 : memref<2048x256xf32, #tpu.memory_space<hbm>>) target(%dma_start3A_408 : memref<2048x256xf32, #tpu.memory_space<vmem>>) target_semaphore(%dma_start3A_404 : memref<!tpu.dma_semaphore, #tpu.memory_space<semaphore_mem>>)
    } else {
    }
    %get3A_200 = arith.constant 0 : index
    %get3A_201 = memref.load %arg1[%get3A_200] : memref<16xi32, #tpu.memory_space<smem>>
    %get3A_202 = arith.index_cast %arg0 : i32 to index
    %get3A_203 = memref.load %arg4[%get3A_202] : memref<64xi32, #tpu.memory_space<smem>>
    %le3A_204 = arith.cmpi sle, %get3A_201, %get3A_203 : i32
    %get3A_205 = arith.constant 0 : index
    %get3A_206 = memref.load %arg2[%get3A_205] : memref<16xi32, #tpu.memory_space<smem>>
    %get3A_207 = arith.index_cast %arg0 : i32 to index
    %get3A_208 = memref.load %arg3[%get3A_207] : memref<64xi32, #tpu.memory_space<smem>>
    %gt3A_209 = arith.cmpi sgt, %get3A_206, %get3A_208 : i32
    %and3A_210 = arith.andi %le3A_204, %gt3A_209 : i1
    %get3A_211 = arith.constant 1 : index
    %get3A_212 = memref.load %arg1[%get3A_211] : memref<16xi32, #tpu.memory_space<smem>>
    %get3A_213 = arith.index_cast %arg0 : i32 to index
    %get3A_214 = memref.load %arg4[%get3A_213] : memref<64xi32, #tpu.memory_space<smem>>
    %le3A_215 = arith.cmpi sle, %get3A_212, %get3A_214 : i32
    %get3A_216 = arith.constant 1 : index
    %get3A_217 = memref.load %arg2[%get3A_216] : memref<16xi32, #tpu.memory_space<smem>>
    %get3A_218 = arith.index_cast %arg0 : i32 to index
    %get3A_219 = memref.load %arg3[%get3A_218] : memref<64xi32, #tpu.memory_space<smem>>
    %gt3A_220 = arith.cmpi sgt, %get3A_217, %get3A_219 : i32
    %and3A_221 = arith.andi %le3A_215, %gt3A_220 : i1
    %or3A_222 = arith.ori %and3A_210, %and3A_221 : i1
    %get3A_223 = arith.constant 2 : index
    %get3A_224 = memref.load %arg1[%get3A_223] : memref<16xi32, #tpu.memory_space<smem>>
    %get3A_225 = arith.index_cast %arg0 : i32 to index
    %get3A_226 = memref.load %arg4[%get3A_225] : memref<64xi32, #tpu.memory_space<smem>>
    %le3A_227 = arith.cmpi sle, %get3A_224, %get3A_226 : i32
    %get3A_228 = arith.constant 2 : index
    %get3A_229 = memref.load %arg2[%get3A_228] : memref<16xi32, #tpu.memory_space<smem>>
    %get3A_230 = arith.index_cast %arg0 : i32 to index
    %get3A_231 = memref.load %arg3[%get3A_230] : memref<64xi32, #tpu.memory_space<smem>>
    %gt3A_232 = arith.cmpi sgt, %get3A_229, %get3A_231 : i32
    %and3A_233 = arith.andi %le3A_227, %gt3A_232 : i1
    %or3A_234 = arith.ori %or3A_222, %and3A_233 : i1
    %get3A_235 = arith.constant 3 : index
    %get3A_236 = memref.load %arg1[%get3A_235] : memref<16xi32, #tpu.memory_space<smem>>
    %get3A_237 = arith.index_cast %arg0 : i32 to index
    %get3A_238 = memref.load %arg4[%get3A_237] : memref<64xi32, #tpu.memory_space<smem>>
    %le3A_239 = arith.cmpi sle, %get3A_236, %get3A_238 : i32
    %get3A_240 = arith.constant 3 : index
    %get3A_241 = memref.load %arg2[%get3A_240] : memref<16xi32, #tpu.memory_space<smem>>
    %get3A_242 = arith.index_cast %arg0 : i32 to index
    %get3A_243 = memref.load %arg3[%get3A_242] : memref<64xi32, #tpu.memory_space<smem>>
    %gt3A_244 = arith.cmpi sgt, %get3A_241, %get3A_243 : i32
    %and3A_245 = arith.andi %le3A_239, %gt3A_244 : i1
    %or3A_246 = arith.ori %or3A_234, %and3A_245 : i1
    %get3A_247 = arith.constant 4 : index
    %get3A_248 = memref.load %arg1[%get3A_247] : memref<16xi32, #tpu.memory_space<smem>>
    %get3A_249 = arith.index_cast %arg0 : i32 to index
    %get3A_250 = memref.load %arg4[%get3A_249] : memref<64xi32, #tpu.memory_space<smem>>
    %le3A_251 = arith.cmpi sle, %get3A_248, %get3A_250 : i32
    %get3A_252 = arith.constant 4 : index
    %get3A_253 = memref.load %arg2[%get3A_252] : memref<16xi32, #tpu.memory_space<smem>>
    %get3A_254 = arith.index_cast %arg0 : i32 to index
    %get3A_255 = memref.load %arg3[%get3A_254] : memref<64xi32, #tpu.memory_space<smem>>
    %gt3A_256 = arith.cmpi sgt, %get3A_253, %get3A_255 : i32
    %and3A_257 = arith.andi %le3A_251, %gt3A_256 : i1
    %or3A_258 = arith.ori %or3A_246, %and3A_257 : i1
    %get3A_259 = arith.constant 5 : index
    %get3A_260 = memref.load %arg1[%get3A_259] : memref<16xi32, #tpu.memory_space<smem>>
    %get3A_261 = arith.index_cast %arg0 : i32 to index
    %get3A_262 = memref.load %arg4[%get3A_261] : memref<64xi32, #tpu.memory_space<smem>>
    %le3A_263 = arith.cmpi sle, %get3A_260, %get3A_262 : i32
    %get3A_264 = arith.constant 5 : index
    %get3A_265 = memref.load %arg2[%get3A_264] : memref<16xi32, #tpu.memory_space<smem>>
    %get3A_266 = arith.index_cast %arg0 : i32 to index
    %get3A_267 = memref.load %arg3[%get3A_266] : memref<64xi32, #tpu.memory_space<smem>>
    %gt3A_268 = arith.cmpi sgt, %get3A_265, %get3A_267 : i32
    %and3A_269 = arith.andi %le3A_263, %gt3A_268 : i1
    %or3A_270 = arith.ori %or3A_258, %and3A_269 : i1
    %get3A_271 = arith.constant 6 : index
    %get3A_272 = memref.load %arg1[%get3A_271] : memref<16xi32, #tpu.memory_space<smem>>
    %get3A_273 = arith.index_cast %arg0 : i32 to index
    %get3A_274 = memref.load %arg4[%get3A_273] : memref<64xi32, #tpu.memory_space<smem>>
    %le3A_275 = arith.cmpi sle, %get3A_272, %get3A_274 : i32
    %get3A_276 = arith.constant 6 : index
    %get3A_277 = memref.load %arg2[%get3A_276] : memref<16xi32, #tpu.memory_space<smem>>
    %get3A_278 = arith.index_cast %arg0 : i32 to index
    %get3A_279 = memref.load %arg3[%get3A_278] : memref<64xi32, #tpu.memory_space<smem>>
    %gt3A_280 = arith.cmpi sgt, %get3A_277, %get3A_279 : i32
    %and3A_281 = arith.andi %le3A_275, %gt3A_280 : i1
    %or3A_282 = arith.ori %or3A_270, %and3A_281 : i1
    %get3A_283 = arith.constant 7 : index
    %get3A_284 = memref.load %arg1[%get3A_283] : memref<16xi32, #tpu.memory_space<smem>>
    %get3A_285 = arith.index_cast %arg0 : i32 to index
    %get3A_286 = memref.load %arg4[%get3A_285] : memref<64xi32, #tpu.memory_space<smem>>
    %le3A_287 = arith.cmpi sle, %get3A_284, %get3A_286 : i32
    %get3A_288 = arith.constant 7 : index
    %get3A_289 = memref.load %arg2[%get3A_288] : memref<16xi32, #tpu.memory_space<smem>>
    %get3A_290 = arith.index_cast %arg0 : i32 to index
    %get3A_291 = memref.load %arg3[%get3A_290] : memref<64xi32, #tpu.memory_space<smem>>
    %gt3A_292 = arith.cmpi sgt, %get3A_289, %get3A_291 : i32
    %and3A_293 = arith.andi %le3A_287, %gt3A_292 : i1
    %or3A_294 = arith.ori %or3A_282, %and3A_293 : i1
    %get3A_295 = arith.constant 8 : index
    %get3A_296 = memref.load %arg1[%get3A_295] : memref<16xi32, #tpu.memory_space<smem>>
    %get3A_297 = arith.index_cast %arg0 : i32 to index
    %get3A_298 = memref.load %arg4[%get3A_297] : memref<64xi32, #tpu.memory_space<smem>>
    %le3A_299 = arith.cmpi sle, %get3A_296, %get3A_298 : i32
    %get3A_300 = arith.constant 8 : index
    %get3A_301 = memref.load %arg2[%get3A_300] : memref<16xi32, #tpu.memory_space<smem>>
    %get3A_302 = arith.index_cast %arg0 : i32 to index
    %get3A_303 = memref.load %arg3[%get3A_302] : memref<64xi32, #tpu.memory_space<smem>>
    %gt3A_304 = arith.cmpi sgt, %get3A_301, %get3A_303 : i32
    %and3A_305 = arith.andi %le3A_299, %gt3A_304 : i1
    %or3A_306 = arith.ori %or3A_294, %and3A_305 : i1
    %get3A_307 = arith.constant 9 : index
    %get3A_308 = memref.load %arg1[%get3A_307] : memref<16xi32, #tpu.memory_space<smem>>
    %get3A_309 = arith.index_cast %arg0 : i32 to index
    %get3A_310 = memref.load %arg4[%get3A_309] : memref<64xi32, #tpu.memory_space<smem>>
    %le3A_311 = arith.cmpi sle, %get3A_308, %get3A_310 : i32
    %get3A_312 = arith.constant 9 : index
    %get3A_313 = memref.load %arg2[%get3A_312] : memref<16xi32, #tpu.memory_space<smem>>
    %get3A_314 = arith.index_cast %arg0 : i32 to index
    %get3A_315 = memref.load %arg3[%get3A_314] : memref<64xi32, #tpu.memory_space<smem>>
    %gt3A_316 = arith.cmpi sgt, %get3A_313, %get3A_315 : i32
    %and3A_317 = arith.andi %le3A_311, %gt3A_316 : i1
    %or3A_318 = arith.ori %or3A_306, %and3A_317 : i1
    %get3A_319 = arith.constant 10 : index
    %get3A_320 = memref.load %arg1[%get3A_319] : memref<16xi32, #tpu.memory_space<smem>>
    %get3A_321 = arith.index_cast %arg0 : i32 to index
    %get3A_322 = memref.load %arg4[%get3A_321] : memref<64xi32, #tpu.memory_space<smem>>
    %le3A_323 = arith.cmpi sle, %get3A_320, %get3A_322 : i32
    %get3A_324 = arith.constant 10 : index
    %get3A_325 = memref.load %arg2[%get3A_324] : memref<16xi32, #tpu.memory_space<smem>>
    %get3A_326 = arith.index_cast %arg0 : i32 to index
    %get3A_327 = memref.load %arg3[%get3A_326] : memref<64xi32, #tpu.memory_space<smem>>
    %gt3A_328 = arith.cmpi sgt, %get3A_325, %get3A_327 : i32
    %and3A_329 = arith.andi %le3A_323, %gt3A_328 : i1
    %or3A_330 = arith.ori %or3A_318, %and3A_329 : i1
    %get3A_331 = arith.constant 11 : index
    %get3A_332 = memref.load %arg1[%get3A_331] : memref<16xi32, #tpu.memory_space<smem>>
    %get3A_333 = arith.index_cast %arg0 : i32 to index
    %get3A_334 = memref.load %arg4[%get3A_333] : memref<64xi32, #tpu.memory_space<smem>>
    %le3A_335 = arith.cmpi sle, %get3A_332, %get3A_334 : i32
    %get3A_336 = arith.constant 11 : index
    %get3A_337 = memref.load %arg2[%get3A_336] : memref<16xi32, #tpu.memory_space<smem>>
    %get3A_338 = arith.index_cast %arg0 : i32 to index
    %get3A_339 = memref.load %arg3[%get3A_338] : memref<64xi32, #tpu.memory_space<smem>>
    %gt3A_340 = arith.cmpi sgt, %get3A_337, %get3A_339 : i32
    %and3A_341 = arith.andi %le3A_335, %gt3A_340 : i1
    %or3A_342 = arith.ori %or3A_330, %and3A_341 : i1
    %get3A_343 = arith.constant 12 : index
    %get3A_344 = memref.load %arg1[%get3A_343] : memref<16xi32, #tpu.memory_space<smem>>
    %get3A_345 = arith.index_cast %arg0 : i32 to index
    %get3A_346 = memref.load %arg4[%get3A_345] : memref<64xi32, #tpu.memory_space<smem>>
    %le3A_347 = arith.cmpi sle, %get3A_344, %get3A_346 : i32
    %get3A_348 = arith.constant 12 : index
    %get3A_349 = memref.load %arg2[%get3A_348] : memref<16xi32, #tpu.memory_space<smem>>
    %get3A_350 = arith.index_cast %arg0 : i32 to index
    %get3A_351 = memref.load %arg3[%get3A_350] : memref<64xi32, #tpu.memory_space<smem>>
    %gt3A_352 = arith.cmpi sgt, %get3A_349, %get3A_351 : i32
    %and3A_353 = arith.andi %le3A_347, %gt3A_352 : i1
    %or3A_354 = arith.ori %or3A_342, %and3A_353 : i1
    %get3A_355 = arith.constant 13 : index
    %get3A_356 = memref.load %arg1[%get3A_355] : memref<16xi32, #tpu.memory_space<smem>>
    %get3A_357 = arith.index_cast %arg0 : i32 to index
    %get3A_358 = memref.load %arg4[%get3A_357] : memref<64xi32, #tpu.memory_space<smem>>
    %le3A_359 = arith.cmpi sle, %get3A_356, %get3A_358 : i32
    %get3A_360 = arith.constant 13 : index
    %get3A_361 = memref.load %arg2[%get3A_360] : memref<16xi32, #tpu.memory_space<smem>>
    %get3A_362 = arith.index_cast %arg0 : i32 to index
    %get3A_363 = memref.load %arg3[%get3A_362] : memref<64xi32, #tpu.memory_space<smem>>
    %gt3A_364 = arith.cmpi sgt, %get3A_361, %get3A_363 : i32
    %and3A_365 = arith.andi %le3A_359, %gt3A_364 : i1
    %or3A_366 = arith.ori %or3A_354, %and3A_365 : i1
    %get3A_367 = arith.constant 14 : index
    %get3A_368 = memref.load %arg1[%get3A_367] : memref<16xi32, #tpu.memory_space<smem>>
    %get3A_369 = arith.index_cast %arg0 : i32 to index
    %get3A_370 = memref.load %arg4[%get3A_369] : memref<64xi32, #tpu.memory_space<smem>>
    %le3A_371 = arith.cmpi sle, %get3A_368, %get3A_370 : i32
    %get3A_372 = arith.constant 14 : index
    %get3A_373 = memref.load %arg2[%get3A_372] : memref<16xi32, #tpu.memory_space<smem>>
    %get3A_374 = arith.index_cast %arg0 : i32 to index
    %get3A_375 = memref.load %arg3[%get3A_374] : memref<64xi32, #tpu.memory_space<smem>>
    %gt3A_376 = arith.cmpi sgt, %get3A_373, %get3A_375 : i32
    %and3A_377 = arith.andi %le3A_371, %gt3A_376 : i1
    %or3A_378 = arith.ori %or3A_366, %and3A_377 : i1
    %get3A_379 = arith.constant 15 : index
    %get3A_380 = memref.load %arg1[%get3A_379] : memref<16xi32, #tpu.memory_space<smem>>
    %get3A_381 = arith.index_cast %arg0 : i32 to index
    %get3A_382 = memref.load %arg4[%get3A_381] : memref<64xi32, #tpu.memory_space<smem>>
    %le3A_383 = arith.cmpi sle, %get3A_380, %get3A_382 : i32
    %get3A_384 = arith.constant 15 : index
    %get3A_385 = memref.load %arg2[%get3A_384] : memref<16xi32, #tpu.memory_space<smem>>
    %get3A_386 = arith.index_cast %arg0 : i32 to index
    %get3A_387 = memref.load %arg3[%get3A_386] : memref<64xi32, #tpu.memory_space<smem>>
    %gt3A_388 = arith.cmpi sgt, %get3A_385, %get3A_387 : i32
    %and3A_389 = arith.andi %le3A_383, %gt3A_388 : i1
    %or3A_390 = arith.ori %or3A_378, %and3A_389 : i1
    %convert_element_type3A_391 = arith.extui %or3A_390 : i1 to i32
    %cond3A_392 = arith.constant 0 : i32
    %cond3A_393 = arith.cmpi ne, %convert_element_type3A_391, %cond3A_392 : i32
    scf.if %cond3A_393 {
      %rem3A = arith.constant 4 : i32
      %rem3A_398 = arith.remsi %arg0, %rem3A : i32
      %mul3A = arith.constant 2048 : i32
      %mul3A_399 = arith.muli %arg0, %mul3A : i32
      %dma_wait3A = tpu.memref_slice %arg9[%rem3A_398] : memref<4x!tpu.dma_semaphore, #tpu.memory_space<semaphore_mem>> -> memref<1x!tpu.dma_semaphore, #tpu.memory_space<semaphore_mem>>
      %dma_wait3A_400 = tpu.memref_squeeze %dma_wait3A : memref<1x!tpu.dma_semaphore, #tpu.memory_space<semaphore_mem>> -> memref<!tpu.dma_semaphore, #tpu.memory_space<semaphore_mem>>
      %dma_wait3A_401 = arith.constant 0 : i32
      %dma_wait3A_402 = arith.constant 0 : i32
      %dma_wait3A_403 = tpu.memref_slice %arg8[%rem3A_398, %dma_wait3A_401, %dma_wait3A_402] : memref<4x2048x256xf32, #tpu.memory_space<vmem>> -> memref<1x2048x256xf32, #tpu.memory_space<vmem>>
      %dma_wait3A_404 = tpu.memref_squeeze %dma_wait3A_403 : memref<1x2048x256xf32, #tpu.memory_space<vmem>> -> memref<2048x256xf32, #tpu.memory_space<vmem>>
      %dma_wait3A_405 = arith.constant 0 : i32
      %dma_wait3A_406 = tpu.memref_slice %arg6[%mul3A_399, %dma_wait3A_405] : memref<131072x256xf32, #tpu.memory_space<hbm>> -> memref<2048x256xf32, #tpu.memory_space<hbm>>
      tpu.wait_dma2 semaphore(%dma_wait3A_400 : memref<!tpu.dma_semaphore, #tpu.memory_space<semaphore_mem>>) src(%dma_wait3A_406 : memref<2048x256xf32, #tpu.memory_space<hbm>>) dst(%dma_wait3A_404 : memref<2048x256xf32, #tpu.memory_space<vmem>>)
      %get3A_407 = arith.index_cast %rem3A_398 : i32 to index
      %get3A_408 = arith.constant 0 : index
      %get3A_409 = arith.constant 0 : index
      %get3A_410 = vector.load %arg8[%get3A_407, %get3A_408, %get3A_409] : memref<4x2048x256xf32, #tpu.memory_space<vmem>>, vector<1x2048x256xf32>
      %get3A_411 = vector.shape_cast %get3A_410 : vector<1x2048x256xf32> to vector<2048x256xf32>
      %get3A_412 = arith.constant 0 : index
      %get3A_413 = arith.constant 0 : index
      %get3A_414 = vector.load %arg5[%get3A_412, %get3A_413] : memref<2048x1xf32, #tpu.memory_space<vmem>>, vector<2048x1xf32>
      %mul3A_415 = vector.broadcast %get3A_414 : vector<2048x1xf32> to vector<2048x256xf32>
      %mul3A_416 = arith.mulf %get3A_411, %mul3A_415 : vector<2048x256xf32>
      %swap3A = arith.constant 0 : index
      %swap3A_417 = arith.constant 0 : index
      %swap3A_418 = vector.load %arg7[%swap3A, %swap3A_417] : memref<2048x256xf32, #tpu.memory_space<vmem>>, vector<2048x256xf32>
      tpu.vector_store %arg7[%swap3A, %swap3A_417], %mul3A_416 {strides = array<i32>} : memref<2048x256xf32, #tpu.memory_space<vmem>>, vector<2048x256xf32>,
    } else {
    }
    %not3A = arith.constant true
    %not3A_394 = arith.xori %or3A_390, %not3A : i1
    %convert_element_type3A_395 = arith.extui %not3A_394 : i1 to i32
    %cond3A_396 = arith.constant 0 : i32
    %cond3A_397 = arith.cmpi ne, %convert_element_type3A_395, %cond3A_396 : i32
    scf.if %cond3A_397 {
      %broadcast_in_dim3A = arith.constant 0.000000e+00 : f32
      %broadcast_in_dim3A_398 = vector.broadcast %broadcast_in_dim3A : f32 to vector<2048x256xf32>
      %swap3A = arith.constant 0 : index
      %swap3A_399 = arith.constant 0 : index
      %swap3A_400 = vector.load %arg7[%swap3A, %swap3A_399] : memref<2048x256xf32, #tpu.memory_space<vmem>>, vector<2048x256xf32>
      tpu.vector_store %arg7[%swap3A, %swap3A_399], %broadcast_in_dim3A_398 {strides = array<i32>} : memref<2048x256xf32, #tpu.memory_space<vmem>>, vector<2048x256xf32>,
    } else {
    }
    return
  }
  func.func @transform_0(%arg0: i32, %arg1: memref<16xi32, #tpu.memory_space<smem>>, %arg2: memref<16xi32, #tpu.memory_space<smem>>, %arg3: memref<64xi32, #tpu.memory_space<smem>>, %arg4: memref<64xi32, #tpu.memory_space<smem>>) -> (i32, i32) {
    %c0_i32 = arith.constant 0 : i32
    %c0_i32_0 = arith.constant 0 : i32
    return %arg0, %c0_i32 : i32, i32
  }
  func.func @transform_2(%arg0: i32, %arg1: memref<16xi32, #tpu.memory_space<smem>>, %arg2: memref<16xi32, #tpu.memory_space<smem>>, %arg3: memref<64xi32, #tpu.memory_space<smem>>, %arg4: memref<64xi32, #tpu.memory_space<smem>>) -> (i32, i32) {
    %c0_i32 = arith.constant 0 : i32
    %c0_i32_0 = arith.constant 0 : i32
    return %arg0, %c0_i32 : i32, i32
  }
}

</mosaic_0001>

<sc_bundles>
// kernel: kernel.5.cloned.1.call-start
scs
__scs_entry_jumppad:
0x0: {  	(pc) =	sbr.rel $0x88, $3  }
0x1: {  	(tag) =	ssettag $0x0;
	lr =	simm.s32 $0x1  }
0x2: {  	[smem:$0x3F9C] =	sst lr;
	_ =	strace $0xD0000000  }
0x3: {  	_ = 	snop  }
0x4: {  	_ = 	snop  }
0x5: {  	_ = 	snop  }
0x6: {  	_ = 	snop  }
0x7: {  	_ = 	snop  }
__scs_overlays_trampoline_lowered:
0x8: {  	[smem:$0x3FAB] =	sst s0  }
0x9: {  	[smem:$0x3FAC] =	sst s1  }
0xa: {  	[smem:$0x3FAD] =	sst s2  }
0xb: {  	[smem:$0x3FAE] =	sst s3  }
0xc: {  	[smem:$0x3FAF] =	sst s4  }
0xd: {  	[smem:$0x3FB0] =	sst s5  }
0xe: {  	[smem:$0x3FB1] =	sst s6  }
0xf: {  	[smem:$0x3FB2] =	sst s7  }
0x10: {  	[smem:$0x3FB3] =	sst s8  }
0x11: {  	[smem:$0x3FB4] =	sst s9;
	s0 =	simm.s32 @!p0 $0x0  }
0x12: {  	s1 =	sld [smem:$0x3F9A];
	s0 =	simm.s32 @p0 $0x1  }
0x13: {  	[smem:$0x3FB5] =	sst s0;
	s0 =	simm.s32 @!p1 $0x0  }
0x14: {  	s2 =	sld [smem:$0x3F99];
	s0 =	simm.s32 @p1 $0x1  }
0x15: {  	[smem:$0x3FB6] =	sst s0;
	s0 =	simm.s32 @!p2 $0x0  }
0x16: {  	s3 =	sld [smem:$0x3FDB];
	s0 =	simm.s32 @p2 $0x1  }
0x17: {  	s4 =	simm.s32 $0x1BF5;
	[smem:$0x3FB8] =	sst s0  }
0x18: {  	s0 =	sld [smem:$0x3F9B];
	_ =	swait.ge [sflag:s4], $0x0  }
0x19: {  	s7 =	sld [smem:$0x3F9C]  }
0x1a: {  	s8 =	sadd.s32 $0xFFFFE003, lr  }
0x1b: {  	s9 =	sadd.s32 $0xFFFFFEF7, lr;
	s5 =	simm.s32 $0xFFFFFFFF;
	p2 =	slt.u32 s8, $0xFFFFF086  }
0x1c: {  	p1 =	slt.u32 s9, $0xF7A;
	s5 =	simm.s32 @!p2 $0x0  }
0x1d: {  	s5 =	simm.s32 @p1 $0x1;
	p0 =	seq.s32 s7, s2  }
0x1e: {  	s7 =	smul.u32 @!p0 $0xF7A, s2;
	p2 =	seq.s32 @!p0 s5, $0x0  }
0x1f: {  	s9 =	smul.u32 $0xF7A, s1;
	s8 =	simm.s32 @!p0 $0x1BF5;
	p2 =	por !p2, p0  }
0x20: {  	[sflag:s8] =	ssyncset.s32 @!p0 $0xFFFFF086;
	s6 =	sadd.s32 @!p0 s3, s7;
	s7 =	simm.s32 @!p0 $0x108  }
0x21: {  	s3 =	sadd.s32 s3, s9;
	s6 =	sadd.s32 @!p0 $0x88, s6;
	s7 =	simm.s32 @p2 $0x1082  }
0x22: {  	[simem:s7], [sflag:s8] =	dma.local @!p0 [hbm:s6], $0xF7A  }
0x23: {  	s9 =	sor.u32 $0xD0000000, s2;
	s6 =	simm.s32 $0x108;
	_ =	swait.ge @!p0 [sflag:s8], $0x0  }
0x24: {  	s3 =	sadd.s32 $0x88, s3;
	s6 =	simm.s32 @!p1 $0x1082;
	[sflag:s4] =	ssyncset.s32 $0xFFFFF086  }
0x25: {  	[simem:s6], [sflag:s4] =	dma.local [hbm:s3], $0xF7A  }
0x26: {  	[smem:$0x3F9C] =	sst s1;
	(tag) =	ssettag s2;
	_ =	strace s9  }
0x27: {  	s1 =	sld [smem:$0x3FAC]  }
0x28: {  	s2 =	sld [smem:$0x3FAD]  }
0x29: {  	s4 =	sld [smem:$0x3FAF]  }
0x2a: {  	p0 =	seq.s32 s5, $0x0;
	s5 =	sld [smem:$0x3FB0]  }
0x2b: {  	s6 =	sld [smem:$0x3FB1]  }
0x2c: {  	s7 =	sld [smem:$0x3FB2]  }
0x2d: {  	s3 =	simm.s32 $0x108;
	s8 =	sld [smem:$0x3FB3]  }
0x2e: {  	s3 =	simm.s32 @!p0 $0x1082;
	s9 =	sld [smem:$0x3FB4]  }
0x2f: {  	lr =	sadd.s32 s0, s3;
	s0 =	sld [smem:$0x3FAB]  }
0x30: {  	s3 =	sld [smem:$0x3FAE]  }
0x31: {  	[smem:$0x3FB7] =	sst s10  }
0x32: {  	s10 =	sld [smem:$0x3FB5];
	_ =	sdelay $0x3  }
0x33: {  	p0 =	seq.s32 s10, $0x1;
	s10 =	sld [smem:$0x3FB7];
	_ =	sdelay $0x3  }
0x34: {  	[smem:$0x3FB7] =	sst s10  }
0x35: {  	s10 =	sld [smem:$0x3FB6];
	_ =	sdelay $0x3  }
0x36: {  	p1 =	seq.s32 s10, $0x1;
	s10 =	sld [smem:$0x3FB7];
	_ =	sdelay $0x3  }
0x37: {  	[smem:$0x3FB7] =	sst s10  }
0x38: {  	s10 =	sld [smem:$0x3FB8]  }
0x39: {  	_ = 	snop;
	(pc) =	sbr.ind lr, $3  }
0x3a: {  	_ = 	snop  }
0x3b: {  	_ = 	snop  }
0x3c: {  	p2 =	seq.s32 s10, $0x1;
	s10 =	sld [smem:$0x3FB7]  }
0x3d: {  	_ =	shalt  }
0x3e: {  	_ =	shalt  }
0x3f: {  	_ =	shalt  }
0x40: {  	_ =	shalt  }
0x41: {  	_ =	shalt  }
0x42: {  	_ =	shalt  }
0x43: {  	_ =	shalt  }
0x44: {  	_ =	shalt  }
0x45: {  	_ =	shalt  }
0x46: {  	_ =	shalt  }
0x47: {  	_ =	shalt  }
0x48: {  	_ =	shalt  }
0x49: {  	_ =	shalt  }
0x4a: {  	_ =	shalt  }
0x4b: {  	_ =	shalt  }
0x4c: {  	_ =	shalt  }
0x4d: {  	_ =	shalt  }
0x4e: {  	_ =	shalt  }
0x4f: {  	_ =	shalt  }
0x50: {  	_ =	shalt  }
0x51: {  	_ =	shalt  }
0x52: {  	_ =	shalt  }
0x53: {  	_ =	shalt  }
0x54: {  	_ =	shalt  }
0x55: {  	_ =	shalt  }
0x56: {  	_ =	shalt  }
0x57: {  	_ =	shalt  }
0x58: {  	_ =	shalt  }
0x59: {  	_ =	shalt  }
0x5a: {  	_ =	shalt  }
0x5b: {  	_ =	shalt  }
0x5c: {  	_ =	shalt  }
0x5d: {  	_ =	shalt  }
0x5e: {  	_ =	shalt  }
0x5f: {  	_ =	shalt  }
0x60: {  	_ =	shalt  }
0x61: {  	_ =	shalt  }
0x62: {  	_ =	shalt  }
0x63: {  	_ =	shalt  }
0x64: {  	_ =	shalt  }
0x65: {  	_ =	shalt  }
0x66: {  	_ =	shalt  }
0x67: {  	_ =	shalt  }
0x68: {  	_ =	shalt  }
0x69: {  	_ =	shalt  }
0x6a: {  	_ =	shalt  }
0x6b: {  	_ =	shalt  }
0x6c: {  	_ =	shalt  }
0x6d: {  	_ =	shalt  }
0x6e: {  	_ =	shalt  }
0x6f: {  	_ =	shalt  }
0x70: {  	_ =	shalt  }
0x71: {  	_ =	shalt  }
0x72: {  	_ =	shalt  }
0x73: {  	_ =	shalt  }
0x74: {  	_ =	shalt  }
0x75: {  	_ =	shalt  }
0x76: {  	_ =	shalt  }
0x77: {  	_ =	shalt  }
0x78: {  	_ =	shalt  }
0x79: {  	_ =	shalt  }
0x7a: {  	_ =	shalt  }
0x7b: {  	_ =	shalt  }
0x7c: {  	_ =	shalt  }
0x7d: {  	_ =	shalt  }
0x7e: {  	_ =	shalt  }
0x7f: {  	_ =	shalt  }
0x80: {  	_ =	shalt  }
0x81: {  	_ =	shalt  }
0x82: {  	_ =	shalt  }
0x83: {  	_ =	shalt  }
0x84: {  	_ =	shalt  }
0x85: {  	_ =	shalt  }
0x86: {  	_ =	shalt  }
0x87: {  	_ =	shalt  }
.Lfunc_end0:
.L_simem_size_0:
called_computation.1_lowered:
.L_overlay_start_0:
0x88: {  	s2 =	sld [smem:$0x3FD9]  }
0x89: {  	s3 =	sld [smem:$0x3FFE];
	_ =	sdelay $0x1  }
0x8a: {  	s1 =	srdreg.scid  }
0x8b: {  	s0 =	sand.u32 $0x1, s1  }
0x8c: {  	s14 =	sshll.u32 s0, $0xA;
	s2 =	sadd.s32 s3, s2  }
0x8d: {  	s2 =	sadd.s32 s2, s14  }
0x8e: {  	[smem:$0x3FC3] =	sst s2  }
0x8f: {  	_ = 	snop  }
0x90: {  	s2 =	sld [smem:$0x3FD0];
	_ =	sdelay $0x2  }
0x91: {  	s15 =	simm.s32 $0xA;
	s4 =	simm.s32 $0x10  }
0x92: {  	[smem:s4], [sflag:s15] =	dma.local [hbm:s2], $0x1  }
0x93: {  	_ =	swait.eq [sflag:s15], $0x1  }
0x94: {  	[sflag:s15] =	ssyncset.done $0x0  }
0x95: {  	[sflag:s15] =	ssyncadd.s32 $0xFFFFFFFF  }
0x96: {  	s16 =	sld [smem:$0x10];
	(tm) =	ssettm $0x1  }
0x97: {  	s17 =	sld [smem:$0x3FFB];
	_ =	sdelay $0x3  }
0x98: {  	_ =	strace s17  }
0x99: {  	s3 =	sld [smem:$0x3FFC];
	_ =	sdelay $0x3  }
0x9a: {  	_ =	strace s3  }
0x9b: {  	s3 =	sld [smem:$0x3FFD];
	_ =	sdelay $0x3  }
0x9c: {  	_ =	strace s3  }
0x9d: {  	_ =	strace $0x8FFFFFFF  }
0x9e: {  	s18 =	sld [smem:$0x3FDB];
	_ =	sdelay $0x1  }
0x9f: {  	s19 =	simm.s32 $_scs_section_size  }
0xa0: {  	s5 =	simm.s32 $_size__tile_overlayer_lowered;
	s6 =	simm.s32 $_tile_overlayer_lowered  }
0xa1: {  	s22 =	simm.s32 $0x1BFF;
	s21 =	sshll.u32 s6, $0x1;
	s3 =	sadd.s32 s19, s18  }
0xa2: {  	s7 =	simm.s32 $0x0;
	s20 =	sshll.u32 s5, $0x1;
	s5 =	sadd.s32 s21, s3  }
0xa3: {  	[timem:s7], [sflag:s22] =	dma.local [hbm:s5], s20  }
0xa4: {  	_ =	swait.ge [sflag:s22], s20  }
0xa5: {  	s4 =	ssub.s32 $0x0, s20;
	[sflag:s22] =	ssyncset.done $0x0  }
0xa6: {  	[sflag:s22] =	ssyncadd.s32 s4;
	_ =	sdelay $0x1  }
0xa7: {  	s23 =	simm.s32 $0x1B8B  }
0xa8: {  	_ =	swait.ge [sflag:s23], $0x1  }
0xa9: {  	[sflag:s23] =	ssyncset.done $0x0  }
0xaa: {  	s25 =	simm.s32 $0x1B8E;
	s24 =	sld [smem:$0x3FFE];
	[sflag:s23] =	ssyncadd.s32 $0xFFFFFFFF  }
0xab: {  	s26 =	simm.s32 $execute0_lowered;
	[smem:$0x3FD2] =	sst s25  }
0xac: {  	s5 =	sshll.u32 s26, $0x1;
	_ =	strace $0x80000049;
	[dreg:$0x1] =	wrdreg $0xFFFFFFFF  }
0xad: {  	s28 =	simm.s32 $_size_execute0_lowered;
	s3 =	sadd.s32 s3, s5;
	[dreg:$0x0] =	wrdreg $0x0  }
0xae: {  	s5 =	sshll.u32 s28, $0x1;
	[dreg:$0x2] =	wrdreg s3  }
0xaf: {  	[dreg:$0x3] =	wrdreg s5  }
0xb0: {  	[dreg:$0x4] =	wrdreg $0xC0  }
0xb1: {  	_ =	task [dreg:s7], $0x5FFFF  }
0xb2: {  	[dreg:$0x1] =	wrdreg $0xFFFFFFFF  }
0xb3: {  	[dreg:$0x0] =	wrdreg $0x60  }
0xb4: {  	[dreg:$0x2] =	wrdreg s16  }
0xb5: {  	[dreg:$0x3] =	wrdreg s24  }
0xb6: {  	[dreg:$0x4] =	wrdreg $0x9  }
0xb7: {  	_ =	task.clear_ibuf [dreg:s7], $0x5FFFF;
	_ =	strace $0x90000049  }
0xb8: {  	s29 =	simm.s32 $0x9;
	_ =	strace $0x8000004B  }
0xb9: {  	_ =	swait.ge [sflag:s29], $0x1  }
0xba: {  	[sflag:s29] =	ssyncadd.s32 $0xFFFFFFFF  }
0xbb: {  	_ =	strace $0x9000004B  }
0xbc: {  	_ =	sfence  }
0xbd: {  	s30 =	sld [smem:$0x0];
	_ =	sdelay $0x2  }
0xbe: {  	s31 =	sshll.u32 s1, $0xD;
	s1 =	sshrl.u32 s1, $0x2  }
0xbf: {  	s3 =	sand.u32 $0x4000, s31;
	s1 =	sadd.s32 s1, s30  }
0xc0: {  	s0 =	sor.u32 s3, s0;
	s1 =	sshll.u32 s1, $0x11  }
0xc1: {  	s0 =	sor.u32 s1, s0  }
0xc2: {  	s0 =	sadd.s32 $0x8F2B, s0  }
0xc3: {  	[sflag:s0] =	ssyncadd.remote.s32 $0x1  }
0xc4: {  	_ =	sfence.sel $0xFFFF  }
0xc5: {  	[dreg:$0x0] =	wrdreg $0xFFFFFFFF;
	(pc) =	sbr.abs _section_cstart, $3  }
0xc6: {  	[dreg:$0x1] =	wrdreg $0xFFFFFFFF  }
0xc7: {  	_ =	task.clear_ibuf [dreg:s7], $0x2FFFF;
	_ =	strace $0x9FFFFFFF  }
0xc8: {  	(tm) =	ssettm $0x7FFFFFFF  }
0xc9: {  	_ =	shalt  }
tec
execute0_lowered:
.L_overlay_start_1:
0x0: {  	(tag) =	ssettag $0x1  }
0x1: {  	s1 =	rddreg [dreg:$0x0]  }
0x2: {  	s6 =	rddreg [dreg:$0x1]  }
0x3: {  	s0 =	rddreg [dreg:$0x2]  }
0x4: {  	s2 =	simm.s32 $0x0;
	s4 =	srdreg.scid;
	s11 =	simm.s32 $0x8180  }
0x5: {  	v0 =	vimm.s32 $0x10;
	v1 =	vimm.s32 $0x11;
	s12 =	simm.s32 $0x8000;
	s13 =	simm.s32 $0x0;
	[smem:$0x7FF] =	sst s2  }
0x6: {  	v2 =	vimm.s32 $0x12;
	v3 =	vimm.s32 $0x13;
	v4 =	vimm.s32 $0x14;
	s3 =	sadd.s32 $0x600, s6;
	s7 =	sand.u32 $0x1, s4;
	s5 =	sadd.s32 $0x800, s6  }
0x7: {  	v5 =	vimm.s32 $0x15;
	v6 =	vimm.s32 $0x16;
	v7 =	vimm.s32 $0x17;
	s4 =	stileid.u32;
	s6 =	sadd.s32 $0xA00, s6;
	s8 =	ssub.s32 $0x2, s7  }
0x8: {  	v8 =	vimm.s32 $0x18;
	v9 =	vimm.s32 $0x19;
	v10 =	vimm.s32 $0x1A;
	s10 =	sshll.u32 s4, $0xB;
	s7 =	sshll.u32 s7, $0xA;
	s9 =	sshrl.u32 s8, $0x1  }
0x9: {  	v11 =	vimm.s32 $0x1B;
	v12 =	vimm.s32 $0x1C;
	v13 =	vimm.s32 $0x1D;
	_ =	strace $0x8000004A;
	s7 =	sor.u32 s7, s10;
	s8 =	ssub.s32 s8, s9  }
0xa: {  	v14 =	vimm.s32 $0x1E;
	v15 =	vimm.s32 $0x1F;
	v16 =	vlaneseq.u32;
	s10 =	simm.s32 $0x1;
	s9 =	simm.s32 $0x8100;
	s8 =	smax.u32 s8, $0x1  }
.LBB2_1:
0xb: {  	[tilespmem:s9], [sflag:$0x1] =	stream.linear.gather [hbm4b:s3+s2], $0x80, $0x38;
	[tilespmem:$0x8200] =	vst v63  }
0xc: {  	_ =	swait.ge [sflag:s10], $0x80  }
0xd: {  	[sflag:s10] =	ssyncset.done $0x0  }
0xe: {  	[sflag:s10] =	ssyncadd.s32 $0xFFFFFF80  }
0xf: {  	[tilespmem:s11], [sflag:$0x1] =	stream.linear.gather [hbm4b:s5+s2], $0x80, $0x38;
	[tilespmem:$0x8200] =	vst v63  }
0x10: {  	_ =	swait.ge [sflag:s10], $0x80  }
0x11: {  	[sflag:s10] =	ssyncset.done $0x0  }
0x12: {  	[sflag:s10] =	ssyncadd.s32 $0xFFFFFF80  }
0x13: {  	v17 =	vld.idx.msk [tilespmem:v0+s9+$0x0], $0xffff  }
0x14: {  	v18 =	vld.idx.msk [tilespmem:v1+s9+$0x0], $0xffff  }
0x15: {  	v19 =	vld.idx.msk [tilespmem:v2+s9+$0x0], $0xffff  }
0x16: {  	v20 =	vld.idx.msk [tilespmem:v3+s9+$0x0], $0xffff  }
0x17: {  	v21 =	vld.idx.msk [tilespmem:v4+s9+$0x0], $0xffff  }
0x18: {  	v22 =	vld.idx.msk [tilespmem:v5+s9+$0x0], $0xffff  }
0x19: {  	v23 =	vld.idx.msk [tilespmem:v6+s9+$0x0], $0xffff  }
0x1a: {  	v24 =	vld.idx.msk [tilespmem:v7+s9+$0x0], $0xffff  }
0x1b: {  	v25 =	vld.idx.msk [tilespmem:v8+s9+$0x0], $0xffff  }
0x1c: {  	v26 =	vld.idx.msk [tilespmem:v9+s9+$0x0], $0xffff  }
0x1d: {  	v27 =	vld.idx.msk [tilespmem:v10+s9+$0x0], $0xffff  }
0x1e: {  	v28 =	vld.idx.msk [tilespmem:v11+s9+$0x0], $0xffff  }
0x1f: {  	v29 =	vld.idx.msk [tilespmem:v12+s9+$0x0], $0xffff  }
0x20: {  	v30 =	vld.idx.msk [tilespmem:v13+s9+$0x0], $0xffff  }
0x21: {  	v31 =	vld.idx.msk [tilespmem:v14+s9+$0x0], $0xffff  }
0x22: {  	v32 =	vld.idx.msk [tilespmem:v15+s9+$0x0], $0xffff  }
0x23: {  	v33 =	vld.idx.msk [tilespmem:v0+s11+$0x0], $0xffff  }
0x24: {  	v34 =	vld.idx.msk [tilespmem:v1+s11+$0x0], $0xffff  }
0x25: {  	v35 =	vld.idx.msk [tilespmem:v2+s11+$0x0], $0xffff  }
0x26: {  	v36 =	vld.idx.msk [tilespmem:v3+s11+$0x0], $0xffff  }
0x27: {  	v37 =	vld.idx.msk [tilespmem:v4+s11+$0x0], $0xffff  }
0x28: {  	v38 =	vld.idx.msk [tilespmem:v5+s11+$0x0], $0xffff  }
0x29: {  	v39 =	vld.idx.msk [tilespmem:v6+s11+$0x0], $0xffff  }
0x2a: {  	v40 =	vld.idx.msk [tilespmem:v7+s11+$0x0], $0xffff  }
0x2b: {  	v41 =	vld.idx.msk [tilespmem:v8+s11+$0x0], $0xffff  }
0x2c: {  	v42 =	vld.idx.msk [tilespmem:v9+s11+$0x0], $0xffff  }
0x2d: {  	v43 =	vld.idx.msk [tilespmem:v10+s11+$0x0], $0xffff  }
0x2e: {  	v44 =	vld.idx.msk [tilespmem:v11+s11+$0x0], $0xffff  }
0x2f: {  	v45 =	vld.idx.msk [tilespmem:v12+s11+$0x0], $0xffff  }
0x30: {  	v46 =	vld.idx.msk [tilespmem:v13+s11+$0x0], $0xffff  }
0x31: {  	v47 =	vld.idx.msk [tilespmem:v14+s11+$0x0], $0xffff  }
0x32: {  	s14 =	simm.s32 $0x0;
	v48 =	vld.idx.msk [tilespmem:v15+s11+$0x0], $0xffff  }
.LBB2_2:
0x33: {  	s15 =	sshll.u32 s14, $0x7  }
0x34: {  	s16 =	sadd.s32 s7, s15  }
0x35: {  	s15 =	sshll.u32 s16, $0x5  }
0x36: {  	s17 =	simm.s32 $0x0;
	s18 =	sadd.s32 s1, s15  }
0x37: {  	[tilespmem:s17], [sflag:$0x1] =	stream.linear.gather [hbm4b:s18+s17], $0x8000, $0x38;
	[tilespmem:$0x8200] =	vst v63  }
0x38: {  	_ =	swait.ge [sflag:s10], $0x8000  }
0x39: {  	[sflag:s10] =	ssyncset.done $0x0  }
0x3a: {  	[sflag:s10] =	ssyncadd.s32 $0xFFFF8000  }
.LBB2_3:
0x3b: {  	s18 =	sshll.u32 s17, $0x4  }
0x3c: {  	s19 =	sor.u32 s16, s18  }
0x3d: {  	v49 =	vor.u32 s19, v16  }
0x3e: {  	v50 =	vsub.s32 v49, v17;
	v51 =	vsub.s32 v49, v33  }
0x3f: {  	v52 =	vsub.s32 v49, v18;
	v50 =	vshra.s32 v50, $0x1F;
	v51 =	vshrl.u32 v51, $0x1F  }
0x40: {  	v59 =	vsub.s32 v49, v34;
	v58 =	vshra.s32 v52, $0x1F;
	v50 =	vadd.s32 v50, v51  }
0x41: {  	v61 =	vsub.s32 v49, v19;
	v60 =	vshrl.u32 v59, $0x1F;
	v50 =	vadd.s32 v58, v50  }
0x42: {  	v63 =	vsub.s32 v49, v35;
	v62 =	vshra.s32 v61, $0x1F;
	v50 =	vadd.s32 v60, v50  }
0x43: {  	v57 =	vsub.s32 v49, v20;
	v56 =	vshrl.u32 v63, $0x1F;
	v50 =	vadd.s32 v62, v50  }
0x44: {  	v59 =	vsub.s32 v49, v36;
	v58 =	vshra.s32 v57, $0x1F;
	v50 =	vadd.s32 v56, v50  }
0x45: {  	v61 =	vsub.s32 v49, v21;
	v60 =	vshrl.u32 v59, $0x1F;
	v50 =	vadd.s32 v58, v50  }
0x46: {  	v63 =	vsub.s32 v49, v37;
	v62 =	vshra.s32 v61, $0x1F;
	v50 =	vadd.s32 v60, v50  }
0x47: {  	v57 =	vsub.s32 v49, v22;
	v56 =	vshrl.u32 v63, $0x1F;
	v50 =	vadd.s32 v62, v50  }
0x48: {  	v59 =	vsub.s32 v49, v38;
	v58 =	vshra.s32 v57, $0x1F;
	v50 =	vadd.s32 v56, v50  }
0x49: {  	v61 =	vsub.s32 v49, v23;
	v60 =	vshrl.u32 v59, $0x1F;
	v50 =	vadd.s32 v58, v50  }
0x4a: {  	v63 =	vsub.s32 v49, v39;
	v62 =	vshra.s32 v61, $0x1F;
	v50 =	vadd.s32 v60, v50  }
0x4b: {  	v57 =	vsub.s32 v49, v24;
	v56 =	vshrl.u32 v63, $0x1F;
	v50 =	vadd.s32 v62, v50  }
0x4c: {  	v59 =	vsub.s32 v49, v40;
	v58 =	vshra.s32 v57, $0x1F;
	v50 =	vadd.s32 v56, v50  }
0x4d: {  	v61 =	vsub.s32 v49, v25;
	v60 =	vshrl.u32 v59, $0x1F;
	v50 =	vadd.s32 v58, v50  }
0x4e: {  	v63 =	vsub.s32 v49, v41;
	v62 =	vshra.s32 v61, $0x1F;
	v50 =	vadd.s32 v60, v50  }
0x4f: {  	v57 =	vsub.s32 v49, v26;
	v56 =	vshrl.u32 v63, $0x1F;
	v50 =	vadd.s32 v62, v50  }
0x50: {  	v59 =	vsub.s32 v49, v42;
	v58 =	vshra.s32 v57, $0x1F;
	v50 =	vadd.s32 v56, v50  }
0x51: {  	v61 =	vsub.s32 v49, v27;
	v60 =	vshrl.u32 v59, $0x1F;
	v50 =	vadd.s32 v58, v50  }
0x52: {  	v63 =	vsub.s32 v49, v43;
	v62 =	vshra.s32 v61, $0x1F;
	v50 =	vadd.s32 v60, v50  }
0x53: {  	v57 =	vsub.s32 v49, v28;
	v56 =	vshrl.u32 v63, $0x1F;
	v50 =	vadd.s32 v62, v50  }
0x54: {  	v59 =	vsub.s32 v49, v44;
	v58 =	vshra.s32 v57, $0x1F;
	v50 =	vadd.s32 v56, v50  }
0x55: {  	v61 =	vsub.s32 v49, v29;
	v60 =	vshrl.u32 v59, $0x1F;
	v50 =	vadd.s32 v58, v50  }
0x56: {  	v63 =	vsub.s32 v49, v45;
	v62 =	vshra.s32 v61, $0x1F;
	v50 =	vadd.s32 v60, v50  }
0x57: {  	v57 =	vsub.s32 v49, v30;
	v56 =	vshrl.u32 v63, $0x1F;
	v50 =	vadd.s32 v62, v50  }
0x58: {  	v59 =	vsub.s32 v49, v46;
	v58 =	vshra.s32 v57, $0x1F;
	v50 =	vadd.s32 v56, v50  }
0x59: {  	v61 =	vsub.s32 v49, v31;
	v60 =	vshrl.u32 v59, $0x1F;
	v50 =	vadd.s32 v58, v50  }
0x5a: {  	v63 =	vsub.s32 v49, v47;
	v62 =	vshra.s32 v61, $0x1F;
	v50 =	vadd.s32 v60, v50  }
0x5b: {  	v57 =	vsub.s32 v49, v32;
	v56 =	vshrl.u32 v63, $0x1F;
	v50 =	vadd.s32 v62, v50  }
0x5c: {  	s26 =	sadd.s32 $0x10, s18;
	v49 =	vsub.s32 v49, v48;
	v58 =	vshra.s32 v57, $0x1F;
	v50 =	vadd.s32 v56, v50  }
0x5d: {  	v49 =	vshrl.u32 v49, $0x1F;
	v59 =	vmov s26;
	v50 =	vadd.s32 v58, v50  }
0x5e: {  	v60 =	vbroadcast v59, $0x0;
	v49 =	vadd.s32 v49, v50  }
0x5f: {  	vm0 =	vlt.s32 v49, $0x1  }
0x60: {  	v49 =	vnsel vm0, $0x1, v49  }
0x61: {  	v49 =	vcvt.s32.f32 v49;
	_ =	sdelay $0x1  }
0x62: {  	s28 =	sshll.u32 s17, $0xC;
	[tilespmem:s18+$0x8010] =	vst v49  }
0x63: {  	s19 =	sand.u32 $0x3FFFF000, s28;
	v49 =	vld.idx.msk [tilespmem:v60+s12+$0x0], $0xffff  }
0x64: {  	v61 =	vld [tilespmem:s19+$0x0]  }
0x65: {  	v62 =	vld [tilespmem:s19+$0x10]  }
0x66: {  	v63 =	vld [tilespmem:s19+$0x20]  }
0x67: {  	v53 =	vld [tilespmem:s19+$0x30]  }
0x68: {  	v54 =	vld [tilespmem:s19+$0x40]  }
0x69: {  	v55 =	vld [tilespmem:s19+$0x50];
	v50 =	vmul.f32 v61, v49  }
0x6a: {  	v56 =	vld [tilespmem:s19+$0x60];
	v51 =	vmul.f32 v62, v49  }
0x6b: {  	v52 =	vld [tilespmem:s19+$0x70];
	v58 =	vmul.f32 v63, v49;
	[tilespmem:s19+$0x0] =	vst v50  }
0x6c: {  	v59 =	vmul.f32 v53, v49;
	v53 =	vld [tilespmem:s19+$0x80];
	[tilespmem:s19+$0x10] =	vst v51  }
0x6d: {  	v60 =	vmul.f32 v54, v49;
	v54 =	vld [tilespmem:s19+$0x90];
	[tilespmem:s19+$0x20] =	vst v58  }
0x6e: {  	v61 =	vmul.f32 v55, v49;
	v55 =	vld [tilespmem:s19+$0xA0];
	[tilespmem:s19+$0x30] =	vst v59  }
0x6f: {  	v62 =	vmul.f32 v56, v49;
	v63 =	vld [tilespmem:s19+$0xB0];
	[tilespmem:s19+$0x40] =	vst v60  }
0x70: {  	v57 =	vmul.f32 v52, v49;
	[tilespmem:s19+$0x50] =	vst v61;
	v58 =	vld [tilespmem:s19+$0xC0]  }
0x71: {  	[tilespmem:s19+$0x60] =	vst v62;
	v60 =	vld [tilespmem:s19+$0xD0];
	v59 =	vmul.f32 v53, v49  }
0x72: {  	[tilespmem:s19+$0x70] =	vst v57;
	v61 =	vmul.f32 v54, v49  }
0x73: {  	v62 =	vmul.f32 v55, v49;
	[tilespmem:s19+$0x80] =	vst v59  }
0x74: {  	v63 =	vmul.f32 v63, v49;
	[tilespmem:s19+$0x90] =	vst v61  }
0x75: {  	[tilespmem:s19+$0xA0] =	vst v62;
	v54 =	vmul.f32 v58, v49  }
0x76: {  	[tilespmem:s19+$0xB0] =	vst v63;
	v55 =	vmul.f32 v60, v49  }
0x77: {  	[tilespmem:s19+$0xC0] =	vst v54  }
0x78: {  	[tilespmem:s19+$0xD0] =	vst v55  }
0x79: {  	v56 =	vld [tilespmem:s19+$0xE0]  }
0x7a: {  	s20 =	sadd.s32 $0x11, s18;
	v51 =	vld [tilespmem:s19+$0xF0]  }
0x7b: {  	v57 =	vmov s20  }
0x7c: {  	v52 =	vbroadcast v57, $0x0;
	_ =	sdelay $0x1  }
0x7d: {  	v50 =	vmul.f32 v56, v49  }
0x7e: {  	v49 =	vmul.f32 v51, v49  }
0x7f: {  	[tilespmem:s19+$0xE0] =	vst v50  }
0x80: {  	v58 =	vld [tilespmem:s19+$0x100];
	[tilespmem:s19+$0xF0] =	vst v49  }
0x81: {  	v49 =	vld.idx.msk [tilespmem:v52+s12+$0x0], $0xffff  }
0x82: {  	v59 =	vld [tilespmem:s19+$0x110]  }
0x83: {  	v52 =	vld [tilespmem:s19+$0x120]  }
0x84: {  	v60 =	vld [tilespmem:s19+$0x130]  }
0x85: {  	v61 =	vld [tilespmem:s19+$0x140]  }
0x86: {  	v62 =	vld [tilespmem:s19+$0x150];
	v50 =	vmul.f32 v58, v49  }
0x87: {  	v63 =	vld [tilespmem:s19+$0x160];
	v51 =	vmul.f32 v59, v49  }
0x88: {  	v53 =	vld [tilespmem:s19+$0x180];
	v59 =	vmul.f32 v52, v49;
	[tilespmem:s19+$0x100] =	vst v50  }
0x89: {  	v54 =	vld [tilespmem:s19+$0x190];
	v60 =	vmul.f32 v60, v49;
	[tilespmem:s19+$0x110] =	vst v51  }
0x8a: {  	v52 =	vld [tilespmem:s19+$0x170];
	v61 =	vmul.f32 v61, v49;
	[tilespmem:s19+$0x120] =	vst v59  }
0x8b: {  	v55 =	vld [tilespmem:s19+$0x1A0];
	v62 =	vmul.f32 v62, v49;
	[tilespmem:s19+$0x130] =	vst v60  }
0x8c: {  	v56 =	vld [tilespmem:s19+$0x1B0];
	v63 =	vmul.f32 v63, v49;
	[tilespmem:s19+$0x140] =	vst v61  }
0x8d: {  	[tilespmem:s19+$0x150] =	vst v62;
	v61 =	vmul.f32 v53, v49;
	v53 =	vld [tilespmem:s19+$0x1D0]  }
0x8e: {  	[tilespmem:s19+$0x160] =	vst v63;
	v62 =	vmul.f32 v54, v49;
	v54 =	vld [tilespmem:s19+$0x1E0]  }
0x8f: {  	[tilespmem:s19+$0x180] =	vst v61;
	v60 =	vmul.f32 v52, v49;
	v52 =	vld [tilespmem:s19+$0x1C0]  }
0x90: {  	s29 =	sadd.s32 $0x12, s18;
	v63 =	vmul.f32 v55, v49;
	v55 =	vld [tilespmem:s19+$0x1F0];
	[tilespmem:s19+$0x190] =	vst v62  }
0x91: {  	v61 =	vmov s29;
	[tilespmem:s19+$0x170] =	vst v60;
	v60 =	vmul.f32 v56, v49  }
0x92: {  	[tilespmem:s19+$0x1A0] =	vst v63;
	v63 =	vbroadcast v61, $0x0;
	v56 =	vmul.f32 v53, v49  }
0x93: {  	v57 =	vmul.f32 v54, v49;
	[tilespmem:s19+$0x1B0] =	vst v60  }
0x94: {  	[tilespmem:s19+$0x1D0] =	vst v56;
	v62 =	vmul.f32 v52, v49  }
0x95: {  	[tilespmem:s19+$0x1E0] =	vst v57;
	v49 =	vmul.f32 v55, v49  }
0x96: {  	[tilespmem:s19+$0x1C0] =	vst v62  }
0x97: {  	v58 =	vld [tilespmem:s19+$0x200];
	[tilespmem:s19+$0x1F0] =	vst v49  }
0x98: {  	v49 =	vld.idx.msk [tilespmem:v63+s12+$0x0], $0xffff  }
0x99: {  	v59 =	vld [tilespmem:s19+$0x210]  }
0x9a: {  	v52 =	vld [tilespmem:s19+$0x220]  }
0x9b: {  	v60 =	vld [tilespmem:s19+$0x230]  }
0x9c: {  	v61 =	vld [tilespmem:s19+$0x240]  }
0x9d: {  	v62 =	vld [tilespmem:s19+$0x250];
	v50 =	vmul.f32 v58, v49  }
0x9e: {  	v63 =	vld [tilespmem:s19+$0x260];
	v51 =	vmul.f32 v59, v49  }
0x9f: {  	v53 =	vld [tilespmem:s19+$0x280];
	v59 =	vmul.f32 v52, v49;
	[tilespmem:s19+$0x200] =	vst v50  }
0xa0: {  	v54 =	vld [tilespmem:s19+$0x290];
	v60 =	vmul.f32 v60, v49;
	[tilespmem:s19+$0x210] =	vst v51  }
0xa1: {  	v52 =	vld [tilespmem:s19+$0x270];
	v61 =	vmul.f32 v61, v49;
	[tilespmem:s19+$0x220] =	vst v59  }
0xa2: {  	v55 =	vld [tilespmem:s19+$0x2A0];
	v62 =	vmul.f32 v62, v49;
	[tilespmem:s19+$0x230] =	vst v60  }
0xa3: {  	v56 =	vld [tilespmem:s19+$0x2B0];
	v63 =	vmul.f32 v63, v49;
	[tilespmem:s19+$0x240] =	vst v61  }
0xa4: {  	[tilespmem:s19+$0x250] =	vst v62;
	v61 =	vmul.f32 v53, v49;
	v53 =	vld [tilespmem:s19+$0x2D0]  }
0xa5: {  	[tilespmem:s19+$0x260] =	vst v63;
	v62 =	vmul.f32 v54, v49;
	v54 =	vld [tilespmem:s19+$0x2E0]  }
0xa6: {  	[tilespmem:s19+$0x280] =	vst v61;
	v60 =	vmul.f32 v52, v49;
	v52 =	vld [tilespmem:s19+$0x2C0]  }
0xa7: {  	s30 =	sadd.s32 $0x13, s18;
	v63 =	vmul.f32 v55, v49;
	v55 =	vld [tilespmem:s19+$0x2F0];
	[tilespmem:s19+$0x290] =	vst v62  }
0xa8: {  	v61 =	vmov s30;
	[tilespmem:s19+$0x270] =	vst v60;
	v60 =	vmul.f32 v56, v49  }
0xa9: {  	[tilespmem:s19+$0x2A0] =	vst v63;
	v63 =	vbroadcast v61, $0x0;
	v56 =	vmul.f32 v53, v49  }
0xaa: {  	v57 =	vmul.f32 v54, v49;
	[tilespmem:s19+$0x2B0] =	vst v60  }
0xab: {  	[tilespmem:s19+$0x2D0] =	vst v56;
	v62 =	vmul.f32 v52, v49  }
0xac: {  	[tilespmem:s19+$0x2E0] =	vst v57;
	v49 =	vmul.f32 v55, v49  }
0xad: {  	[tilespmem:s19+$0x2C0] =	vst v62  }
0xae: {  	v58 =	vld [tilespmem:s19+$0x300];
	[tilespmem:s19+$0x2F0] =	vst v49  }
0xaf: {  	v49 =	vld.idx.msk [tilespmem:v63+s12+$0x0], $0xffff  }
0xb0: {  	v59 =	vld [tilespmem:s19+$0x310]  }
0xb1: {  	v52 =	vld [tilespmem:s19+$0x320]  }
0xb2: {  	v60 =	vld [tilespmem:s19+$0x330]  }
0xb3: {  	v61 =	vld [tilespmem:s19+$0x340]  }
0xb4: {  	v62 =	vld [tilespmem:s19+$0x350];
	v50 =	vmul.f32 v58, v49  }
0xb5: {  	v63 =	vld [tilespmem:s19+$0x360];
	v51 =	vmul.f32 v59, v49  }
0xb6: {  	v53 =	vld [tilespmem:s19+$0x380];
	v59 =	vmul.f32 v52, v49;
	[tilespmem:s19+$0x300] =	vst v50  }
0xb7: {  	v54 =	vld [tilespmem:s19+$0x390];
	v60 =	vmul.f32 v60, v49;
	[tilespmem:s19+$0x310] =	vst v51  }
0xb8: {  	v52 =	vld [tilespmem:s19+$0x370];
	v61 =	vmul.f32 v61, v49;
	[tilespmem:s19+$0x320] =	vst v59  }
0xb9: {  	v55 =	vld [tilespmem:s19+$0x3A0];
	v62 =	vmul.f32 v62, v49;
	[tilespmem:s19+$0x330] =	vst v60  }
0xba: {  	v56 =	vld [tilespmem:s19+$0x3B0];
	v63 =	vmul.f32 v63, v49;
	[tilespmem:s19+$0x340] =	vst v61  }
0xbb: {  	[tilespmem:s19+$0x350] =	vst v62;
	v61 =	vmul.f32 v53, v49;
	v53 =	vld [tilespmem:s19+$0x3D0]  }
0xbc: {  	[tilespmem:s19+$0x360] =	vst v63;
	v62 =	vmul.f32 v54, v49;
	v54 =	vld [tilespmem:s19+$0x3E0]  }
0xbd: {  	[tilespmem:s19+$0x380] =	vst v61;
	v60 =	vmul.f32 v52, v49;
	v52 =	vld [tilespmem:s19+$0x3C0]  }
0xbe: {  	s31 =	sadd.s32 $0x14, s18;
	v63 =	vmul.f32 v55, v49;
	v55 =	vld [tilespmem:s19+$0x3F0];
	[tilespmem:s19+$0x390] =	vst v62  }
0xbf: {  	v61 =	vmov s31;
	[tilespmem:s19+$0x370] =	vst v60;
	v60 =	vmul.f32 v56, v49  }
0xc0: {  	[tilespmem:s19+$0x3A0] =	vst v63;
	v63 =	vbroadcast v61, $0x0;
	v56 =	vmul.f32 v53, v49  }
0xc1: {  	v57 =	vmul.f32 v54, v49;
	[tilespmem:s19+$0x3B0] =	vst v60  }
0xc2: {  	[tilespmem:s19+$0x3D0] =	vst v56;
	v62 =	vmul.f32 v52, v49  }
0xc3: {  	[tilespmem:s19+$0x3E0] =	vst v57;
	v49 =	vmul.f32 v55, v49  }
0xc4: {  	[tilespmem:s19+$0x3C0] =	vst v62  }
0xc5: {  	v58 =	vld [tilespmem:s19+$0x400];
	[tilespmem:s19+$0x3F0] =	vst v49  }
0xc6: {  	v49 =	vld.idx.msk [tilespmem:v63+s12+$0x0], $0xffff  }
0xc7: {  	v59 =	vld [tilespmem:s19+$0x410]  }
0xc8: {  	v52 =	vld [tilespmem:s19+$0x420]  }
0xc9: {  	v60 =	vld [tilespmem:s19+$0x430]  }
0xca: {  	v61 =	vld [tilespmem:s19+$0x440]  }
0xcb: {  	v62 =	vld [tilespmem:s19+$0x450];
	v50 =	vmul.f32 v58, v49  }
0xcc: {  	v63 =	vld [tilespmem:s19+$0x460];
	v51 =	vmul.f32 v59, v49  }
0xcd: {  	v53 =	vld [tilespmem:s19+$0x480];
	v59 =	vmul.f32 v52, v49;
	[tilespmem:s19+$0x400] =	vst v50  }
0xce: {  	v54 =	vld [tilespmem:s19+$0x490];
	v60 =	vmul.f32 v60, v49;
	[tilespmem:s19+$0x410] =	vst v51  }
0xcf: {  	v52 =	vld [tilespmem:s19+$0x470];
	v61 =	vmul.f32 v61, v49;
	[tilespmem:s19+$0x420] =	vst v59  }
0xd0: {  	v55 =	vld [tilespmem:s19+$0x4A0];
	v62 =	vmul.f32 v62, v49;
	[tilespmem:s19+$0x430] =	vst v60  }
0xd1: {  	v56 =	vld [tilespmem:s19+$0x4B0];
	v63 =	vmul.f32 v63, v49;
	[tilespmem:s19+$0x440] =	vst v61  }
0xd2: {  	[tilespmem:s19+$0x450] =	vst v62;
	v61 =	vmul.f32 v53, v49;
	v53 =	vld [tilespmem:s19+$0x4D0]  }
0xd3: {  	[tilespmem:s19+$0x460] =	vst v63;
	v62 =	vmul.f32 v54, v49;
	v54 =	vld [tilespmem:s19+$0x4E0]  }
0xd4: {  	[tilespmem:s19+$0x480] =	vst v61;
	v60 =	vmul.f32 v52, v49;
	v52 =	vld [tilespmem:s19+$0x4C0]  }
0xd5: {  	s21 =	sadd.s32 $0x15, s18;
	v63 =	vmul.f32 v55, v49;
	v55 =	vld [tilespmem:s19+$0x4F0];
	[tilespmem:s19+$0x490] =	vst v62  }
0xd6: {  	v61 =	vmov s21;
	[tilespmem:s19+$0x470] =	vst v60;
	v60 =	vmul.f32 v56, v49  }
0xd7: {  	[tilespmem:s19+$0x4A0] =	vst v63;
	v63 =	vbroadcast v61, $0x0;
	v56 =	vmul.f32 v53, v49  }
0xd8: {  	v57 =	vmul.f32 v54, v49;
	[tilespmem:s19+$0x4B0] =	vst v60  }
0xd9: {  	[tilespmem:s19+$0x4D0] =	vst v56;
	v62 =	vmul.f32 v52, v49  }
0xda: {  	[tilespmem:s19+$0x4E0] =	vst v57;
	v49 =	vmul.f32 v55, v49  }
0xdb: {  	[tilespmem:s19+$0x4C0] =	vst v62  }
0xdc: {  	v58 =	vld [tilespmem:s19+$0x500];
	[tilespmem:s19+$0x4F0] =	vst v49  }
0xdd: {  	v49 =	vld.idx.msk [tilespmem:v63+s12+$0x0], $0xffff  }
0xde: {  	v59 =	vld [tilespmem:s19+$0x510]  }
0xdf: {  	v52 =	vld [tilespmem:s19+$0x520]  }
0xe0: {  	v60 =	vld [tilespmem:s19+$0x530]  }
0xe1: {  	v61 =	vld [tilespmem:s19+$0x540]  }
0xe2: {  	v62 =	vld [tilespmem:s19+$0x550];
	v50 =	vmul.f32 v58, v49  }
0xe3: {  	v63 =	vld [tilespmem:s19+$0x560];
	v51 =	vmul.f32 v59, v49  }
0xe4: {  	v53 =	vld [tilespmem:s19+$0x580];
	v59 =	vmul.f32 v52, v49;
	[tilespmem:s19+$0x500] =	vst v50  }
0xe5: {  	v54 =	vld [tilespmem:s19+$0x590];
	v60 =	vmul.f32 v60, v49;
	[tilespmem:s19+$0x510] =	vst v51  }
0xe6: {  	v52 =	vld [tilespmem:s19+$0x570];
	v61 =	vmul.f32 v61, v49;
	[tilespmem:s19+$0x520] =	vst v59  }
0xe7: {  	v55 =	vld [tilespmem:s19+$0x5A0];
	v62 =	vmul.f32 v62, v49;
	[tilespmem:s19+$0x530] =	vst v60  }
0xe8: {  	v56 =	vld [tilespmem:s19+$0x5B0];
	v63 =	vmul.f32 v63, v49;
	[tilespmem:s19+$0x540] =	vst v61  }
0xe9: {  	[tilespmem:s19+$0x550] =	vst v62;
	v61 =	vmul.f32 v53, v49;
	v53 =	vld [tilespmem:s19+$0x5D0]  }
0xea: {  	[tilespmem:s19+$0x560] =	vst v63;
	v62 =	vmul.f32 v54, v49;
	v54 =	vld [tilespmem:s19+$0x5E0]  }
0xeb: {  	[tilespmem:s19+$0x580] =	vst v61;
	v60 =	vmul.f32 v52, v49;
	v52 =	vld [tilespmem:s19+$0x5C0]  }
0xec: {  	s22 =	sadd.s32 $0x16, s18;
	v63 =	vmul.f32 v55, v49;
	v55 =	vld [tilespmem:s19+$0x5F0];
	[tilespmem:s19+$0x590] =	vst v62  }
0xed: {  	v61 =	vmov s22;
	[tilespmem:s19+$0x570] =	vst v60;
	v60 =	vmul.f32 v56, v49  }
0xee: {  	[tilespmem:s19+$0x5A0] =	vst v63;
	v63 =	vbroadcast v61, $0x0;
	v56 =	vmul.f32 v53, v49  }
0xef: {  	v57 =	vmul.f32 v54, v49;
	[tilespmem:s19+$0x5B0] =	vst v60  }
0xf0: {  	[tilespmem:s19+$0x5D0] =	vst v56;
	v62 =	vmul.f32 v52, v49  }
0xf1: {  	[tilespmem:s19+$0x5E0] =	vst v57;
	v49 =	vmul.f32 v55, v49  }
0xf2: {  	[tilespmem:s19+$0x5C0] =	vst v62  }
0xf3: {  	v58 =	vld [tilespmem:s19+$0x600];
	[tilespmem:s19+$0x5F0] =	vst v49  }
0xf4: {  	v49 =	vld.idx.msk [tilespmem:v63+s12+$0x0], $0xffff  }
0xf5: {  	v59 =	vld [tilespmem:s19+$0x610]  }
0xf6: {  	v52 =	vld [tilespmem:s19+$0x620]  }
0xf7: {  	v60 =	vld [tilespmem:s19+$0x630]  }
0xf8: {  	v61 =	vld [tilespmem:s19+$0x640]  }
0xf9: {  	v62 =	vld [tilespmem:s19+$0x650];
	v50 =	vmul.f32 v58, v49  }
0xfa: {  	v63 =	vld [tilespmem:s19+$0x660];
	v51 =	vmul.f32 v59, v49  }
0xfb: {  	v53 =	vld [tilespmem:s19+$0x680];
	v59 =	vmul.f32 v52, v49;
	[tilespmem:s19+$0x600] =	vst v50  }
0xfc: {  	v54 =	vld [tilespmem:s19+$0x690];
	v60 =	vmul.f32 v60, v49;
	[tilespmem:s19+$0x610] =	vst v51  }
0xfd: {  	v52 =	vld [tilespmem:s19+$0x670];
	v61 =	vmul.f32 v61, v49;
	[tilespmem:s19+$0x620] =	vst v59  }
0xfe: {  	v55 =	vld [tilespmem:s19+$0x6A0];
	v62 =	vmul.f32 v62, v49;
	[tilespmem:s19+$0x630] =	vst v60  }
0xff: {  	v56 =	vld [tilespmem:s19+$0x6B0];
	v63 =	vmul.f32 v63, v49;
	[tilespmem:s19+$0x640] =	vst v61  }
0x100: {  	[tilespmem:s19+$0x650] =	vst v62;
	v61 =	vmul.f32 v53, v49;
	v53 =	vld [tilespmem:s19+$0x6D0]  }
0x101: {  	[tilespmem:s19+$0x660] =	vst v63;
	v62 =	vmul.f32 v54, v49;
	v54 =	vld [tilespmem:s19+$0x6E0]  }
0x102: {  	[tilespmem:s19+$0x680] =	vst v61;
	v60 =	vmul.f32 v52, v49;
	v52 =	vld [tilespmem:s19+$0x6C0]  }
0x103: {  	s23 =	sadd.s32 $0x17, s18;
	v63 =	vmul.f32 v55, v49;
	v55 =	vld [tilespmem:s19+$0x6F0];
	[tilespmem:s19+$0x690] =	vst v62  }
0x104: {  	v61 =	vmov s23;
	[tilespmem:s19+$0x670] =	vst v60;
	v60 =	vmul.f32 v56, v49  }
0x105: {  	[tilespmem:s19+$0x6A0] =	vst v63;
	v63 =	vbroadcast v61, $0x0;
	v56 =	vmul.f32 v53, v49  }
0x106: {  	v57 =	vmul.f32 v54, v49;
	[tilespmem:s19+$0x6B0] =	vst v60  }
0x107: {  	[tilespmem:s19+$0x6D0] =	vst v56;
	v62 =	vmul.f32 v52, v49  }
0x108: {  	[tilespmem:s19+$0x6E0] =	vst v57;
	v49 =	vmul.f32 v55, v49  }
0x109: {  	[tilespmem:s19+$0x6C0] =	vst v62  }
0x10a: {  	v58 =	vld [tilespmem:s19+$0x700];
	[tilespmem:s19+$0x6F0] =	vst v49  }
0x10b: {  	v49 =	vld.idx.msk [tilespmem:v63+s12+$0x0], $0xffff  }
0x10c: {  	v59 =	vld [tilespmem:s19+$0x710]  }
0x10d: {  	v52 =	vld [tilespmem:s19+$0x720]  }
0x10e: {  	v60 =	vld [tilespmem:s19+$0x730]  }
0x10f: {  	v61 =	vld [tilespmem:s19+$0x740]  }
0x110: {  	v62 =	vld [tilespmem:s19+$0x750];
	v50 =	vmul.f32 v58, v49  }
0x111: {  	v63 =	vld [tilespmem:s19+$0x760];
	v51 =	vmul.f32 v59, v49  }
0x112: {  	v53 =	vld [tilespmem:s19+$0x780];
	v59 =	vmul.f32 v52, v49;
	[tilespmem:s19+$0x700] =	vst v50  }
0x113: {  	v54 =	vld [tilespmem:s19+$0x790];
	v60 =	vmul.f32 v60, v49;
	[tilespmem:s19+$0x710] =	vst v51  }
0x114: {  	v52 =	vld [tilespmem:s19+$0x770];
	v61 =	vmul.f32 v61, v49;
	[tilespmem:s19+$0x720] =	vst v59  }
0x115: {  	v55 =	vld [tilespmem:s19+$0x7A0];
	v62 =	vmul.f32 v62, v49;
	[tilespmem:s19+$0x730] =	vst v60  }
0x116: {  	v56 =	vld [tilespmem:s19+$0x7B0];
	v63 =	vmul.f32 v63, v49;
	[tilespmem:s19+$0x740] =	vst v61  }
0x117: {  	[tilespmem:s19+$0x750] =	vst v62;
	v61 =	vmul.f32 v53, v49;
	v53 =	vld [tilespmem:s19+$0x7D0]  }
0x118: {  	[tilespmem:s19+$0x760] =	vst v63;
	v62 =	vmul.f32 v54, v49;
	v54 =	vld [tilespmem:s19+$0x7E0]  }
0x119: {  	[tilespmem:s19+$0x780] =	vst v61;
	v60 =	vmul.f32 v52, v49;
	v52 =	vld [tilespmem:s19+$0x7C0]  }
0x11a: {  	s24 =	sadd.s32 $0x18, s18;
	v63 =	vmul.f32 v55, v49;
	v55 =	vld [tilespmem:s19+$0x7F0];
	[tilespmem:s19+$0x790] =	vst v62  }
0x11b: {  	v61 =	vmov s24;
	[tilespmem:s19+$0x770] =	vst v60;
	v60 =	vmul.f32 v56, v49  }
0x11c: {  	[tilespmem:s19+$0x7A0] =	vst v63;
	v63 =	vbroadcast v61, $0x0;
	v56 =	vmul.f32 v53, v49  }
0x11d: {  	v57 =	vmul.f32 v54, v49;
	[tilespmem:s19+$0x7B0] =	vst v60  }
0x11e: {  	[tilespmem:s19+$0x7D0] =	vst v56;
	v62 =	vmul.f32 v52, v49  }
0x11f: {  	[tilespmem:s19+$0x7E0] =	vst v57;
	v49 =	vmul.f32 v55, v49  }
0x120: {  	[tilespmem:s19+$0x7C0] =	vst v62  }
0x121: {  	v58 =	vld [tilespmem:s19+$0x800];
	[tilespmem:s19+$0x7F0] =	vst v49  }
0x122: {  	v49 =	vld.idx.msk [tilespmem:v63+s12+$0x0], $0xffff  }
0x123: {  	v59 =	vld [tilespmem:s19+$0x810]  }
0x124: {  	v52 =	vld [tilespmem:s19+$0x820]  }
0x125: {  	v60 =	vld [tilespmem:s19+$0x830]  }
0x126: {  	v61 =	vld [tilespmem:s19+$0x840]  }
0x127: {  	v62 =	vld [tilespmem:s19+$0x850];
	v50 =	vmul.f32 v58, v49  }
0x128: {  	v63 =	vld [tilespmem:s19+$0x860];
	v51 =	vmul.f32 v59, v49  }
0x129: {  	v53 =	vld [tilespmem:s19+$0x880];
	v59 =	vmul.f32 v52, v49;
	[tilespmem:s19+$0x800] =	vst v50  }
0x12a: {  	v54 =	vld [tilespmem:s19+$0x890];
	v60 =	vmul.f32 v60, v49;
	[tilespmem:s19+$0x810] =	vst v51  }
0x12b: {  	v52 =	vld [tilespmem:s19+$0x870];
	v61 =	vmul.f32 v61, v49;
	[tilespmem:s19+$0x820] =	vst v59  }
0x12c: {  	v55 =	vld [tilespmem:s19+$0x8A0];
	v62 =	vmul.f32 v62, v49;
	[tilespmem:s19+$0x830] =	vst v60  }
0x12d: {  	v56 =	vld [tilespmem:s19+$0x8B0];
	v63 =	vmul.f32 v63, v49;
	[tilespmem:s19+$0x840] =	vst v61  }
0x12e: {  	[tilespmem:s19+$0x850] =	vst v62;
	v61 =	vmul.f32 v53, v49;
	v53 =	vld [tilespmem:s19+$0x8D0]  }
0x12f: {  	[tilespmem:s19+$0x860] =	vst v63;
	v62 =	vmul.f32 v54, v49;
	v54 =	vld [tilespmem:s19+$0x8E0]  }
0x130: {  	[tilespmem:s19+$0x880] =	vst v61;
	v60 =	vmul.f32 v52, v49;
	v52 =	vld [tilespmem:s19+$0x8C0]  }
0x131: {  	s25 =	sadd.s32 $0x19, s18;
	v63 =	vmul.f32 v55, v49;
	v55 =	vld [tilespmem:s19+$0x8F0];
	[tilespmem:s19+$0x890] =	vst v62  }
0x132: {  	v61 =	vmov s25;
	[tilespmem:s19+$0x870] =	vst v60;
	v60 =	vmul.f32 v56, v49  }
0x133: {  	[tilespmem:s19+$0x8A0] =	vst v63;
	v63 =	vbroadcast v61, $0x0;
	v56 =	vmul.f32 v53, v49  }
0x134: {  	v57 =	vmul.f32 v54, v49;
	[tilespmem:s19+$0x8B0] =	vst v60  }
0x135: {  	[tilespmem:s19+$0x8D0] =	vst v56;
	v62 =	vmul.f32 v52, v49  }
0x136: {  	[tilespmem:s19+$0x8E0] =	vst v57;
	v49 =	vmul.f32 v55, v49  }
0x137: {  	[tilespmem:s19+$0x8C0] =	vst v62  }
0x138: {  	v58 =	vld [tilespmem:s19+$0x900];
	[tilespmem:s19+$0x8F0] =	vst v49  }
0x139: {  	v49 =	vld.idx.msk [tilespmem:v63+s12+$0x0], $0xffff  }
0x13a: {  	v59 =	vld [tilespmem:s19+$0x910]  }
0x13b: {  	v52 =	vld [tilespmem:s19+$0x920]  }
0x13c: {  	v60 =	vld [tilespmem:s19+$0x930]  }
0x13d: {  	v61 =	vld [tilespmem:s19+$0x940]  }
0x13e: {  	v62 =	vld [tilespmem:s19+$0x950];
	v50 =	vmul.f32 v58, v49  }
0x13f: {  	v63 =	vld [tilespmem:s19+$0x960];
	v51 =	vmul.f32 v59, v49  }
0x140: {  	v53 =	vld [tilespmem:s19+$0x980];
	v59 =	vmul.f32 v52, v49;
	[tilespmem:s19+$0x900] =	vst v50  }
0x141: {  	v54 =	vld [tilespmem:s19+$0x990];
	v60 =	vmul.f32 v60, v49;
	[tilespmem:s19+$0x910] =	vst v51  }
0x142: {  	v52 =	vld [tilespmem:s19+$0x970];
	v61 =	vmul.f32 v61, v49;
	[tilespmem:s19+$0x920] =	vst v59  }
0x143: {  	v55 =	vld [tilespmem:s19+$0x9A0];
	v62 =	vmul.f32 v62, v49;
	[tilespmem:s19+$0x930] =	vst v60  }
0x144: {  	v56 =	vld [tilespmem:s19+$0x9B0];
	v63 =	vmul.f32 v63, v49;
	[tilespmem:s19+$0x940] =	vst v61  }
0x145: {  	[tilespmem:s19+$0x950] =	vst v62;
	v61 =	vmul.f32 v53, v49;
	v53 =	vld [tilespmem:s19+$0x9D0]  }
0x146: {  	[tilespmem:s19+$0x960] =	vst v63;
	v62 =	vmul.f32 v54, v49;
	v54 =	vld [tilespmem:s19+$0x9E0]  }
0x147: {  	[tilespmem:s19+$0x980] =	vst v61;
	v60 =	vmul.f32 v52, v49;
	v52 =	vld [tilespmem:s19+$0x9C0]  }
0x148: {  	s26 =	sadd.s32 $0x1A, s18;
	v63 =	vmul.f32 v55, v49;
	v55 =	vld [tilespmem:s19+$0x9F0];
	[tilespmem:s19+$0x990] =	vst v62  }
0x149: {  	v61 =	vmov s26;
	[tilespmem:s19+$0x970] =	vst v60;
	v60 =	vmul.f32 v56, v49  }
0x14a: {  	[tilespmem:s19+$0x9A0] =	vst v63;
	v63 =	vbroadcast v61, $0x0;
	v56 =	vmul.f32 v53, v49  }
0x14b: {  	v57 =	vmul.f32 v54, v49;
	[tilespmem:s19+$0x9B0] =	vst v60  }
0x14c: {  	[tilespmem:s19+$0x9D0] =	vst v56;
	v62 =	vmul.f32 v52, v49  }
0x14d: {  	[tilespmem:s19+$0x9E0] =	vst v57;
	v49 =	vmul.f32 v55, v49  }
0x14e: {  	[tilespmem:s19+$0x9C0] =	vst v62  }
0x14f: {  	v58 =	vld [tilespmem:s19+$0xA00];
	[tilespmem:s19+$0x9F0] =	vst v49  }
0x150: {  	v49 =	vld.idx.msk [tilespmem:v63+s12+$0x0], $0xffff  }
0x151: {  	v59 =	vld [tilespmem:s19+$0xA10]  }
0x152: {  	v52 =	vld [tilespmem:s19+$0xA20]  }
0x153: {  	v60 =	vld [tilespmem:s19+$0xA30]  }
0x154: {  	v61 =	vld [tilespmem:s19+$0xA40]  }
0x155: {  	v62 =	vld [tilespmem:s19+$0xA50];
	v50 =	vmul.f32 v58, v49  }
0x156: {  	v63 =	vld [tilespmem:s19+$0xA60];
	v51 =	vmul.f32 v59, v49  }
0x157: {  	v53 =	vld [tilespmem:s19+$0xA80];
	v59 =	vmul.f32 v52, v49;
	[tilespmem:s19+$0xA00] =	vst v50  }
0x158: {  	v54 =	vld [tilespmem:s19+$0xA90];
	v60 =	vmul.f32 v60, v49;
	[tilespmem:s19+$0xA10] =	vst v51  }
0x159: {  	v52 =	vld [tilespmem:s19+$0xA70];
	v61 =	vmul.f32 v61, v49;
	[tilespmem:s19+$0xA20] =	vst v59  }
0x15a: {  	v55 =	vld [tilespmem:s19+$0xAA0];
	v62 =	vmul.f32 v62, v49;
	[tilespmem:s19+$0xA30] =	vst v60  }
0x15b: {  	v56 =	vld [tilespmem:s19+$0xAB0];
	v63 =	vmul.f32 v63, v49;
	[tilespmem:s19+$0xA40] =	vst v61  }
0x15c: {  	[tilespmem:s19+$0xA50] =	vst v62;
	v61 =	vmul.f32 v53, v49;
	v53 =	vld [tilespmem:s19+$0xAD0]  }
0x15d: {  	[tilespmem:s19+$0xA60] =	vst v63;
	v62 =	vmul.f32 v54, v49;
	v54 =	vld [tilespmem:s19+$0xAE0]  }
0x15e: {  	[tilespmem:s19+$0xA80] =	vst v61;
	v60 =	vmul.f32 v52, v49;
	v52 =	vld [tilespmem:s19+$0xAC0]  }
0x15f: {  	s28 =	sadd.s32 $0x1B, s18;
	v63 =	vmul.f32 v55, v49;
	v55 =	vld [tilespmem:s19+$0xAF0];
	[tilespmem:s19+$0xA90] =	vst v62  }
0x160: {  	v61 =	vmov s28;
	[tilespmem:s19+$0xA70] =	vst v60;
	v60 =	vmul.f32 v56, v49  }
0x161: {  	[tilespmem:s19+$0xAA0] =	vst v63;
	v63 =	vbroadcast v61, $0x0;
	v56 =	vmul.f32 v53, v49  }
0x162: {  	v57 =	vmul.f32 v54, v49;
	[tilespmem:s19+$0xAB0] =	vst v60  }
0x163: {  	[tilespmem:s19+$0xAD0] =	vst v56;
	v62 =	vmul.f32 v52, v49  }
0x164: {  	[tilespmem:s19+$0xAE0] =	vst v57;
	v49 =	vmul.f32 v55, v49  }
0x165: {  	[tilespmem:s19+$0xAC0] =	vst v62  }
0x166: {  	v58 =	vld [tilespmem:s19+$0xB00];
	[tilespmem:s19+$0xAF0] =	vst v49  }
0x167: {  	v49 =	vld.idx.msk [tilespmem:v63+s12+$0x0], $0xffff  }
0x168: {  	v59 =	vld [tilespmem:s19+$0xB10]  }
0x169: {  	v52 =	vld [tilespmem:s19+$0xB20]  }
0x16a: {  	v60 =	vld [tilespmem:s19+$0xB30]  }
0x16b: {  	v61 =	vld [tilespmem:s19+$0xB40]  }
0x16c: {  	v62 =	vld [tilespmem:s19+$0xB50];
	v50 =	vmul.f32 v58, v49  }
0x16d: {  	v63 =	vld [tilespmem:s19+$0xB60];
	v51 =	vmul.f32 v59, v49  }
0x16e: {  	v53 =	vld [tilespmem:s19+$0xB80];
	v59 =	vmul.f32 v52, v49;
	[tilespmem:s19+$0xB00] =	vst v50  }
0x16f: {  	v54 =	vld [tilespmem:s19+$0xB90];
	v60 =	vmul.f32 v60, v49;
	[tilespmem:s19+$0xB10] =	vst v51  }
0x170: {  	v52 =	vld [tilespmem:s19+$0xB70];
	v61 =	vmul.f32 v61, v49;
	[tilespmem:s19+$0xB20] =	vst v59  }
0x171: {  	v55 =	vld [tilespmem:s19+$0xBA0];
	v62 =	vmul.f32 v62, v49;
	[tilespmem:s19+$0xB30] =	vst v60  }
0x172: {  	v56 =	vld [tilespmem:s19+$0xBB0];
	v63 =	vmul.f32 v63, v49;
	[tilespmem:s19+$0xB40] =	vst v61  }
0x173: {  	[tilespmem:s19+$0xB50] =	vst v62;
	v61 =	vmul.f32 v53, v49;
	v53 =	vld [tilespmem:s19+$0xBD0]  }
0x174: {  	[tilespmem:s19+$0xB60] =	vst v63;
	v62 =	vmul.f32 v54, v49;
	v54 =	vld [tilespmem:s19+$0xBE0]  }
0x175: {  	[tilespmem:s19+$0xB80] =	vst v61;
	v60 =	vmul.f32 v52, v49;
	v52 =	vld [tilespmem:s19+$0xBC0]  }
0x176: {  	s29 =	sadd.s32 $0x1C, s18;
	v63 =	vmul.f32 v55, v49;
	v55 =	vld [tilespmem:s19+$0xBF0];
	[tilespmem:s19+$0xB90] =	vst v62  }
0x177: {  	v61 =	vmov s29;
	[tilespmem:s19+$0xB70] =	vst v60;
	v60 =	vmul.f32 v56, v49  }
0x178: {  	[tilespmem:s19+$0xBA0] =	vst v63;
	v63 =	vbroadcast v61, $0x0;
	v56 =	vmul.f32 v53, v49  }
0x179: {  	v57 =	vmul.f32 v54, v49;
	[tilespmem:s19+$0xBB0] =	vst v60  }
0x17a: {  	[tilespmem:s19+$0xBD0] =	vst v56;
	v62 =	vmul.f32 v52, v49  }
0x17b: {  	[tilespmem:s19+$0xBE0] =	vst v57;
	v49 =	vmul.f32 v55, v49  }
0x17c: {  	[tilespmem:s19+$0xBC0] =	vst v62  }
0x17d: {  	v58 =	vld [tilespmem:s19+$0xC00];
	[tilespmem:s19+$0xBF0] =	vst v49  }
0x17e: {  	v49 =	vld.idx.msk [tilespmem:v63+s12+$0x0], $0xffff  }
0x17f: {  	v59 =	vld [tilespmem:s19+$0xC10]  }
0x180: {  	v52 =	vld [tilespmem:s19+$0xC20]  }
0x181: {  	v60 =	vld [tilespmem:s19+$0xC30]  }
0x182: {  	v61 =	vld [tilespmem:s19+$0xC40]  }
0x183: {  	v62 =	vld [tilespmem:s19+$0xC50];
	v50 =	vmul.f32 v58, v49  }
0x184: {  	v63 =	vld [tilespmem:s19+$0xC60];
	v51 =	vmul.f32 v59, v49  }
0x185: {  	v53 =	vld [tilespmem:s19+$0xC80];
	v59 =	vmul.f32 v52, v49;
	[tilespmem:s19+$0xC00] =	vst v50  }
0x186: {  	v54 =	vld [tilespmem:s19+$0xC90];
	v60 =	vmul.f32 v60, v49;
	[tilespmem:s19+$0xC10] =	vst v51  }
0x187: {  	v52 =	vld [tilespmem:s19+$0xC70];
	v61 =	vmul.f32 v61, v49;
	[tilespmem:s19+$0xC20] =	vst v59  }
0x188: {  	v55 =	vld [tilespmem:s19+$0xCA0];
	v62 =	vmul.f32 v62, v49;
	[tilespmem:s19+$0xC30] =	vst v60  }
0x189: {  	v56 =	vld [tilespmem:s19+$0xCB0];
	v63 =	vmul.f32 v63, v49;
	[tilespmem:s19+$0xC40] =	vst v61  }
0x18a: {  	[tilespmem:s19+$0xC50] =	vst v62;
	v61 =	vmul.f32 v53, v49;
	v53 =	vld [tilespmem:s19+$0xCD0]  }
0x18b: {  	[tilespmem:s19+$0xC60] =	vst v63;
	v62 =	vmul.f32 v54, v49;
	v54 =	vld [tilespmem:s19+$0xCE0]  }
0x18c: {  	[tilespmem:s19+$0xC80] =	vst v61;
	v60 =	vmul.f32 v52, v49;
	v52 =	vld [tilespmem:s19+$0xCC0]  }
0x18d: {  	s30 =	sadd.s32 $0x1D, s18;
	v63 =	vmul.f32 v55, v49;
	v55 =	vld [tilespmem:s19+$0xCF0];
	[tilespmem:s19+$0xC90] =	vst v62  }
0x18e: {  	v61 =	vmov s30;
	[tilespmem:s19+$0xC70] =	vst v60;
	v60 =	vmul.f32 v56, v49  }
0x18f: {  	[tilespmem:s19+$0xCA0] =	vst v63;
	v63 =	vbroadcast v61, $0x0;
	v56 =	vmul.f32 v53, v49  }
0x190: {  	v57 =	vmul.f32 v54, v49;
	[tilespmem:s19+$0xCB0] =	vst v60  }
0x191: {  	[tilespmem:s19+$0xCD0] =	vst v56;
	v62 =	vmul.f32 v52, v49  }
0x192: {  	[tilespmem:s19+$0xCE0] =	vst v57;
	v49 =	vmul.f32 v55, v49  }
0x193: {  	[tilespmem:s19+$0xCC0] =	vst v62  }
0x194: {  	v58 =	vld [tilespmem:s19+$0xD00];
	[tilespmem:s19+$0xCF0] =	vst v49  }
0x195: {  	v49 =	vld.idx.msk [tilespmem:v63+s12+$0x0], $0xffff  }
0x196: {  	v59 =	vld [tilespmem:s19+$0xD10]  }
0x197: {  	v52 =	vld [tilespmem:s19+$0xD20]  }
0x198: {  	v60 =	vld [tilespmem:s19+$0xD30]  }
0x199: {  	v61 =	vld [tilespmem:s19+$0xD40]  }
0x19a: {  	v62 =	vld [tilespmem:s19+$0xD50];
	v50 =	vmul.f32 v58, v49  }
0x19b: {  	v63 =	vld [tilespmem:s19+$0xD60];
	v51 =	vmul.f32 v59, v49  }
0x19c: {  	v53 =	vld [tilespmem:s19+$0xD80];
	v59 =	vmul.f32 v52, v49;
	[tilespmem:s19+$0xD00] =	vst v50  }
0x19d: {  	v54 =	vld [tilespmem:s19+$0xD90];
	v60 =	vmul.f32 v60, v49;
	[tilespmem:s19+$0xD10] =	vst v51  }
0x19e: {  	v52 =	vld [tilespmem:s19+$0xD70];
	v61 =	vmul.f32 v61, v49;
	[tilespmem:s19+$0xD20] =	vst v59  }
0x19f: {  	v55 =	vld [tilespmem:s19+$0xDA0];
	v62 =	vmul.f32 v62, v49;
	[tilespmem:s19+$0xD30] =	vst v60  }
0x1a0: {  	v56 =	vld [tilespmem:s19+$0xDB0];
	v63 =	vmul.f32 v63, v49;
	[tilespmem:s19+$0xD40] =	vst v61  }
0x1a1: {  	[tilespmem:s19+$0xD50] =	vst v62;
	v61 =	vmul.f32 v53, v49;
	v53 =	vld [tilespmem:s19+$0xDD0]  }
0x1a2: {  	[tilespmem:s19+$0xD60] =	vst v63;
	v62 =	vmul.f32 v54, v49;
	v54 =	vld [tilespmem:s19+$0xDE0]  }
0x1a3: {  	[tilespmem:s19+$0xD80] =	vst v61;
	v60 =	vmul.f32 v52, v49;
	v52 =	vld [tilespmem:s19+$0xDC0]  }
0x1a4: {  	s31 =	sadd.s32 $0x1E, s18;
	v63 =	vmul.f32 v55, v49;
	v55 =	vld [tilespmem:s19+$0xDF0];
	[tilespmem:s19+$0xD90] =	vst v62  }
0x1a5: {  	v61 =	vmov s31;
	[tilespmem:s19+$0xD70] =	vst v60;
	v60 =	vmul.f32 v56, v49  }
0x1a6: {  	[tilespmem:s19+$0xDA0] =	vst v63;
	v63 =	vbroadcast v61, $0x0;
	v56 =	vmul.f32 v53, v49  }
0x1a7: {  	v57 =	vmul.f32 v54, v49;
	[tilespmem:s19+$0xDB0] =	vst v60  }
0x1a8: {  	[tilespmem:s19+$0xDD0] =	vst v56;
	v62 =	vmul.f32 v52, v49  }
0x1a9: {  	[tilespmem:s19+$0xDE0] =	vst v57;
	v49 =	vmul.f32 v55, v49  }
0x1aa: {  	v58 =	vld [tilespmem:s19+$0xE00];
	[tilespmem:s19+$0xDC0] =	vst v62  }
0x1ab: {  	v59 =	vld [tilespmem:s19+$0xE10];
	[tilespmem:s19+$0xDF0] =	vst v49  }
0x1ac: {  	v49 =	vld.idx.msk [tilespmem:v63+s12+$0x0], $0xffff  }
0x1ad: {  	v61 =	vld [tilespmem:s19+$0xE30]  }
0x1ae: {  	v60 =	vld [tilespmem:s19+$0xE20]  }
0x1af: {  	v54 =	vld [tilespmem:s19+$0xE90]  }
0x1b0: {  	v62 =	vld [tilespmem:s19+$0xE40]  }
0x1b1: {  	v63 =	vld [tilespmem:s19+$0xE50];
	v50 =	vmul.f32 v58, v49  }
0x1b2: {  	v56 =	vld [tilespmem:s19+$0xE60];
	v51 =	vmul.f32 v59, v49  }
0x1b3: {  	v55 =	vld [tilespmem:s19+$0xEA0];
	v60 =	vmul.f32 v60, v49;
	[tilespmem:s19+$0xE00] =	vst v50  }
0x1b4: {  	v52 =	vld [tilespmem:s19+$0xE70];
	v61 =	vmul.f32 v61, v49;
	[tilespmem:s19+$0xE10] =	vst v51  }
0x1b5: {  	v62 =	vmul.f32 v62, v49;
	[tilespmem:s19+$0xE20] =	vst v60  }
0x1b6: {  	v53 =	vld [tilespmem:s19+$0xE80];
	v63 =	vmul.f32 v63, v49;
	[tilespmem:s19+$0xE30] =	vst v61  }
0x1b7: {  	v57 =	vmul.f32 v54, v49;
	v58 =	vld [tilespmem:s19+$0xEE0];
	[tilespmem:s19+$0xE40] =	vst v62  }
0x1b8: {  	v59 =	vmul.f32 v55, v49;
	v60 =	vmul.f32 v56, v49;
	v56 =	vld [tilespmem:s19+$0xEB0];
	[tilespmem:s19+$0xE50] =	vst v63  }
0x1b9: {  	v61 =	vmul.f32 v52, v49;
	v52 =	vld [tilespmem:s19+$0xEC0];
	[tilespmem:s19+$0xE90] =	vst v57  }
0x1ba: {  	v63 =	vld [tilespmem:s19+$0xED0];
	[tilespmem:s19+$0xEA0] =	vst v59  }
0x1bb: {  	v62 =	vmul.f32 v53, v49;
	[tilespmem:s19+$0xE60] =	vst v60;
	v60 =	vld [tilespmem:s19+$0xEF0]  }
0x1bc: {  	[tilespmem:s19+$0xE70] =	vst v61;
	v57 =	vmul.f32 v58, v49  }
0x1bd: {  	s18 =	sadd.s32 $0x1F, s18;
	[tilespmem:s19+$0xE80] =	vst v62;
	v61 =	vmul.f32 v56, v49  }
0x1be: {  	v62 =	vmul.f32 v52, v49;
	v56 =	vmov s18;
	[tilespmem:s19+$0xEE0] =	vst v57  }
0x1bf: {  	v63 =	vmul.f32 v63, v49;
	[tilespmem:s19+$0xEB0] =	vst v61  }
0x1c0: {  	[tilespmem:s19+$0xEC0] =	vst v62;
	v49 =	vmul.f32 v60, v49  }
0x1c1: {  	v54 =	vld [tilespmem:s19+$0xF90];
	[tilespmem:s19+$0xED0] =	vst v63  }
0x1c2: {  	v58 =	vld [tilespmem:s19+$0xF00];
	[tilespmem:s19+$0xEF0] =	vst v49  }
0x1c3: {  	v49 =	vld.idx.msk [tilespmem:v56+s12+$0x0], $0xffff  }
0x1c4: {  	v59 =	vld [tilespmem:s19+$0xF10]  }
0x1c5: {  	v52 =	vld [tilespmem:s19+$0xF20]  }
0x1c6: {  	v60 =	vld [tilespmem:s19+$0xF30]  }
0x1c7: {  	v61 =	vld [tilespmem:s19+$0xF40]  }
0x1c8: {  	v62 =	vld [tilespmem:s19+$0xF50];
	v50 =	vmul.f32 v58, v49  }
0x1c9: {  	v63 =	vld [tilespmem:s19+$0xF60];
	v51 =	vmul.f32 v59, v49  }
0x1ca: {  	v55 =	vld [tilespmem:s19+$0xFA0];
	v59 =	vmul.f32 v52, v49;
	[tilespmem:s19+$0xF00] =	vst v50  }
0x1cb: {  	v53 =	vld [tilespmem:s19+$0xF80];
	v60 =	vmul.f32 v60, v49;
	[tilespmem:s19+$0xF10] =	vst v51  }
0x1cc: {  	v52 =	vld [tilespmem:s19+$0xF70];
	v61 =	vmul.f32 v61, v49;
	[tilespmem:s19+$0xF20] =	vst v59  }
0x1cd: {  	v62 =	vmul.f32 v62, v49;
	[tilespmem:s19+$0xF30] =	vst v60  }
0x1ce: {  	v57 =	vld [tilespmem:s19+$0xFE0];
	v63 =	vmul.f32 v63, v49;
	[tilespmem:s19+$0xF40] =	vst v61  }
0x1cf: {  	v56 =	vld [tilespmem:s19+$0xFB0];
	v58 =	vmul.f32 v55, v49;
	[tilespmem:s19+$0xF50] =	vst v62  }
0x1d0: {  	[tilespmem:s19+$0xF60] =	vst v63;
	v61 =	vmul.f32 v53, v49;
	v62 =	vld [tilespmem:s19+$0xFD0]  }
0x1d1: {  	v63 =	vmul.f32 v54, v49;
	[tilespmem:s19+$0xFA0] =	vst v58;
	v60 =	vmul.f32 v52, v49;
	v52 =	vld [tilespmem:s19+$0xFC0]  }
0x1d2: {  	v59 =	vld [tilespmem:s19+$0xFF0];
	[tilespmem:s19+$0xF80] =	vst v61  }
0x1d3: {  	[tilespmem:s19+$0xF90] =	vst v63;
	v63 =	vmul.f32 v57, v49  }
0x1d4: {  	p0 =	sne.s32 s17, $0x7;
	[tilespmem:s19+$0xF70] =	vst v60;
	v60 =	vmul.f32 v56, v49  }
.Ltmp0:
0x1d5: {  	[tilespmem:s19+$0xFE0] =	vst v63;
	v62 =	vmul.f32 v62, v49;
	(pc) =	sbr.rel @p0 .LBB2_3-.Ltmp0, $4  }
0x1d6: {  	[tilespmem:s19+$0xFB0] =	vst v60;
	v61 =	vmul.f32 v52, v49  }
0x1d7: {  	[tilespmem:s19+$0xFD0] =	vst v62;
	v49 =	vmul.f32 v59, v49  }
0x1d8: {  	[tilespmem:s19+$0xFC0] =	vst v61  }
0x1d9: {  	s17 =	sadd.s32 $0x1, s17;
	[tilespmem:s19+$0xFF0] =	vst v49  }
0x1da: {  	s14 =	sadd.s32 $0x1, s14  }
0x1db: {  	p0 =	sne.s32 s14, $0x8  }
.Ltmp1:
0x1dc: {  	s15 =	sadd.s32 s6, s15;
	(pc) =	sbr.rel @p0 .LBB2_2-.Ltmp1, $4  }
0x1dd: {  	[hbm4b:s15+s2] =	stream.linear.scatter [tilespmem:s2], [sflag:$0x1], $0x8000, $0x38;
	[tilespmem:$0x8200] =	vst v63  }
0x1de: {  	_ =	swait.ge [sflag:s10], $0x8000  }
0x1df: {  	[sflag:s10] =	ssyncset.done $0x0  }
0x1e0: {  	[sflag:s10] =	ssyncadd.s32 $0xFFFF8000  }
0x1e1: {  	s13 =	sadd.s32 $0x1, s13  }
0x1e2: {  	p0 =	sne.s32 s13, s8  }
.Ltmp2:
0x1e3: {  	_ = 	snop;
	(pc) =	sbr.rel @p0 .LBB2_1-.Ltmp2, $1  }
0x1e4: {  	_ =	sdelay $0x3  }
0x1e5: {  	_ =	sfence.sel $0x180000  }
0x1e6: {  	[bflag:$0x0] =	sbarrier.arrive $0xFFFF  }
0x1e7: {  	p0 =	sne.s32 s4, $0x0;
	_ =	strace $0x9000004A  }
0x1e8: {  	s0 =	sadd.s32 @!p0 $0x100000, s0;
	[bflag:$0x2] =	sbarrier.arrive $0xFFFF  }
0x1e9: {  	[sflag:s0] =	ssyncadd.tile.s32 @!p0 $0x1;
	_ =	shalt  }
.Lfunc_end2:
_tile_overlayer_lowered:
.L_overlay_start_2:
0x1ea: {  	(tag) =	ssettag $0x2  }
0x1eb: {  	s0 =	rddreg [dreg:$0x0];
	s2 =	stileid.u32  }
0x1ec: {  	s1 =	rddreg [dreg:$0x1];
	p0 =	sne.s32 s2, $0x0  }
0x1ed: {  	s3 =	rddreg [dreg:$0x2];
	[bflag:$0x3] =	sbarrier.arrive $0xFFFF;
	s2 =	simm.s32 @!p0 $0x1C01  }
0x1ee: {  	[timem:s3], [sflag:s2] =	dma.local @!p0 [hbm:s0], s1  }
0x1ef: {  	s0 =	simm.s32 @!p0 $0x1  }
0x1f0: {  	_ =	swait.ge @!p0 [sflag:s0], s1  }
0x1f1: {  	s1 =	ssub.s32 @!p0 $0x0, s1;
	[sflag:s0] =	ssyncset.done @!p0 $0x0  }
0x1f2: {  	[sflag:s0] =	ssyncadd.s32 @!p0 s1  }
0x1f3: {  	[bflag:$0x3] =	sbarrier.arrive $0xFFFF  }
0x1f4: {  	_ =	shalt  }

// kernel: sparse-core-data-format-call.cloned.1.call-start
scs
called_computation_lowered:
.L_overlay_start_0:
0x0: {  	s2 =	sld [smem:$0x3FD9]  }
0x1: {  	s3 =	sld [smem:$0x3FFE];
	_ =	sdelay $0x1  }
0x2: {  	s1 =	srdreg.scid  }
0x3: {  	s0 =	sand.u32 $0x1, s1  }
0x4: {  	s16 =	sshll.u32 s0, $0xA;
	s2 =	sadd.s32 s3, s2  }
0x5: {  	s2 =	sadd.s32 s2, s16  }
0x6: {  	[smem:$0x3FC3] =	sst s2  }
0x7: {  	_ = 	snop  }
0x8: {  	s2 =	sld [smem:$0x3FD0];
	_ =	sdelay $0x2  }
0x9: {  	s4 =	simm.s32 $0xA;
	s5 =	simm.s32 $0x10;
	s17 =	sld [smem:$0x3FC9]  }
0xa: {  	[smem:s5], [sflag:s4] =	dma.local [hbm:s2], $0x1  }
0xb: {  	_ =	swait.eq [sflag:s4], $0x1  }
0xc: {  	[sflag:s4] =	ssyncset.done $0x0  }
0xd: {  	[sflag:s4] =	ssyncadd.s32 $0xFFFFFFFF  }
0xe: {  	s18 =	sld [smem:$0x10];
	(tm) =	ssettm $0x1  }
0xf: {  	s19 =	sld [smem:$0x3FFB];
	_ =	sdelay $0x3  }
0x10: {  	_ =	strace s19  }
0x11: {  	s4 =	sld [smem:$0x3FFC];
	_ =	sdelay $0x3  }
0x12: {  	_ =	strace s4  }
0x13: {  	s4 =	sld [smem:$0x3FFD];
	_ =	sdelay $0x3  }
0x14: {  	_ =	strace s4  }
0x15: {  	_ =	strace $0x8FFFFFFF  }
0x16: {  	s20 =	sld [smem:$0x3FDB];
	_ =	sdelay $0x1  }
0x17: {  	s21 =	simm.s32 $_scs_section_size  }
0x18: {  	s6 =	simm.s32 $_size__tile_overlayer_lowered;
	s7 =	simm.s32 $_tile_overlayer_lowered  }
0x19: {  	s24 =	simm.s32 $0x1BFF;
	s23 =	sshll.u32 s7, $0x1;
	s4 =	sadd.s32 s21, s20  }
0x1a: {  	s8 =	simm.s32 $0x0;
	s22 =	sshll.u32 s6, $0x1;
	s6 =	sadd.s32 s23, s4  }
0x1b: {  	[timem:s8], [sflag:s24] =	dma.local [hbm:s6], s22  }
0x1c: {  	_ =	swait.ge [sflag:s24], s22  }
0x1d: {  	s5 =	ssub.s32 $0x0, s22;
	[sflag:s24] =	ssyncset.done $0x0  }
0x1e: {  	[sflag:s24] =	ssyncadd.s32 s5;
	_ =	sdelay $0x1  }
0x1f: {  	s25 =	simm.s32 $0x1B8B  }
0x20: {  	_ =	swait.ge [sflag:s25], $0x1  }
0x21: {  	[sflag:s25] =	ssyncset.done $0x0  }
0x22: {  	s26 =	simm.s32 $0x1B8E;
	[sflag:s25] =	ssyncadd.s32 $0xFFFFFFFF  }
0x23: {  	s27 =	simm.s32 $execute0_lowered;
	[smem:$0x3FD2] =	sst s26  }
0x24: {  	s5 =	sshll.u32 s27, $0x1;
	_ =	strace $0x80000046;
	[dreg:$0x1] =	wrdreg $0xFFFFFFFF  }
0x25: {  	s28 =	simm.s32 $_size_execute0_lowered;
	s4 =	sadd.s32 s4, s5;
	[dreg:$0x0] =	wrdreg $0x0  }
0x26: {  	s5 =	sshll.u32 s28, $0x1;
	[dreg:$0x2] =	wrdreg s4  }
0x27: {  	[dreg:$0x3] =	wrdreg s5  }
0x28: {  	[dreg:$0x4] =	wrdreg $0xC0  }
0x29: {  	_ =	task [dreg:s8], $0x5FFFF  }
0x2a: {  	[dreg:$0x1] =	wrdreg $0xFFFFFFFF  }
0x2b: {  	[dreg:$0x0] =	wrdreg $0x60  }
0x2c: {  	[dreg:$0x2] =	wrdreg s17  }
0x2d: {  	[dreg:$0x3] =	wrdreg s18  }
0x2e: {  	[dreg:$0x4] =	wrdreg $0x9  }
0x2f: {  	_ =	task.clear_ibuf [dreg:s8], $0x5FFFF;
	_ =	strace $0x90000046  }
0x30: {  	s29 =	simm.s32 $0x9;
	_ =	strace $0x80000048  }
0x31: {  	_ =	swait.ge [sflag:s29], $0x1  }
0x32: {  	[sflag:s29] =	ssyncadd.s32 $0xFFFFFFFF  }
0x33: {  	_ =	strace $0x90000048  }
0x34: {  	_ =	sfence  }
0x35: {  	s30 =	sld [smem:$0x0];
	_ =	sdelay $0x2  }
0x36: {  	s31 =	sshll.u32 s1, $0xD;
	s1 =	sshrl.u32 s1, $0x2  }
0x37: {  	s3 =	sand.u32 $0x4000, s31;
	s1 =	sadd.s32 s1, s30  }
0x38: {  	s0 =	sor.u32 s3, s0;
	s1 =	sshll.u32 s1, $0x11  }
0x39: {  	s0 =	sor.u32 s1, s0  }
0x3a: {  	s0 =	sadd.s32 $0x8F2B, s0  }
0x3b: {  	[sflag:s0] =	ssyncadd.remote.s32 $0x1  }
0x3c: {  	_ =	sfence.sel $0xFFFF  }
0x3d: {  	[dreg:$0x0] =	wrdreg $0xFFFFFFFF;
	(pc) =	sbr.abs _section_cstart, $3  }
0x3e: {  	[dreg:$0x1] =	wrdreg $0xFFFFFFFF  }
0x3f: {  	_ =	task.clear_ibuf [dreg:s8], $0x2FFFF;
	_ =	strace $0x9FFFFFFF  }
0x40: {  	(tm) =	ssettm $0x7FFFFFFF  }
0x41: {  	_ =	shalt  }
tec
execute0_lowered:
.L_overlay_start_1:
0x0: {  	(tag) =	ssettag $0x1  }
0x1: {  	s0 =	srdreg.scid  }
0x2: {  	s1 =	sshll.u32 s0, $0x4  }
0x3: {  	s2 =	rddreg [dreg:$0x0];
	s0 =	stileid.u32;
	s1 =	sand.u32 $0x10, s1  }
0x4: {  	s4 =	rddreg [dreg:$0x1];
	s1 =	sor.u32 s0, s1  }
0x5: {  	s7 =	simm.s32 $0x1;
	s8 =	simm.s32 $0x2;
	s3 =	sshll.u32 s1, $0x3  }
0x6: {  	s9 =	simm.s32 $0x0;
	s12 =	simm.s32 $0x0;
	s6 =	ssub.s32 $0x1000, s3  }
.Ltmp0:
0x7: {  	s11 =	simm.s32 $0x0;
	s5 =	sand.u32 $0xF8, s6;
	(pc) =	sbr.rel .LBB1_1-.Ltmp0, $4  }
0x8: {  	s1 =	rddreg [dreg:$0x2];
	_ =	strace $0x80000047;
	p0 =	sne.s32 s5, $0x0  }
0x9: {  	s6 =	sshrl.u32 s6, $0x8;
	s5 =	simm.s32 $0x1;
	s7 =	simm.s32 @!p0 $0x0  }
0xa: {  	s10 =	smov.u32 s3;
	[sflag:s5] =	ssyncpa.u1 $0x0;
	s6 =	sadd.s32 s7, s6  }
0xb: {  	[sflag:s8] =	ssyncpa.u1 $0x0;
	s8 =	simm.s32 $0x0;
	s7 =	sadd.s32 $0x1, s6  }
.LBB1_9:
0xc: {  	s14 =	sadd.s32 $0x100, s10  }
0xd: {  	p1 =	sgt.s32 s14, $0xFFF  }
0xe: {  	s14 =	smov.u32 @p1 s3;
	p1 =	sne.s32 s11, s7  }
.Ltmp1:
0xf: {  	p0 =	slt.u32 s11, $0x2;
	(pc) =	sbr.rel @!p1 .LBB1_10-.Ltmp1, $4  }
0x10: {  	s13 =	simm.s32 @!p0 $0x2  }
0x11: {  	s15 =	sadd.s32 $0x1, s11;
	_ =	swait.ge @!p0 [sflag:s13], $0x4000  }
0x12: {  	s12 =	smov.u32 s10;
	s9 =	sadd.s32 $0x4000, s9;
	[sflag:s13] =	ssyncset.done @!p0 $0x0  }
0x13: {  	s11 =	smov.u32 s15;
	s10 =	smov.u32 s14;
	[sflag:s13] =	ssyncadd.s32 @!p0 $0xFFFFC000  }
.LBB1_1:
0x14: {  	p0 =	sge.u32 s11, s6  }
0x15: {  	s13 =	sxor.u32 @!p0 $0xFFFFFFFF, s11  }
0x16: {  	s31 =	sadd.s32 $0xFFFFFFFF, s11;
	s14 =	sshll.u32 @!p0 s10, $0x8;
	s13 =	sshll.u32 @!p0 s13, $0xE  }
0x17: {  	s15 =	simm.s32 @!p0 $0x0;
	s14 =	sadd.s32 @!p0 s2, s14;
	s13 =	sand.u32 @!p0 $0x4000, s13  }
0x18: {  	[tilespmem:s13], [sflag:$0x1] =	stream.linear.gather @!p0 [hbm4b:s14+s15], $0x4000, $0x38;
	[tilespmem:$0x10000] =	vst v63  }
0x19: {  	p0 =	sge.u32 s31, s6  }
.Ltmp2:
0x1a: {  	_ = 	snop;
	(pc) =	sbr.rel @p0 .LBB1_9-.Ltmp2, $1  }
0x1b: {  	_ =	sdelay $0x3  }
0x1c: {  	s13 =	sshll.u32 s9, $0x2;
	_ =	swait.ge [sflag:s5], $0x4000;
	s14 =	sshll.u32 s11, $0xE  }
0x1d: {  	s16 =	simm.s32 $0x0;
	s17 =	simm.s32 $0x0;
	s15 =	sand.u32 $0x10000, s13  }
0x1e: {  	[sflag:s5] =	ssyncset.done $0x0;
	s31 =	sand.u32 $0x4000, s14;
	s14 =	sshrl.u32 s15, $0x2  }
0x1f: {  	[sflag:s5] =	ssyncadd.s32 $0xFFFFC000;
	s13 =	sor.u32 $0x8000, s31;
	s15 =	sor.u32 $0x8000, s14  }
.LBB1_3:
0x20: {  	s18 =	sshra.s32 s16, $0x2  }
0x21: {  	v0 =	vmov s18;
	_ =	sdelay $0x3  }
0x22: {  	p1 =	por $0x1, $0x1;
	s18 =	simm.s32 $0x0  }
.LBB1_4:
0x23: {  	_ = 	snop  }
0x24: {  	s19 =	sshll.u32 s18, $0xA  }
0x25: {  	s19 =	sand.u32 $0x3FFFFC00, s19  }
0x26: {  	s19 =	sadd.s32 s19, s14  }
0x27: {  	v5 =	vld.idx.msk [tilespmem:v0+s19+$0x70 ss:$0x1], $0xffff  }
0x28: {  	v6 =	vld.idx.msk [tilespmem:v0+s19+$0x10 ss:$0x1], $0xffff  }
0x29: {  	v7 =	vld.idx.msk [tilespmem:v0+s19+$0x20 ss:$0x1], $0xffff  }
0x2a: {  	s31 =	sshll.u32 s18, $0x7;
	v1 =	vld.idx.msk [tilespmem:v0+s19+$0x30 ss:$0x1], $0xffff  }
0x2b: {  	s18 =	sand.u32 $0x3FFFFF80, s31;
	v2 =	vld.idx.msk [tilespmem:v0+s19+$0x40 ss:$0x1], $0xffff  }
0x2c: {  	s18 =	sadd.s32 s18, s15;
	v3 =	vld.idx.msk [tilespmem:v0+s19+$0x50 ss:$0x1], $0xffff  }
0x2d: {  	v4 =	vld.idx.msk [tilespmem:v0+s19+$0x60 ss:$0x1], $0xffff;
	[tilespmem:v0+s18+$0x70 ss:$0x1] =	vst.idx.msk $0xffff, v5  }
0x2e: {  	v5 =	vld.idx.msk [tilespmem:v0+s19+$0x0 ss:$0x1], $0xffff;
	[tilespmem:v0+s18+$0x10 ss:$0x1] =	vst.idx.msk $0xffff, v6;
	s19 =	sadd.s32 $0x80, s19  }
0x2f: {  	p0 =	por p1, p1;
	s20 =	simm.s32 $0x6;
	[tilespmem:v0+s18+$0x20 ss:$0x1] =	vst.idx.msk $0xffff, v7;
	v6 =	vld.idx.msk [tilespmem:v0+s19+$0x70 ss:$0x1], $0xffff  }
.LBB1_5:
0x30: {  	p1 =	sne.s32 s20, $0x1;
	v7 =	vld.idx.msk [tilespmem:v0+s19+$0x10 ss:$0x1], $0xffff;
	[tilespmem:v0+s18+$0x30 ss:$0x1] =	vst.idx.msk $0xffff, v1  }
0x31: {  	v8 =	vld.idx.msk [tilespmem:v0+s19+$0x20 ss:$0x1], $0xffff;
	[tilespmem:v0+s18+$0x40 ss:$0x1] =	vst.idx.msk $0xffff, v2  }
0x32: {  	v1 =	vld.idx.msk [tilespmem:v0+s19+$0x30 ss:$0x1], $0xffff;
	[tilespmem:v0+s18+$0x50 ss:$0x1] =	vst.idx.msk $0xffff, v3  }
.Ltmp3:
0x33: {  	v2 =	vld.idx.msk [tilespmem:v0+s19+$0x40 ss:$0x1], $0xffff;
	[tilespmem:v0+s18+$0x60 ss:$0x1] =	vst.idx.msk $0xffff, v4;
	(pc) =	sbr.rel @p1 .LBB1_5-.Ltmp3, $4  }
0x34: {  	v3 =	vld.idx.msk [tilespmem:v0+s19+$0x50 ss:$0x1], $0xffff;
	[tilespmem:v0+s18+$0x0 ss:$0x1] =	vst.idx.msk $0xffff, v5;
	s18 =	sadd.s32 $0x100, s18  }
0x35: {  	v4 =	vld.idx.msk [tilespmem:v0+s19+$0x60 ss:$0x1], $0xffff;
	[tilespmem:v0+s18+$0x70 ss:$0x1] =	vst.idx.msk $0xffff, v6  }
0x36: {  	v5 =	vld.idx.msk [tilespmem:v0+s19+$0x0 ss:$0x1], $0xffff;
	[tilespmem:v0+s18+$0x10 ss:$0x1] =	vst.idx.msk $0xffff, v7;
	s19 =	sadd.s32 $0x80, s19  }
0x37: {  	s20 =	sadd.s32 $0xFFFFFFFF, s20;
	v6 =	vld.idx.msk [tilespmem:v0+s19+$0x70 ss:$0x1], $0xffff;
	[tilespmem:v0+s18+$0x20 ss:$0x1] =	vst.idx.msk $0xffff, v8  }
0x38: {  	_ =	sdelay $0x3  }
0x39: {  	[tilespmem:v0+s18+$0x30 ss:$0x1] =	vst.idx.msk $0xffff, v1  }
0x3a: {  	v1 =	vld.idx.msk [tilespmem:v0+s19+$0x10 ss:$0x1], $0xffff;
	[tilespmem:v0+s18+$0x40 ss:$0x1] =	vst.idx.msk $0xffff, v2  }
0x3b: {  	v2 =	vld.idx.msk [tilespmem:v0+s19+$0x20 ss:$0x1], $0xffff;
	[tilespmem:v0+s18+$0x50 ss:$0x1] =	vst.idx.msk $0xffff, v3  }
0x3c: {  	v61 =	vld.idx.msk [tilespmem:v0+s19+$0x40 ss:$0x1], $0xffff;
	[tilespmem:v0+s18+$0x60 ss:$0x1] =	vst.idx.msk $0xffff, v4  }
0x3d: {  	s31 =	sadd.s32 $0x100, s18;
	v62 =	vld.idx.msk [tilespmem:v0+s19+$0x50 ss:$0x1], $0xffff;
	[tilespmem:v0+s18+$0x0 ss:$0x1] =	vst.idx.msk $0xffff, v5  }
0x3e: {  	v63 =	vld.idx.msk [tilespmem:v0+s19+$0x60 ss:$0x1], $0xffff;
	[tilespmem:v0+s31+$0x70 ss:$0x1] =	vst.idx.msk $0xffff, v6  }
0x3f: {  	v3 =	vld.idx.msk [tilespmem:v0+s19+$0x30 ss:$0x1], $0xffff;
	[tilespmem:v0+s31+$0x10 ss:$0x1] =	vst.idx.msk $0xffff, v1  }
0x40: {  	v1 =	vld.idx.msk [tilespmem:v0+s19+$0x0 ss:$0x1], $0xffff;
	[tilespmem:v0+s31+$0x20 ss:$0x1] =	vst.idx.msk $0xffff, v2  }
.Ltmp4:
0x41: {  	[tilespmem:v0+s31+$0x40 ss:$0x1] =	vst.idx.msk $0xffff, v61;
	(pc) =	sbr.rel @p0 .LBB1_4-.Ltmp4, $4  }
0x42: {  	[tilespmem:v0+s31+$0x50 ss:$0x1] =	vst.idx.msk $0xffff, v62  }
0x43: {  	[tilespmem:v0+s31+$0x60 ss:$0x1] =	vst.idx.msk $0xffff, v63  }
0x44: {  	[tilespmem:v0+s31+$0x30 ss:$0x1] =	vst.idx.msk $0xffff, v3  }
0x45: {  	p1 =	por $0x0, $0x0;
	s18 =	simm.s32 $0x1;
	[tilespmem:v0+s31+$0x0 ss:$0x1] =	vst.idx.msk $0xffff, v1  }
0x46: {  	s17 =	sadd.s32 $0x1, s17  }
0x47: {  	p0 =	sne.s32 s17, $0x8  }
.Ltmp5:
0x48: {  	_ = 	snop;
	(pc) =	sbr.rel @p0 .LBB1_3-.Ltmp5, $2  }
0x49: {  	_ =	sdelay $0x2  }
0x4a: {  	s16 =	sadd.s32 $0x2000, s16  }
.Ltmp6:
0x4b: {  	(pc) =	sbr.rel .LBB1_9-.Ltmp6, $4  }
0x4c: {  	_ = 	snop  }
0x4d: {  	s12 =	sshll.u32 s12, $0x8  }
0x4e: {  	s12 =	sadd.s32 s4, s12  }
0x4f: {  	[hbm4b:s12+s8] =	stream.linear.scatter [tilespmem:s13], [sflag:$0x2], $0x4000, $0x38;
	[tilespmem:$0x10000] =	vst v63  }
.LBB1_10:
0x50: {  	_ =	sfence.sel $0x180000  }
0x51: {  	s2 =	simm.s32 $0x1;
	[bflag:$0x0] =	sbarrier.arrive $0xFFFF  }
0x52: {  	s31 =	simm.s32 $0x2;
	[sflag:s2] =	ssyncpa.u1 $0x1  }
0x53: {  	[sflag:s31] =	ssyncpa.u1 $0x1  }
0x54: {  	p0 =	sne.s32 s0, $0x0;
	_ =	strace $0x90000047  }
0x55: {  	s0 =	sadd.s32 @!p0 $0x100000, s1;
	[bflag:$0x2] =	sbarrier.arrive $0xFFFF  }
0x56: {  	[sflag:s0] =	ssyncadd.tile.s32 @!p0 $0x1;
	_ =	shalt  }
.Lfunc_end1:
_tile_overlayer_lowered:
.L_overlay_start_2:
0x57: {  	(tag) =	ssettag $0x2  }
0x58: {  	s0 =	rddreg [dreg:$0x0];
	s2 =	stileid.u32  }
0x59: {  	s1 =	rddreg [dreg:$0x1];
	p0 =	sne.s32 s2, $0x0  }
0x5a: {  	s3 =	rddreg [dreg:$0x2];
	[bflag:$0x3] =	sbarrier.arrive $0xFFFF;
	s2 =	simm.s32 @!p0 $0x1C01  }
0x5b: {  	[timem:s3], [sflag:s2] =	dma.local @!p0 [hbm:s0], s1  }
0x5c: {  	s0 =	simm.s32 @!p0 $0x1  }
0x5d: {  	_ =	swait.ge @!p0 [sflag:s0], s1  }
0x5e: {  	s1 =	ssub.s32 @!p0 $0x0, s1;
	[sflag:s0] =	ssyncset.done @!p0 $0x0  }
0x5f: {  	[sflag:s0] =	ssyncadd.s32 @!p0 s1  }
0x60: {  	[bflag:$0x3] =	sbarrier.arrive $0xFFFF  }
0x61: {  	_ =	shalt  }

</sc_bundles>
